<compile_context>
chip_gen: v7x
topology: tpu7x:2x2x1
jax: 0.10.2.dev20260603
libtpu: 0.0.44.dev20260713+nightly
codegen_flags: <defaults>
</compile_context>

<pallas_src>
import functools

import jax
import jax.numpy as jnp
from jax import lax
from jax.experimental import pallas as pl
from jax.experimental.pallas import tpu as pltpu
from jax.experimental.pallas import tpu_sc as plsc

DIM = 1024
HID = 2048
NE = 8
NTOK = 2048
NA = 2 * NTOK
BLK = 256
NT = NA // BLK
NS = NA // BLK + NE - 1

NSC_CORES = 2
NSC_SUB = 16
NW = NSC_CORES * NSC_SUB


def _tr8(row):
    eye = (jax.lax.broadcasted_iota(jnp.int32, (NE, NE), 0)
           == jax.lax.broadcasted_iota(jnp.int32, (NE, NE), 1)).astype(jnp.float32)
    return jnp.sum(jnp.broadcast_to(row, (NE, NE)) * eye, axis=1, keepdims=True)


def _gate_body(x_ref, wg_ref, bg_ref, loss_ref, pos_ref, w01_ref, meta_ref):
    x = x_ref[...]
    logits = jnp.dot(x, wg_ref[...], preferred_element_type=jnp.float32)
    logits = logits + bg_ref[...]
    m = jnp.max(logits, axis=-1, keepdims=True)
    ex = jnp.exp(logits - m)
    gw = ex / jnp.sum(ex, axis=-1, keepdims=True)

    lane = jax.lax.broadcasted_iota(jnp.int32, (NTOK, NE), 1)
    m1 = jnp.max(gw, axis=-1, keepdims=True)
    i1 = jnp.min(jnp.where(gw == m1, lane, NE), axis=-1, keepdims=True)
    sel1 = lane == i1
    gw2 = jnp.where(sel1, -jnp.inf, gw)
    m2 = jnp.max(gw2, axis=-1, keepdims=True)
    i2 = jnp.min(jnp.where(gw2 == m2, lane, NE), axis=-1, keepdims=True)
    sel2 = lane == i2

    wsum = m1 + m2
    w01_ref[...] = jnp.broadcast_to(
        jnp.concatenate([m1 / wsum, m2 / wsum], axis=0), (NA, 128))

    usage = jnp.sum(jnp.where(sel1 | sel2, 1.0, 0.0), axis=0, keepdims=True)
    prob = jnp.sum(gw, axis=0, keepdims=True) / NTOK
    loss_ref[...] = jnp.sum(prob * usage / NTOK).reshape(1, 1)

    oh = jnp.concatenate([sel1, sel2], axis=0).astype(jnp.float32)
    CH = 512
    rc = jax.lax.broadcasted_iota(jnp.int32, (CH, CH), 0)
    cc = jax.lax.broadcasted_iota(jnp.int32, (CH, CH), 1)
    ltc = (cc < rc).astype(jnp.float32)
    carry = jnp.zeros((1, NE), jnp.float32)
    rank_chunks = []
    for k in range(NA // CH):
        ohk = oh[k * CH:(k + 1) * CH]
        rk = jnp.dot(ltc, ohk, preferred_element_type=jnp.float32) + carry
        rank_chunks.append(jnp.sum(ohk * rk, axis=1, keepdims=True))
        carry = carry + jnp.sum(ohk, axis=0, keepdims=True)
    rank = jnp.concatenate(rank_chunks, axis=0)
    counts = carry

    r8 = jax.lax.broadcasted_iota(jnp.int32, (NE, NE), 0)
    c8 = jax.lax.broadcasted_iota(jnp.int32, (NE, NE), 1)
    strict_lt = (r8 < c8).astype(jnp.float32)

    def _excl_prefix_row(row):
        col = _tr8(row)
        return jnp.sum(jnp.broadcast_to(col, (NE, NE)) * strict_lt,
                       axis=0, keepdims=True)

    offs = _excl_prefix_row(counts)

    posf = rank + jnp.sum(oh * offs, axis=1, keepdims=True)
    pos_ref[...] = posf.astype(jnp.int32)

    t_start = jnp.floor(offs / BLK)
    endf = offs + counts
    t_end = jnp.floor((endf + (BLK - 1)) / BLK)
    nt = jnp.where(counts > 0, t_end - t_start, 0.0)
    so = _excl_prefix_row(nt)
    ce = so + nt
    total = jnp.sum(nt)

    ce_col = _tr8(ce)
    so_col = _tr8(so)
    ts_col = _tr8(t_start)
    off_col = _tr8(offs)
    end_col = _tr8(endf)

    siota = jax.lax.broadcasted_iota(jnp.int32, (1, NS), 1).astype(jnp.float32)
    pad = siota >= total
    s_c = jnp.minimum(siota, jnp.maximum(total - 1.0, 0.0))
    g = jnp.sum((s_c >= ce_col).astype(jnp.float32), axis=0, keepdims=True)

    e_col = jax.lax.broadcasted_iota(jnp.int32, (NE, 1), 0).astype(jnp.float32)
    gsel = (e_col == g).astype(jnp.float32)
    so_g = jnp.sum(gsel * so_col, axis=0, keepdims=True)
    ts_g = jnp.sum(gsel * ts_col, axis=0, keepdims=True)
    off_g = jnp.sum(gsel * off_col, axis=0, keepdims=True)
    end_g = jnp.sum(gsel * end_col, axis=0, keepdims=True)

    tile = s_c - so_g + ts_g
    lo = jnp.maximum(off_g, tile * BLK)
    hi = jnp.minimum(end_g, (tile + 1.0) * BLK)
    hi = jnp.where(pad, lo, hi)

    meta_ref[...] = jnp.concatenate([tile, g, lo, hi], axis=0).astype(jnp.int32)


def _gate(xf, Wg, bg):
    return pl.pallas_call(
        _gate_body,
        out_shape=(
            jax.ShapeDtypeStruct((1, 1), jnp.float32),
            jax.ShapeDtypeStruct((NA, 1), jnp.int32),
            jax.ShapeDtypeStruct((NA, 128), jnp.float32),
            jax.ShapeDtypeStruct((4, NS), jnp.int32),
        ),
    )(xf, Wg, bg.reshape(1, NE))




@functools.cache
def _sc_kernels():
    mesh = plsc.VectorSubcoreMesh(core_axis_name="c", subcore_axis_name="s")

    @functools.partial(
        pl.kernel,
        out_type=(
            jax.ShapeDtypeStruct((NA, DIM), jnp.float32),
            jax.ShapeDtypeStruct((NA, 128), jnp.float32),
        ),
        mesh=mesh,
        scratch_types=[
            pltpu.VMEM((4, 32), jnp.int32),
            pltpu.VMEM((32, DIM), jnp.float32),
            pltpu.VMEM((32, 128), jnp.float32),
            pltpu.SemaphoreType.DMA,
        ],
    )
    def _dispatch(x_hbm, w_hbm, pos_hbm, xs_hbm, ws_hbm, idx_v, buf, wbuf,
                  sem):
        wid = lax.axis_index("s") * NSC_CORES + lax.axis_index("c")
        pltpu.sync_copy(pos_hbm.at[pl.ds(wid * 4, 4)], idx_v)
        for c in range(4):
            j0 = wid * 128 + c * 32
            tok = lax.rem(j0, NTOK)
            pltpu.sync_copy(x_hbm.at[pl.ds(tok, 32)], buf)
            pltpu.sync_copy(w_hbm.at[pl.ds(j0, 32)], wbuf)
            h0 = pltpu.async_copy(buf, xs_hbm.at[idx_v.at[c]], sem)
            h1 = pltpu.async_copy(wbuf, ws_hbm.at[idx_v.at[c]], sem)
            h0.wait()
            h1.wait()

    @functools.partial(
        pl.kernel,
        out_type=jax.ShapeDtypeStruct((NTOK, DIM), jnp.float32),
        mesh=mesh,
        scratch_types=[
            pltpu.VMEM((2, 32), jnp.int32),
            pltpu.VMEM((32, DIM), jnp.float32),
            pltpu.VMEM((32, DIM), jnp.float32),
            pltpu.SemaphoreType.DMA,
        ],
    )
    def _combine(ys_hbm, pos_hbm, out_hbm, idx_v, buf0, buf1, sem):
        wid = lax.axis_index("s") * NSC_CORES + lax.axis_index("c")
        for c in range(2):
            n0 = wid * 64 + c * 32
            r0 = 2 * wid + c
            r1 = 64 + r0
            pltpu.sync_copy(pos_hbm.at[pl.ds(r0, 1)], idx_v.at[pl.ds(0, 1)])
            pltpu.sync_copy(pos_hbm.at[pl.ds(r1, 1)], idx_v.at[pl.ds(1, 1)])
            h0 = pltpu.async_copy(ys_hbm.at[idx_v.at[0]], buf0, sem)
            h1 = pltpu.async_copy(ys_hbm.at[idx_v.at[1]], buf1, sem)
            h0.wait()
            h1.wait()

            def row_body(r, carry):
                for t in range(DIM // 16):
                    a = buf0[r, pl.ds(t * 16, 16)]
                    b = buf1[r, pl.ds(t * 16, 16)]
                    buf0[r, pl.ds(t * 16, 16)] = a + b
                return carry

            lax.fori_loop(0, 32, row_body, 0)
            pltpu.sync_copy(buf0, out_hbm.at[pl.ds(n0, 32)])

    return _dispatch, _combine



def _gmm_body(tiles, groups, los, his, xs_ref, ws_ref, w1_ref, b1_ref, w2_ref,
              b2_ref, ys_ref):
    s = pl.program_id(0)
    tile = tiles[s]
    prev = tiles[jnp.maximum(s - 1, 0)]
    first = jnp.logical_or(s == 0, tile != prev)
    lo = los[s] - tile * BLK
    hi = his[s] - tile * BLK

    @pl.when(first)
    def _():
        ys_ref[...] = jnp.zeros_like(ys_ref)

    @pl.when(lo < hi)
    def _():
        h = jnp.dot(xs_ref[...], w1_ref[0], preferred_element_type=jnp.float32)
        h = jnp.maximum(h + b1_ref[0], 0.0)
        y = jnp.dot(h, w2_ref[0], preferred_element_type=jnp.float32)
        y = (y + b2_ref[0]) * ws_ref[:, 0:1]
        rows = jax.lax.broadcasted_iota(jnp.int32, (BLK, 1), 0)
        mask = (rows >= lo) & (rows < hi)
        ys_ref[...] += jnp.where(mask, y, 0.0)


def _gmm(xs, ws, W1, b1, W2, b2, tiles, groups, los, his):
    grid_spec = pltpu.PrefetchScalarGridSpec(
        num_scalar_prefetch=4,
        grid=(NS,),
        in_specs=[
            pl.BlockSpec((BLK, DIM), lambda s, t, g, l, h: (t[s], 0)),
            pl.BlockSpec((BLK, 128), lambda s, t, g, l, h: (t[s], 0)),
            pl.BlockSpec((1, DIM, HID), lambda s, t, g, l, h: (g[s], 0, 0)),
            pl.BlockSpec((1, 1, HID), lambda s, t, g, l, h: (g[s], 0, 0)),
            pl.BlockSpec((1, HID, DIM), lambda s, t, g, l, h: (g[s], 0, 0)),
            pl.BlockSpec((1, 1, DIM), lambda s, t, g, l, h: (g[s], 0, 0)),
        ],
        out_specs=pl.BlockSpec((BLK, DIM), lambda s, t, g, l, h: (t[s], 0)),
    )
    return pl.pallas_call(
        _gmm_body,
        grid_spec=grid_spec,
        out_shape=jax.ShapeDtypeStruct((NA, DIM), jnp.float32),
        compiler_params=pltpu.CompilerParams(vmem_limit_bytes=100 * 2**20),
    )(tiles, groups, los, his, xs, ws, W1, b1.reshape(NE, 1, HID), W2,
      b2.reshape(NE, 1, DIM))


def kernel(x, W1, b1, W2, b2, Wg, bg):
    orig_shape = x.shape
    xf = x.reshape(-1, orig_shape[-1])
    dispatch, combine = _sc_kernels()
    loss, position, w01, meta = _gate(xf, Wg, bg)
    pos2d = position.reshape(NA // 32, 32)
    xs, ws = dispatch(xf, w01, pos2d)
    ys = _gmm(xs, ws, W1, b1, W2, b2, meta[0], meta[1], meta[2], meta[3])
    out = combine(ys, pos2d)
    return out.reshape(orig_shape), loss.reshape(())

# --- scband reference (transcript-rebuilt; emitter-appended) ---
"""Pipeline reference for scband-mo-elayer-11544872092304 (READ-ONLY COPY).

The authoritative reference and input builder live on the scoring server;
editing this copy changes nothing except your own understanding.
"""

import jax, jax.numpy as jnp
import numpy as np

DIM = 1024
HID = 2048
E = 8
TOP_K = 2

def setup_inputs(seed: int = 0) -> dict:
    key = jax.random.key(seed)
    ks = jax.random.split(key, 6)
    x = jax.random.normal(ks[0], (1, 2048, DIM), dtype=jnp.float32)
    W1 = jax.random.normal(ks[1], (E, DIM, HID), dtype=jnp.float32) * 0.02
    b1 = jnp.zeros((E, HID), dtype=jnp.float32)
    W2 = jax.random.normal(ks[2], (E, HID, DIM), dtype=jnp.float32) * 0.02
    b2 = jnp.zeros((E, DIM), dtype=jnp.float32)
    Wg = jax.random.normal(ks[3], (DIM, E), dtype=jnp.float32) * 0.02
    bg = jnp.zeros((E,), dtype=jnp.float32)
    return {"x": x, "W1": W1, "b1": b1, "W2": W2, "b2": b2, "Wg": Wg, "bg": bg}

def reference(x, W1, b1, W2, b2, Wg, bg):
    original_shape = x.shape
    xf = x.reshape(-1, original_shape[-1])
    N = xf.shape[0]
    gate_logits = xf @ Wg + bg
    gate_weights = jax.nn.softmax(gate_logits, axis=-1)
    top_k_weights, top_k_indices = jax.lax.top_k(gate_weights, TOP_K)
    top_k_weights = top_k_weights / jnp.sum(top_k_weights, axis=-1, keepdims=True)
    expert_usage_one_hot = jax.nn.one_hot(top_k_indices, E, dtype=jnp.float32).sum(axis=1)
    expert_router_prob = gate_weights.sum(axis=0) / N
    expert_fraction_routed = expert_usage_one_hot.sum(axis=0) / N
    load_balancing_loss = jnp.sum(expert_router_prob * expert_fraction_routed)
    # compute all experts densely, then gather the selected ones per token (math-equivalent to masked dispatch)
    h = jax.nn.relu(jnp.einsum('nd,edh->enh', xf, W1) + b1[:, None, :])
    all_out = jnp.einsum('enh,ehd->end', h, W2) + b2[:, None, :]  # [E, N, D]
    gathered = all_out[top_k_indices.T, jnp.arange(N)[None, :], :]  # [K, N, D]
    final_output = jnp.sum(gathered * top_k_weights.T[:, :, None], axis=0)
    final_output = final_output.reshape(original_shape)
    return final_output, load_balancing_loss

if __name__ == "__main__":
    import jax
    _d = setup_inputs()
    print(jax.jit(kernel)(*tuple(_d.values())))

</pallas_src>

<mosaic_0001>
#map = affine_map<(d0, d1) -> (0, 0)>
module attributes {stable_mosaic.version = 14 : i64} {
  func.func @_combine(%arg0: i32, %arg1: i32, %arg2: memref<4096x1024xf32, #tpu.memory_space<hbm>>, %arg3: memref<128x32xi32, #tpu.memory_space<hbm>>, %arg4: memref<2048x1024xf32, #tpu.memory_space<hbm>>, %arg5: memref<2x32xi32, #tpu.memory_space<vmem>>, %arg6: memref<32x1024xf32, #tpu.memory_space<vmem>>, %arg7: memref<32x1024xf32, #tpu.memory_space<vmem>>, %arg8: memref<!tpu.dma_semaphore, #tpu.memory_space<semaphore_mem>>) attributes {dimension_semantics = [#tpu.dimension_semantics<core_parallel>, #tpu.dimension_semantics<subcore_parallel>], iteration_bounds = array<i64: 2, 16>, scalar_prefetch = 0 : i64, scratch_operands = 4 : i64, tpu.core_type = #tpu.core_type<sc_vector_subcore>, window_params = [{transform_indices = #map}, {transform_indices = #map}, {transform_indices = #map}]} {
    %mul3A = arith.constant 2 : i32
    %mul3A_0 = arith.muli %arg1, %mul3A : i32
    %add3A = arith.addi %mul3A_0, %arg0 : i32
    %mul3A_1 = arith.constant 64 : i32
    %mul3A_2 = arith.muli %add3A, %mul3A_1 : i32
    %add3A_3 = arith.constant 0 : i32
    %add3A_4 = arith.addi %mul3A_2, %add3A_3 : i32
    %mul3A_5 = arith.constant 2 : i32
    %mul3A_6 = arith.muli %mul3A_5, %add3A : i32
    %add3A_7 = arith.constant 0 : i32
    %add3A_8 = arith.addi %mul3A_6, %add3A_7 : i32
    %add3A_9 = arith.constant 64 : i32
    %add3A_10 = arith.addi %add3A_9, %add3A_8 : i32
    "tpu.region"() ({
      %run_scoped3A = tpu.sem_alloc : memref<!tpu.dma_semaphore, #tpu.memory_space<semaphore_mem>>
      %dma_start3A_86 = arith.constant 0 : i32
      %dma_start3A_87 = arith.constant 0 : i32
      %dma_start3A_88 = tpu.memref_slice %arg5[%dma_start3A_86, %dma_start3A_87] : memref<2x32xi32, #tpu.memory_space<vmem>> -> memref<1x32xi32, #tpu.memory_space<vmem>>
      %dma_start3A_89 = arith.constant 0 : i32
      %dma_start3A_90 = tpu.memref_slice %arg3[%add3A_8, %dma_start3A_89] : memref<128x32xi32, #tpu.memory_space<hbm>> -> memref<1x32xi32, #tpu.memory_space<hbm>>
      %dma_start3A_91 = arith.constant 0 : i32
      %dma_start3A_92 = arith.constant 0 : i32
      %dma_start3A_93 = tpu.memref_slice %arg5[%dma_start3A_91, %dma_start3A_92] : memref<2x32xi32, #tpu.memory_space<vmem>> -> memref<1x32xi32, #tpu.memory_space<vmem>>
      %dma_start3A_94 = arith.constant 0 : i32
      %dma_start3A_95 = tpu.memref_slice %arg3[%add3A_8, %dma_start3A_94] : memref<128x32xi32, #tpu.memory_space<hbm>> -> memref<1x32xi32, #tpu.memory_space<hbm>>
      tpu.enqueue_dma source(%dma_start3A_95 : memref<1x32xi32, #tpu.memory_space<hbm>>) target(%dma_start3A_93 : memref<1x32xi32, #tpu.memory_space<vmem>>) target_semaphore(%run_scoped3A : memref<!tpu.dma_semaphore, #tpu.memory_space<semaphore_mem>>)
      %dma_wait3A_96 = arith.constant 0 : i32
      %dma_wait3A_97 = arith.constant 0 : i32
      %dma_wait3A_98 = tpu.memref_slice %arg5[%dma_wait3A_96, %dma_wait3A_97] : memref<2x32xi32, #tpu.memory_space<vmem>> -> memref<1x32xi32, #tpu.memory_space<vmem>>
      %dma_wait3A_99 = arith.constant 0 : i32
      %dma_wait3A_100 = tpu.memref_slice %arg3[%add3A_8, %dma_wait3A_99] : memref<128x32xi32, #tpu.memory_space<hbm>> -> memref<1x32xi32, #tpu.memory_space<hbm>>
      %dma_wait3A_101 = arith.constant 0 : i32
      %dma_wait3A_102 = arith.constant 0 : i32
      %dma_wait3A_103 = tpu.memref_slice %arg5[%dma_wait3A_101, %dma_wait3A_102] : memref<2x32xi32, #tpu.memory_space<vmem>> -> memref<1x32xi32, #tpu.memory_space<vmem>>
      %dma_wait3A_104 = arith.constant 0 : i32
      %dma_wait3A_105 = tpu.memref_slice %arg3[%add3A_8, %dma_wait3A_104] : memref<128x32xi32, #tpu.memory_space<hbm>> -> memref<1x32xi32, #tpu.memory_space<hbm>>
      tpu.wait_dma2 semaphore(%run_scoped3A : memref<!tpu.dma_semaphore, #tpu.memory_space<semaphore_mem>>) src(%dma_wait3A_105 : memref<1x32xi32, #tpu.memory_space<hbm>>) dst(%dma_wait3A_103 : memref<1x32xi32, #tpu.memory_space<vmem>>)
      tpu.yield
    }) : () -> ()
    "tpu.region"() ({
      %run_scoped3A = tpu.sem_alloc : memref<!tpu.dma_semaphore, #tpu.memory_space<semaphore_mem>>
      %dma_start3A_86 = arith.constant 1 : i32
      %dma_start3A_87 = arith.constant 0 : i32
      %dma_start3A_88 = tpu.memref_slice %arg5[%dma_start3A_86, %dma_start3A_87] : memref<2x32xi32, #tpu.memory_space<vmem>> -> memref<1x32xi32, #tpu.memory_space<vmem>>
      %dma_start3A_89 = arith.constant 0 : i32
      %dma_start3A_90 = tpu.memref_slice %arg3[%add3A_10, %dma_start3A_89] : memref<128x32xi32, #tpu.memory_space<hbm>> -> memref<1x32xi32, #tpu.memory_space<hbm>>
      %dma_start3A_91 = arith.constant 1 : i32
      %dma_start3A_92 = arith.constant 0 : i32
      %dma_start3A_93 = tpu.memref_slice %arg5[%dma_start3A_91, %dma_start3A_92] : memref<2x32xi32, #tpu.memory_space<vmem>> -> memref<1x32xi32, #tpu.memory_space<vmem>>
      %dma_start3A_94 = arith.constant 0 : i32
      %dma_start3A_95 = tpu.memref_slice %arg3[%add3A_10, %dma_start3A_94] : memref<128x32xi32, #tpu.memory_space<hbm>> -> memref<1x32xi32, #tpu.memory_space<hbm>>
      tpu.enqueue_dma source(%dma_start3A_95 : memref<1x32xi32, #tpu.memory_space<hbm>>) target(%dma_start3A_93 : memref<1x32xi32, #tpu.memory_space<vmem>>) target_semaphore(%run_scoped3A : memref<!tpu.dma_semaphore, #tpu.memory_space<semaphore_mem>>)
      %dma_wait3A_96 = arith.constant 1 : i32
      %dma_wait3A_97 = arith.constant 0 : i32
      %dma_wait3A_98 = tpu.memref_slice %arg5[%dma_wait3A_96, %dma_wait3A_97] : memref<2x32xi32, #tpu.memory_space<vmem>> -> memref<1x32xi32, #tpu.memory_space<vmem>>
      %dma_wait3A_99 = arith.constant 0 : i32
      %dma_wait3A_100 = tpu.memref_slice %arg3[%add3A_10, %dma_wait3A_99] : memref<128x32xi32, #tpu.memory_space<hbm>> -> memref<1x32xi32, #tpu.memory_space<hbm>>
      %dma_wait3A_101 = arith.constant 1 : i32
      %dma_wait3A_102 = arith.constant 0 : i32
      %dma_wait3A_103 = tpu.memref_slice %arg5[%dma_wait3A_101, %dma_wait3A_102] : memref<2x32xi32, #tpu.memory_space<vmem>> -> memref<1x32xi32, #tpu.memory_space<vmem>>
      %dma_wait3A_104 = arith.constant 0 : i32
      %dma_wait3A_105 = tpu.memref_slice %arg3[%add3A_10, %dma_wait3A_104] : memref<128x32xi32, #tpu.memory_space<hbm>> -> memref<1x32xi32, #tpu.memory_space<hbm>>
      tpu.wait_dma2 semaphore(%run_scoped3A : memref<!tpu.dma_semaphore, #tpu.memory_space<semaphore_mem>>) src(%dma_wait3A_105 : memref<1x32xi32, #tpu.memory_space<hbm>>) dst(%dma_wait3A_103 : memref<1x32xi32, #tpu.memory_space<vmem>>)
      tpu.yield
    }) : () -> ()
    %dma_start3A = arith.constant 0 : i32
    %dma_start3A_11 = arith.constant 0 : i32
    %dma_start3A_12 = tpu.memref_slice %arg5[%dma_start3A, %dma_start3A_11] : memref<2x32xi32, #tpu.memory_space<vmem>> -> memref<1x32xi32, #tpu.memory_space<vmem>>
    %dma_start3A_13 = tpu.memref_squeeze %dma_start3A_12 : memref<1x32xi32, #tpu.memory_space<vmem>> -> memref<32xi32, #tpu.memory_space<vmem>>
    %dma_start3A_14 = arith.constant 0 : i32
    %dma_start3A_15 = arith.constant 0 : i32
    %dma_start3A_16 = tpu.memref_slice %arg2[%dma_start3A_14, %dma_start3A_15] : memref<4096x1024xf32, #tpu.memory_space<hbm>> -> memref<4096x1024xf32, #tpu.memory_space<hbm>>
    tpu.enqueue_indirect_dma source(%dma_start3A_16 : memref<4096x1024xf32, #tpu.memory_space<hbm>>) target(%arg6 : memref<32x1024xf32, #tpu.memory_space<vmem>>) offsets(%dma_start3A_13 : memref<32xi32, #tpu.memory_space<vmem>>) semaphore(%arg8 : memref<!tpu.dma_semaphore, #tpu.memory_space<semaphore_mem>>)
    %dma_start3A_17 = arith.constant 1 : i32
    %dma_start3A_18 = arith.constant 0 : i32
    %dma_start3A_19 = tpu.memref_slice %arg5[%dma_start3A_17, %dma_start3A_18] : memref<2x32xi32, #tpu.memory_space<vmem>> -> memref<1x32xi32, #tpu.memory_space<vmem>>
    %dma_start3A_20 = tpu.memref_squeeze %dma_start3A_19 : memref<1x32xi32, #tpu.memory_space<vmem>> -> memref<32xi32, #tpu.memory_space<vmem>>
    %dma_start3A_21 = arith.constant 0 : i32
    %dma_start3A_22 = arith.constant 0 : i32
    %dma_start3A_23 = tpu.memref_slice %arg2[%dma_start3A_21, %dma_start3A_22] : memref<4096x1024xf32, #tpu.memory_space<hbm>> -> memref<4096x1024xf32, #tpu.memory_space<hbm>>
    tpu.enqueue_indirect_dma source(%dma_start3A_23 : memref<4096x1024xf32, #tpu.memory_space<hbm>>) target(%arg7 : memref<32x1024xf32, #tpu.memory_space<vmem>>) offsets(%dma_start3A_20 : memref<32xi32, #tpu.memory_space<vmem>>) semaphore(%arg8 : memref<!tpu.dma_semaphore, #tpu.memory_space<semaphore_mem>>)
    %dma_wait3A = arith.constant 0 : i32
    %dma_wait3A_24 = arith.constant 0 : i32
    %dma_wait3A_25 = tpu.memref_slice %arg5[%dma_wait3A, %dma_wait3A_24] : memref<2x32xi32, #tpu.memory_space<vmem>> -> memref<1x32xi32, #tpu.memory_space<vmem>>
    %dma_wait3A_26 = tpu.memref_squeeze %dma_wait3A_25 : memref<1x32xi32, #tpu.memory_space<vmem>> -> memref<32xi32, #tpu.memory_space<vmem>>
    %dma_wait3A_27 = arith.constant 0 : i32
    %dma_wait3A_28 = arith.constant 0 : i32
    %dma_wait3A_29 = tpu.memref_slice %arg2[%dma_wait3A_27, %dma_wait3A_28] : memref<4096x1024xf32, #tpu.memory_space<hbm>> -> memref<4096x1024xf32, #tpu.memory_space<hbm>>
    tpu.wait_indirect_dma semaphore(%arg8 : memref<!tpu.dma_semaphore, #tpu.memory_space<semaphore_mem>>) src(%dma_wait3A_29 : memref<4096x1024xf32, #tpu.memory_space<hbm>>) dst(%arg6 : memref<32x1024xf32, #tpu.memory_space<vmem>>)
    %dma_wait3A_30 = arith.constant 1 : i32
    %dma_wait3A_31 = arith.constant 0 : i32
    %dma_wait3A_32 = tpu.memref_slice %arg5[%dma_wait3A_30, %dma_wait3A_31] : memref<2x32xi32, #tpu.memory_space<vmem>> -> memref<1x32xi32, #tpu.memory_space<vmem>>
    %dma_wait3A_33 = tpu.memref_squeeze %dma_wait3A_32 : memref<1x32xi32, #tpu.memory_space<vmem>> -> memref<32xi32, #tpu.memory_space<vmem>>
    %dma_wait3A_34 = arith.constant 0 : i32
    %dma_wait3A_35 = arith.constant 0 : i32
    %dma_wait3A_36 = tpu.memref_slice %arg2[%dma_wait3A_34, %dma_wait3A_35] : memref<4096x1024xf32, #tpu.memory_space<hbm>> -> memref<4096x1024xf32, #tpu.memory_space<hbm>>
    tpu.wait_indirect_dma semaphore(%arg8 : memref<!tpu.dma_semaphore, #tpu.memory_space<semaphore_mem>>) src(%dma_wait3A_36 : memref<4096x1024xf32, #tpu.memory_space<hbm>>) dst(%arg7 : memref<32x1024xf32, #tpu.memory_space<vmem>>)
    %scan3A = arith.constant 0 : i32
    %scan3A_37 = arith.constant 0 : i32
    %scan3A_38 = arith.constant 32 : i32
    %scan3A_39 = arith.addi %scan3A_37, %scan3A_38 : i32
    %scan3A_40 = arith.constant 1 : i32
    scf.for %scan3A_86 = %scan3A_37 to %scan3A_39 step %scan3A_40  : i32 {
      %get3A = arith.index_cast %scan3A_86 : i32 to index
      %get3A_87 = arith.constant 0 : index
      %get3A_88 = tpu.vector_load %arg6[%get3A, %get3A_87] {strides = array<i32>} : memref<32x1024xf32, #tpu.memory_space<vmem>>, vector<1x16xf32>,
      %get3A_89 = vector.shape_cast %get3A_88 : vector<1x16xf32> to vector<16xf32>
      %get3A_90 = arith.index_cast %scan3A_86 : i32 to index
      %get3A_91 = arith.constant 0 : index
      %get3A_92 = tpu.vector_load %arg7[%get3A_90, %get3A_91] {strides = array<i32>} : memref<32x1024xf32, #tpu.memory_space<vmem>>, vector<1x16xf32>,
      %get3A_93 = vector.shape_cast %get3A_92 : vector<1x16xf32> to vector<16xf32>
      %add3A_94 = arith.addf %get3A_89, %get3A_93 : vector<16xf32>
      %swap3A = arith.index_cast %scan3A_86 : i32 to index
      %swap3A_95 = arith.constant 0 : index
      %swap3A_96 = tpu.vector_load %arg6[%swap3A, %swap3A_95] {strides = array<i32>} : memref<32x1024xf32, #tpu.memory_space<vmem>>, vector<1x16xf32>,
      %swap3A_97 = vector.shape_cast %swap3A_96 : vector<1x16xf32> to vector<16xf32>
      %swap3A_98 = vector.shape_cast %add3A_94 : vector<16xf32> to vector<1x16xf32>
      tpu.vector_store %arg6[%swap3A, %swap3A_95], %swap3A_98 {strides = array<i32>} : memref<32x1024xf32, #tpu.memory_space<vmem>>, vector<1x16xf32>,
      %get3A_99 = arith.index_cast %scan3A_86 : i32 to index
      %get3A_100 = arith.constant 16 : index
      %get3A_101 = tpu.vector_load %arg6[%get3A_99, %get3A_100] {strides = array<i32>} : memref<32x1024xf32, #tpu.memory_space<vmem>>, vector<1x16xf32>,
      %get3A_102 = vector.shape_cast %get3A_101 : vector<1x16xf32> to vector<16xf32>
      %get3A_103 = arith.index_cast %scan3A_86 : i32 to index
      %get3A_104 = arith.constant 16 : index
      %get3A_105 = tpu.vector_load %arg7[%get3A_103, %get3A_104] {strides = array<i32>} : memref<32x1024xf32, #tpu.memory_space<vmem>>, vector<1x16xf32>,
      %get3A_106 = vector.shape_cast %get3A_105 : vector<1x16xf32> to vector<16xf32>
      %add3A_107 = arith.addf %get3A_102, %get3A_106 : vector<16xf32>
      %swap3A_108 = arith.index_cast %scan3A_86 : i32 to index
      %swap3A_109 = arith.constant 16 : index
      %swap3A_110 = tpu.vector_load %arg6[%swap3A_108, %swap3A_109] {strides = array<i32>} : memref<32x1024xf32, #tpu.memory_space<vmem>>, vector<1x16xf32>,
      %swap3A_111 = vector.shape_cast %swap3A_110 : vector<1x16xf32> to vector<16xf32>
      %swap3A_112 = vector.shape_cast %add3A_107 : vector<16xf32> to vector<1x16xf32>
      tpu.vector_store %arg6[%swap3A_108, %swap3A_109], %swap3A_112 {strides = array<i32>} : memref<32x1024xf32, #tpu.memory_space<vmem>>, vector<1x16xf32>,
      %get3A_113 = arith.index_cast %scan3A_86 : i32 to index
      %get3A_114 = arith.constant 32 : index
      %get3A_115 = tpu.vector_load %arg6[%get3A_113, %get3A_114] {strides = array<i32>} : memref<32x1024xf32, #tpu.memory_space<vmem>>, vector<1x16xf32>,
      %get3A_116 = vector.shape_cast %get3A_115 : vector<1x16xf32> to vector<16xf32>
      %get3A_117 = arith.index_cast %scan3A_86 : i32 to index
      %get3A_118 = arith.constant 32 : index
      %get3A_119 = tpu.vector_load %arg7[%get3A_117, %get3A_118] {strides = array<i32>} : memref<32x1024xf32, #tpu.memory_space<vmem>>, vector<1x16xf32>,
      %get3A_120 = vector.shape_cast %get3A_119 : vector<1x16xf32> to vector<16xf32>
      %add3A_121 = arith.addf %get3A_116, %get3A_120 : vector<16xf32>
      %swap3A_122 = arith.index_cast %scan3A_86 : i32 to index
      %swap3A_123 = arith.constant 32 : index
      %swap3A_124 = tpu.vector_load %arg6[%swap3A_122, %swap3A_123] {strides = array<i32>} : memref<32x1024xf32, #tpu.memory_space<vmem>>, vector<1x16xf32>,
      %swap3A_125 = vector.shape_cast %swap3A_124 : vector<1x16xf32> to vector<16xf32>
      %swap3A_126 = vector.shape_cast %add3A_121 : vector<16xf32> to vector<1x16xf32>
      tpu.vector_store %arg6[%swap3A_122, %swap3A_123], %swap3A_126 {strides = array<i32>} : memref<32x1024xf32, #tpu.memory_space<vmem>>, vector<1x16xf32>,
      %get3A_127 = arith.index_cast %scan3A_86 : i32 to index
      %get3A_128 = arith.constant 48 : index
      %get3A_129 = tpu.vector_load %arg6[%get3A_127, %get3A_128] {strides = array<i32>} : memref<32x1024xf32, #tpu.memory_space<vmem>>, vector<1x16xf32>,
      %get3A_130 = vector.shape_cast %get3A_129 : vector<1x16xf32> to vector<16xf32>
      %get3A_131 = arith.index_cast %scan3A_86 : i32 to index
      %get3A_132 = arith.constant 48 : index
      %get3A_133 = tpu.vector_load %arg7[%get3A_131, %get3A_132] {strides = array<i32>} : memref<32x1024xf32, #tpu.memory_space<vmem>>, vector<1x16xf32>,
      %get3A_134 = vector.shape_cast %get3A_133 : vector<1x16xf32> to vector<16xf32>
      %add3A_135 = arith.addf %get3A_130, %get3A_134 : vector<16xf32>
      %swap3A_136 = arith.index_cast %scan3A_86 : i32 to index
      %swap3A_137 = arith.constant 48 : index
      %swap3A_138 = tpu.vector_load %arg6[%swap3A_136, %swap3A_137] {strides = array<i32>} : memref<32x1024xf32, #tpu.memory_space<vmem>>, vector<1x16xf32>,
      %swap3A_139 = vector.shape_cast %swap3A_138 : vector<1x16xf32> to vector<16xf32>
      %swap3A_140 = vector.shape_cast %add3A_135 : vector<16xf32> to vector<1x16xf32>
      tpu.vector_store %arg6[%swap3A_136, %swap3A_137], %swap3A_140 {strides = array<i32>} : memref<32x1024xf32, #tpu.memory_space<vmem>>, vector<1x16xf32>,
      %get3A_141 = arith.index_cast %scan3A_86 : i32 to index
      %get3A_142 = arith.constant 64 : index
      %get3A_143 = tpu.vector_load %arg6[%get3A_141, %get3A_142] {strides = array<i32>} : memref<32x1024xf32, #tpu.memory_space<vmem>>, vector<1x16xf32>,
      %get3A_144 = vector.shape_cast %get3A_143 : vector<1x16xf32> to vector<16xf32>
      %get3A_145 = arith.index_cast %scan3A_86 : i32 to index
      %get3A_146 = arith.constant 64 : index
      %get3A_147 = tpu.vector_load %arg7[%get3A_145, %get3A_146] {strides = array<i32>} : memref<32x1024xf32, #tpu.memory_space<vmem>>, vector<1x16xf32>,
      %get3A_148 = vector.shape_cast %get3A_147 : vector<1x16xf32> to vector<16xf32>
      %add3A_149 = arith.addf %get3A_144, %get3A_148 : vector<16xf32>
      %swap3A_150 = arith.index_cast %scan3A_86 : i32 to index
      %swap3A_151 = arith.constant 64 : index
      %swap3A_152 = tpu.vector_load %arg6[%swap3A_150, %swap3A_151] {strides = array<i32>} : memref<32x1024xf32, #tpu.memory_space<vmem>>, vector<1x16xf32>,
      %swap3A_153 = vector.shape_cast %swap3A_152 : vector<1x16xf32> to vector<16xf32>
      %swap3A_154 = vector.shape_cast %add3A_149 : vector<16xf32> to vector<1x16xf32>
      tpu.vector_store %arg6[%swap3A_150, %swap3A_151], %swap3A_154 {strides = array<i32>} : memref<32x1024xf32, #tpu.memory_space<vmem>>, vector<1x16xf32>,
      %get3A_155 = arith.index_cast %scan3A_86 : i32 to index
      %get3A_156 = arith.constant 80 : index
      %get3A_157 = tpu.vector_load %arg6[%get3A_155, %get3A_156] {strides = array<i32>} : memref<32x1024xf32, #tpu.memory_space<vmem>>, vector<1x16xf32>,
      %get3A_158 = vector.shape_cast %get3A_157 : vector<1x16xf32> to vector<16xf32>
      %get3A_159 = arith.index_cast %scan3A_86 : i32 to index
      %get3A_160 = arith.constant 80 : index
      %get3A_161 = tpu.vector_load %arg7[%get3A_159, %get3A_160] {strides = array<i32>} : memref<32x1024xf32, #tpu.memory_space<vmem>>, vector<1x16xf32>,
      %get3A_162 = vector.shape_cast %get3A_161 : vector<1x16xf32> to vector<16xf32>
      %add3A_163 = arith.addf %get3A_158, %get3A_162 : vector<16xf32>
      %swap3A_164 = arith.index_cast %scan3A_86 : i32 to index
      %swap3A_165 = arith.constant 80 : index
      %swap3A_166 = tpu.vector_load %arg6[%swap3A_164, %swap3A_165] {strides = array<i32>} : memref<32x1024xf32, #tpu.memory_space<vmem>>, vector<1x16xf32>,
      %swap3A_167 = vector.shape_cast %swap3A_166 : vector<1x16xf32> to vector<16xf32>
      %swap3A_168 = vector.shape_cast %add3A_163 : vector<16xf32> to vector<1x16xf32>
      tpu.vector_store %arg6[%swap3A_164, %swap3A_165], %swap3A_168 {strides = array<i32>} : memref<32x1024xf32, #tpu.memory_space<vmem>>, vector<1x16xf32>,
      %get3A_169 = arith.index_cast %scan3A_86 : i32 to index
      %get3A_170 = arith.constant 96 : index
      %get3A_171 = tpu.vector_load %arg6[%get3A_169, %get3A_170] {strides = array<i32>} : memref<32x1024xf32, #tpu.memory_space<vmem>>, vector<1x16xf32>,
      %get3A_172 = vector.shape_cast %get3A_171 : vector<1x16xf32> to vector<16xf32>
      %get3A_173 = arith.index_cast %scan3A_86 : i32 to index
      %get3A_174 = arith.constant 96 : index
      %get3A_175 = tpu.vector_load %arg7[%get3A_173, %get3A_174] {strides = array<i32>} : memref<32x1024xf32, #tpu.memory_space<vmem>>, vector<1x16xf32>,
      %get3A_176 = vector.shape_cast %get3A_175 : vector<1x16xf32> to vector<16xf32>
      %add3A_177 = arith.addf %get3A_172, %get3A_176 : vector<16xf32>
      %swap3A_178 = arith.index_cast %scan3A_86 : i32 to index
      %swap3A_179 = arith.constant 96 : index
      %swap3A_180 = tpu.vector_load %arg6[%swap3A_178, %swap3A_179] {strides = array<i32>} : memref<32x1024xf32, #tpu.memory_space<vmem>>, vector<1x16xf32>,
      %swap3A_181 = vector.shape_cast %swap3A_180 : vector<1x16xf32> to vector<16xf32>
      %swap3A_182 = vector.shape_cast %add3A_177 : vector<16xf32> to vector<1x16xf32>
      tpu.vector_store %arg6[%swap3A_178, %swap3A_179], %swap3A_182 {strides = array<i32>} : memref<32x1024xf32, #tpu.memory_space<vmem>>, vector<1x16xf32>,
      %get3A_183 = arith.index_cast %scan3A_86 : i32 to index
      %get3A_184 = arith.constant 112 : index
      %get3A_185 = tpu.vector_load %arg6[%get3A_183, %get3A_184] {strides = array<i32>} : memref<32x1024xf32, #tpu.memory_space<vmem>>, vector<1x16xf32>,
      %get3A_186 = vector.shape_cast %get3A_185 : vector<1x16xf32> to vector<16xf32>
      %get3A_187 = arith.index_cast %scan3A_86 : i32 to index
      %get3A_188 = arith.constant 112 : index
      %get3A_189 = tpu.vector_load %arg7[%get3A_187, %get3A_188] {strides = array<i32>} : memref<32x1024xf32, #tpu.memory_space<vmem>>, vector<1x16xf32>,
      %get3A_190 = vector.shape_cast %get3A_189 : vector<1x16xf32> to vector<16xf32>
      %add3A_191 = arith.addf %get3A_186, %get3A_190 : vector<16xf32>
      %swap3A_192 = arith.index_cast %scan3A_86 : i32 to index
      %swap3A_193 = arith.constant 112 : index
      %swap3A_194 = tpu.vector_load %arg6[%swap3A_192, %swap3A_193] {strides = array<i32>} : memref<32x1024xf32, #tpu.memory_space<vmem>>, vector<1x16xf32>,
      %swap3A_195 = vector.shape_cast %swap3A_194 : vector<1x16xf32> to vector<16xf32>
      %swap3A_196 = vector.shape_cast %add3A_191 : vector<16xf32> to vector<1x16xf32>
      tpu.vector_store %arg6[%swap3A_192, %swap3A_193], %swap3A_196 {strides = array<i32>} : memref<32x1024xf32, #tpu.memory_space<vmem>>, vector<1x16xf32>,
      %get3A_197 = arith.index_cast %scan3A_86 : i32 to index
      %get3A_198 = arith.constant 128 : index
      %get3A_199 = tpu.vector_load %arg6[%get3A_197, %get3A_198] {strides = array<i32>} : memref<32x1024xf32, #tpu.memory_space<vmem>>, vector<1x16xf32>,
      %get3A_200 = vector.shape_cast %get3A_199 : vector<1x16xf32> to vector<16xf32>
      %get3A_201 = arith.index_cast %scan3A_86 : i32 to index
      %get3A_202 = arith.constant 128 : index
      %get3A_203 = tpu.vector_load %arg7[%get3A_201, %get3A_202] {strides = array<i32>} : memref<32x1024xf32, #tpu.memory_space<vmem>>, vector<1x16xf32>,
      %get3A_204 = vector.shape_cast %get3A_203 : vector<1x16xf32> to vector<16xf32>
      %add3A_205 = arith.addf %get3A_200, %get3A_204 : vector<16xf32>
      %swap3A_206 = arith.index_cast %scan3A_86 : i32 to index
      %swap3A_207 = arith.constant 128 : index
      %swap3A_208 = tpu.vector_load %arg6[%swap3A_206, %swap3A_207] {strides = array<i32>} : memref<32x1024xf32, #tpu.memory_space<vmem>>, vector<1x16xf32>,
      %swap3A_209 = vector.shape_cast %swap3A_208 : vector<1x16xf32> to vector<16xf32>
      %swap3A_210 = vector.shape_cast %add3A_205 : vector<16xf32> to vector<1x16xf32>
      tpu.vector_store %arg6[%swap3A_206, %swap3A_207], %swap3A_210 {strides = array<i32>} : memref<32x1024xf32, #tpu.memory_space<vmem>>, vector<1x16xf32>,
      %get3A_211 = arith.index_cast %scan3A_86 : i32 to index
      %get3A_212 = arith.constant 144 : index
      %get3A_213 = tpu.vector_load %arg6[%get3A_211, %get3A_212] {strides = array<i32>} : memref<32x1024xf32, #tpu.memory_space<vmem>>, vector<1x16xf32>,
      %get3A_214 = vector.shape_cast %get3A_213 : vector<1x16xf32> to vector<16xf32>
      %get3A_215 = arith.index_cast %scan3A_86 : i32 to index
      %get3A_216 = arith.constant 144 : index
      %get3A_217 = tpu.vector_load %arg7[%get3A_215, %get3A_216] {strides = array<i32>} : memref<32x1024xf32, #tpu.memory_space<vmem>>, vector<1x16xf32>,
      %get3A_218 = vector.shape_cast %get3A_217 : vector<1x16xf32> to vector<16xf32>
      %add3A_219 = arith.addf %get3A_214, %get3A_218 : vector<16xf32>
      %swap3A_220 = arith.index_cast %scan3A_86 : i32 to index
      %swap3A_221 = arith.constant 144 : index
      %swap3A_222 = tpu.vector_load %arg6[%swap3A_220, %swap3A_221] {strides = array<i32>} : memref<32x1024xf32, #tpu.memory_space<vmem>>, vector<1x16xf32>,
      %swap3A_223 = vector.shape_cast %swap3A_222 : vector<1x16xf32> to vector<16xf32>
      %swap3A_224 = vector.shape_cast %add3A_219 : vector<16xf32> to vector<1x16xf32>
      tpu.vector_store %arg6[%swap3A_220, %swap3A_221], %swap3A_224 {strides = array<i32>} : memref<32x1024xf32, #tpu.memory_space<vmem>>, vector<1x16xf32>,
      %get3A_225 = arith.index_cast %scan3A_86 : i32 to index
      %get3A_226 = arith.constant 160 : index
      %get3A_227 = tpu.vector_load %arg6[%get3A_225, %get3A_226] {strides = array<i32>} : memref<32x1024xf32, #tpu.memory_space<vmem>>, vector<1x16xf32>,
      %get3A_228 = vector.shape_cast %get3A_227 : vector<1x16xf32> to vector<16xf32>
      %get3A_229 = arith.index_cast %scan3A_86 : i32 to index
      %get3A_230 = arith.constant 160 : index
      %get3A_231 = tpu.vector_load %arg7[%get3A_229, %get3A_230] {strides = array<i32>} : memref<32x1024xf32, #tpu.memory_space<vmem>>, vector<1x16xf32>,
      %get3A_232 = vector.shape_cast %get3A_231 : vector<1x16xf32> to vector<16xf32>
      %add3A_233 = arith.addf %get3A_228, %get3A_232 : vector<16xf32>
      %swap3A_234 = arith.index_cast %scan3A_86 : i32 to index
      %swap3A_235 = arith.constant 160 : index
      %swap3A_236 = tpu.vector_load %arg6[%swap3A_234, %swap3A_235] {strides = array<i32>} : memref<32x1024xf32, #tpu.memory_space<vmem>>, vector<1x16xf32>,
      %swap3A_237 = vector.shape_cast %swap3A_236 : vector<1x16xf32> to vector<16xf32>
      %swap3A_238 = vector.shape_cast %add3A_233 : vector<16xf32> to vector<1x16xf32>
      tpu.vector_store %arg6[%swap3A_234, %swap3A_235], %swap3A_238 {strides = array<i32>} : memref<32x1024xf32, #tpu.memory_space<vmem>>, vector<1x16xf32>,
      %get3A_239 = arith.index_cast %scan3A_86 : i32 to index
      %get3A_240 = arith.constant 176 : index
      %get3A_241 = tpu.vector_load %arg6[%get3A_239, %get3A_240] {strides = array<i32>} : memref<32x1024xf32, #tpu.memory_space<vmem>>, vector<1x16xf32>,
      %get3A_242 = vector.shape_cast %get3A_241 : vector<1x16xf32> to vector<16xf32>
      %get3A_243 = arith.index_cast %scan3A_86 : i32 to index
      %get3A_244 = arith.constant 176 : index
      %get3A_245 = tpu.vector_load %arg7[%get3A_243, %get3A_244] {strides = array<i32>} : memref<32x1024xf32, #tpu.memory_space<vmem>>, vector<1x16xf32>,
      %get3A_246 = vector.shape_cast %get3A_245 : vector<1x16xf32> to vector<16xf32>
      %add3A_247 = arith.addf %get3A_242, %get3A_246 : vector<16xf32>
      %swap3A_248 = arith.index_cast %scan3A_86 : i32 to index
      %swap3A_249 = arith.constant 176 : index
      %swap3A_250 = tpu.vector_load %arg6[%swap3A_248, %swap3A_249] {strides = array<i32>} : memref<32x1024xf32, #tpu.memory_space<vmem>>, vector<1x16xf32>,
      %swap3A_251 = vector.shape_cast %swap3A_250 : vector<1x16xf32> to vector<16xf32>
      %swap3A_252 = vector.shape_cast %add3A_247 : vector<16xf32> to vector<1x16xf32>
      tpu.vector_store %arg6[%swap3A_248, %swap3A_249], %swap3A_252 {strides = array<i32>} : memref<32x1024xf32, #tpu.memory_space<vmem>>, vector<1x16xf32>,
      %get3A_253 = arith.index_cast %scan3A_86 : i32 to index
      %get3A_254 = arith.constant 192 : index
      %get3A_255 = tpu.vector_load %arg6[%get3A_253, %get3A_254] {strides = array<i32>} : memref<32x1024xf32, #tpu.memory_space<vmem>>, vector<1x16xf32>,
      %get3A_256 = vector.shape_cast %get3A_255 : vector<1x16xf32> to vector<16xf32>
      %get3A_257 = arith.index_cast %scan3A_86 : i32 to index
      %get3A_258 = arith.constant 192 : index
      %get3A_259 = tpu.vector_load %arg7[%get3A_257, %get3A_258] {strides = array<i32>} : memref<32x1024xf32, #tpu.memory_space<vmem>>, vector<1x16xf32>,
      %get3A_260 = vector.shape_cast %get3A_259 : vector<1x16xf32> to vector<16xf32>
      %add3A_261 = arith.addf %get3A_256, %get3A_260 : vector<16xf32>
      %swap3A_262 = arith.index_cast %scan3A_86 : i32 to index
      %swap3A_263 = arith.constant 192 : index
      %swap3A_264 = tpu.vector_load %arg6[%swap3A_262, %swap3A_263] {strides = array<i32>} : memref<32x1024xf32, #tpu.memory_space<vmem>>, vector<1x16xf32>,
      %swap3A_265 = vector.shape_cast %swap3A_264 : vector<1x16xf32> to vector<16xf32>
      %swap3A_266 = vector.shape_cast %add3A_261 : vector<16xf32> to vector<1x16xf32>
      tpu.vector_store %arg6[%swap3A_262, %swap3A_263], %swap3A_266 {strides = array<i32>} : memref<32x1024xf32, #tpu.memory_space<vmem>>, vector<1x16xf32>,
      %get3A_267 = arith.index_cast %scan3A_86 : i32 to index
      %get3A_268 = arith.constant 208 : index
      %get3A_269 = tpu.vector_load %arg6[%get3A_267, %get3A_268] {strides = array<i32>} : memref<32x1024xf32, #tpu.memory_space<vmem>>, vector<1x16xf32>,
      %get3A_270 = vector.shape_cast %get3A_269 : vector<1x16xf32> to vector<16xf32>
      %get3A_271 = arith.index_cast %scan3A_86 : i32 to index
      %get3A_272 = arith.constant 208 : index
      %get3A_273 = tpu.vector_load %arg7[%get3A_271, %get3A_272] {strides = array<i32>} : memref<32x1024xf32, #tpu.memory_space<vmem>>, vector<1x16xf32>,
      %get3A_274 = vector.shape_cast %get3A_273 : vector<1x16xf32> to vector<16xf32>
      %add3A_275 = arith.addf %get3A_270, %get3A_274 : vector<16xf32>
      %swap3A_276 = arith.index_cast %scan3A_86 : i32 to index
      %swap3A_277 = arith.constant 208 : index
      %swap3A_278 = tpu.vector_load %arg6[%swap3A_276, %swap3A_277] {strides = array<i32>} : memref<32x1024xf32, #tpu.memory_space<vmem>>, vector<1x16xf32>,
      %swap3A_279 = vector.shape_cast %swap3A_278 : vector<1x16xf32> to vector<16xf32>
      %swap3A_280 = vector.shape_cast %add3A_275 : vector<16xf32> to vector<1x16xf32>
      tpu.vector_store %arg6[%swap3A_276, %swap3A_277], %swap3A_280 {strides = array<i32>} : memref<32x1024xf32, #tpu.memory_space<vmem>>, vector<1x16xf32>,
      %get3A_281 = arith.index_cast %scan3A_86 : i32 to index
      %get3A_282 = arith.constant 224 : index
      %get3A_283 = tpu.vector_load %arg6[%get3A_281, %get3A_282] {strides = array<i32>} : memref<32x1024xf32, #tpu.memory_space<vmem>>, vector<1x16xf32>,
      %get3A_284 = vector.shape_cast %get3A_283 : vector<1x16xf32> to vector<16xf32>
      %get3A_285 = arith.index_cast %scan3A_86 : i32 to index
      %get3A_286 = arith.constant 224 : index
      %get3A_287 = tpu.vector_load %arg7[%get3A_285, %get3A_286] {strides = array<i32>} : memref<32x1024xf32, #tpu.memory_space<vmem>>, vector<1x16xf32>,
      %get3A_288 = vector.shape_cast %get3A_287 : vector<1x16xf32> to vector<16xf32>
      %add3A_289 = arith.addf %get3A_284, %get3A_288 : vector<16xf32>
      %swap3A_290 = arith.index_cast %scan3A_86 : i32 to index
      %swap3A_291 = arith.constant 224 : index
      %swap3A_292 = tpu.vector_load %arg6[%swap3A_290, %swap3A_291] {strides = array<i32>} : memref<32x1024xf32, #tpu.memory_space<vmem>>, vector<1x16xf32>,
      %swap3A_293 = vector.shape_cast %swap3A_292 : vector<1x16xf32> to vector<16xf32>
      %swap3A_294 = vector.shape_cast %add3A_289 : vector<16xf32> to vector<1x16xf32>
      tpu.vector_store %arg6[%swap3A_290, %swap3A_291], %swap3A_294 {strides = array<i32>} : memref<32x1024xf32, #tpu.memory_space<vmem>>, vector<1x16xf32>,
      %get3A_295 = arith.index_cast %scan3A_86 : i32 to index
      %get3A_296 = arith.constant 240 : index
      %get3A_297 = tpu.vector_load %arg6[%get3A_295, %get3A_296] {strides = array<i32>} : memref<32x1024xf32, #tpu.memory_space<vmem>>, vector<1x16xf32>,
      %get3A_298 = vector.shape_cast %get3A_297 : vector<1x16xf32> to vector<16xf32>
      %get3A_299 = arith.index_cast %scan3A_86 : i32 to index
      %get3A_300 = arith.constant 240 : index
      %get3A_301 = tpu.vector_load %arg7[%get3A_299, %get3A_300] {strides = array<i32>} : memref<32x1024xf32, #tpu.memory_space<vmem>>, vector<1x16xf32>,
      %get3A_302 = vector.shape_cast %get3A_301 : vector<1x16xf32> to vector<16xf32>
      %add3A_303 = arith.addf %get3A_298, %get3A_302 : vector<16xf32>
      %swap3A_304 = arith.index_cast %scan3A_86 : i32 to index
      %swap3A_305 = arith.constant 240 : index
      %swap3A_306 = tpu.vector_load %arg6[%swap3A_304, %swap3A_305] {strides = array<i32>} : memref<32x1024xf32, #tpu.memory_space<vmem>>, vector<1x16xf32>,
      %swap3A_307 = vector.shape_cast %swap3A_306 : vector<1x16xf32> to vector<16xf32>
      %swap3A_308 = vector.shape_cast %add3A_303 : vector<16xf32> to vector<1x16xf32>
      tpu.vector_store %arg6[%swap3A_304, %swap3A_305], %swap3A_308 {strides = array<i32>} : memref<32x1024xf32, #tpu.memory_space<vmem>>, vector<1x16xf32>,
      %get3A_309 = arith.index_cast %scan3A_86 : i32 to index
      %get3A_310 = arith.constant 256 : index
      %get3A_311 = tpu.vector_load %arg6[%get3A_309, %get3A_310] {strides = array<i32>} : memref<32x1024xf32, #tpu.memory_space<vmem>>, vector<1x16xf32>,
      %get3A_312 = vector.shape_cast %get3A_311 : vector<1x16xf32> to vector<16xf32>
      %get3A_313 = arith.index_cast %scan3A_86 : i32 to index
      %get3A_314 = arith.constant 256 : index
      %get3A_315 = tpu.vector_load %arg7[%get3A_313, %get3A_314] {strides = array<i32>} : memref<32x1024xf32, #tpu.memory_space<vmem>>, vector<1x16xf32>,
      %get3A_316 = vector.shape_cast %get3A_315 : vector<1x16xf32> to vector<16xf32>
      %add3A_317 = arith.addf %get3A_312, %get3A_316 : vector<16xf32>
      %swap3A_318 = arith.index_cast %scan3A_86 : i32 to index
      %swap3A_319 = arith.constant 256 : index
      %swap3A_320 = tpu.vector_load %arg6[%swap3A_318, %swap3A_319] {strides = array<i32>} : memref<32x1024xf32, #tpu.memory_space<vmem>>, vector<1x16xf32>,
      %swap3A_321 = vector.shape_cast %swap3A_320 : vector<1x16xf32> to vector<16xf32>
      %swap3A_322 = vector.shape_cast %add3A_317 : vector<16xf32> to vector<1x16xf32>
      tpu.vector_store %arg6[%swap3A_318, %swap3A_319], %swap3A_322 {strides = array<i32>} : memref<32x1024xf32, #tpu.memory_space<vmem>>, vector<1x16xf32>,
      %get3A_323 = arith.index_cast %scan3A_86 : i32 to index
      %get3A_324 = arith.constant 272 : index
      %get3A_325 = tpu.vector_load %arg6[%get3A_323, %get3A_324] {strides = array<i32>} : memref<32x1024xf32, #tpu.memory_space<vmem>>, vector<1x16xf32>,
      %get3A_326 = vector.shape_cast %get3A_325 : vector<1x16xf32> to vector<16xf32>
      %get3A_327 = arith.index_cast %scan3A_86 : i32 to index
      %get3A_328 = arith.constant 272 : index
      %get3A_329 = tpu.vector_load %arg7[%get3A_327, %get3A_328] {strides = array<i32>} : memref<32x1024xf32, #tpu.memory_space<vmem>>, vector<1x16xf32>,
      %get3A_330 = vector.shape_cast %get3A_329 : vector<1x16xf32> to vector<16xf32>
      %add3A_331 = arith.addf %get3A_326, %get3A_330 : vector<16xf32>
      %swap3A_332 = arith.index_cast %scan3A_86 : i32 to index
      %swap3A_333 = arith.constant 272 : index
      %swap3A_334 = tpu.vector_load %arg6[%swap3A_332, %swap3A_333] {strides = array<i32>} : memref<32x1024xf32, #tpu.memory_space<vmem>>, vector<1x16xf32>,
      %swap3A_335 = vector.shape_cast %swap3A_334 : vector<1x16xf32> to vector<16xf32>
      %swap3A_336 = vector.shape_cast %add3A_331 : vector<16xf32> to vector<1x16xf32>
      tpu.vector_store %arg6[%swap3A_332, %swap3A_333], %swap3A_336 {strides = array<i32>} : memref<32x1024xf32, #tpu.memory_space<vmem>>, vector<1x16xf32>,
      %get3A_337 = arith.index_cast %scan3A_86 : i32 to index
      %get3A_338 = arith.constant 288 : index
      %get3A_339 = tpu.vector_load %arg6[%get3A_337, %get3A_338] {strides = array<i32>} : memref<32x1024xf32, #tpu.memory_space<vmem>>, vector<1x16xf32>,
      %get3A_340 = vector.shape_cast %get3A_339 : vector<1x16xf32> to vector<16xf32>
      %get3A_341 = arith.index_cast %scan3A_86 : i32 to index
      %get3A_342 = arith.constant 288 : index
      %get3A_343 = tpu.vector_load %arg7[%get3A_341, %get3A_342] {strides = array<i32>} : memref<32x1024xf32, #tpu.memory_space<vmem>>, vector<1x16xf32>,
      %get3A_344 = vector.shape_cast %get3A_343 : vector<1x16xf32> to vector<16xf32>
      %add3A_345 = arith.addf %get3A_340, %get3A_344 : vector<16xf32>
      %swap3A_346 = arith.index_cast %scan3A_86 : i32 to index
      %swap3A_347 = arith.constant 288 : index
      %swap3A_348 = tpu.vector_load %arg6[%swap3A_346, %swap3A_347] {strides = array<i32>} : memref<32x1024xf32, #tpu.memory_space<vmem>>, vector<1x16xf32>,
      %swap3A_349 = vector.shape_cast %swap3A_348 : vector<1x16xf32> to vector<16xf32>
      %swap3A_350 = vector.shape_cast %add3A_345 : vector<16xf32> to vector<1x16xf32>
      tpu.vector_store %arg6[%swap3A_346, %swap3A_347], %swap3A_350 {strides = array<i32>} : memref<32x1024xf32, #tpu.memory_space<vmem>>, vector<1x16xf32>,
      %get3A_351 = arith.index_cast %scan3A_86 : i32 to index
      %get3A_352 = arith.constant 304 : index
      %get3A_353 = tpu.vector_load %arg6[%get3A_351, %get3A_352] {strides = array<i32>} : memref<32x1024xf32, #tpu.memory_space<vmem>>, vector<1x16xf32>,
      %get3A_354 = vector.shape_cast %get3A_353 : vector<1x16xf32> to vector<16xf32>
      %get3A_355 = arith.index_cast %scan3A_86 : i32 to index
      %get3A_356 = arith.constant 304 : index
      %get3A_357 = tpu.vector_load %arg7[%get3A_355, %get3A_356] {strides = array<i32>} : memref<32x1024xf32, #tpu.memory_space<vmem>>, vector<1x16xf32>,
      %get3A_358 = vector.shape_cast %get3A_357 : vector<1x16xf32> to vector<16xf32>
      %add3A_359 = arith.addf %get3A_354, %get3A_358 : vector<16xf32>
      %swap3A_360 = arith.index_cast %scan3A_86 : i32 to index
      %swap3A_361 = arith.constant 304 : index
      %swap3A_362 = tpu.vector_load %arg6[%swap3A_360, %swap3A_361] {strides = array<i32>} : memref<32x1024xf32, #tpu.memory_space<vmem>>, vector<1x16xf32>,
      %swap3A_363 = vector.shape_cast %swap3A_362 : vector<1x16xf32> to vector<16xf32>
      %swap3A_364 = vector.shape_cast %add3A_359 : vector<16xf32> to vector<1x16xf32>
      tpu.vector_store %arg6[%swap3A_360, %swap3A_361], %swap3A_364 {strides = array<i32>} : memref<32x1024xf32, #tpu.memory_space<vmem>>, vector<1x16xf32>,
      %get3A_365 = arith.index_cast %scan3A_86 : i32 to index
      %get3A_366 = arith.constant 320 : index
      %get3A_367 = tpu.vector_load %arg6[%get3A_365, %get3A_366] {strides = array<i32>} : memref<32x1024xf32, #tpu.memory_space<vmem>>, vector<1x16xf32>,
      %get3A_368 = vector.shape_cast %get3A_367 : vector<1x16xf32> to vector<16xf32>
      %get3A_369 = arith.index_cast %scan3A_86 : i32 to index
      %get3A_370 = arith.constant 320 : index
      %get3A_371 = tpu.vector_load %arg7[%get3A_369, %get3A_370] {strides = array<i32>} : memref<32x1024xf32, #tpu.memory_space<vmem>>, vector<1x16xf32>,
      %get3A_372 = vector.shape_cast %get3A_371 : vector<1x16xf32> to vector<16xf32>
      %add3A_373 = arith.addf %get3A_368, %get3A_372 : vector<16xf32>
      %swap3A_374 = arith.index_cast %scan3A_86 : i32 to index
      %swap3A_375 = arith.constant 320 : index
      %swap3A_376 = tpu.vector_load %arg6[%swap3A_374, %swap3A_375] {strides = array<i32>} : memref<32x1024xf32, #tpu.memory_space<vmem>>, vector<1x16xf32>,
      %swap3A_377 = vector.shape_cast %swap3A_376 : vector<1x16xf32> to vector<16xf32>
      %swap3A_378 = vector.shape_cast %add3A_373 : vector<16xf32> to vector<1x16xf32>
      tpu.vector_store %arg6[%swap3A_374, %swap3A_375], %swap3A_378 {strides = array<i32>} : memref<32x1024xf32, #tpu.memory_space<vmem>>, vector<1x16xf32>,
      %get3A_379 = arith.index_cast %scan3A_86 : i32 to index
      %get3A_380 = arith.constant 336 : index
      %get3A_381 = tpu.vector_load %arg6[%get3A_379, %get3A_380] {strides = array<i32>} : memref<32x1024xf32, #tpu.memory_space<vmem>>, vector<1x16xf32>,
      %get3A_382 = vector.shape_cast %get3A_381 : vector<1x16xf32> to vector<16xf32>
      %get3A_383 = arith.index_cast %scan3A_86 : i32 to index
      %get3A_384 = arith.constant 336 : index
      %get3A_385 = tpu.vector_load %arg7[%get3A_383, %get3A_384] {strides = array<i32>} : memref<32x1024xf32, #tpu.memory_space<vmem>>, vector<1x16xf32>,
      %get3A_386 = vector.shape_cast %get3A_385 : vector<1x16xf32> to vector<16xf32>
      %add3A_387 = arith.addf %get3A_382, %get3A_386 : vector<16xf32>
      %swap3A_388 = arith.index_cast %scan3A_86 : i32 to index
      %swap3A_389 = arith.constant 336 : index
      %swap3A_390 = tpu.vector_load %arg6[%swap3A_388, %swap3A_389] {strides = array<i32>} : memref<32x1024xf32, #tpu.memory_space<vmem>>, vector<1x16xf32>,
      %swap3A_391 = vector.shape_cast %swap3A_390 : vector<1x16xf32> to vector<16xf32>
      %swap3A_392 = vector.shape_cast %add3A_387 : vector<16xf32> to vector<1x16xf32>
      tpu.vector_store %arg6[%swap3A_388, %swap3A_389], %swap3A_392 {strides = array<i32>} : memref<32x1024xf32, #tpu.memory_space<vmem>>, vector<1x16xf32>,
      %get3A_393 = arith.index_cast %scan3A_86 : i32 to index
      %get3A_394 = arith.constant 352 : index
      %get3A_395 = tpu.vector_load %arg6[%get3A_393, %get3A_394] {strides = array<i32>} : memref<32x1024xf32, #tpu.memory_space<vmem>>, vector<1x16xf32>,
      %get3A_396 = vector.shape_cast %get3A_395 : vector<1x16xf32> to vector<16xf32>
      %get3A_397 = arith.index_cast %scan3A_86 : i32 to index
      %get3A_398 = arith.constant 352 : index
      %get3A_399 = tpu.vector_load %arg7[%get3A_397, %get3A_398] {strides = array<i32>} : memref<32x1024xf32, #tpu.memory_space<vmem>>, vector<1x16xf32>,
      %get3A_400 = vector.shape_cast %get3A_399 : vector<1x16xf32> to vector<16xf32>
      %add3A_401 = arith.addf %get3A_396, %get3A_400 : vector<16xf32>
      %swap3A_402 = arith.index_cast %scan3A_86 : i32 to index
      %swap3A_403 = arith.constant 352 : index
      %swap3A_404 = tpu.vector_load %arg6[%swap3A_402, %swap3A_403] {strides = array<i32>} : memref<32x1024xf32, #tpu.memory_space<vmem>>, vector<1x16xf32>,
      %swap3A_405 = vector.shape_cast %swap3A_404 : vector<1x16xf32> to vector<16xf32>
      %swap3A_406 = vector.shape_cast %add3A_401 : vector<16xf32> to vector<1x16xf32>
      tpu.vector_store %arg6[%swap3A_402, %swap3A_403], %swap3A_406 {strides = array<i32>} : memref<32x1024xf32, #tpu.memory_space<vmem>>, vector<1x16xf32>,
      %get3A_407 = arith.index_cast %scan3A_86 : i32 to index
      %get3A_408 = arith.constant 368 : index
      %get3A_409 = tpu.vector_load %arg6[%get3A_407, %get3A_408] {strides = array<i32>} : memref<32x1024xf32, #tpu.memory_space<vmem>>, vector<1x16xf32>,
      %get3A_410 = vector.shape_cast %get3A_409 : vector<1x16xf32> to vector<16xf32>
      %get3A_411 = arith.index_cast %scan3A_86 : i32 to index
      %get3A_412 = arith.constant 368 : index
      %get3A_413 = tpu.vector_load %arg7[%get3A_411, %get3A_412] {strides = array<i32>} : memref<32x1024xf32, #tpu.memory_space<vmem>>, vector<1x16xf32>,
      %get3A_414 = vector.shape_cast %get3A_413 : vector<1x16xf32> to vector<16xf32>
      %add3A_415 = arith.addf %get3A_410, %get3A_414 : vector<16xf32>
      %swap3A_416 = arith.index_cast %scan3A_86 : i32 to index
      %swap3A_417 = arith.constant 368 : index
      %swap3A_418 = tpu.vector_load %arg6[%swap3A_416, %swap3A_417] {strides = array<i32>} : memref<32x1024xf32, #tpu.memory_space<vmem>>, vector<1x16xf32>,
      %swap3A_419 = vector.shape_cast %swap3A_418 : vector<1x16xf32> to vector<16xf32>
      %swap3A_420 = vector.shape_cast %add3A_415 : vector<16xf32> to vector<1x16xf32>
      tpu.vector_store %arg6[%swap3A_416, %swap3A_417], %swap3A_420 {strides = array<i32>} : memref<32x1024xf32, #tpu.memory_space<vmem>>, vector<1x16xf32>,
      %get3A_421 = arith.index_cast %scan3A_86 : i32 to index
      %get3A_422 = arith.constant 384 : index
      %get3A_423 = tpu.vector_load %arg6[%get3A_421, %get3A_422] {strides = array<i32>} : memref<32x1024xf32, #tpu.memory_space<vmem>>, vector<1x16xf32>,
      %get3A_424 = vector.shape_cast %get3A_423 : vector<1x16xf32> to vector<16xf32>
      %get3A_425 = arith.index_cast %scan3A_86 : i32 to index
      %get3A_426 = arith.constant 384 : index
      %get3A_427 = tpu.vector_load %arg7[%get3A_425, %get3A_426] {strides = array<i32>} : memref<32x1024xf32, #tpu.memory_space<vmem>>, vector<1x16xf32>,
      %get3A_428 = vector.shape_cast %get3A_427 : vector<1x16xf32> to vector<16xf32>
      %add3A_429 = arith.addf %get3A_424, %get3A_428 : vector<16xf32>
      %swap3A_430 = arith.index_cast %scan3A_86 : i32 to index
      %swap3A_431 = arith.constant 384 : index
      %swap3A_432 = tpu.vector_load %arg6[%swap3A_430, %swap3A_431] {strides = array<i32>} : memref<32x1024xf32, #tpu.memory_space<vmem>>, vector<1x16xf32>,
      %swap3A_433 = vector.shape_cast %swap3A_432 : vector<1x16xf32> to vector<16xf32>
      %swap3A_434 = vector.shape_cast %add3A_429 : vector<16xf32> to vector<1x16xf32>
      tpu.vector_store %arg6[%swap3A_430, %swap3A_431], %swap3A_434 {strides = array<i32>} : memref<32x1024xf32, #tpu.memory_space<vmem>>, vector<1x16xf32>,
      %get3A_435 = arith.index_cast %scan3A_86 : i32 to index
      %get3A_436 = arith.constant 400 : index
      %get3A_437 = tpu.vector_load %arg6[%get3A_435, %get3A_436] {strides = array<i32>} : memref<32x1024xf32, #tpu.memory_space<vmem>>, vector<1x16xf32>,
      %get3A_438 = vector.shape_cast %get3A_437 : vector<1x16xf32> to vector<16xf32>
      %get3A_439 = arith.index_cast %scan3A_86 : i32 to index
      %get3A_440 = arith.constant 400 : index
      %get3A_441 = tpu.vector_load %arg7[%get3A_439, %get3A_440] {strides = array<i32>} : memref<32x1024xf32, #tpu.memory_space<vmem>>, vector<1x16xf32>,
      %get3A_442 = vector.shape_cast %get3A_441 : vector<1x16xf32> to vector<16xf32>
      %add3A_443 = arith.addf %get3A_438, %get3A_442 : vector<16xf32>
      %swap3A_444 = arith.index_cast %scan3A_86 : i32 to index
      %swap3A_445 = arith.constant 400 : index
      %swap3A_446 = tpu.vector_load %arg6[%swap3A_444, %swap3A_445] {strides = array<i32>} : memref<32x1024xf32, #tpu.memory_space<vmem>>, vector<1x16xf32>,
      %swap3A_447 = vector.shape_cast %swap3A_446 : vector<1x16xf32> to vector<16xf32>
      %swap3A_448 = vector.shape_cast %add3A_443 : vector<16xf32> to vector<1x16xf32>
      tpu.vector_store %arg6[%swap3A_444, %swap3A_445], %swap3A_448 {strides = array<i32>} : memref<32x1024xf32, #tpu.memory_space<vmem>>, vector<1x16xf32>,
      %get3A_449 = arith.index_cast %scan3A_86 : i32 to index
      %get3A_450 = arith.constant 416 : index
      %get3A_451 = tpu.vector_load %arg6[%get3A_449, %get3A_450] {strides = array<i32>} : memref<32x1024xf32, #tpu.memory_space<vmem>>, vector<1x16xf32>,
      %get3A_452 = vector.shape_cast %get3A_451 : vector<1x16xf32> to vector<16xf32>
      %get3A_453 = arith.index_cast %scan3A_86 : i32 to index
      %get3A_454 = arith.constant 416 : index
      %get3A_455 = tpu.vector_load %arg7[%get3A_453, %get3A_454] {strides = array<i32>} : memref<32x1024xf32, #tpu.memory_space<vmem>>, vector<1x16xf32>,
      %get3A_456 = vector.shape_cast %get3A_455 : vector<1x16xf32> to vector<16xf32>
      %add3A_457 = arith.addf %get3A_452, %get3A_456 : vector<16xf32>
      %swap3A_458 = arith.index_cast %scan3A_86 : i32 to index
      %swap3A_459 = arith.constant 416 : index
      %swap3A_460 = tpu.vector_load %arg6[%swap3A_458, %swap3A_459] {strides = array<i32>} : memref<32x1024xf32, #tpu.memory_space<vmem>>, vector<1x16xf32>,
      %swap3A_461 = vector.shape_cast %swap3A_460 : vector<1x16xf32> to vector<16xf32>
      %swap3A_462 = vector.shape_cast %add3A_457 : vector<16xf32> to vector<1x16xf32>
      tpu.vector_store %arg6[%swap3A_458, %swap3A_459], %swap3A_462 {strides = array<i32>} : memref<32x1024xf32, #tpu.memory_space<vmem>>, vector<1x16xf32>,
      %get3A_463 = arith.index_cast %scan3A_86 : i32 to index
      %get3A_464 = arith.constant 432 : index
      %get3A_465 = tpu.vector_load %arg6[%get3A_463, %get3A_464] {strides = array<i32>} : memref<32x1024xf32, #tpu.memory_space<vmem>>, vector<1x16xf32>,
      %get3A_466 = vector.shape_cast %get3A_465 : vector<1x16xf32> to vector<16xf32>
      %get3A_467 = arith.index_cast %scan3A_86 : i32 to index
      %get3A_468 = arith.constant 432 : index
      %get3A_469 = tpu.vector_load %arg7[%get3A_467, %get3A_468] {strides = array<i32>} : memref<32x1024xf32, #tpu.memory_space<vmem>>, vector<1x16xf32>,
      %get3A_470 = vector.shape_cast %get3A_469 : vector<1x16xf32> to vector<16xf32>
      %add3A_471 = arith.addf %get3A_466, %get3A_470 : vector<16xf32>
      %swap3A_472 = arith.index_cast %scan3A_86 : i32 to index
      %swap3A_473 = arith.constant 432 : index
      %swap3A_474 = tpu.vector_load %arg6[%swap3A_472, %swap3A_473] {strides = array<i32>} : memref<32x1024xf32, #tpu.memory_space<vmem>>, vector<1x16xf32>,
      %swap3A_475 = vector.shape_cast %swap3A_474 : vector<1x16xf32> to vector<16xf32>
      %swap3A_476 = vector.shape_cast %add3A_471 : vector<16xf32> to vector<1x16xf32>
      tpu.vector_store %arg6[%swap3A_472, %swap3A_473], %swap3A_476 {strides = array<i32>} : memref<32x1024xf32, #tpu.memory_space<vmem>>, vector<1x16xf32>,
      %get3A_477 = arith.index_cast %scan3A_86 : i32 to index
      %get3A_478 = arith.constant 448 : index
      %get3A_479 = tpu.vector_load %arg6[%get3A_477, %get3A_478] {strides = array<i32>} : memref<32x1024xf32, #tpu.memory_space<vmem>>, vector<1x16xf32>,
      %get3A_480 = vector.shape_cast %get3A_479 : vector<1x16xf32> to vector<16xf32>
      %get3A_481 = arith.index_cast %scan3A_86 : i32 to index
      %get3A_482 = arith.constant 448 : index
      %get3A_483 = tpu.vector_load %arg7[%get3A_481, %get3A_482] {strides = array<i32>} : memref<32x1024xf32, #tpu.memory_space<vmem>>, vector<1x16xf32>,
      %get3A_484 = vector.shape_cast %get3A_483 : vector<1x16xf32> to vector<16xf32>
      %add3A_485 = arith.addf %get3A_480, %get3A_484 : vector<16xf32>
      %swap3A_486 = arith.index_cast %scan3A_86 : i32 to index
      %swap3A_487 = arith.constant 448 : index
      %swap3A_488 = tpu.vector_load %arg6[%swap3A_486, %swap3A_487] {strides = array<i32>} : memref<32x1024xf32, #tpu.memory_space<vmem>>, vector<1x16xf32>,
      %swap3A_489 = vector.shape_cast %swap3A_488 : vector<1x16xf32> to vector<16xf32>
      %swap3A_490 = vector.shape_cast %add3A_485 : vector<16xf32> to vector<1x16xf32>
      tpu.vector_store %arg6[%swap3A_486, %swap3A_487], %swap3A_490 {strides = array<i32>} : memref<32x1024xf32, #tpu.memory_space<vmem>>, vector<1x16xf32>,
      %get3A_491 = arith.index_cast %scan3A_86 : i32 to index
      %get3A_492 = arith.constant 464 : index
      %get3A_493 = tpu.vector_load %arg6[%get3A_491, %get3A_492] {strides = array<i32>} : memref<32x1024xf32, #tpu.memory_space<vmem>>, vector<1x16xf32>,
      %get3A_494 = vector.shape_cast %get3A_493 : vector<1x16xf32> to vector<16xf32>
      %get3A_495 = arith.index_cast %scan3A_86 : i32 to index
      %get3A_496 = arith.constant 464 : index
      %get3A_497 = tpu.vector_load %arg7[%get3A_495, %get3A_496] {strides = array<i32>} : memref<32x1024xf32, #tpu.memory_space<vmem>>, vector<1x16xf32>,
      %get3A_498 = vector.shape_cast %get3A_497 : vector<1x16xf32> to vector<16xf32>
      %add3A_499 = arith.addf %get3A_494, %get3A_498 : vector<16xf32>
      %swap3A_500 = arith.index_cast %scan3A_86 : i32 to index
      %swap3A_501 = arith.constant 464 : index
      %swap3A_502 = tpu.vector_load %arg6[%swap3A_500, %swap3A_501] {strides = array<i32>} : memref<32x1024xf32, #tpu.memory_space<vmem>>, vector<1x16xf32>,
      %swap3A_503 = vector.shape_cast %swap3A_502 : vector<1x16xf32> to vector<16xf32>
      %swap3A_504 = vector.shape_cast %add3A_499 : vector<16xf32> to vector<1x16xf32>
      tpu.vector_store %arg6[%swap3A_500, %swap3A_501], %swap3A_504 {strides = array<i32>} : memref<32x1024xf32, #tpu.memory_space<vmem>>, vector<1x16xf32>,
      %get3A_505 = arith.index_cast %scan3A_86 : i32 to index
      %get3A_506 = arith.constant 480 : index
      %get3A_507 = tpu.vector_load %arg6[%get3A_505, %get3A_506] {strides = array<i32>} : memref<32x1024xf32, #tpu.memory_space<vmem>>, vector<1x16xf32>,
      %get3A_508 = vector.shape_cast %get3A_507 : vector<1x16xf32> to vector<16xf32>
      %get3A_509 = arith.index_cast %scan3A_86 : i32 to index
      %get3A_510 = arith.constant 480 : index
      %get3A_511 = tpu.vector_load %arg7[%get3A_509, %get3A_510] {strides = array<i32>} : memref<32x1024xf32, #tpu.memory_space<vmem>>, vector<1x16xf32>,
      %get3A_512 = vector.shape_cast %get3A_511 : vector<1x16xf32> to vector<16xf32>
      %add3A_513 = arith.addf %get3A_508, %get3A_512 : vector<16xf32>
      %swap3A_514 = arith.index_cast %scan3A_86 : i32 to index
      %swap3A_515 = arith.constant 480 : index
      %swap3A_516 = tpu.vector_load %arg6[%swap3A_514, %swap3A_515] {strides = array<i32>} : memref<32x1024xf32, #tpu.memory_space<vmem>>, vector<1x16xf32>,
      %swap3A_517 = vector.shape_cast %swap3A_516 : vector<1x16xf32> to vector<16xf32>
      %swap3A_518 = vector.shape_cast %add3A_513 : vector<16xf32> to vector<1x16xf32>
      tpu.vector_store %arg6[%swap3A_514, %swap3A_515], %swap3A_518 {strides = array<i32>} : memref<32x1024xf32, #tpu.memory_space<vmem>>, vector<1x16xf32>,
      %get3A_519 = arith.index_cast %scan3A_86 : i32 to index
      %get3A_520 = arith.constant 496 : index
      %get3A_521 = tpu.vector_load %arg6[%get3A_519, %get3A_520] {strides = array<i32>} : memref<32x1024xf32, #tpu.memory_space<vmem>>, vector<1x16xf32>,
      %get3A_522 = vector.shape_cast %get3A_521 : vector<1x16xf32> to vector<16xf32>
      %get3A_523 = arith.index_cast %scan3A_86 : i32 to index
      %get3A_524 = arith.constant 496 : index
      %get3A_525 = tpu.vector_load %arg7[%get3A_523, %get3A_524] {strides = array<i32>} : memref<32x1024xf32, #tpu.memory_space<vmem>>, vector<1x16xf32>,
      %get3A_526 = vector.shape_cast %get3A_525 : vector<1x16xf32> to vector<16xf32>
      %add3A_527 = arith.addf %get3A_522, %get3A_526 : vector<16xf32>
      %swap3A_528 = arith.index_cast %scan3A_86 : i32 to index
      %swap3A_529 = arith.constant 496 : index
      %swap3A_530 = tpu.vector_load %arg6[%swap3A_528, %swap3A_529] {strides = array<i32>} : memref<32x1024xf32, #tpu.memory_space<vmem>>, vector<1x16xf32>,
      %swap3A_531 = vector.shape_cast %swap3A_530 : vector<1x16xf32> to vector<16xf32>
      %swap3A_532 = vector.shape_cast %add3A_527 : vector<16xf32> to vector<1x16xf32>
      tpu.vector_store %arg6[%swap3A_528, %swap3A_529], %swap3A_532 {strides = array<i32>} : memref<32x1024xf32, #tpu.memory_space<vmem>>, vector<1x16xf32>,
      %get3A_533 = arith.index_cast %scan3A_86 : i32 to index
      %get3A_534 = arith.constant 512 : index
      %get3A_535 = tpu.vector_load %arg6[%get3A_533, %get3A_534] {strides = array<i32>} : memref<32x1024xf32, #tpu.memory_space<vmem>>, vector<1x16xf32>,
      %get3A_536 = vector.shape_cast %get3A_535 : vector<1x16xf32> to vector<16xf32>
      %get3A_537 = arith.index_cast %scan3A_86 : i32 to index
      %get3A_538 = arith.constant 512 : index
      %get3A_539 = tpu.vector_load %arg7[%get3A_537, %get3A_538] {strides = array<i32>} : memref<32x1024xf32, #tpu.memory_space<vmem>>, vector<1x16xf32>,
      %get3A_540 = vector.shape_cast %get3A_539 : vector<1x16xf32> to vector<16xf32>
      %add3A_541 = arith.addf %get3A_536, %get3A_540 : vector<16xf32>
      %swap3A_542 = arith.index_cast %scan3A_86 : i32 to index
      %swap3A_543 = arith.constant 512 : index
      %swap3A_544 = tpu.vector_load %arg6[%swap3A_542, %swap3A_543] {strides = array<i32>} : memref<32x1024xf32, #tpu.memory_space<vmem>>, vector<1x16xf32>,
      %swap3A_545 = vector.shape_cast %swap3A_544 : vector<1x16xf32> to vector<16xf32>
      %swap3A_546 = vector.shape_cast %add3A_541 : vector<16xf32> to vector<1x16xf32>
      tpu.vector_store %arg6[%swap3A_542, %swap3A_543], %swap3A_546 {strides = array<i32>} : memref<32x1024xf32, #tpu.memory_space<vmem>>, vector<1x16xf32>,
      %get3A_547 = arith.index_cast %scan3A_86 : i32 to index
      %get3A_548 = arith.constant 528 : index
      %get3A_549 = tpu.vector_load %arg6[%get3A_547, %get3A_548] {strides = array<i32>} : memref<32x1024xf32, #tpu.memory_space<vmem>>, vector<1x16xf32>,
      %get3A_550 = vector.shape_cast %get3A_549 : vector<1x16xf32> to vector<16xf32>
      %get3A_551 = arith.index_cast %scan3A_86 : i32 to index
      %get3A_552 = arith.constant 528 : index
      %get3A_553 = tpu.vector_load %arg7[%get3A_551, %get3A_552] {strides = array<i32>} : memref<32x1024xf32, #tpu.memory_space<vmem>>, vector<1x16xf32>,
      %get3A_554 = vector.shape_cast %get3A_553 : vector<1x16xf32> to vector<16xf32>
      %add3A_555 = arith.addf %get3A_550, %get3A_554 : vector<16xf32>
      %swap3A_556 = arith.index_cast %scan3A_86 : i32 to index
      %swap3A_557 = arith.constant 528 : index
      %swap3A_558 = tpu.vector_load %arg6[%swap3A_556, %swap3A_557] {strides = array<i32>} : memref<32x1024xf32, #tpu.memory_space<vmem>>, vector<1x16xf32>,
      %swap3A_559 = vector.shape_cast %swap3A_558 : vector<1x16xf32> to vector<16xf32>
      %swap3A_560 = vector.shape_cast %add3A_555 : vector<16xf32> to vector<1x16xf32>
      tpu.vector_store %arg6[%swap3A_556, %swap3A_557], %swap3A_560 {strides = array<i32>} : memref<32x1024xf32, #tpu.memory_space<vmem>>, vector<1x16xf32>,
      %get3A_561 = arith.index_cast %scan3A_86 : i32 to index
      %get3A_562 = arith.constant 544 : index
      %get3A_563 = tpu.vector_load %arg6[%get3A_561, %get3A_562] {strides = array<i32>} : memref<32x1024xf32, #tpu.memory_space<vmem>>, vector<1x16xf32>,
      %get3A_564 = vector.shape_cast %get3A_563 : vector<1x16xf32> to vector<16xf32>
      %get3A_565 = arith.index_cast %scan3A_86 : i32 to index
      %get3A_566 = arith.constant 544 : index
      %get3A_567 = tpu.vector_load %arg7[%get3A_565, %get3A_566] {strides = array<i32>} : memref<32x1024xf32, #tpu.memory_space<vmem>>, vector<1x16xf32>,
      %get3A_568 = vector.shape_cast %get3A_567 : vector<1x16xf32> to vector<16xf32>
      %add3A_569 = arith.addf %get3A_564, %get3A_568 : vector<16xf32>
      %swap3A_570 = arith.index_cast %scan3A_86 : i32 to index
      %swap3A_571 = arith.constant 544 : index
      %swap3A_572 = tpu.vector_load %arg6[%swap3A_570, %swap3A_571] {strides = array<i32>} : memref<32x1024xf32, #tpu.memory_space<vmem>>, vector<1x16xf32>,
      %swap3A_573 = vector.shape_cast %swap3A_572 : vector<1x16xf32> to vector<16xf32>
      %swap3A_574 = vector.shape_cast %add3A_569 : vector<16xf32> to vector<1x16xf32>
      tpu.vector_store %arg6[%swap3A_570, %swap3A_571], %swap3A_574 {strides = array<i32>} : memref<32x1024xf32, #tpu.memory_space<vmem>>, vector<1x16xf32>,
      %get3A_575 = arith.index_cast %scan3A_86 : i32 to index
      %get3A_576 = arith.constant 560 : index
      %get3A_577 = tpu.vector_load %arg6[%get3A_575, %get3A_576] {strides = array<i32>} : memref<32x1024xf32, #tpu.memory_space<vmem>>, vector<1x16xf32>,
      %get3A_578 = vector.shape_cast %get3A_577 : vector<1x16xf32> to vector<16xf32>
      %get3A_579 = arith.index_cast %scan3A_86 : i32 to index
      %get3A_580 = arith.constant 560 : index
      %get3A_581 = tpu.vector_load %arg7[%get3A_579, %get3A_580] {strides = array<i32>} : memref<32x1024xf32, #tpu.memory_space<vmem>>, vector<1x16xf32>,
      %get3A_582 = vector.shape_cast %get3A_581 : vector<1x16xf32> to vector<16xf32>
      %add3A_583 = arith.addf %get3A_578, %get3A_582 : vector<16xf32>
      %swap3A_584 = arith.index_cast %scan3A_86 : i32 to index
      %swap3A_585 = arith.constant 560 : index
      %swap3A_586 = tpu.vector_load %arg6[%swap3A_584, %swap3A_585] {strides = array<i32>} : memref<32x1024xf32, #tpu.memory_space<vmem>>, vector<1x16xf32>,
      %swap3A_587 = vector.shape_cast %swap3A_586 : vector<1x16xf32> to vector<16xf32>
      %swap3A_588 = vector.shape_cast %add3A_583 : vector<16xf32> to vector<1x16xf32>
      tpu.vector_store %arg6[%swap3A_584, %swap3A_585], %swap3A_588 {strides = array<i32>} : memref<32x1024xf32, #tpu.memory_space<vmem>>, vector<1x16xf32>,
      %get3A_589 = arith.index_cast %scan3A_86 : i32 to index
      %get3A_590 = arith.constant 576 : index
      %get3A_591 = tpu.vector_load %arg6[%get3A_589, %get3A_590] {strides = array<i32>} : memref<32x1024xf32, #tpu.memory_space<vmem>>, vector<1x16xf32>,
      %get3A_592 = vector.shape_cast %get3A_591 : vector<1x16xf32> to vector<16xf32>
      %get3A_593 = arith.index_cast %scan3A_86 : i32 to index
      %get3A_594 = arith.constant 576 : index
      %get3A_595 = tpu.vector_load %arg7[%get3A_593, %get3A_594] {strides = array<i32>} : memref<32x1024xf32, #tpu.memory_space<vmem>>, vector<1x16xf32>,
      %get3A_596 = vector.shape_cast %get3A_595 : vector<1x16xf32> to vector<16xf32>
      %add3A_597 = arith.addf %get3A_592, %get3A_596 : vector<16xf32>
      %swap3A_598 = arith.index_cast %scan3A_86 : i32 to index
      %swap3A_599 = arith.constant 576 : index
      %swap3A_600 = tpu.vector_load %arg6[%swap3A_598, %swap3A_599] {strides = array<i32>} : memref<32x1024xf32, #tpu.memory_space<vmem>>, vector<1x16xf32>,
      %swap3A_601 = vector.shape_cast %swap3A_600 : vector<1x16xf32> to vector<16xf32>
      %swap3A_602 = vector.shape_cast %add3A_597 : vector<16xf32> to vector<1x16xf32>
      tpu.vector_store %arg6[%swap3A_598, %swap3A_599], %swap3A_602 {strides = array<i32>} : memref<32x1024xf32, #tpu.memory_space<vmem>>, vector<1x16xf32>,
      %get3A_603 = arith.index_cast %scan3A_86 : i32 to index
      %get3A_604 = arith.constant 592 : index
      %get3A_605 = tpu.vector_load %arg6[%get3A_603, %get3A_604] {strides = array<i32>} : memref<32x1024xf32, #tpu.memory_space<vmem>>, vector<1x16xf32>,
      %get3A_606 = vector.shape_cast %get3A_605 : vector<1x16xf32> to vector<16xf32>
      %get3A_607 = arith.index_cast %scan3A_86 : i32 to index
      %get3A_608 = arith.constant 592 : index
      %get3A_609 = tpu.vector_load %arg7[%get3A_607, %get3A_608] {strides = array<i32>} : memref<32x1024xf32, #tpu.memory_space<vmem>>, vector<1x16xf32>,
      %get3A_610 = vector.shape_cast %get3A_609 : vector<1x16xf32> to vector<16xf32>
      %add3A_611 = arith.addf %get3A_606, %get3A_610 : vector<16xf32>
      %swap3A_612 = arith.index_cast %scan3A_86 : i32 to index
      %swap3A_613 = arith.constant 592 : index
      %swap3A_614 = tpu.vector_load %arg6[%swap3A_612, %swap3A_613] {strides = array<i32>} : memref<32x1024xf32, #tpu.memory_space<vmem>>, vector<1x16xf32>,
      %swap3A_615 = vector.shape_cast %swap3A_614 : vector<1x16xf32> to vector<16xf32>
      %swap3A_616 = vector.shape_cast %add3A_611 : vector<16xf32> to vector<1x16xf32>
      tpu.vector_store %arg6[%swap3A_612, %swap3A_613], %swap3A_616 {strides = array<i32>} : memref<32x1024xf32, #tpu.memory_space<vmem>>, vector<1x16xf32>,
      %get3A_617 = arith.index_cast %scan3A_86 : i32 to index
      %get3A_618 = arith.constant 608 : index
      %get3A_619 = tpu.vector_load %arg6[%get3A_617, %get3A_618] {strides = array<i32>} : memref<32x1024xf32, #tpu.memory_space<vmem>>, vector<1x16xf32>,
      %get3A_620 = vector.shape_cast %get3A_619 : vector<1x16xf32> to vector<16xf32>
      %get3A_621 = arith.index_cast %scan3A_86 : i32 to index
      %get3A_622 = arith.constant 608 : index
      %get3A_623 = tpu.vector_load %arg7[%get3A_621, %get3A_622] {strides = array<i32>} : memref<32x1024xf32, #tpu.memory_space<vmem>>, vector<1x16xf32>,
      %get3A_624 = vector.shape_cast %get3A_623 : vector<1x16xf32> to vector<16xf32>
      %add3A_625 = arith.addf %get3A_620, %get3A_624 : vector<16xf32>
      %swap3A_626 = arith.index_cast %scan3A_86 : i32 to index
      %swap3A_627 = arith.constant 608 : index
      %swap3A_628 = tpu.vector_load %arg6[%swap3A_626, %swap3A_627] {strides = array<i32>} : memref<32x1024xf32, #tpu.memory_space<vmem>>, vector<1x16xf32>,
      %swap3A_629 = vector.shape_cast %swap3A_628 : vector<1x16xf32> to vector<16xf32>
      %swap3A_630 = vector.shape_cast %add3A_625 : vector<16xf32> to vector<1x16xf32>
      tpu.vector_store %arg6[%swap3A_626, %swap3A_627], %swap3A_630 {strides = array<i32>} : memref<32x1024xf32, #tpu.memory_space<vmem>>, vector<1x16xf32>,
      %get3A_631 = arith.index_cast %scan3A_86 : i32 to index
      %get3A_632 = arith.constant 624 : index
      %get3A_633 = tpu.vector_load %arg6[%get3A_631, %get3A_632] {strides = array<i32>} : memref<32x1024xf32, #tpu.memory_space<vmem>>, vector<1x16xf32>,
      %get3A_634 = vector.shape_cast %get3A_633 : vector<1x16xf32> to vector<16xf32>
      %get3A_635 = arith.index_cast %scan3A_86 : i32 to index
      %get3A_636 = arith.constant 624 : index
      %get3A_637 = tpu.vector_load %arg7[%get3A_635, %get3A_636] {strides = array<i32>} : memref<32x1024xf32, #tpu.memory_space<vmem>>, vector<1x16xf32>,
      %get3A_638 = vector.shape_cast %get3A_637 : vector<1x16xf32> to vector<16xf32>
      %add3A_639 = arith.addf %get3A_634, %get3A_638 : vector<16xf32>
      %swap3A_640 = arith.index_cast %scan3A_86 : i32 to index
      %swap3A_641 = arith.constant 624 : index
      %swap3A_642 = tpu.vector_load %arg6[%swap3A_640, %swap3A_641] {strides = array<i32>} : memref<32x1024xf32, #tpu.memory_space<vmem>>, vector<1x16xf32>,
      %swap3A_643 = vector.shape_cast %swap3A_642 : vector<1x16xf32> to vector<16xf32>
      %swap3A_644 = vector.shape_cast %add3A_639 : vector<16xf32> to vector<1x16xf32>
      tpu.vector_store %arg6[%swap3A_640, %swap3A_641], %swap3A_644 {strides = array<i32>} : memref<32x1024xf32, #tpu.memory_space<vmem>>, vector<1x16xf32>,
      %get3A_645 = arith.index_cast %scan3A_86 : i32 to index
      %get3A_646 = arith.constant 640 : index
      %get3A_647 = tpu.vector_load %arg6[%get3A_645, %get3A_646] {strides = array<i32>} : memref<32x1024xf32, #tpu.memory_space<vmem>>, vector<1x16xf32>,
      %get3A_648 = vector.shape_cast %get3A_647 : vector<1x16xf32> to vector<16xf32>
      %get3A_649 = arith.index_cast %scan3A_86 : i32 to index
      %get3A_650 = arith.constant 640 : index
      %get3A_651 = tpu.vector_load %arg7[%get3A_649, %get3A_650] {strides = array<i32>} : memref<32x1024xf32, #tpu.memory_space<vmem>>, vector<1x16xf32>,
      %get3A_652 = vector.shape_cast %get3A_651 : vector<1x16xf32> to vector<16xf32>
      %add3A_653 = arith.addf %get3A_648, %get3A_652 : vector<16xf32>
      %swap3A_654 = arith.index_cast %scan3A_86 : i32 to index
      %swap3A_655 = arith.constant 640 : index
      %swap3A_656 = tpu.vector_load %arg6[%swap3A_654, %swap3A_655] {strides = array<i32>} : memref<32x1024xf32, #tpu.memory_space<vmem>>, vector<1x16xf32>,
      %swap3A_657 = vector.shape_cast %swap3A_656 : vector<1x16xf32> to vector<16xf32>
      %swap3A_658 = vector.shape_cast %add3A_653 : vector<16xf32> to vector<1x16xf32>
      tpu.vector_store %arg6[%swap3A_654, %swap3A_655], %swap3A_658 {strides = array<i32>} : memref<32x1024xf32, #tpu.memory_space<vmem>>, vector<1x16xf32>,
      %get3A_659 = arith.index_cast %scan3A_86 : i32 to index
      %get3A_660 = arith.constant 656 : index
      %get3A_661 = tpu.vector_load %arg6[%get3A_659, %get3A_660] {strides = array<i32>} : memref<32x1024xf32, #tpu.memory_space<vmem>>, vector<1x16xf32>,
      %get3A_662 = vector.shape_cast %get3A_661 : vector<1x16xf32> to vector<16xf32>
      %get3A_663 = arith.index_cast %scan3A_86 : i32 to index
      %get3A_664 = arith.constant 656 : index
      %get3A_665 = tpu.vector_load %arg7[%get3A_663, %get3A_664] {strides = array<i32>} : memref<32x1024xf32, #tpu.memory_space<vmem>>, vector<1x16xf32>,
      %get3A_666 = vector.shape_cast %get3A_665 : vector<1x16xf32> to vector<16xf32>
      %add3A_667 = arith.addf %get3A_662, %get3A_666 : vector<16xf32>
      %swap3A_668 = arith.index_cast %scan3A_86 : i32 to index
      %swap3A_669 = arith.constant 656 : index
      %swap3A_670 = tpu.vector_load %arg6[%swap3A_668, %swap3A_669] {strides = array<i32>} : memref<32x1024xf32, #tpu.memory_space<vmem>>, vector<1x16xf32>,
      %swap3A_671 = vector.shape_cast %swap3A_670 : vector<1x16xf32> to vector<16xf32>
      %swap3A_672 = vector.shape_cast %add3A_667 : vector<16xf32> to vector<1x16xf32>
      tpu.vector_store %arg6[%swap3A_668, %swap3A_669], %swap3A_672 {strides = array<i32>} : memref<32x1024xf32, #tpu.memory_space<vmem>>, vector<1x16xf32>,
      %get3A_673 = arith.index_cast %scan3A_86 : i32 to index
      %get3A_674 = arith.constant 672 : index
      %get3A_675 = tpu.vector_load %arg6[%get3A_673, %get3A_674] {strides = array<i32>} : memref<32x1024xf32, #tpu.memory_space<vmem>>, vector<1x16xf32>,
      %get3A_676 = vector.shape_cast %get3A_675 : vector<1x16xf32> to vector<16xf32>
      %get3A_677 = arith.index_cast %scan3A_86 : i32 to index
      %get3A_678 = arith.constant 672 : index
      %get3A_679 = tpu.vector_load %arg7[%get3A_677, %get3A_678] {strides = array<i32>} : memref<32x1024xf32, #tpu.memory_space<vmem>>, vector<1x16xf32>,
      %get3A_680 = vector.shape_cast %get3A_679 : vector<1x16xf32> to vector<16xf32>
      %add3A_681 = arith.addf %get3A_676, %get3A_680 : vector<16xf32>
      %swap3A_682 = arith.index_cast %scan3A_86 : i32 to index
      %swap3A_683 = arith.constant 672 : index
      %swap3A_684 = tpu.vector_load %arg6[%swap3A_682, %swap3A_683] {strides = array<i32>} : memref<32x1024xf32, #tpu.memory_space<vmem>>, vector<1x16xf32>,
      %swap3A_685 = vector.shape_cast %swap3A_684 : vector<1x16xf32> to vector<16xf32>
      %swap3A_686 = vector.shape_cast %add3A_681 : vector<16xf32> to vector<1x16xf32>
      tpu.vector_store %arg6[%swap3A_682, %swap3A_683], %swap3A_686 {strides = array<i32>} : memref<32x1024xf32, #tpu.memory_space<vmem>>, vector<1x16xf32>,
      %get3A_687 = arith.index_cast %scan3A_86 : i32 to index
      %get3A_688 = arith.constant 688 : index
      %get3A_689 = tpu.vector_load %arg6[%get3A_687, %get3A_688] {strides = array<i32>} : memref<32x1024xf32, #tpu.memory_space<vmem>>, vector<1x16xf32>,
      %get3A_690 = vector.shape_cast %get3A_689 : vector<1x16xf32> to vector<16xf32>
      %get3A_691 = arith.index_cast %scan3A_86 : i32 to index
      %get3A_692 = arith.constant 688 : index
      %get3A_693 = tpu.vector_load %arg7[%get3A_691, %get3A_692] {strides = array<i32>} : memref<32x1024xf32, #tpu.memory_space<vmem>>, vector<1x16xf32>,
      %get3A_694 = vector.shape_cast %get3A_693 : vector<1x16xf32> to vector<16xf32>
      %add3A_695 = arith.addf %get3A_690, %get3A_694 : vector<16xf32>
      %swap3A_696 = arith.index_cast %scan3A_86 : i32 to index
      %swap3A_697 = arith.constant 688 : index
      %swap3A_698 = tpu.vector_load %arg6[%swap3A_696, %swap3A_697] {strides = array<i32>} : memref<32x1024xf32, #tpu.memory_space<vmem>>, vector<1x16xf32>,
      %swap3A_699 = vector.shape_cast %swap3A_698 : vector<1x16xf32> to vector<16xf32>
      %swap3A_700 = vector.shape_cast %add3A_695 : vector<16xf32> to vector<1x16xf32>
      tpu.vector_store %arg6[%swap3A_696, %swap3A_697], %swap3A_700 {strides = array<i32>} : memref<32x1024xf32, #tpu.memory_space<vmem>>, vector<1x16xf32>,
      %get3A_701 = arith.index_cast %scan3A_86 : i32 to index
      %get3A_702 = arith.constant 704 : index
      %get3A_703 = tpu.vector_load %arg6[%get3A_701, %get3A_702] {strides = array<i32>} : memref<32x1024xf32, #tpu.memory_space<vmem>>, vector<1x16xf32>,
      %get3A_704 = vector.shape_cast %get3A_703 : vector<1x16xf32> to vector<16xf32>
      %get3A_705 = arith.index_cast %scan3A_86 : i32 to index
      %get3A_706 = arith.constant 704 : index
      %get3A_707 = tpu.vector_load %arg7[%get3A_705, %get3A_706] {strides = array<i32>} : memref<32x1024xf32, #tpu.memory_space<vmem>>, vector<1x16xf32>,
      %get3A_708 = vector.shape_cast %get3A_707 : vector<1x16xf32> to vector<16xf32>
      %add3A_709 = arith.addf %get3A_704, %get3A_708 : vector<16xf32>
      %swap3A_710 = arith.index_cast %scan3A_86 : i32 to index
      %swap3A_711 = arith.constant 704 : index
      %swap3A_712 = tpu.vector_load %arg6[%swap3A_710, %swap3A_711] {strides = array<i32>} : memref<32x1024xf32, #tpu.memory_space<vmem>>, vector<1x16xf32>,
      %swap3A_713 = vector.shape_cast %swap3A_712 : vector<1x16xf32> to vector<16xf32>
      %swap3A_714 = vector.shape_cast %add3A_709 : vector<16xf32> to vector<1x16xf32>
      tpu.vector_store %arg6[%swap3A_710, %swap3A_711], %swap3A_714 {strides = array<i32>} : memref<32x1024xf32, #tpu.memory_space<vmem>>, vector<1x16xf32>,
      %get3A_715 = arith.index_cast %scan3A_86 : i32 to index
      %get3A_716 = arith.constant 720 : index
      %get3A_717 = tpu.vector_load %arg6[%get3A_715, %get3A_716] {strides = array<i32>} : memref<32x1024xf32, #tpu.memory_space<vmem>>, vector<1x16xf32>,
      %get3A_718 = vector.shape_cast %get3A_717 : vector<1x16xf32> to vector<16xf32>
      %get3A_719 = arith.index_cast %scan3A_86 : i32 to index
      %get3A_720 = arith.constant 720 : index
      %get3A_721 = tpu.vector_load %arg7[%get3A_719, %get3A_720] {strides = array<i32>} : memref<32x1024xf32, #tpu.memory_space<vmem>>, vector<1x16xf32>,
      %get3A_722 = vector.shape_cast %get3A_721 : vector<1x16xf32> to vector<16xf32>
      %add3A_723 = arith.addf %get3A_718, %get3A_722 : vector<16xf32>
      %swap3A_724 = arith.index_cast %scan3A_86 : i32 to index
      %swap3A_725 = arith.constant 720 : index
      %swap3A_726 = tpu.vector_load %arg6[%swap3A_724, %swap3A_725] {strides = array<i32>} : memref<32x1024xf32, #tpu.memory_space<vmem>>, vector<1x16xf32>,
      %swap3A_727 = vector.shape_cast %swap3A_726 : vector<1x16xf32> to vector<16xf32>
      %swap3A_728 = vector.shape_cast %add3A_723 : vector<16xf32> to vector<1x16xf32>
      tpu.vector_store %arg6[%swap3A_724, %swap3A_725], %swap3A_728 {strides = array<i32>} : memref<32x1024xf32, #tpu.memory_space<vmem>>, vector<1x16xf32>,
      %get3A_729 = arith.index_cast %scan3A_86 : i32 to index
      %get3A_730 = arith.constant 736 : index
      %get3A_731 = tpu.vector_load %arg6[%get3A_729, %get3A_730] {strides = array<i32>} : memref<32x1024xf32, #tpu.memory_space<vmem>>, vector<1x16xf32>,
      %get3A_732 = vector.shape_cast %get3A_731 : vector<1x16xf32> to vector<16xf32>
      %get3A_733 = arith.index_cast %scan3A_86 : i32 to index
      %get3A_734 = arith.constant 736 : index
      %get3A_735 = tpu.vector_load %arg7[%get3A_733, %get3A_734] {strides = array<i32>} : memref<32x1024xf32, #tpu.memory_space<vmem>>, vector<1x16xf32>,
      %get3A_736 = vector.shape_cast %get3A_735 : vector<1x16xf32> to vector<16xf32>
      %add3A_737 = arith.addf %get3A_732, %get3A_736 : vector<16xf32>
      %swap3A_738 = arith.index_cast %scan3A_86 : i32 to index
      %swap3A_739 = arith.constant 736 : index
      %swap3A_740 = tpu.vector_load %arg6[%swap3A_738, %swap3A_739] {strides = array<i32>} : memref<32x1024xf32, #tpu.memory_space<vmem>>, vector<1x16xf32>,
      %swap3A_741 = vector.shape_cast %swap3A_740 : vector<1x16xf32> to vector<16xf32>
      %swap3A_742 = vector.shape_cast %add3A_737 : vector<16xf32> to vector<1x16xf32>
      tpu.vector_store %arg6[%swap3A_738, %swap3A_739], %swap3A_742 {strides = array<i32>} : memref<32x1024xf32, #tpu.memory_space<vmem>>, vector<1x16xf32>,
      %get3A_743 = arith.index_cast %scan3A_86 : i32 to index
      %get3A_744 = arith.constant 752 : index
      %get3A_745 = tpu.vector_load %arg6[%get3A_743, %get3A_744] {strides = array<i32>} : memref<32x1024xf32, #tpu.memory_space<vmem>>, vector<1x16xf32>,
      %get3A_746 = vector.shape_cast %get3A_745 : vector<1x16xf32> to vector<16xf32>
      %get3A_747 = arith.index_cast %scan3A_86 : i32 to index
      %get3A_748 = arith.constant 752 : index
      %get3A_749 = tpu.vector_load %arg7[%get3A_747, %get3A_748] {strides = array<i32>} : memref<32x1024xf32, #tpu.memory_space<vmem>>, vector<1x16xf32>,
      %get3A_750 = vector.shape_cast %get3A_749 : vector<1x16xf32> to vector<16xf32>
      %add3A_751 = arith.addf %get3A_746, %get3A_750 : vector<16xf32>
      %swap3A_752 = arith.index_cast %scan3A_86 : i32 to index
      %swap3A_753 = arith.constant 752 : index
      %swap3A_754 = tpu.vector_load %arg6[%swap3A_752, %swap3A_753] {strides = array<i32>} : memref<32x1024xf32, #tpu.memory_space<vmem>>, vector<1x16xf32>,
      %swap3A_755 = vector.shape_cast %swap3A_754 : vector<1x16xf32> to vector<16xf32>
      %swap3A_756 = vector.shape_cast %add3A_751 : vector<16xf32> to vector<1x16xf32>
      tpu.vector_store %arg6[%swap3A_752, %swap3A_753], %swap3A_756 {strides = array<i32>} : memref<32x1024xf32, #tpu.memory_space<vmem>>, vector<1x16xf32>,
      %get3A_757 = arith.index_cast %scan3A_86 : i32 to index
      %get3A_758 = arith.constant 768 : index
      %get3A_759 = tpu.vector_load %arg6[%get3A_757, %get3A_758] {strides = array<i32>} : memref<32x1024xf32, #tpu.memory_space<vmem>>, vector<1x16xf32>,
      %get3A_760 = vector.shape_cast %get3A_759 : vector<1x16xf32> to vector<16xf32>
      %get3A_761 = arith.index_cast %scan3A_86 : i32 to index
      %get3A_762 = arith.constant 768 : index
      %get3A_763 = tpu.vector_load %arg7[%get3A_761, %get3A_762] {strides = array<i32>} : memref<32x1024xf32, #tpu.memory_space<vmem>>, vector<1x16xf32>,
      %get3A_764 = vector.shape_cast %get3A_763 : vector<1x16xf32> to vector<16xf32>
      %add3A_765 = arith.addf %get3A_760, %get3A_764 : vector<16xf32>
      %swap3A_766 = arith.index_cast %scan3A_86 : i32 to index
      %swap3A_767 = arith.constant 768 : index
      %swap3A_768 = tpu.vector_load %arg6[%swap3A_766, %swap3A_767] {strides = array<i32>} : memref<32x1024xf32, #tpu.memory_space<vmem>>, vector<1x16xf32>,
      %swap3A_769 = vector.shape_cast %swap3A_768 : vector<1x16xf32> to vector<16xf32>
      %swap3A_770 = vector.shape_cast %add3A_765 : vector<16xf32> to vector<1x16xf32>
      tpu.vector_store %arg6[%swap3A_766, %swap3A_767], %swap3A_770 {strides = array<i32>} : memref<32x1024xf32, #tpu.memory_space<vmem>>, vector<1x16xf32>,
      %get3A_771 = arith.index_cast %scan3A_86 : i32 to index
      %get3A_772 = arith.constant 784 : index
      %get3A_773 = tpu.vector_load %arg6[%get3A_771, %get3A_772] {strides = array<i32>} : memref<32x1024xf32, #tpu.memory_space<vmem>>, vector<1x16xf32>,
      %get3A_774 = vector.shape_cast %get3A_773 : vector<1x16xf32> to vector<16xf32>
      %get3A_775 = arith.index_cast %scan3A_86 : i32 to index
      %get3A_776 = arith.constant 784 : index
      %get3A_777 = tpu.vector_load %arg7[%get3A_775, %get3A_776] {strides = array<i32>} : memref<32x1024xf32, #tpu.memory_space<vmem>>, vector<1x16xf32>,
      %get3A_778 = vector.shape_cast %get3A_777 : vector<1x16xf32> to vector<16xf32>
      %add3A_779 = arith.addf %get3A_774, %get3A_778 : vector<16xf32>
      %swap3A_780 = arith.index_cast %scan3A_86 : i32 to index
      %swap3A_781 = arith.constant 784 : index
      %swap3A_782 = tpu.vector_load %arg6[%swap3A_780, %swap3A_781] {strides = array<i32>} : memref<32x1024xf32, #tpu.memory_space<vmem>>, vector<1x16xf32>,
      %swap3A_783 = vector.shape_cast %swap3A_782 : vector<1x16xf32> to vector<16xf32>
      %swap3A_784 = vector.shape_cast %add3A_779 : vector<16xf32> to vector<1x16xf32>
      tpu.vector_store %arg6[%swap3A_780, %swap3A_781], %swap3A_784 {strides = array<i32>} : memref<32x1024xf32, #tpu.memory_space<vmem>>, vector<1x16xf32>,
      %get3A_785 = arith.index_cast %scan3A_86 : i32 to index
      %get3A_786 = arith.constant 800 : index
      %get3A_787 = tpu.vector_load %arg6[%get3A_785, %get3A_786] {strides = array<i32>} : memref<32x1024xf32, #tpu.memory_space<vmem>>, vector<1x16xf32>,
      %get3A_788 = vector.shape_cast %get3A_787 : vector<1x16xf32> to vector<16xf32>
      %get3A_789 = arith.index_cast %scan3A_86 : i32 to index
      %get3A_790 = arith.constant 800 : index
      %get3A_791 = tpu.vector_load %arg7[%get3A_789, %get3A_790] {strides = array<i32>} : memref<32x1024xf32, #tpu.memory_space<vmem>>, vector<1x16xf32>,
      %get3A_792 = vector.shape_cast %get3A_791 : vector<1x16xf32> to vector<16xf32>
      %add3A_793 = arith.addf %get3A_788, %get3A_792 : vector<16xf32>
      %swap3A_794 = arith.index_cast %scan3A_86 : i32 to index
      %swap3A_795 = arith.constant 800 : index
      %swap3A_796 = tpu.vector_load %arg6[%swap3A_794, %swap3A_795] {strides = array<i32>} : memref<32x1024xf32, #tpu.memory_space<vmem>>, vector<1x16xf32>,
      %swap3A_797 = vector.shape_cast %swap3A_796 : vector<1x16xf32> to vector<16xf32>
      %swap3A_798 = vector.shape_cast %add3A_793 : vector<16xf32> to vector<1x16xf32>
      tpu.vector_store %arg6[%swap3A_794, %swap3A_795], %swap3A_798 {strides = array<i32>} : memref<32x1024xf32, #tpu.memory_space<vmem>>, vector<1x16xf32>,
      %get3A_799 = arith.index_cast %scan3A_86 : i32 to index
      %get3A_800 = arith.constant 816 : index
      %get3A_801 = tpu.vector_load %arg6[%get3A_799, %get3A_800] {strides = array<i32>} : memref<32x1024xf32, #tpu.memory_space<vmem>>, vector<1x16xf32>,
      %get3A_802 = vector.shape_cast %get3A_801 : vector<1x16xf32> to vector<16xf32>
      %get3A_803 = arith.index_cast %scan3A_86 : i32 to index
      %get3A_804 = arith.constant 816 : index
      %get3A_805 = tpu.vector_load %arg7[%get3A_803, %get3A_804] {strides = array<i32>} : memref<32x1024xf32, #tpu.memory_space<vmem>>, vector<1x16xf32>,
      %get3A_806 = vector.shape_cast %get3A_805 : vector<1x16xf32> to vector<16xf32>
      %add3A_807 = arith.addf %get3A_802, %get3A_806 : vector<16xf32>
      %swap3A_808 = arith.index_cast %scan3A_86 : i32 to index
      %swap3A_809 = arith.constant 816 : index
      %swap3A_810 = tpu.vector_load %arg6[%swap3A_808, %swap3A_809] {strides = array<i32>} : memref<32x1024xf32, #tpu.memory_space<vmem>>, vector<1x16xf32>,
      %swap3A_811 = vector.shape_cast %swap3A_810 : vector<1x16xf32> to vector<16xf32>
      %swap3A_812 = vector.shape_cast %add3A_807 : vector<16xf32> to vector<1x16xf32>
      tpu.vector_store %arg6[%swap3A_808, %swap3A_809], %swap3A_812 {strides = array<i32>} : memref<32x1024xf32, #tpu.memory_space<vmem>>, vector<1x16xf32>,
      %get3A_813 = arith.index_cast %scan3A_86 : i32 to index
      %get3A_814 = arith.constant 832 : index
      %get3A_815 = tpu.vector_load %arg6[%get3A_813, %get3A_814] {strides = array<i32>} : memref<32x1024xf32, #tpu.memory_space<vmem>>, vector<1x16xf32>,
      %get3A_816 = vector.shape_cast %get3A_815 : vector<1x16xf32> to vector<16xf32>
      %get3A_817 = arith.index_cast %scan3A_86 : i32 to index
      %get3A_818 = arith.constant 832 : index
      %get3A_819 = tpu.vector_load %arg7[%get3A_817, %get3A_818] {strides = array<i32>} : memref<32x1024xf32, #tpu.memory_space<vmem>>, vector<1x16xf32>,
      %get3A_820 = vector.shape_cast %get3A_819 : vector<1x16xf32> to vector<16xf32>
      %add3A_821 = arith.addf %get3A_816, %get3A_820 : vector<16xf32>
      %swap3A_822 = arith.index_cast %scan3A_86 : i32 to index
      %swap3A_823 = arith.constant 832 : index
      %swap3A_824 = tpu.vector_load %arg6[%swap3A_822, %swap3A_823] {strides = array<i32>} : memref<32x1024xf32, #tpu.memory_space<vmem>>, vector<1x16xf32>,
      %swap3A_825 = vector.shape_cast %swap3A_824 : vector<1x16xf32> to vector<16xf32>
      %swap3A_826 = vector.shape_cast %add3A_821 : vector<16xf32> to vector<1x16xf32>
      tpu.vector_store %arg6[%swap3A_822, %swap3A_823], %swap3A_826 {strides = array<i32>} : memref<32x1024xf32, #tpu.memory_space<vmem>>, vector<1x16xf32>,
      %get3A_827 = arith.index_cast %scan3A_86 : i32 to index
      %get3A_828 = arith.constant 848 : index
      %get3A_829 = tpu.vector_load %arg6[%get3A_827, %get3A_828] {strides = array<i32>} : memref<32x1024xf32, #tpu.memory_space<vmem>>, vector<1x16xf32>,
      %get3A_830 = vector.shape_cast %get3A_829 : vector<1x16xf32> to vector<16xf32>
      %get3A_831 = arith.index_cast %scan3A_86 : i32 to index
      %get3A_832 = arith.constant 848 : index
      %get3A_833 = tpu.vector_load %arg7[%get3A_831, %get3A_832] {strides = array<i32>} : memref<32x1024xf32, #tpu.memory_space<vmem>>, vector<1x16xf32>,
      %get3A_834 = vector.shape_cast %get3A_833 : vector<1x16xf32> to vector<16xf32>
      %add3A_835 = arith.addf %get3A_830, %get3A_834 : vector<16xf32>
      %swap3A_836 = arith.index_cast %scan3A_86 : i32 to index
      %swap3A_837 = arith.constant 848 : index
      %swap3A_838 = tpu.vector_load %arg6[%swap3A_836, %swap3A_837] {strides = array<i32>} : memref<32x1024xf32, #tpu.memory_space<vmem>>, vector<1x16xf32>,
      %swap3A_839 = vector.shape_cast %swap3A_838 : vector<1x16xf32> to vector<16xf32>
      %swap3A_840 = vector.shape_cast %add3A_835 : vector<16xf32> to vector<1x16xf32>
      tpu.vector_store %arg6[%swap3A_836, %swap3A_837], %swap3A_840 {strides = array<i32>} : memref<32x1024xf32, #tpu.memory_space<vmem>>, vector<1x16xf32>,
      %get3A_841 = arith.index_cast %scan3A_86 : i32 to index
      %get3A_842 = arith.constant 864 : index
      %get3A_843 = tpu.vector_load %arg6[%get3A_841, %get3A_842] {strides = array<i32>} : memref<32x1024xf32, #tpu.memory_space<vmem>>, vector<1x16xf32>,
      %get3A_844 = vector.shape_cast %get3A_843 : vector<1x16xf32> to vector<16xf32>
      %get3A_845 = arith.index_cast %scan3A_86 : i32 to index
      %get3A_846 = arith.constant 864 : index
      %get3A_847 = tpu.vector_load %arg7[%get3A_845, %get3A_846] {strides = array<i32>} : memref<32x1024xf32, #tpu.memory_space<vmem>>, vector<1x16xf32>,
      %get3A_848 = vector.shape_cast %get3A_847 : vector<1x16xf32> to vector<16xf32>
      %add3A_849 = arith.addf %get3A_844, %get3A_848 : vector<16xf32>
      %swap3A_850 = arith.index_cast %scan3A_86 : i32 to index
      %swap3A_851 = arith.constant 864 : index
      %swap3A_852 = tpu.vector_load %arg6[%swap3A_850, %swap3A_851] {strides = array<i32>} : memref<32x1024xf32, #tpu.memory_space<vmem>>, vector<1x16xf32>,
      %swap3A_853 = vector.shape_cast %swap3A_852 : vector<1x16xf32> to vector<16xf32>
      %swap3A_854 = vector.shape_cast %add3A_849 : vector<16xf32> to vector<1x16xf32>
      tpu.vector_store %arg6[%swap3A_850, %swap3A_851], %swap3A_854 {strides = array<i32>} : memref<32x1024xf32, #tpu.memory_space<vmem>>, vector<1x16xf32>,
      %get3A_855 = arith.index_cast %scan3A_86 : i32 to index
      %get3A_856 = arith.constant 880 : index
      %get3A_857 = tpu.vector_load %arg6[%get3A_855, %get3A_856] {strides = array<i32>} : memref<32x1024xf32, #tpu.memory_space<vmem>>, vector<1x16xf32>,
      %get3A_858 = vector.shape_cast %get3A_857 : vector<1x16xf32> to vector<16xf32>
      %get3A_859 = arith.index_cast %scan3A_86 : i32 to index
      %get3A_860 = arith.constant 880 : index
      %get3A_861 = tpu.vector_load %arg7[%get3A_859, %get3A_860] {strides = array<i32>} : memref<32x1024xf32, #tpu.memory_space<vmem>>, vector<1x16xf32>,
      %get3A_862 = vector.shape_cast %get3A_861 : vector<1x16xf32> to vector<16xf32>
      %add3A_863 = arith.addf %get3A_858, %get3A_862 : vector<16xf32>
      %swap3A_864 = arith.index_cast %scan3A_86 : i32 to index
      %swap3A_865 = arith.constant 880 : index
      %swap3A_866 = tpu.vector_load %arg6[%swap3A_864, %swap3A_865] {strides = array<i32>} : memref<32x1024xf32, #tpu.memory_space<vmem>>, vector<1x16xf32>,
      %swap3A_867 = vector.shape_cast %swap3A_866 : vector<1x16xf32> to vector<16xf32>
      %swap3A_868 = vector.shape_cast %add3A_863 : vector<16xf32> to vector<1x16xf32>
      tpu.vector_store %arg6[%swap3A_864, %swap3A_865], %swap3A_868 {strides = array<i32>} : memref<32x1024xf32, #tpu.memory_space<vmem>>, vector<1x16xf32>,
      %get3A_869 = arith.index_cast %scan3A_86 : i32 to index
      %get3A_870 = arith.constant 896 : index
      %get3A_871 = tpu.vector_load %arg6[%get3A_869, %get3A_870] {strides = array<i32>} : memref<32x1024xf32, #tpu.memory_space<vmem>>, vector<1x16xf32>,
      %get3A_872 = vector.shape_cast %get3A_871 : vector<1x16xf32> to vector<16xf32>
      %get3A_873 = arith.index_cast %scan3A_86 : i32 to index
      %get3A_874 = arith.constant 896 : index
      %get3A_875 = tpu.vector_load %arg7[%get3A_873, %get3A_874] {strides = array<i32>} : memref<32x1024xf32, #tpu.memory_space<vmem>>, vector<1x16xf32>,
      %get3A_876 = vector.shape_cast %get3A_875 : vector<1x16xf32> to vector<16xf32>
      %add3A_877 = arith.addf %get3A_872, %get3A_876 : vector<16xf32>
      %swap3A_878 = arith.index_cast %scan3A_86 : i32 to index
      %swap3A_879 = arith.constant 896 : index
      %swap3A_880 = tpu.vector_load %arg6[%swap3A_878, %swap3A_879] {strides = array<i32>} : memref<32x1024xf32, #tpu.memory_space<vmem>>, vector<1x16xf32>,
      %swap3A_881 = vector.shape_cast %swap3A_880 : vector<1x16xf32> to vector<16xf32>
      %swap3A_882 = vector.shape_cast %add3A_877 : vector<16xf32> to vector<1x16xf32>
      tpu.vector_store %arg6[%swap3A_878, %swap3A_879], %swap3A_882 {strides = array<i32>} : memref<32x1024xf32, #tpu.memory_space<vmem>>, vector<1x16xf32>,
      %get3A_883 = arith.index_cast %scan3A_86 : i32 to index
      %get3A_884 = arith.constant 912 : index
      %get3A_885 = tpu.vector_load %arg6[%get3A_883, %get3A_884] {strides = array<i32>} : memref<32x1024xf32, #tpu.memory_space<vmem>>, vector<1x16xf32>,
      %get3A_886 = vector.shape_cast %get3A_885 : vector<1x16xf32> to vector<16xf32>
      %get3A_887 = arith.index_cast %scan3A_86 : i32 to index
      %get3A_888 = arith.constant 912 : index
      %get3A_889 = tpu.vector_load %arg7[%get3A_887, %get3A_888] {strides = array<i32>} : memref<32x1024xf32, #tpu.memory_space<vmem>>, vector<1x16xf32>,
      %get3A_890 = vector.shape_cast %get3A_889 : vector<1x16xf32> to vector<16xf32>
      %add3A_891 = arith.addf %get3A_886, %get3A_890 : vector<16xf32>
      %swap3A_892 = arith.index_cast %scan3A_86 : i32 to index
      %swap3A_893 = arith.constant 912 : index
      %swap3A_894 = tpu.vector_load %arg6[%swap3A_892, %swap3A_893] {strides = array<i32>} : memref<32x1024xf32, #tpu.memory_space<vmem>>, vector<1x16xf32>,
      %swap3A_895 = vector.shape_cast %swap3A_894 : vector<1x16xf32> to vector<16xf32>
      %swap3A_896 = vector.shape_cast %add3A_891 : vector<16xf32> to vector<1x16xf32>
      tpu.vector_store %arg6[%swap3A_892, %swap3A_893], %swap3A_896 {strides = array<i32>} : memref<32x1024xf32, #tpu.memory_space<vmem>>, vector<1x16xf32>,
      %get3A_897 = arith.index_cast %scan3A_86 : i32 to index
      %get3A_898 = arith.constant 928 : index
      %get3A_899 = tpu.vector_load %arg6[%get3A_897, %get3A_898] {strides = array<i32>} : memref<32x1024xf32, #tpu.memory_space<vmem>>, vector<1x16xf32>,
      %get3A_900 = vector.shape_cast %get3A_899 : vector<1x16xf32> to vector<16xf32>
      %get3A_901 = arith.index_cast %scan3A_86 : i32 to index
      %get3A_902 = arith.constant 928 : index
      %get3A_903 = tpu.vector_load %arg7[%get3A_901, %get3A_902] {strides = array<i32>} : memref<32x1024xf32, #tpu.memory_space<vmem>>, vector<1x16xf32>,
      %get3A_904 = vector.shape_cast %get3A_903 : vector<1x16xf32> to vector<16xf32>
      %add3A_905 = arith.addf %get3A_900, %get3A_904 : vector<16xf32>
      %swap3A_906 = arith.index_cast %scan3A_86 : i32 to index
      %swap3A_907 = arith.constant 928 : index
      %swap3A_908 = tpu.vector_load %arg6[%swap3A_906, %swap3A_907] {strides = array<i32>} : memref<32x1024xf32, #tpu.memory_space<vmem>>, vector<1x16xf32>,
      %swap3A_909 = vector.shape_cast %swap3A_908 : vector<1x16xf32> to vector<16xf32>
      %swap3A_910 = vector.shape_cast %add3A_905 : vector<16xf32> to vector<1x16xf32>
      tpu.vector_store %arg6[%swap3A_906, %swap3A_907], %swap3A_910 {strides = array<i32>} : memref<32x1024xf32, #tpu.memory_space<vmem>>, vector<1x16xf32>,
      %get3A_911 = arith.index_cast %scan3A_86 : i32 to index
      %get3A_912 = arith.constant 944 : index
      %get3A_913 = tpu.vector_load %arg6[%get3A_911, %get3A_912] {strides = array<i32>} : memref<32x1024xf32, #tpu.memory_space<vmem>>, vector<1x16xf32>,
      %get3A_914 = vector.shape_cast %get3A_913 : vector<1x16xf32> to vector<16xf32>
      %get3A_915 = arith.index_cast %scan3A_86 : i32 to index
      %get3A_916 = arith.constant 944 : index
      %get3A_917 = tpu.vector_load %arg7[%get3A_915, %get3A_916] {strides = array<i32>} : memref<32x1024xf32, #tpu.memory_space<vmem>>, vector<1x16xf32>,
      %get3A_918 = vector.shape_cast %get3A_917 : vector<1x16xf32> to vector<16xf32>
      %add3A_919 = arith.addf %get3A_914, %get3A_918 : vector<16xf32>
      %swap3A_920 = arith.index_cast %scan3A_86 : i32 to index
      %swap3A_921 = arith.constant 944 : index
      %swap3A_922 = tpu.vector_load %arg6[%swap3A_920, %swap3A_921] {strides = array<i32>} : memref<32x1024xf32, #tpu.memory_space<vmem>>, vector<1x16xf32>,
      %swap3A_923 = vector.shape_cast %swap3A_922 : vector<1x16xf32> to vector<16xf32>
      %swap3A_924 = vector.shape_cast %add3A_919 : vector<16xf32> to vector<1x16xf32>
      tpu.vector_store %arg6[%swap3A_920, %swap3A_921], %swap3A_924 {strides = array<i32>} : memref<32x1024xf32, #tpu.memory_space<vmem>>, vector<1x16xf32>,
      %get3A_925 = arith.index_cast %scan3A_86 : i32 to index
      %get3A_926 = arith.constant 960 : index
      %get3A_927 = tpu.vector_load %arg6[%get3A_925, %get3A_926] {strides = array<i32>} : memref<32x1024xf32, #tpu.memory_space<vmem>>, vector<1x16xf32>,
      %get3A_928 = vector.shape_cast %get3A_927 : vector<1x16xf32> to vector<16xf32>
      %get3A_929 = arith.index_cast %scan3A_86 : i32 to index
      %get3A_930 = arith.constant 960 : index
      %get3A_931 = tpu.vector_load %arg7[%get3A_929, %get3A_930] {strides = array<i32>} : memref<32x1024xf32, #tpu.memory_space<vmem>>, vector<1x16xf32>,
      %get3A_932 = vector.shape_cast %get3A_931 : vector<1x16xf32> to vector<16xf32>
      %add3A_933 = arith.addf %get3A_928, %get3A_932 : vector<16xf32>
      %swap3A_934 = arith.index_cast %scan3A_86 : i32 to index
      %swap3A_935 = arith.constant 960 : index
      %swap3A_936 = tpu.vector_load %arg6[%swap3A_934, %swap3A_935] {strides = array<i32>} : memref<32x1024xf32, #tpu.memory_space<vmem>>, vector<1x16xf32>,
      %swap3A_937 = vector.shape_cast %swap3A_936 : vector<1x16xf32> to vector<16xf32>
      %swap3A_938 = vector.shape_cast %add3A_933 : vector<16xf32> to vector<1x16xf32>
      tpu.vector_store %arg6[%swap3A_934, %swap3A_935], %swap3A_938 {strides = array<i32>} : memref<32x1024xf32, #tpu.memory_space<vmem>>, vector<1x16xf32>,
      %get3A_939 = arith.index_cast %scan3A_86 : i32 to index
      %get3A_940 = arith.constant 976 : index
      %get3A_941 = tpu.vector_load %arg6[%get3A_939, %get3A_940] {strides = array<i32>} : memref<32x1024xf32, #tpu.memory_space<vmem>>, vector<1x16xf32>,
      %get3A_942 = vector.shape_cast %get3A_941 : vector<1x16xf32> to vector<16xf32>
      %get3A_943 = arith.index_cast %scan3A_86 : i32 to index
      %get3A_944 = arith.constant 976 : index
      %get3A_945 = tpu.vector_load %arg7[%get3A_943, %get3A_944] {strides = array<i32>} : memref<32x1024xf32, #tpu.memory_space<vmem>>, vector<1x16xf32>,
      %get3A_946 = vector.shape_cast %get3A_945 : vector<1x16xf32> to vector<16xf32>
      %add3A_947 = arith.addf %get3A_942, %get3A_946 : vector<16xf32>
      %swap3A_948 = arith.index_cast %scan3A_86 : i32 to index
      %swap3A_949 = arith.constant 976 : index
      %swap3A_950 = tpu.vector_load %arg6[%swap3A_948, %swap3A_949] {strides = array<i32>} : memref<32x1024xf32, #tpu.memory_space<vmem>>, vector<1x16xf32>,
      %swap3A_951 = vector.shape_cast %swap3A_950 : vector<1x16xf32> to vector<16xf32>
      %swap3A_952 = vector.shape_cast %add3A_947 : vector<16xf32> to vector<1x16xf32>
      tpu.vector_store %arg6[%swap3A_948, %swap3A_949], %swap3A_952 {strides = array<i32>} : memref<32x1024xf32, #tpu.memory_space<vmem>>, vector<1x16xf32>,
      %get3A_953 = arith.index_cast %scan3A_86 : i32 to index
      %get3A_954 = arith.constant 992 : index
      %get3A_955 = tpu.vector_load %arg6[%get3A_953, %get3A_954] {strides = array<i32>} : memref<32x1024xf32, #tpu.memory_space<vmem>>, vector<1x16xf32>,
      %get3A_956 = vector.shape_cast %get3A_955 : vector<1x16xf32> to vector<16xf32>
      %get3A_957 = arith.index_cast %scan3A_86 : i32 to index
      %get3A_958 = arith.constant 992 : index
      %get3A_959 = tpu.vector_load %arg7[%get3A_957, %get3A_958] {strides = array<i32>} : memref<32x1024xf32, #tpu.memory_space<vmem>>, vector<1x16xf32>,
      %get3A_960 = vector.shape_cast %get3A_959 : vector<1x16xf32> to vector<16xf32>
      %add3A_961 = arith.addf %get3A_956, %get3A_960 : vector<16xf32>
      %swap3A_962 = arith.index_cast %scan3A_86 : i32 to index
      %swap3A_963 = arith.constant 992 : index
      %swap3A_964 = tpu.vector_load %arg6[%swap3A_962, %swap3A_963] {strides = array<i32>} : memref<32x1024xf32, #tpu.memory_space<vmem>>, vector<1x16xf32>,
      %swap3A_965 = vector.shape_cast %swap3A_964 : vector<1x16xf32> to vector<16xf32>
      %swap3A_966 = vector.shape_cast %add3A_961 : vector<16xf32> to vector<1x16xf32>
      tpu.vector_store %arg6[%swap3A_962, %swap3A_963], %swap3A_966 {strides = array<i32>} : memref<32x1024xf32, #tpu.memory_space<vmem>>, vector<1x16xf32>,
      %get3A_967 = arith.index_cast %scan3A_86 : i32 to index
      %get3A_968 = arith.constant 1008 : index
      %get3A_969 = tpu.vector_load %arg6[%get3A_967, %get3A_968] {strides = array<i32>} : memref<32x1024xf32, #tpu.memory_space<vmem>>, vector<1x16xf32>,
      %get3A_970 = vector.shape_cast %get3A_969 : vector<1x16xf32> to vector<16xf32>
      %get3A_971 = arith.index_cast %scan3A_86 : i32 to index
      %get3A_972 = arith.constant 1008 : index
      %get3A_973 = tpu.vector_load %arg7[%get3A_971, %get3A_972] {strides = array<i32>} : memref<32x1024xf32, #tpu.memory_space<vmem>>, vector<1x16xf32>,
      %get3A_974 = vector.shape_cast %get3A_973 : vector<1x16xf32> to vector<16xf32>
      %add3A_975 = arith.addf %get3A_970, %get3A_974 : vector<16xf32>
      %swap3A_976 = arith.index_cast %scan3A_86 : i32 to index
      %swap3A_977 = arith.constant 1008 : index
      %swap3A_978 = tpu.vector_load %arg6[%swap3A_976, %swap3A_977] {strides = array<i32>} : memref<32x1024xf32, #tpu.memory_space<vmem>>, vector<1x16xf32>,
      %swap3A_979 = vector.shape_cast %swap3A_978 : vector<1x16xf32> to vector<16xf32>
      %swap3A_980 = vector.shape_cast %add3A_975 : vector<16xf32> to vector<1x16xf32>
      tpu.vector_store %arg6[%swap3A_976, %swap3A_977], %swap3A_980 {strides = array<i32>} : memref<32x1024xf32, #tpu.memory_space<vmem>>, vector<1x16xf32>,
    }
    %scan3A_41 = arith.constant 32 : i32
    "tpu.region"() ({
      %run_scoped3A = tpu.sem_alloc : memref<!tpu.dma_semaphore, #tpu.memory_space<semaphore_mem>>
      %dma_start3A_86 = arith.constant 0 : i32
      %dma_start3A_87 = tpu.memref_slice %arg4[%add3A_4, %dma_start3A_86] : memref<2048x1024xf32, #tpu.memory_space<hbm>> -> memref<32x1024xf32, #tpu.memory_space<hbm>>
      %dma_start3A_88 = arith.constant 0 : i32
      %dma_start3A_89 = tpu.memref_slice %arg4[%add3A_4, %dma_start3A_88] : memref<2048x1024xf32, #tpu.memory_space<hbm>> -> memref<32x1024xf32, #tpu.memory_space<hbm>>
      tpu.enqueue_dma source(%arg6 : memref<32x1024xf32, #tpu.memory_space<vmem>>) target(%dma_start3A_89 : memref<32x1024xf32, #tpu.memory_space<hbm>>) target_semaphore(%run_scoped3A : memref<!tpu.dma_semaphore, #tpu.memory_space<semaphore_mem>>)
      %dma_wait3A_90 = arith.constant 0 : i32
      %dma_wait3A_91 = tpu.memref_slice %arg4[%add3A_4, %dma_wait3A_90] : memref<2048x1024xf32, #tpu.memory_space<hbm>> -> memref<32x1024xf32, #tpu.memory_space<hbm>>
      %dma_wait3A_92 = arith.constant 0 : i32
      %dma_wait3A_93 = tpu.memref_slice %arg4[%add3A_4, %dma_wait3A_92] : memref<2048x1024xf32, #tpu.memory_space<hbm>> -> memref<32x1024xf32, #tpu.memory_space<hbm>>
      tpu.wait_dma2 semaphore(%run_scoped3A : memref<!tpu.dma_semaphore, #tpu.memory_space<semaphore_mem>>) src(%arg6 : memref<32x1024xf32, #tpu.memory_space<vmem>>) dst(%dma_wait3A_93 : memref<32x1024xf32, #tpu.memory_space<hbm>>)
      tpu.yield
    }) : () -> ()
    %mul3A_42 = arith.constant 64 : i32
    %mul3A_43 = arith.muli %add3A, %mul3A_42 : i32
    %add3A_44 = arith.constant 32 : i32
    %add3A_45 = arith.addi %mul3A_43, %add3A_44 : i32
    %mul3A_46 = arith.constant 2 : i32
    %mul3A_47 = arith.muli %mul3A_46, %add3A : i32
    %add3A_48 = arith.constant 1 : i32
    %add3A_49 = arith.addi %mul3A_47, %add3A_48 : i32
    %add3A_50 = arith.constant 64 : i32
    %add3A_51 = arith.addi %add3A_50, %add3A_49 : i32
    "tpu.region"() ({
      %run_scoped3A = tpu.sem_alloc : memref<!tpu.dma_semaphore, #tpu.memory_space<semaphore_mem>>
      %dma_start3A_86 = arith.constant 0 : i32
      %dma_start3A_87 = arith.constant 0 : i32
      %dma_start3A_88 = tpu.memref_slice %arg5[%dma_start3A_86, %dma_start3A_87] : memref<2x32xi32, #tpu.memory_space<vmem>> -> memref<1x32xi32, #tpu.memory_space<vmem>>
      %dma_start3A_89 = arith.constant 0 : i32
      %dma_start3A_90 = tpu.memref_slice %arg3[%add3A_49, %dma_start3A_89] : memref<128x32xi32, #tpu.memory_space<hbm>> -> memref<1x32xi32, #tpu.memory_space<hbm>>
      %dma_start3A_91 = arith.constant 0 : i32
      %dma_start3A_92 = arith.constant 0 : i32
      %dma_start3A_93 = tpu.memref_slice %arg5[%dma_start3A_91, %dma_start3A_92] : memref<2x32xi32, #tpu.memory_space<vmem>> -> memref<1x32xi32, #tpu.memory_space<vmem>>
      %dma_start3A_94 = arith.constant 0 : i32
      %dma_start3A_95 = tpu.memref_slice %arg3[%add3A_49, %dma_start3A_94] : memref<128x32xi32, #tpu.memory_space<hbm>> -> memref<1x32xi32, #tpu.memory_space<hbm>>
      tpu.enqueue_dma source(%dma_start3A_95 : memref<1x32xi32, #tpu.memory_space<hbm>>) target(%dma_start3A_93 : memref<1x32xi32, #tpu.memory_space<vmem>>) target_semaphore(%run_scoped3A : memref<!tpu.dma_semaphore, #tpu.memory_space<semaphore_mem>>)
      %dma_wait3A_96 = arith.constant 0 : i32
      %dma_wait3A_97 = arith.constant 0 : i32
      %dma_wait3A_98 = tpu.memref_slice %arg5[%dma_wait3A_96, %dma_wait3A_97] : memref<2x32xi32, #tpu.memory_space<vmem>> -> memref<1x32xi32, #tpu.memory_space<vmem>>
      %dma_wait3A_99 = arith.constant 0 : i32
      %dma_wait3A_100 = tpu.memref_slice %arg3[%add3A_49, %dma_wait3A_99] : memref<128x32xi32, #tpu.memory_space<hbm>> -> memref<1x32xi32, #tpu.memory_space<hbm>>
      %dma_wait3A_101 = arith.constant 0 : i32
      %dma_wait3A_102 = arith.constant 0 : i32
      %dma_wait3A_103 = tpu.memref_slice %arg5[%dma_wait3A_101, %dma_wait3A_102] : memref<2x32xi32, #tpu.memory_space<vmem>> -> memref<1x32xi32, #tpu.memory_space<vmem>>
      %dma_wait3A_104 = arith.constant 0 : i32
      %dma_wait3A_105 = tpu.memref_slice %arg3[%add3A_49, %dma_wait3A_104] : memref<128x32xi32, #tpu.memory_space<hbm>> -> memref<1x32xi32, #tpu.memory_space<hbm>>
      tpu.wait_dma2 semaphore(%run_scoped3A : memref<!tpu.dma_semaphore, #tpu.memory_space<semaphore_mem>>) src(%dma_wait3A_105 : memref<1x32xi32, #tpu.memory_space<hbm>>) dst(%dma_wait3A_103 : memref<1x32xi32, #tpu.memory_space<vmem>>)
      tpu.yield
    }) : () -> ()
    "tpu.region"() ({
      %run_scoped3A = tpu.sem_alloc : memref<!tpu.dma_semaphore, #tpu.memory_space<semaphore_mem>>
      %dma_start3A_86 = arith.constant 1 : i32
      %dma_start3A_87 = arith.constant 0 : i32
      %dma_start3A_88 = tpu.memref_slice %arg5[%dma_start3A_86, %dma_start3A_87] : memref<2x32xi32, #tpu.memory_space<vmem>> -> memref<1x32xi32, #tpu.memory_space<vmem>>
      %dma_start3A_89 = arith.constant 0 : i32
      %dma_start3A_90 = tpu.memref_slice %arg3[%add3A_51, %dma_start3A_89] : memref<128x32xi32, #tpu.memory_space<hbm>> -> memref<1x32xi32, #tpu.memory_space<hbm>>
      %dma_start3A_91 = arith.constant 1 : i32
      %dma_start3A_92 = arith.constant 0 : i32
      %dma_start3A_93 = tpu.memref_slice %arg5[%dma_start3A_91, %dma_start3A_92] : memref<2x32xi32, #tpu.memory_space<vmem>> -> memref<1x32xi32, #tpu.memory_space<vmem>>
      %dma_start3A_94 = arith.constant 0 : i32
      %dma_start3A_95 = tpu.memref_slice %arg3[%add3A_51, %dma_start3A_94] : memref<128x32xi32, #tpu.memory_space<hbm>> -> memref<1x32xi32, #tpu.memory_space<hbm>>
      tpu.enqueue_dma source(%dma_start3A_95 : memref<1x32xi32, #tpu.memory_space<hbm>>) target(%dma_start3A_93 : memref<1x32xi32, #tpu.memory_space<vmem>>) target_semaphore(%run_scoped3A : memref<!tpu.dma_semaphore, #tpu.memory_space<semaphore_mem>>)
      %dma_wait3A_96 = arith.constant 1 : i32
      %dma_wait3A_97 = arith.constant 0 : i32
      %dma_wait3A_98 = tpu.memref_slice %arg5[%dma_wait3A_96, %dma_wait3A_97] : memref<2x32xi32, #tpu.memory_space<vmem>> -> memref<1x32xi32, #tpu.memory_space<vmem>>
      %dma_wait3A_99 = arith.constant 0 : i32
      %dma_wait3A_100 = tpu.memref_slice %arg3[%add3A_51, %dma_wait3A_99] : memref<128x32xi32, #tpu.memory_space<hbm>> -> memref<1x32xi32, #tpu.memory_space<hbm>>
      %dma_wait3A_101 = arith.constant 1 : i32
      %dma_wait3A_102 = arith.constant 0 : i32
      %dma_wait3A_103 = tpu.memref_slice %arg5[%dma_wait3A_101, %dma_wait3A_102] : memref<2x32xi32, #tpu.memory_space<vmem>> -> memref<1x32xi32, #tpu.memory_space<vmem>>
      %dma_wait3A_104 = arith.constant 0 : i32
      %dma_wait3A_105 = tpu.memref_slice %arg3[%add3A_51, %dma_wait3A_104] : memref<128x32xi32, #tpu.memory_space<hbm>> -> memref<1x32xi32, #tpu.memory_space<hbm>>
      tpu.wait_dma2 semaphore(%run_scoped3A : memref<!tpu.dma_semaphore, #tpu.memory_space<semaphore_mem>>) src(%dma_wait3A_105 : memref<1x32xi32, #tpu.memory_space<hbm>>) dst(%dma_wait3A_103 : memref<1x32xi32, #tpu.memory_space<vmem>>)
      tpu.yield
    }) : () -> ()
    %dma_start3A_52 = arith.constant 0 : i32
    %dma_start3A_53 = arith.constant 0 : i32
    %dma_start3A_54 = tpu.memref_slice %arg5[%dma_start3A_52, %dma_start3A_53] : memref<2x32xi32, #tpu.memory_space<vmem>> -> memref<1x32xi32, #tpu.memory_space<vmem>>
    %dma_start3A_55 = tpu.memref_squeeze %dma_start3A_54 : memref<1x32xi32, #tpu.memory_space<vmem>> -> memref<32xi32, #tpu.memory_space<vmem>>
    %dma_start3A_56 = arith.constant 0 : i32
    %dma_start3A_57 = arith.constant 0 : i32
    %dma_start3A_58 = tpu.memref_slice %arg2[%dma_start3A_56, %dma_start3A_57] : memref<4096x1024xf32, #tpu.memory_space<hbm>> -> memref<4096x1024xf32, #tpu.memory_space<hbm>>
    tpu.enqueue_indirect_dma source(%dma_start3A_58 : memref<4096x1024xf32, #tpu.memory_space<hbm>>) target(%arg6 : memref<32x1024xf32, #tpu.memory_space<vmem>>) offsets(%dma_start3A_55 : memref<32xi32, #tpu.memory_space<vmem>>) semaphore(%arg8 : memref<!tpu.dma_semaphore, #tpu.memory_space<semaphore_mem>>)
    %dma_start3A_59 = arith.constant 1 : i32
    %dma_start3A_60 = arith.constant 0 : i32
    %dma_start3A_61 = tpu.memref_slice %arg5[%dma_start3A_59, %dma_start3A_60] : memref<2x32xi32, #tpu.memory_space<vmem>> -> memref<1x32xi32, #tpu.memory_space<vmem>>
    %dma_start3A_62 = tpu.memref_squeeze %dma_start3A_61 : memref<1x32xi32, #tpu.memory_space<vmem>> -> memref<32xi32, #tpu.memory_space<vmem>>
    %dma_start3A_63 = arith.constant 0 : i32
    %dma_start3A_64 = arith.constant 0 : i32
    %dma_start3A_65 = tpu.memref_slice %arg2[%dma_start3A_63, %dma_start3A_64] : memref<4096x1024xf32, #tpu.memory_space<hbm>> -> memref<4096x1024xf32, #tpu.memory_space<hbm>>
    tpu.enqueue_indirect_dma source(%dma_start3A_65 : memref<4096x1024xf32, #tpu.memory_space<hbm>>) target(%arg7 : memref<32x1024xf32, #tpu.memory_space<vmem>>) offsets(%dma_start3A_62 : memref<32xi32, #tpu.memory_space<vmem>>) semaphore(%arg8 : memref<!tpu.dma_semaphore, #tpu.memory_space<semaphore_mem>>)
    %dma_wait3A_66 = arith.constant 0 : i32
    %dma_wait3A_67 = arith.constant 0 : i32
    %dma_wait3A_68 = tpu.memref_slice %arg5[%dma_wait3A_66, %dma_wait3A_67] : memref<2x32xi32, #tpu.memory_space<vmem>> -> memref<1x32xi32, #tpu.memory_space<vmem>>
    %dma_wait3A_69 = tpu.memref_squeeze %dma_wait3A_68 : memref<1x32xi32, #tpu.memory_space<vmem>> -> memref<32xi32, #tpu.memory_space<vmem>>
    %dma_wait3A_70 = arith.constant 0 : i32
    %dma_wait3A_71 = arith.constant 0 : i32
    %dma_wait3A_72 = tpu.memref_slice %arg2[%dma_wait3A_70, %dma_wait3A_71] : memref<4096x1024xf32, #tpu.memory_space<hbm>> -> memref<4096x1024xf32, #tpu.memory_space<hbm>>
    tpu.wait_indirect_dma semaphore(%arg8 : memref<!tpu.dma_semaphore, #tpu.memory_space<semaphore_mem>>) src(%dma_wait3A_72 : memref<4096x1024xf32, #tpu.memory_space<hbm>>) dst(%arg6 : memref<32x1024xf32, #tpu.memory_space<vmem>>)
    %dma_wait3A_73 = arith.constant 1 : i32
    %dma_wait3A_74 = arith.constant 0 : i32
    %dma_wait3A_75 = tpu.memref_slice %arg5[%dma_wait3A_73, %dma_wait3A_74] : memref<2x32xi32, #tpu.memory_space<vmem>> -> memref<1x32xi32, #tpu.memory_space<vmem>>
    %dma_wait3A_76 = tpu.memref_squeeze %dma_wait3A_75 : memref<1x32xi32, #tpu.memory_space<vmem>> -> memref<32xi32, #tpu.memory_space<vmem>>
    %dma_wait3A_77 = arith.constant 0 : i32
    %dma_wait3A_78 = arith.constant 0 : i32
    %dma_wait3A_79 = tpu.memref_slice %arg2[%dma_wait3A_77, %dma_wait3A_78] : memref<4096x1024xf32, #tpu.memory_space<hbm>> -> memref<4096x1024xf32, #tpu.memory_space<hbm>>
    tpu.wait_indirect_dma semaphore(%arg8 : memref<!tpu.dma_semaphore, #tpu.memory_space<semaphore_mem>>) src(%dma_wait3A_79 : memref<4096x1024xf32, #tpu.memory_space<hbm>>) dst(%arg7 : memref<32x1024xf32, #tpu.memory_space<vmem>>)
    %scan3A_80 = arith.constant 0 : i32
    %scan3A_81 = arith.constant 0 : i32
    %scan3A_82 = arith.constant 32 : i32
    %scan3A_83 = arith.addi %scan3A_81, %scan3A_82 : i32
    %scan3A_84 = arith.constant 1 : i32
    scf.for %scan3A_86 = %scan3A_81 to %scan3A_83 step %scan3A_84  : i32 {
      %get3A = arith.index_cast %scan3A_86 : i32 to index
      %get3A_87 = arith.constant 0 : index
      %get3A_88 = tpu.vector_load %arg6[%get3A, %get3A_87] {strides = array<i32>} : memref<32x1024xf32, #tpu.memory_space<vmem>>, vector<1x16xf32>,
      %get3A_89 = vector.shape_cast %get3A_88 : vector<1x16xf32> to vector<16xf32>
      %get3A_90 = arith.index_cast %scan3A_86 : i32 to index
      %get3A_91 = arith.constant 0 : index
      %get3A_92 = tpu.vector_load %arg7[%get3A_90, %get3A_91] {strides = array<i32>} : memref<32x1024xf32, #tpu.memory_space<vmem>>, vector<1x16xf32>,
      %get3A_93 = vector.shape_cast %get3A_92 : vector<1x16xf32> to vector<16xf32>
      %add3A_94 = arith.addf %get3A_89, %get3A_93 : vector<16xf32>
      %swap3A = arith.index_cast %scan3A_86 : i32 to index
      %swap3A_95 = arith.constant 0 : index
      %swap3A_96 = tpu.vector_load %arg6[%swap3A, %swap3A_95] {strides = array<i32>} : memref<32x1024xf32, #tpu.memory_space<vmem>>, vector<1x16xf32>,
      %swap3A_97 = vector.shape_cast %swap3A_96 : vector<1x16xf32> to vector<16xf32>
      %swap3A_98 = vector.shape_cast %add3A_94 : vector<16xf32> to vector<1x16xf32>
      tpu.vector_store %arg6[%swap3A, %swap3A_95], %swap3A_98 {strides = array<i32>} : memref<32x1024xf32, #tpu.memory_space<vmem>>, vector<1x16xf32>,
      %get3A_99 = arith.index_cast %scan3A_86 : i32 to index
      %get3A_100 = arith.constant 16 : index
      %get3A_101 = tpu.vector_load %arg6[%get3A_99, %get3A_100] {strides = array<i32>} : memref<32x1024xf32, #tpu.memory_space<vmem>>, vector<1x16xf32>,
      %get3A_102 = vector.shape_cast %get3A_101 : vector<1x16xf32> to vector<16xf32>
      %get3A_103 = arith.index_cast %scan3A_86 : i32 to index
      %get3A_104 = arith.constant 16 : index
      %get3A_105 = tpu.vector_load %arg7[%get3A_103, %get3A_104] {strides = array<i32>} : memref<32x1024xf32, #tpu.memory_space<vmem>>, vector<1x16xf32>,
      %get3A_106 = vector.shape_cast %get3A_105 : vector<1x16xf32> to vector<16xf32>
      %add3A_107 = arith.addf %get3A_102, %get3A_106 : vector<16xf32>
      %swap3A_108 = arith.index_cast %scan3A_86 : i32 to index
      %swap3A_109 = arith.constant 16 : index
      %swap3A_110 = tpu.vector_load %arg6[%swap3A_108, %swap3A_109] {strides = array<i32>} : memref<32x1024xf32, #tpu.memory_space<vmem>>, vector<1x16xf32>,
      %swap3A_111 = vector.shape_cast %swap3A_110 : vector<1x16xf32> to vector<16xf32>
      %swap3A_112 = vector.shape_cast %add3A_107 : vector<16xf32> to vector<1x16xf32>
      tpu.vector_store %arg6[%swap3A_108, %swap3A_109], %swap3A_112 {strides = array<i32>} : memref<32x1024xf32, #tpu.memory_space<vmem>>, vector<1x16xf32>,
      %get3A_113 = arith.index_cast %scan3A_86 : i32 to index
      %get3A_114 = arith.constant 32 : index
      %get3A_115 = tpu.vector_load %arg6[%get3A_113, %get3A_114] {strides = array<i32>} : memref<32x1024xf32, #tpu.memory_space<vmem>>, vector<1x16xf32>,
      %get3A_116 = vector.shape_cast %get3A_115 : vector<1x16xf32> to vector<16xf32>
      %get3A_117 = arith.index_cast %scan3A_86 : i32 to index
      %get3A_118 = arith.constant 32 : index
      %get3A_119 = tpu.vector_load %arg7[%get3A_117, %get3A_118] {strides = array<i32>} : memref<32x1024xf32, #tpu.memory_space<vmem>>, vector<1x16xf32>,
      %get3A_120 = vector.shape_cast %get3A_119 : vector<1x16xf32> to vector<16xf32>
      %add3A_121 = arith.addf %get3A_116, %get3A_120 : vector<16xf32>
      %swap3A_122 = arith.index_cast %scan3A_86 : i32 to index
      %swap3A_123 = arith.constant 32 : index
      %swap3A_124 = tpu.vector_load %arg6[%swap3A_122, %swap3A_123] {strides = array<i32>} : memref<32x1024xf32, #tpu.memory_space<vmem>>, vector<1x16xf32>,
      %swap3A_125 = vector.shape_cast %swap3A_124 : vector<1x16xf32> to vector<16xf32>
      %swap3A_126 = vector.shape_cast %add3A_121 : vector<16xf32> to vector<1x16xf32>
      tpu.vector_store %arg6[%swap3A_122, %swap3A_123], %swap3A_126 {strides = array<i32>} : memref<32x1024xf32, #tpu.memory_space<vmem>>, vector<1x16xf32>,
      %get3A_127 = arith.index_cast %scan3A_86 : i32 to index
      %get3A_128 = arith.constant 48 : index
      %get3A_129 = tpu.vector_load %arg6[%get3A_127, %get3A_128] {strides = array<i32>} : memref<32x1024xf32, #tpu.memory_space<vmem>>, vector<1x16xf32>,
      %get3A_130 = vector.shape_cast %get3A_129 : vector<1x16xf32> to vector<16xf32>
      %get3A_131 = arith.index_cast %scan3A_86 : i32 to index
      %get3A_132 = arith.constant 48 : index
      %get3A_133 = tpu.vector_load %arg7[%get3A_131, %get3A_132] {strides = array<i32>} : memref<32x1024xf32, #tpu.memory_space<vmem>>, vector<1x16xf32>,
      %get3A_134 = vector.shape_cast %get3A_133 : vector<1x16xf32> to vector<16xf32>
      %add3A_135 = arith.addf %get3A_130, %get3A_134 : vector<16xf32>
      %swap3A_136 = arith.index_cast %scan3A_86 : i32 to index
      %swap3A_137 = arith.constant 48 : index
      %swap3A_138 = tpu.vector_load %arg6[%swap3A_136, %swap3A_137] {strides = array<i32>} : memref<32x1024xf32, #tpu.memory_space<vmem>>, vector<1x16xf32>,
      %swap3A_139 = vector.shape_cast %swap3A_138 : vector<1x16xf32> to vector<16xf32>
      %swap3A_140 = vector.shape_cast %add3A_135 : vector<16xf32> to vector<1x16xf32>
      tpu.vector_store %arg6[%swap3A_136, %swap3A_137], %swap3A_140 {strides = array<i32>} : memref<32x1024xf32, #tpu.memory_space<vmem>>, vector<1x16xf32>,
      %get3A_141 = arith.index_cast %scan3A_86 : i32 to index
      %get3A_142 = arith.constant 64 : index
      %get3A_143 = tpu.vector_load %arg6[%get3A_141, %get3A_142] {strides = array<i32>} : memref<32x1024xf32, #tpu.memory_space<vmem>>, vector<1x16xf32>,
      %get3A_144 = vector.shape_cast %get3A_143 : vector<1x16xf32> to vector<16xf32>
      %get3A_145 = arith.index_cast %scan3A_86 : i32 to index
      %get3A_146 = arith.constant 64 : index
      %get3A_147 = tpu.vector_load %arg7[%get3A_145, %get3A_146] {strides = array<i32>} : memref<32x1024xf32, #tpu.memory_space<vmem>>, vector<1x16xf32>,
      %get3A_148 = vector.shape_cast %get3A_147 : vector<1x16xf32> to vector<16xf32>
      %add3A_149 = arith.addf %get3A_144, %get3A_148 : vector<16xf32>
      %swap3A_150 = arith.index_cast %scan3A_86 : i32 to index
      %swap3A_151 = arith.constant 64 : index
      %swap3A_152 = tpu.vector_load %arg6[%swap3A_150, %swap3A_151] {strides = array<i32>} : memref<32x1024xf32, #tpu.memory_space<vmem>>, vector<1x16xf32>,
      %swap3A_153 = vector.shape_cast %swap3A_152 : vector<1x16xf32> to vector<16xf32>
      %swap3A_154 = vector.shape_cast %add3A_149 : vector<16xf32> to vector<1x16xf32>
      tpu.vector_store %arg6[%swap3A_150, %swap3A_151], %swap3A_154 {strides = array<i32>} : memref<32x1024xf32, #tpu.memory_space<vmem>>, vector<1x16xf32>,
      %get3A_155 = arith.index_cast %scan3A_86 : i32 to index
      %get3A_156 = arith.constant 80 : index
      %get3A_157 = tpu.vector_load %arg6[%get3A_155, %get3A_156] {strides = array<i32>} : memref<32x1024xf32, #tpu.memory_space<vmem>>, vector<1x16xf32>,
      %get3A_158 = vector.shape_cast %get3A_157 : vector<1x16xf32> to vector<16xf32>
      %get3A_159 = arith.index_cast %scan3A_86 : i32 to index
      %get3A_160 = arith.constant 80 : index
      %get3A_161 = tpu.vector_load %arg7[%get3A_159, %get3A_160] {strides = array<i32>} : memref<32x1024xf32, #tpu.memory_space<vmem>>, vector<1x16xf32>,
      %get3A_162 = vector.shape_cast %get3A_161 : vector<1x16xf32> to vector<16xf32>
      %add3A_163 = arith.addf %get3A_158, %get3A_162 : vector<16xf32>
      %swap3A_164 = arith.index_cast %scan3A_86 : i32 to index
      %swap3A_165 = arith.constant 80 : index
      %swap3A_166 = tpu.vector_load %arg6[%swap3A_164, %swap3A_165] {strides = array<i32>} : memref<32x1024xf32, #tpu.memory_space<vmem>>, vector<1x16xf32>,
      %swap3A_167 = vector.shape_cast %swap3A_166 : vector<1x16xf32> to vector<16xf32>
      %swap3A_168 = vector.shape_cast %add3A_163 : vector<16xf32> to vector<1x16xf32>
      tpu.vector_store %arg6[%swap3A_164, %swap3A_165], %swap3A_168 {strides = array<i32>} : memref<32x1024xf32, #tpu.memory_space<vmem>>, vector<1x16xf32>,
      %get3A_169 = arith.index_cast %scan3A_86 : i32 to index
      %get3A_170 = arith.constant 96 : index
      %get3A_171 = tpu.vector_load %arg6[%get3A_169, %get3A_170] {strides = array<i32>} : memref<32x1024xf32, #tpu.memory_space<vmem>>, vector<1x16xf32>,
      %get3A_172 = vector.shape_cast %get3A_171 : vector<1x16xf32> to vector<16xf32>
      %get3A_173 = arith.index_cast %scan3A_86 : i32 to index
      %get3A_174 = arith.constant 96 : index
      %get3A_175 = tpu.vector_load %arg7[%get3A_173, %get3A_174] {strides = array<i32>} : memref<32x1024xf32, #tpu.memory_space<vmem>>, vector<1x16xf32>,
      %get3A_176 = vector.shape_cast %get3A_175 : vector<1x16xf32> to vector<16xf32>
      %add3A_177 = arith.addf %get3A_172, %get3A_176 : vector<16xf32>
      %swap3A_178 = arith.index_cast %scan3A_86 : i32 to index
      %swap3A_179 = arith.constant 96 : index
      %swap3A_180 = tpu.vector_load %arg6[%swap3A_178, %swap3A_179] {strides = array<i32>} : memref<32x1024xf32, #tpu.memory_space<vmem>>, vector<1x16xf32>,
      %swap3A_181 = vector.shape_cast %swap3A_180 : vector<1x16xf32> to vector<16xf32>
      %swap3A_182 = vector.shape_cast %add3A_177 : vector<16xf32> to vector<1x16xf32>
      tpu.vector_store %arg6[%swap3A_178, %swap3A_179], %swap3A_182 {strides = array<i32>} : memref<32x1024xf32, #tpu.memory_space<vmem>>, vector<1x16xf32>,
      %get3A_183 = arith.index_cast %scan3A_86 : i32 to index
      %get3A_184 = arith.constant 112 : index
      %get3A_185 = tpu.vector_load %arg6[%get3A_183, %get3A_184] {strides = array<i32>} : memref<32x1024xf32, #tpu.memory_space<vmem>>, vector<1x16xf32>,
      %get3A_186 = vector.shape_cast %get3A_185 : vector<1x16xf32> to vector<16xf32>
      %get3A_187 = arith.index_cast %scan3A_86 : i32 to index
      %get3A_188 = arith.constant 112 : index
      %get3A_189 = tpu.vector_load %arg7[%get3A_187, %get3A_188] {strides = array<i32>} : memref<32x1024xf32, #tpu.memory_space<vmem>>, vector<1x16xf32>,
      %get3A_190 = vector.shape_cast %get3A_189 : vector<1x16xf32> to vector<16xf32>
      %add3A_191 = arith.addf %get3A_186, %get3A_190 : vector<16xf32>
      %swap3A_192 = arith.index_cast %scan3A_86 : i32 to index
      %swap3A_193 = arith.constant 112 : index
      %swap3A_194 = tpu.vector_load %arg6[%swap3A_192, %swap3A_193] {strides = array<i32>} : memref<32x1024xf32, #tpu.memory_space<vmem>>, vector<1x16xf32>,
      %swap3A_195 = vector.shape_cast %swap3A_194 : vector<1x16xf32> to vector<16xf32>
      %swap3A_196 = vector.shape_cast %add3A_191 : vector<16xf32> to vector<1x16xf32>
      tpu.vector_store %arg6[%swap3A_192, %swap3A_193], %swap3A_196 {strides = array<i32>} : memref<32x1024xf32, #tpu.memory_space<vmem>>, vector<1x16xf32>,
      %get3A_197 = arith.index_cast %scan3A_86 : i32 to index
      %get3A_198 = arith.constant 128 : index
      %get3A_199 = tpu.vector_load %arg6[%get3A_197, %get3A_198] {strides = array<i32>} : memref<32x1024xf32, #tpu.memory_space<vmem>>, vector<1x16xf32>,
      %get3A_200 = vector.shape_cast %get3A_199 : vector<1x16xf32> to vector<16xf32>
      %get3A_201 = arith.index_cast %scan3A_86 : i32 to index
      %get3A_202 = arith.constant 128 : index
      %get3A_203 = tpu.vector_load %arg7[%get3A_201, %get3A_202] {strides = array<i32>} : memref<32x1024xf32, #tpu.memory_space<vmem>>, vector<1x16xf32>,
      %get3A_204 = vector.shape_cast %get3A_203 : vector<1x16xf32> to vector<16xf32>
      %add3A_205 = arith.addf %get3A_200, %get3A_204 : vector<16xf32>
      %swap3A_206 = arith.index_cast %scan3A_86 : i32 to index
      %swap3A_207 = arith.constant 128 : index
      %swap3A_208 = tpu.vector_load %arg6[%swap3A_206, %swap3A_207] {strides = array<i32>} : memref<32x1024xf32, #tpu.memory_space<vmem>>, vector<1x16xf32>,
      %swap3A_209 = vector.shape_cast %swap3A_208 : vector<1x16xf32> to vector<16xf32>
      %swap3A_210 = vector.shape_cast %add3A_205 : vector<16xf32> to vector<1x16xf32>
      tpu.vector_store %arg6[%swap3A_206, %swap3A_207], %swap3A_210 {strides = array<i32>} : memref<32x1024xf32, #tpu.memory_space<vmem>>, vector<1x16xf32>,
      %get3A_211 = arith.index_cast %scan3A_86 : i32 to index
      %get3A_212 = arith.constant 144 : index
      %get3A_213 = tpu.vector_load %arg6[%get3A_211, %get3A_212] {strides = array<i32>} : memref<32x1024xf32, #tpu.memory_space<vmem>>, vector<1x16xf32>,
      %get3A_214 = vector.shape_cast %get3A_213 : vector<1x16xf32> to vector<16xf32>
      %get3A_215 = arith.index_cast %scan3A_86 : i32 to index
      %get3A_216 = arith.constant 144 : index
      %get3A_217 = tpu.vector_load %arg7[%get3A_215, %get3A_216] {strides = array<i32>} : memref<32x1024xf32, #tpu.memory_space<vmem>>, vector<1x16xf32>,
      %get3A_218 = vector.shape_cast %get3A_217 : vector<1x16xf32> to vector<16xf32>
      %add3A_219 = arith.addf %get3A_214, %get3A_218 : vector<16xf32>
      %swap3A_220 = arith.index_cast %scan3A_86 : i32 to index
      %swap3A_221 = arith.constant 144 : index
      %swap3A_222 = tpu.vector_load %arg6[%swap3A_220, %swap3A_221] {strides = array<i32>} : memref<32x1024xf32, #tpu.memory_space<vmem>>, vector<1x16xf32>,
      %swap3A_223 = vector.shape_cast %swap3A_222 : vector<1x16xf32> to vector<16xf32>
      %swap3A_224 = vector.shape_cast %add3A_219 : vector<16xf32> to vector<1x16xf32>
      tpu.vector_store %arg6[%swap3A_220, %swap3A_221], %swap3A_224 {strides = array<i32>} : memref<32x1024xf32, #tpu.memory_space<vmem>>, vector<1x16xf32>,
      %get3A_225 = arith.index_cast %scan3A_86 : i32 to index
      %get3A_226 = arith.constant 160 : index
      %get3A_227 = tpu.vector_load %arg6[%get3A_225, %get3A_226] {strides = array<i32>} : memref<32x1024xf32, #tpu.memory_space<vmem>>, vector<1x16xf32>,
      %get3A_228 = vector.shape_cast %get3A_227 : vector<1x16xf32> to vector<16xf32>
      %get3A_229 = arith.index_cast %scan3A_86 : i32 to index
      %get3A_230 = arith.constant 160 : index
      %get3A_231 = tpu.vector_load %arg7[%get3A_229, %get3A_230] {strides = array<i32>} : memref<32x1024xf32, #tpu.memory_space<vmem>>, vector<1x16xf32>,
      %get3A_232 = vector.shape_cast %get3A_231 : vector<1x16xf32> to vector<16xf32>
      %add3A_233 = arith.addf %get3A_228, %get3A_232 : vector<16xf32>
      %swap3A_234 = arith.index_cast %scan3A_86 : i32 to index
      %swap3A_235 = arith.constant 160 : index
      %swap3A_236 = tpu.vector_load %arg6[%swap3A_234, %swap3A_235] {strides = array<i32>} : memref<32x1024xf32, #tpu.memory_space<vmem>>, vector<1x16xf32>,
      %swap3A_237 = vector.shape_cast %swap3A_236 : vector<1x16xf32> to vector<16xf32>
      %swap3A_238 = vector.shape_cast %add3A_233 : vector<16xf32> to vector<1x16xf32>
      tpu.vector_store %arg6[%swap3A_234, %swap3A_235], %swap3A_238 {strides = array<i32>} : memref<32x1024xf32, #tpu.memory_space<vmem>>, vector<1x16xf32>,
      %get3A_239 = arith.index_cast %scan3A_86 : i32 to index
      %get3A_240 = arith.constant 176 : index
      %get3A_241 = tpu.vector_load %arg6[%get3A_239, %get3A_240] {strides = array<i32>} : memref<32x1024xf32, #tpu.memory_space<vmem>>, vector<1x16xf32>,
      %get3A_242 = vector.shape_cast %get3A_241 : vector<1x16xf32> to vector<16xf32>
      %get3A_243 = arith.index_cast %scan3A_86 : i32 to index
      %get3A_244 = arith.constant 176 : index
      %get3A_245 = tpu.vector_load %arg7[%get3A_243, %get3A_244] {strides = array<i32>} : memref<32x1024xf32, #tpu.memory_space<vmem>>, vector<1x16xf32>,
      %get3A_246 = vector.shape_cast %get3A_245 : vector<1x16xf32> to vector<16xf32>
      %add3A_247 = arith.addf %get3A_242, %get3A_246 : vector<16xf32>
      %swap3A_248 = arith.index_cast %scan3A_86 : i32 to index
      %swap3A_249 = arith.constant 176 : index
      %swap3A_250 = tpu.vector_load %arg6[%swap3A_248, %swap3A_249] {strides = array<i32>} : memref<32x1024xf32, #tpu.memory_space<vmem>>, vector<1x16xf32>,
      %swap3A_251 = vector.shape_cast %swap3A_250 : vector<1x16xf32> to vector<16xf32>
      %swap3A_252 = vector.shape_cast %add3A_247 : vector<16xf32> to vector<1x16xf32>
      tpu.vector_store %arg6[%swap3A_248, %swap3A_249], %swap3A_252 {strides = array<i32>} : memref<32x1024xf32, #tpu.memory_space<vmem>>, vector<1x16xf32>,
      %get3A_253 = arith.index_cast %scan3A_86 : i32 to index
      %get3A_254 = arith.constant 192 : index
      %get3A_255 = tpu.vector_load %arg6[%get3A_253, %get3A_254] {strides = array<i32>} : memref<32x1024xf32, #tpu.memory_space<vmem>>, vector<1x16xf32>,
      %get3A_256 = vector.shape_cast %get3A_255 : vector<1x16xf32> to vector<16xf32>
      %get3A_257 = arith.index_cast %scan3A_86 : i32 to index
      %get3A_258 = arith.constant 192 : index
      %get3A_259 = tpu.vector_load %arg7[%get3A_257, %get3A_258] {strides = array<i32>} : memref<32x1024xf32, #tpu.memory_space<vmem>>, vector<1x16xf32>,
      %get3A_260 = vector.shape_cast %get3A_259 : vector<1x16xf32> to vector<16xf32>
      %add3A_261 = arith.addf %get3A_256, %get3A_260 : vector<16xf32>
      %swap3A_262 = arith.index_cast %scan3A_86 : i32 to index
      %swap3A_263 = arith.constant 192 : index
      %swap3A_264 = tpu.vector_load %arg6[%swap3A_262, %swap3A_263] {strides = array<i32>} : memref<32x1024xf32, #tpu.memory_space<vmem>>, vector<1x16xf32>,
      %swap3A_265 = vector.shape_cast %swap3A_264 : vector<1x16xf32> to vector<16xf32>
      %swap3A_266 = vector.shape_cast %add3A_261 : vector<16xf32> to vector<1x16xf32>
      tpu.vector_store %arg6[%swap3A_262, %swap3A_263], %swap3A_266 {strides = array<i32>} : memref<32x1024xf32, #tpu.memory_space<vmem>>, vector<1x16xf32>,
      %get3A_267 = arith.index_cast %scan3A_86 : i32 to index
      %get3A_268 = arith.constant 208 : index
      %get3A_269 = tpu.vector_load %arg6[%get3A_267, %get3A_268] {strides = array<i32>} : memref<32x1024xf32, #tpu.memory_space<vmem>>, vector<1x16xf32>,
      %get3A_270 = vector.shape_cast %get3A_269 : vector<1x16xf32> to vector<16xf32>
      %get3A_271 = arith.index_cast %scan3A_86 : i32 to index
      %get3A_272 = arith.constant 208 : index
      %get3A_273 = tpu.vector_load %arg7[%get3A_271, %get3A_272] {strides = array<i32>} : memref<32x1024xf32, #tpu.memory_space<vmem>>, vector<1x16xf32>,
      %get3A_274 = vector.shape_cast %get3A_273 : vector<1x16xf32> to vector<16xf32>
      %add3A_275 = arith.addf %get3A_270, %get3A_274 : vector<16xf32>
      %swap3A_276 = arith.index_cast %scan3A_86 : i32 to index
      %swap3A_277 = arith.constant 208 : index
      %swap3A_278 = tpu.vector_load %arg6[%swap3A_276, %swap3A_277] {strides = array<i32>} : memref<32x1024xf32, #tpu.memory_space<vmem>>, vector<1x16xf32>,
      %swap3A_279 = vector.shape_cast %swap3A_278 : vector<1x16xf32> to vector<16xf32>
      %swap3A_280 = vector.shape_cast %add3A_275 : vector<16xf32> to vector<1x16xf32>
      tpu.vector_store %arg6[%swap3A_276, %swap3A_277], %swap3A_280 {strides = array<i32>} : memref<32x1024xf32, #tpu.memory_space<vmem>>, vector<1x16xf32>,
      %get3A_281 = arith.index_cast %scan3A_86 : i32 to index
      %get3A_282 = arith.constant 224 : index
      %get3A_283 = tpu.vector_load %arg6[%get3A_281, %get3A_282] {strides = array<i32>} : memref<32x1024xf32, #tpu.memory_space<vmem>>, vector<1x16xf32>,
      %get3A_284 = vector.shape_cast %get3A_283 : vector<1x16xf32> to vector<16xf32>
      %get3A_285 = arith.index_cast %scan3A_86 : i32 to index
      %get3A_286 = arith.constant 224 : index
      %get3A_287 = tpu.vector_load %arg7[%get3A_285, %get3A_286] {strides = array<i32>} : memref<32x1024xf32, #tpu.memory_space<vmem>>, vector<1x16xf32>,
      %get3A_288 = vector.shape_cast %get3A_287 : vector<1x16xf32> to vector<16xf32>
      %add3A_289 = arith.addf %get3A_284, %get3A_288 : vector<16xf32>
      %swap3A_290 = arith.index_cast %scan3A_86 : i32 to index
      %swap3A_291 = arith.constant 224 : index
      %swap3A_292 = tpu.vector_load %arg6[%swap3A_290, %swap3A_291] {strides = array<i32>} : memref<32x1024xf32, #tpu.memory_space<vmem>>, vector<1x16xf32>,
      %swap3A_293 = vector.shape_cast %swap3A_292 : vector<1x16xf32> to vector<16xf32>
      %swap3A_294 = vector.shape_cast %add3A_289 : vector<16xf32> to vector<1x16xf32>
      tpu.vector_store %arg6[%swap3A_290, %swap3A_291], %swap3A_294 {strides = array<i32>} : memref<32x1024xf32, #tpu.memory_space<vmem>>, vector<1x16xf32>,
      %get3A_295 = arith.index_cast %scan3A_86 : i32 to index
      %get3A_296 = arith.constant 240 : index
      %get3A_297 = tpu.vector_load %arg6[%get3A_295, %get3A_296] {strides = array<i32>} : memref<32x1024xf32, #tpu.memory_space<vmem>>, vector<1x16xf32>,
      %get3A_298 = vector.shape_cast %get3A_297 : vector<1x16xf32> to vector<16xf32>
      %get3A_299 = arith.index_cast %scan3A_86 : i32 to index
      %get3A_300 = arith.constant 240 : index
      %get3A_301 = tpu.vector_load %arg7[%get3A_299, %get3A_300] {strides = array<i32>} : memref<32x1024xf32, #tpu.memory_space<vmem>>, vector<1x16xf32>,
      %get3A_302 = vector.shape_cast %get3A_301 : vector<1x16xf32> to vector<16xf32>
      %add3A_303 = arith.addf %get3A_298, %get3A_302 : vector<16xf32>
      %swap3A_304 = arith.index_cast %scan3A_86 : i32 to index
      %swap3A_305 = arith.constant 240 : index
      %swap3A_306 = tpu.vector_load %arg6[%swap3A_304, %swap3A_305] {strides = array<i32>} : memref<32x1024xf32, #tpu.memory_space<vmem>>, vector<1x16xf32>,
      %swap3A_307 = vector.shape_cast %swap3A_306 : vector<1x16xf32> to vector<16xf32>
      %swap3A_308 = vector.shape_cast %add3A_303 : vector<16xf32> to vector<1x16xf32>
      tpu.vector_store %arg6[%swap3A_304, %swap3A_305], %swap3A_308 {strides = array<i32>} : memref<32x1024xf32, #tpu.memory_space<vmem>>, vector<1x16xf32>,
      %get3A_309 = arith.index_cast %scan3A_86 : i32 to index
      %get3A_310 = arith.constant 256 : index
      %get3A_311 = tpu.vector_load %arg6[%get3A_309, %get3A_310] {strides = array<i32>} : memref<32x1024xf32, #tpu.memory_space<vmem>>, vector<1x16xf32>,
      %get3A_312 = vector.shape_cast %get3A_311 : vector<1x16xf32> to vector<16xf32>
      %get3A_313 = arith.index_cast %scan3A_86 : i32 to index
      %get3A_314 = arith.constant 256 : index
      %get3A_315 = tpu.vector_load %arg7[%get3A_313, %get3A_314] {strides = array<i32>} : memref<32x1024xf32, #tpu.memory_space<vmem>>, vector<1x16xf32>,
      %get3A_316 = vector.shape_cast %get3A_315 : vector<1x16xf32> to vector<16xf32>
      %add3A_317 = arith.addf %get3A_312, %get3A_316 : vector<16xf32>
      %swap3A_318 = arith.index_cast %scan3A_86 : i32 to index
      %swap3A_319 = arith.constant 256 : index
      %swap3A_320 = tpu.vector_load %arg6[%swap3A_318, %swap3A_319] {strides = array<i32>} : memref<32x1024xf32, #tpu.memory_space<vmem>>, vector<1x16xf32>,
      %swap3A_321 = vector.shape_cast %swap3A_320 : vector<1x16xf32> to vector<16xf32>
      %swap3A_322 = vector.shape_cast %add3A_317 : vector<16xf32> to vector<1x16xf32>
      tpu.vector_store %arg6[%swap3A_318, %swap3A_319], %swap3A_322 {strides = array<i32>} : memref<32x1024xf32, #tpu.memory_space<vmem>>, vector<1x16xf32>,
      %get3A_323 = arith.index_cast %scan3A_86 : i32 to index
      %get3A_324 = arith.constant 272 : index
      %get3A_325 = tpu.vector_load %arg6[%get3A_323, %get3A_324] {strides = array<i32>} : memref<32x1024xf32, #tpu.memory_space<vmem>>, vector<1x16xf32>,
      %get3A_326 = vector.shape_cast %get3A_325 : vector<1x16xf32> to vector<16xf32>
      %get3A_327 = arith.index_cast %scan3A_86 : i32 to index
      %get3A_328 = arith.constant 272 : index
      %get3A_329 = tpu.vector_load %arg7[%get3A_327, %get3A_328] {strides = array<i32>} : memref<32x1024xf32, #tpu.memory_space<vmem>>, vector<1x16xf32>,
      %get3A_330 = vector.shape_cast %get3A_329 : vector<1x16xf32> to vector<16xf32>
      %add3A_331 = arith.addf %get3A_326, %get3A_330 : vector<16xf32>
      %swap3A_332 = arith.index_cast %scan3A_86 : i32 to index
      %swap3A_333 = arith.constant 272 : index
      %swap3A_334 = tpu.vector_load %arg6[%swap3A_332, %swap3A_333] {strides = array<i32>} : memref<32x1024xf32, #tpu.memory_space<vmem>>, vector<1x16xf32>,
      %swap3A_335 = vector.shape_cast %swap3A_334 : vector<1x16xf32> to vector<16xf32>
      %swap3A_336 = vector.shape_cast %add3A_331 : vector<16xf32> to vector<1x16xf32>
      tpu.vector_store %arg6[%swap3A_332, %swap3A_333], %swap3A_336 {strides = array<i32>} : memref<32x1024xf32, #tpu.memory_space<vmem>>, vector<1x16xf32>,
      %get3A_337 = arith.index_cast %scan3A_86 : i32 to index
      %get3A_338 = arith.constant 288 : index
      %get3A_339 = tpu.vector_load %arg6[%get3A_337, %get3A_338] {strides = array<i32>} : memref<32x1024xf32, #tpu.memory_space<vmem>>, vector<1x16xf32>,
      %get3A_340 = vector.shape_cast %get3A_339 : vector<1x16xf32> to vector<16xf32>
      %get3A_341 = arith.index_cast %scan3A_86 : i32 to index
      %get3A_342 = arith.constant 288 : index
      %get3A_343 = tpu.vector_load %arg7[%get3A_341, %get3A_342] {strides = array<i32>} : memref<32x1024xf32, #tpu.memory_space<vmem>>, vector<1x16xf32>,
      %get3A_344 = vector.shape_cast %get3A_343 : vector<1x16xf32> to vector<16xf32>
      %add3A_345 = arith.addf %get3A_340, %get3A_344 : vector<16xf32>
      %swap3A_346 = arith.index_cast %scan3A_86 : i32 to index
      %swap3A_347 = arith.constant 288 : index
      %swap3A_348 = tpu.vector_load %arg6[%swap3A_346, %swap3A_347] {strides = array<i32>} : memref<32x1024xf32, #tpu.memory_space<vmem>>, vector<1x16xf32>,
      %swap3A_349 = vector.shape_cast %swap3A_348 : vector<1x16xf32> to vector<16xf32>
      %swap3A_350 = vector.shape_cast %add3A_345 : vector<16xf32> to vector<1x16xf32>
      tpu.vector_store %arg6[%swap3A_346, %swap3A_347], %swap3A_350 {strides = array<i32>} : memref<32x1024xf32, #tpu.memory_space<vmem>>, vector<1x16xf32>,
      %get3A_351 = arith.index_cast %scan3A_86 : i32 to index
      %get3A_352 = arith.constant 304 : index
      %get3A_353 = tpu.vector_load %arg6[%get3A_351, %get3A_352] {strides = array<i32>} : memref<32x1024xf32, #tpu.memory_space<vmem>>, vector<1x16xf32>,
      %get3A_354 = vector.shape_cast %get3A_353 : vector<1x16xf32> to vector<16xf32>
      %get3A_355 = arith.index_cast %scan3A_86 : i32 to index
      %get3A_356 = arith.constant 304 : index
      %get3A_357 = tpu.vector_load %arg7[%get3A_355, %get3A_356] {strides = array<i32>} : memref<32x1024xf32, #tpu.memory_space<vmem>>, vector<1x16xf32>,
      %get3A_358 = vector.shape_cast %get3A_357 : vector<1x16xf32> to vector<16xf32>
      %add3A_359 = arith.addf %get3A_354, %get3A_358 : vector<16xf32>
      %swap3A_360 = arith.index_cast %scan3A_86 : i32 to index
      %swap3A_361 = arith.constant 304 : index
      %swap3A_362 = tpu.vector_load %arg6[%swap3A_360, %swap3A_361] {strides = array<i32>} : memref<32x1024xf32, #tpu.memory_space<vmem>>, vector<1x16xf32>,
      %swap3A_363 = vector.shape_cast %swap3A_362 : vector<1x16xf32> to vector<16xf32>
      %swap3A_364 = vector.shape_cast %add3A_359 : vector<16xf32> to vector<1x16xf32>
      tpu.vector_store %arg6[%swap3A_360, %swap3A_361], %swap3A_364 {strides = array<i32>} : memref<32x1024xf32, #tpu.memory_space<vmem>>, vector<1x16xf32>,
      %get3A_365 = arith.index_cast %scan3A_86 : i32 to index
      %get3A_366 = arith.constant 320 : index
      %get3A_367 = tpu.vector_load %arg6[%get3A_365, %get3A_366] {strides = array<i32>} : memref<32x1024xf32, #tpu.memory_space<vmem>>, vector<1x16xf32>,
      %get3A_368 = vector.shape_cast %get3A_367 : vector<1x16xf32> to vector<16xf32>
      %get3A_369 = arith.index_cast %scan3A_86 : i32 to index
      %get3A_370 = arith.constant 320 : index
      %get3A_371 = tpu.vector_load %arg7[%get3A_369, %get3A_370] {strides = array<i32>} : memref<32x1024xf32, #tpu.memory_space<vmem>>, vector<1x16xf32>,
      %get3A_372 = vector.shape_cast %get3A_371 : vector<1x16xf32> to vector<16xf32>
      %add3A_373 = arith.addf %get3A_368, %get3A_372 : vector<16xf32>
      %swap3A_374 = arith.index_cast %scan3A_86 : i32 to index
      %swap3A_375 = arith.constant 320 : index
      %swap3A_376 = tpu.vector_load %arg6[%swap3A_374, %swap3A_375] {strides = array<i32>} : memref<32x1024xf32, #tpu.memory_space<vmem>>, vector<1x16xf32>,
      %swap3A_377 = vector.shape_cast %swap3A_376 : vector<1x16xf32> to vector<16xf32>
      %swap3A_378 = vector.shape_cast %add3A_373 : vector<16xf32> to vector<1x16xf32>
      tpu.vector_store %arg6[%swap3A_374, %swap3A_375], %swap3A_378 {strides = array<i32>} : memref<32x1024xf32, #tpu.memory_space<vmem>>, vector<1x16xf32>,
      %get3A_379 = arith.index_cast %scan3A_86 : i32 to index
      %get3A_380 = arith.constant 336 : index
      %get3A_381 = tpu.vector_load %arg6[%get3A_379, %get3A_380] {strides = array<i32>} : memref<32x1024xf32, #tpu.memory_space<vmem>>, vector<1x16xf32>,
      %get3A_382 = vector.shape_cast %get3A_381 : vector<1x16xf32> to vector<16xf32>
      %get3A_383 = arith.index_cast %scan3A_86 : i32 to index
      %get3A_384 = arith.constant 336 : index
      %get3A_385 = tpu.vector_load %arg7[%get3A_383, %get3A_384] {strides = array<i32>} : memref<32x1024xf32, #tpu.memory_space<vmem>>, vector<1x16xf32>,
      %get3A_386 = vector.shape_cast %get3A_385 : vector<1x16xf32> to vector<16xf32>
      %add3A_387 = arith.addf %get3A_382, %get3A_386 : vector<16xf32>
      %swap3A_388 = arith.index_cast %scan3A_86 : i32 to index
      %swap3A_389 = arith.constant 336 : index
      %swap3A_390 = tpu.vector_load %arg6[%swap3A_388, %swap3A_389] {strides = array<i32>} : memref<32x1024xf32, #tpu.memory_space<vmem>>, vector<1x16xf32>,
      %swap3A_391 = vector.shape_cast %swap3A_390 : vector<1x16xf32> to vector<16xf32>
      %swap3A_392 = vector.shape_cast %add3A_387 : vector<16xf32> to vector<1x16xf32>
      tpu.vector_store %arg6[%swap3A_388, %swap3A_389], %swap3A_392 {strides = array<i32>} : memref<32x1024xf32, #tpu.memory_space<vmem>>, vector<1x16xf32>,
      %get3A_393 = arith.index_cast %scan3A_86 : i32 to index
      %get3A_394 = arith.constant 352 : index
      %get3A_395 = tpu.vector_load %arg6[%get3A_393, %get3A_394] {strides = array<i32>} : memref<32x1024xf32, #tpu.memory_space<vmem>>, vector<1x16xf32>,
      %get3A_396 = vector.shape_cast %get3A_395 : vector<1x16xf32> to vector<16xf32>
      %get3A_397 = arith.index_cast %scan3A_86 : i32 to index
      %get3A_398 = arith.constant 352 : index
      %get3A_399 = tpu.vector_load %arg7[%get3A_397, %get3A_398] {strides = array<i32>} : memref<32x1024xf32, #tpu.memory_space<vmem>>, vector<1x16xf32>,
      %get3A_400 = vector.shape_cast %get3A_399 : vector<1x16xf32> to vector<16xf32>
      %add3A_401 = arith.addf %get3A_396, %get3A_400 : vector<16xf32>
      %swap3A_402 = arith.index_cast %scan3A_86 : i32 to index
      %swap3A_403 = arith.constant 352 : index
      %swap3A_404 = tpu.vector_load %arg6[%swap3A_402, %swap3A_403] {strides = array<i32>} : memref<32x1024xf32, #tpu.memory_space<vmem>>, vector<1x16xf32>,
      %swap3A_405 = vector.shape_cast %swap3A_404 : vector<1x16xf32> to vector<16xf32>
      %swap3A_406 = vector.shape_cast %add3A_401 : vector<16xf32> to vector<1x16xf32>
      tpu.vector_store %arg6[%swap3A_402, %swap3A_403], %swap3A_406 {strides = array<i32>} : memref<32x1024xf32, #tpu.memory_space<vmem>>, vector<1x16xf32>,
      %get3A_407 = arith.index_cast %scan3A_86 : i32 to index
      %get3A_408 = arith.constant 368 : index
      %get3A_409 = tpu.vector_load %arg6[%get3A_407, %get3A_408] {strides = array<i32>} : memref<32x1024xf32, #tpu.memory_space<vmem>>, vector<1x16xf32>,
      %get3A_410 = vector.shape_cast %get3A_409 : vector<1x16xf32> to vector<16xf32>
      %get3A_411 = arith.index_cast %scan3A_86 : i32 to index
      %get3A_412 = arith.constant 368 : index
      %get3A_413 = tpu.vector_load %arg7[%get3A_411, %get3A_412] {strides = array<i32>} : memref<32x1024xf32, #tpu.memory_space<vmem>>, vector<1x16xf32>,
      %get3A_414 = vector.shape_cast %get3A_413 : vector<1x16xf32> to vector<16xf32>
      %add3A_415 = arith.addf %get3A_410, %get3A_414 : vector<16xf32>
      %swap3A_416 = arith.index_cast %scan3A_86 : i32 to index
      %swap3A_417 = arith.constant 368 : index
      %swap3A_418 = tpu.vector_load %arg6[%swap3A_416, %swap3A_417] {strides = array<i32>} : memref<32x1024xf32, #tpu.memory_space<vmem>>, vector<1x16xf32>,
      %swap3A_419 = vector.shape_cast %swap3A_418 : vector<1x16xf32> to vector<16xf32>
      %swap3A_420 = vector.shape_cast %add3A_415 : vector<16xf32> to vector<1x16xf32>
      tpu.vector_store %arg6[%swap3A_416, %swap3A_417], %swap3A_420 {strides = array<i32>} : memref<32x1024xf32, #tpu.memory_space<vmem>>, vector<1x16xf32>,
      %get3A_421 = arith.index_cast %scan3A_86 : i32 to index
      %get3A_422 = arith.constant 384 : index
      %get3A_423 = tpu.vector_load %arg6[%get3A_421, %get3A_422] {strides = array<i32>} : memref<32x1024xf32, #tpu.memory_space<vmem>>, vector<1x16xf32>,
      %get3A_424 = vector.shape_cast %get3A_423 : vector<1x16xf32> to vector<16xf32>
      %get3A_425 = arith.index_cast %scan3A_86 : i32 to index
      %get3A_426 = arith.constant 384 : index
      %get3A_427 = tpu.vector_load %arg7[%get3A_425, %get3A_426] {strides = array<i32>} : memref<32x1024xf32, #tpu.memory_space<vmem>>, vector<1x16xf32>,
      %get3A_428 = vector.shape_cast %get3A_427 : vector<1x16xf32> to vector<16xf32>
      %add3A_429 = arith.addf %get3A_424, %get3A_428 : vector<16xf32>
      %swap3A_430 = arith.index_cast %scan3A_86 : i32 to index
      %swap3A_431 = arith.constant 384 : index
      %swap3A_432 = tpu.vector_load %arg6[%swap3A_430, %swap3A_431] {strides = array<i32>} : memref<32x1024xf32, #tpu.memory_space<vmem>>, vector<1x16xf32>,
      %swap3A_433 = vector.shape_cast %swap3A_432 : vector<1x16xf32> to vector<16xf32>
      %swap3A_434 = vector.shape_cast %add3A_429 : vector<16xf32> to vector<1x16xf32>
      tpu.vector_store %arg6[%swap3A_430, %swap3A_431], %swap3A_434 {strides = array<i32>} : memref<32x1024xf32, #tpu.memory_space<vmem>>, vector<1x16xf32>,
      %get3A_435 = arith.index_cast %scan3A_86 : i32 to index
      %get3A_436 = arith.constant 400 : index
      %get3A_437 = tpu.vector_load %arg6[%get3A_435, %get3A_436] {strides = array<i32>} : memref<32x1024xf32, #tpu.memory_space<vmem>>, vector<1x16xf32>,
      %get3A_438 = vector.shape_cast %get3A_437 : vector<1x16xf32> to vector<16xf32>
      %get3A_439 = arith.index_cast %scan3A_86 : i32 to index
      %get3A_440 = arith.constant 400 : index
      %get3A_441 = tpu.vector_load %arg7[%get3A_439, %get3A_440] {strides = array<i32>} : memref<32x1024xf32, #tpu.memory_space<vmem>>, vector<1x16xf32>,
      %get3A_442 = vector.shape_cast %get3A_441 : vector<1x16xf32> to vector<16xf32>
      %add3A_443 = arith.addf %get3A_438, %get3A_442 : vector<16xf32>
      %swap3A_444 = arith.index_cast %scan3A_86 : i32 to index
      %swap3A_445 = arith.constant 400 : index
      %swap3A_446 = tpu.vector_load %arg6[%swap3A_444, %swap3A_445] {strides = array<i32>} : memref<32x1024xf32, #tpu.memory_space<vmem>>, vector<1x16xf32>,
      %swap3A_447 = vector.shape_cast %swap3A_446 : vector<1x16xf32> to vector<16xf32>
      %swap3A_448 = vector.shape_cast %add3A_443 : vector<16xf32> to vector<1x16xf32>
      tpu.vector_store %arg6[%swap3A_444, %swap3A_445], %swap3A_448 {strides = array<i32>} : memref<32x1024xf32, #tpu.memory_space<vmem>>, vector<1x16xf32>,
      %get3A_449 = arith.index_cast %scan3A_86 : i32 to index
      %get3A_450 = arith.constant 416 : index
      %get3A_451 = tpu.vector_load %arg6[%get3A_449, %get3A_450] {strides = array<i32>} : memref<32x1024xf32, #tpu.memory_space<vmem>>, vector<1x16xf32>,
      %get3A_452 = vector.shape_cast %get3A_451 : vector<1x16xf32> to vector<16xf32>
      %get3A_453 = arith.index_cast %scan3A_86 : i32 to index
      %get3A_454 = arith.constant 416 : index
      %get3A_455 = tpu.vector_load %arg7[%get3A_453, %get3A_454] {strides = array<i32>} : memref<32x1024xf32, #tpu.memory_space<vmem>>, vector<1x16xf32>,
      %get3A_456 = vector.shape_cast %get3A_455 : vector<1x16xf32> to vector<16xf32>
      %add3A_457 = arith.addf %get3A_452, %get3A_456 : vector<16xf32>
      %swap3A_458 = arith.index_cast %scan3A_86 : i32 to index
      %swap3A_459 = arith.constant 416 : index
      %swap3A_460 = tpu.vector_load %arg6[%swap3A_458, %swap3A_459] {strides = array<i32>} : memref<32x1024xf32, #tpu.memory_space<vmem>>, vector<1x16xf32>,
      %swap3A_461 = vector.shape_cast %swap3A_460 : vector<1x16xf32> to vector<16xf32>
      %swap3A_462 = vector.shape_cast %add3A_457 : vector<16xf32> to vector<1x16xf32>
      tpu.vector_store %arg6[%swap3A_458, %swap3A_459], %swap3A_462 {strides = array<i32>} : memref<32x1024xf32, #tpu.memory_space<vmem>>, vector<1x16xf32>,
      %get3A_463 = arith.index_cast %scan3A_86 : i32 to index
      %get3A_464 = arith.constant 432 : index
      %get3A_465 = tpu.vector_load %arg6[%get3A_463, %get3A_464] {strides = array<i32>} : memref<32x1024xf32, #tpu.memory_space<vmem>>, vector<1x16xf32>,
      %get3A_466 = vector.shape_cast %get3A_465 : vector<1x16xf32> to vector<16xf32>
      %get3A_467 = arith.index_cast %scan3A_86 : i32 to index
      %get3A_468 = arith.constant 432 : index
      %get3A_469 = tpu.vector_load %arg7[%get3A_467, %get3A_468] {strides = array<i32>} : memref<32x1024xf32, #tpu.memory_space<vmem>>, vector<1x16xf32>,
      %get3A_470 = vector.shape_cast %get3A_469 : vector<1x16xf32> to vector<16xf32>
      %add3A_471 = arith.addf %get3A_466, %get3A_470 : vector<16xf32>
      %swap3A_472 = arith.index_cast %scan3A_86 : i32 to index
      %swap3A_473 = arith.constant 432 : index
      %swap3A_474 = tpu.vector_load %arg6[%swap3A_472, %swap3A_473] {strides = array<i32>} : memref<32x1024xf32, #tpu.memory_space<vmem>>, vector<1x16xf32>,
      %swap3A_475 = vector.shape_cast %swap3A_474 : vector<1x16xf32> to vector<16xf32>
      %swap3A_476 = vector.shape_cast %add3A_471 : vector<16xf32> to vector<1x16xf32>
      tpu.vector_store %arg6[%swap3A_472, %swap3A_473], %swap3A_476 {strides = array<i32>} : memref<32x1024xf32, #tpu.memory_space<vmem>>, vector<1x16xf32>,
      %get3A_477 = arith.index_cast %scan3A_86 : i32 to index
      %get3A_478 = arith.constant 448 : index
      %get3A_479 = tpu.vector_load %arg6[%get3A_477, %get3A_478] {strides = array<i32>} : memref<32x1024xf32, #tpu.memory_space<vmem>>, vector<1x16xf32>,
      %get3A_480 = vector.shape_cast %get3A_479 : vector<1x16xf32> to vector<16xf32>
      %get3A_481 = arith.index_cast %scan3A_86 : i32 to index
      %get3A_482 = arith.constant 448 : index
      %get3A_483 = tpu.vector_load %arg7[%get3A_481, %get3A_482] {strides = array<i32>} : memref<32x1024xf32, #tpu.memory_space<vmem>>, vector<1x16xf32>,
      %get3A_484 = vector.shape_cast %get3A_483 : vector<1x16xf32> to vector<16xf32>
      %add3A_485 = arith.addf %get3A_480, %get3A_484 : vector<16xf32>
      %swap3A_486 = arith.index_cast %scan3A_86 : i32 to index
      %swap3A_487 = arith.constant 448 : index
      %swap3A_488 = tpu.vector_load %arg6[%swap3A_486, %swap3A_487] {strides = array<i32>} : memref<32x1024xf32, #tpu.memory_space<vmem>>, vector<1x16xf32>,
      %swap3A_489 = vector.shape_cast %swap3A_488 : vector<1x16xf32> to vector<16xf32>
      %swap3A_490 = vector.shape_cast %add3A_485 : vector<16xf32> to vector<1x16xf32>
      tpu.vector_store %arg6[%swap3A_486, %swap3A_487], %swap3A_490 {strides = array<i32>} : memref<32x1024xf32, #tpu.memory_space<vmem>>, vector<1x16xf32>,
      %get3A_491 = arith.index_cast %scan3A_86 : i32 to index
      %get3A_492 = arith.constant 464 : index
      %get3A_493 = tpu.vector_load %arg6[%get3A_491, %get3A_492] {strides = array<i32>} : memref<32x1024xf32, #tpu.memory_space<vmem>>, vector<1x16xf32>,
      %get3A_494 = vector.shape_cast %get3A_493 : vector<1x16xf32> to vector<16xf32>
      %get3A_495 = arith.index_cast %scan3A_86 : i32 to index
      %get3A_496 = arith.constant 464 : index
      %get3A_497 = tpu.vector_load %arg7[%get3A_495, %get3A_496] {strides = array<i32>} : memref<32x1024xf32, #tpu.memory_space<vmem>>, vector<1x16xf32>,
      %get3A_498 = vector.shape_cast %get3A_497 : vector<1x16xf32> to vector<16xf32>
      %add3A_499 = arith.addf %get3A_494, %get3A_498 : vector<16xf32>
      %swap3A_500 = arith.index_cast %scan3A_86 : i32 to index
      %swap3A_501 = arith.constant 464 : index
      %swap3A_502 = tpu.vector_load %arg6[%swap3A_500, %swap3A_501] {strides = array<i32>} : memref<32x1024xf32, #tpu.memory_space<vmem>>, vector<1x16xf32>,
      %swap3A_503 = vector.shape_cast %swap3A_502 : vector<1x16xf32> to vector<16xf32>
      %swap3A_504 = vector.shape_cast %add3A_499 : vector<16xf32> to vector<1x16xf32>
      tpu.vector_store %arg6[%swap3A_500, %swap3A_501], %swap3A_504 {strides = array<i32>} : memref<32x1024xf32, #tpu.memory_space<vmem>>, vector<1x16xf32>,
      %get3A_505 = arith.index_cast %scan3A_86 : i32 to index
      %get3A_506 = arith.constant 480 : index
      %get3A_507 = tpu.vector_load %arg6[%get3A_505, %get3A_506] {strides = array<i32>} : memref<32x1024xf32, #tpu.memory_space<vmem>>, vector<1x16xf32>,
      %get3A_508 = vector.shape_cast %get3A_507 : vector<1x16xf32> to vector<16xf32>
      %get3A_509 = arith.index_cast %scan3A_86 : i32 to index
      %get3A_510 = arith.constant 480 : index
      %get3A_511 = tpu.vector_load %arg7[%get3A_509, %get3A_510] {strides = array<i32>} : memref<32x1024xf32, #tpu.memory_space<vmem>>, vector<1x16xf32>,
      %get3A_512 = vector.shape_cast %get3A_511 : vector<1x16xf32> to vector<16xf32>
      %add3A_513 = arith.addf %get3A_508, %get3A_512 : vector<16xf32>
      %swap3A_514 = arith.index_cast %scan3A_86 : i32 to index
      %swap3A_515 = arith.constant 480 : index
      %swap3A_516 = tpu.vector_load %arg6[%swap3A_514, %swap3A_515] {strides = array<i32>} : memref<32x1024xf32, #tpu.memory_space<vmem>>, vector<1x16xf32>,
      %swap3A_517 = vector.shape_cast %swap3A_516 : vector<1x16xf32> to vector<16xf32>
      %swap3A_518 = vector.shape_cast %add3A_513 : vector<16xf32> to vector<1x16xf32>
      tpu.vector_store %arg6[%swap3A_514, %swap3A_515], %swap3A_518 {strides = array<i32>} : memref<32x1024xf32, #tpu.memory_space<vmem>>, vector<1x16xf32>,
      %get3A_519 = arith.index_cast %scan3A_86 : i32 to index
      %get3A_520 = arith.constant 496 : index
      %get3A_521 = tpu.vector_load %arg6[%get3A_519, %get3A_520] {strides = array<i32>} : memref<32x1024xf32, #tpu.memory_space<vmem>>, vector<1x16xf32>,
      %get3A_522 = vector.shape_cast %get3A_521 : vector<1x16xf32> to vector<16xf32>
      %get3A_523 = arith.index_cast %scan3A_86 : i32 to index
      %get3A_524 = arith.constant 496 : index
      %get3A_525 = tpu.vector_load %arg7[%get3A_523, %get3A_524] {strides = array<i32>} : memref<32x1024xf32, #tpu.memory_space<vmem>>, vector<1x16xf32>,
      %get3A_526 = vector.shape_cast %get3A_525 : vector<1x16xf32> to vector<16xf32>
      %add3A_527 = arith.addf %get3A_522, %get3A_526 : vector<16xf32>
      %swap3A_528 = arith.index_cast %scan3A_86 : i32 to index
      %swap3A_529 = arith.constant 496 : index
      %swap3A_530 = tpu.vector_load %arg6[%swap3A_528, %swap3A_529] {strides = array<i32>} : memref<32x1024xf32, #tpu.memory_space<vmem>>, vector<1x16xf32>,
      %swap3A_531 = vector.shape_cast %swap3A_530 : vector<1x16xf32> to vector<16xf32>
      %swap3A_532 = vector.shape_cast %add3A_527 : vector<16xf32> to vector<1x16xf32>
      tpu.vector_store %arg6[%swap3A_528, %swap3A_529], %swap3A_532 {strides = array<i32>} : memref<32x1024xf32, #tpu.memory_space<vmem>>, vector<1x16xf32>,
      %get3A_533 = arith.index_cast %scan3A_86 : i32 to index
      %get3A_534 = arith.constant 512 : index
      %get3A_535 = tpu.vector_load %arg6[%get3A_533, %get3A_534] {strides = array<i32>} : memref<32x1024xf32, #tpu.memory_space<vmem>>, vector<1x16xf32>,
      %get3A_536 = vector.shape_cast %get3A_535 : vector<1x16xf32> to vector<16xf32>
      %get3A_537 = arith.index_cast %scan3A_86 : i32 to index
      %get3A_538 = arith.constant 512 : index
      %get3A_539 = tpu.vector_load %arg7[%get3A_537, %get3A_538] {strides = array<i32>} : memref<32x1024xf32, #tpu.memory_space<vmem>>, vector<1x16xf32>,
      %get3A_540 = vector.shape_cast %get3A_539 : vector<1x16xf32> to vector<16xf32>
      %add3A_541 = arith.addf %get3A_536, %get3A_540 : vector<16xf32>
      %swap3A_542 = arith.index_cast %scan3A_86 : i32 to index
      %swap3A_543 = arith.constant 512 : index
      %swap3A_544 = tpu.vector_load %arg6[%swap3A_542, %swap3A_543] {strides = array<i32>} : memref<32x1024xf32, #tpu.memory_space<vmem>>, vector<1x16xf32>,
      %swap3A_545 = vector.shape_cast %swap3A_544 : vector<1x16xf32> to vector<16xf32>
      %swap3A_546 = vector.shape_cast %add3A_541 : vector<16xf32> to vector<1x16xf32>
      tpu.vector_store %arg6[%swap3A_542, %swap3A_543], %swap3A_546 {strides = array<i32>} : memref<32x1024xf32, #tpu.memory_space<vmem>>, vector<1x16xf32>,
      %get3A_547 = arith.index_cast %scan3A_86 : i32 to index
      %get3A_548 = arith.constant 528 : index
      %get3A_549 = tpu.vector_load %arg6[%get3A_547, %get3A_548] {strides = array<i32>} : memref<32x1024xf32, #tpu.memory_space<vmem>>, vector<1x16xf32>,
      %get3A_550 = vector.shape_cast %get3A_549 : vector<1x16xf32> to vector<16xf32>
      %get3A_551 = arith.index_cast %scan3A_86 : i32 to index
      %get3A_552 = arith.constant 528 : index
      %get3A_553 = tpu.vector_load %arg7[%get3A_551, %get3A_552] {strides = array<i32>} : memref<32x1024xf32, #tpu.memory_space<vmem>>, vector<1x16xf32>,
      %get3A_554 = vector.shape_cast %get3A_553 : vector<1x16xf32> to vector<16xf32>
      %add3A_555 = arith.addf %get3A_550, %get3A_554 : vector<16xf32>
      %swap3A_556 = arith.index_cast %scan3A_86 : i32 to index
      %swap3A_557 = arith.constant 528 : index
      %swap3A_558 = tpu.vector_load %arg6[%swap3A_556, %swap3A_557] {strides = array<i32>} : memref<32x1024xf32, #tpu.memory_space<vmem>>, vector<1x16xf32>,
      %swap3A_559 = vector.shape_cast %swap3A_558 : vector<1x16xf32> to vector<16xf32>
      %swap3A_560 = vector.shape_cast %add3A_555 : vector<16xf32> to vector<1x16xf32>
      tpu.vector_store %arg6[%swap3A_556, %swap3A_557], %swap3A_560 {strides = array<i32>} : memref<32x1024xf32, #tpu.memory_space<vmem>>, vector<1x16xf32>,
      %get3A_561 = arith.index_cast %scan3A_86 : i32 to index
      %get3A_562 = arith.constant 544 : index
      %get3A_563 = tpu.vector_load %arg6[%get3A_561, %get3A_562] {strides = array<i32>} : memref<32x1024xf32, #tpu.memory_space<vmem>>, vector<1x16xf32>,
      %get3A_564 = vector.shape_cast %get3A_563 : vector<1x16xf32> to vector<16xf32>
      %get3A_565 = arith.index_cast %scan3A_86 : i32 to index
      %get3A_566 = arith.constant 544 : index
      %get3A_567 = tpu.vector_load %arg7[%get3A_565, %get3A_566] {strides = array<i32>} : memref<32x1024xf32, #tpu.memory_space<vmem>>, vector<1x16xf32>,
      %get3A_568 = vector.shape_cast %get3A_567 : vector<1x16xf32> to vector<16xf32>
      %add3A_569 = arith.addf %get3A_564, %get3A_568 : vector<16xf32>
      %swap3A_570 = arith.index_cast %scan3A_86 : i32 to index
      %swap3A_571 = arith.constant 544 : index
      %swap3A_572 = tpu.vector_load %arg6[%swap3A_570, %swap3A_571] {strides = array<i32>} : memref<32x1024xf32, #tpu.memory_space<vmem>>, vector<1x16xf32>,
      %swap3A_573 = vector.shape_cast %swap3A_572 : vector<1x16xf32> to vector<16xf32>
      %swap3A_574 = vector.shape_cast %add3A_569 : vector<16xf32> to vector<1x16xf32>
      tpu.vector_store %arg6[%swap3A_570, %swap3A_571], %swap3A_574 {strides = array<i32>} : memref<32x1024xf32, #tpu.memory_space<vmem>>, vector<1x16xf32>,
      %get3A_575 = arith.index_cast %scan3A_86 : i32 to index
      %get3A_576 = arith.constant 560 : index
      %get3A_577 = tpu.vector_load %arg6[%get3A_575, %get3A_576] {strides = array<i32>} : memref<32x1024xf32, #tpu.memory_space<vmem>>, vector<1x16xf32>,
      %get3A_578 = vector.shape_cast %get3A_577 : vector<1x16xf32> to vector<16xf32>
      %get3A_579 = arith.index_cast %scan3A_86 : i32 to index
      %get3A_580 = arith.constant 560 : index
      %get3A_581 = tpu.vector_load %arg7[%get3A_579, %get3A_580] {strides = array<i32>} : memref<32x1024xf32, #tpu.memory_space<vmem>>, vector<1x16xf32>,
      %get3A_582 = vector.shape_cast %get3A_581 : vector<1x16xf32> to vector<16xf32>
      %add3A_583 = arith.addf %get3A_578, %get3A_582 : vector<16xf32>
      %swap3A_584 = arith.index_cast %scan3A_86 : i32 to index
      %swap3A_585 = arith.constant 560 : index
      %swap3A_586 = tpu.vector_load %arg6[%swap3A_584, %swap3A_585] {strides = array<i32>} : memref<32x1024xf32, #tpu.memory_space<vmem>>, vector<1x16xf32>,
      %swap3A_587 = vector.shape_cast %swap3A_586 : vector<1x16xf32> to vector<16xf32>
      %swap3A_588 = vector.shape_cast %add3A_583 : vector<16xf32> to vector<1x16xf32>
      tpu.vector_store %arg6[%swap3A_584, %swap3A_585], %swap3A_588 {strides = array<i32>} : memref<32x1024xf32, #tpu.memory_space<vmem>>, vector<1x16xf32>,
      %get3A_589 = arith.index_cast %scan3A_86 : i32 to index
      %get3A_590 = arith.constant 576 : index
      %get3A_591 = tpu.vector_load %arg6[%get3A_589, %get3A_590] {strides = array<i32>} : memref<32x1024xf32, #tpu.memory_space<vmem>>, vector<1x16xf32>,
      %get3A_592 = vector.shape_cast %get3A_591 : vector<1x16xf32> to vector<16xf32>
      %get3A_593 = arith.index_cast %scan3A_86 : i32 to index
      %get3A_594 = arith.constant 576 : index
      %get3A_595 = tpu.vector_load %arg7[%get3A_593, %get3A_594] {strides = array<i32>} : memref<32x1024xf32, #tpu.memory_space<vmem>>, vector<1x16xf32>,
      %get3A_596 = vector.shape_cast %get3A_595 : vector<1x16xf32> to vector<16xf32>
      %add3A_597 = arith.addf %get3A_592, %get3A_596 : vector<16xf32>
      %swap3A_598 = arith.index_cast %scan3A_86 : i32 to index
      %swap3A_599 = arith.constant 576 : index
      %swap3A_600 = tpu.vector_load %arg6[%swap3A_598, %swap3A_599] {strides = array<i32>} : memref<32x1024xf32, #tpu.memory_space<vmem>>, vector<1x16xf32>,
      %swap3A_601 = vector.shape_cast %swap3A_600 : vector<1x16xf32> to vector<16xf32>
      %swap3A_602 = vector.shape_cast %add3A_597 : vector<16xf32> to vector<1x16xf32>
      tpu.vector_store %arg6[%swap3A_598, %swap3A_599], %swap3A_602 {strides = array<i32>} : memref<32x1024xf32, #tpu.memory_space<vmem>>, vector<1x16xf32>,
      %get3A_603 = arith.index_cast %scan3A_86 : i32 to index
      %get3A_604 = arith.constant 592 : index
      %get3A_605 = tpu.vector_load %arg6[%get3A_603, %get3A_604] {strides = array<i32>} : memref<32x1024xf32, #tpu.memory_space<vmem>>, vector<1x16xf32>,
      %get3A_606 = vector.shape_cast %get3A_605 : vector<1x16xf32> to vector<16xf32>
      %get3A_607 = arith.index_cast %scan3A_86 : i32 to index
      %get3A_608 = arith.constant 592 : index
      %get3A_609 = tpu.vector_load %arg7[%get3A_607, %get3A_608] {strides = array<i32>} : memref<32x1024xf32, #tpu.memory_space<vmem>>, vector<1x16xf32>,
      %get3A_610 = vector.shape_cast %get3A_609 : vector<1x16xf32> to vector<16xf32>
      %add3A_611 = arith.addf %get3A_606, %get3A_610 : vector<16xf32>
      %swap3A_612 = arith.index_cast %scan3A_86 : i32 to index
      %swap3A_613 = arith.constant 592 : index
      %swap3A_614 = tpu.vector_load %arg6[%swap3A_612, %swap3A_613] {strides = array<i32>} : memref<32x1024xf32, #tpu.memory_space<vmem>>, vector<1x16xf32>,
      %swap3A_615 = vector.shape_cast %swap3A_614 : vector<1x16xf32> to vector<16xf32>
      %swap3A_616 = vector.shape_cast %add3A_611 : vector<16xf32> to vector<1x16xf32>
      tpu.vector_store %arg6[%swap3A_612, %swap3A_613], %swap3A_616 {strides = array<i32>} : memref<32x1024xf32, #tpu.memory_space<vmem>>, vector<1x16xf32>,
      %get3A_617 = arith.index_cast %scan3A_86 : i32 to index
      %get3A_618 = arith.constant 608 : index
      %get3A_619 = tpu.vector_load %arg6[%get3A_617, %get3A_618] {strides = array<i32>} : memref<32x1024xf32, #tpu.memory_space<vmem>>, vector<1x16xf32>,
      %get3A_620 = vector.shape_cast %get3A_619 : vector<1x16xf32> to vector<16xf32>
      %get3A_621 = arith.index_cast %scan3A_86 : i32 to index
      %get3A_622 = arith.constant 608 : index
      %get3A_623 = tpu.vector_load %arg7[%get3A_621, %get3A_622] {strides = array<i32>} : memref<32x1024xf32, #tpu.memory_space<vmem>>, vector<1x16xf32>,
      %get3A_624 = vector.shape_cast %get3A_623 : vector<1x16xf32> to vector<16xf32>
      %add3A_625 = arith.addf %get3A_620, %get3A_624 : vector<16xf32>
      %swap3A_626 = arith.index_cast %scan3A_86 : i32 to index
      %swap3A_627 = arith.constant 608 : index
      %swap3A_628 = tpu.vector_load %arg6[%swap3A_626, %swap3A_627] {strides = array<i32>} : memref<32x1024xf32, #tpu.memory_space<vmem>>, vector<1x16xf32>,
      %swap3A_629 = vector.shape_cast %swap3A_628 : vector<1x16xf32> to vector<16xf32>
      %swap3A_630 = vector.shape_cast %add3A_625 : vector<16xf32> to vector<1x16xf32>
      tpu.vector_store %arg6[%swap3A_626, %swap3A_627], %swap3A_630 {strides = array<i32>} : memref<32x1024xf32, #tpu.memory_space<vmem>>, vector<1x16xf32>,
      %get3A_631 = arith.index_cast %scan3A_86 : i32 to index
      %get3A_632 = arith.constant 624 : index
      %get3A_633 = tpu.vector_load %arg6[%get3A_631, %get3A_632] {strides = array<i32>} : memref<32x1024xf32, #tpu.memory_space<vmem>>, vector<1x16xf32>,
      %get3A_634 = vector.shape_cast %get3A_633 : vector<1x16xf32> to vector<16xf32>
      %get3A_635 = arith.index_cast %scan3A_86 : i32 to index
      %get3A_636 = arith.constant 624 : index
      %get3A_637 = tpu.vector_load %arg7[%get3A_635, %get3A_636] {strides = array<i32>} : memref<32x1024xf32, #tpu.memory_space<vmem>>, vector<1x16xf32>,
      %get3A_638 = vector.shape_cast %get3A_637 : vector<1x16xf32> to vector<16xf32>
      %add3A_639 = arith.addf %get3A_634, %get3A_638 : vector<16xf32>
      %swap3A_640 = arith.index_cast %scan3A_86 : i32 to index
      %swap3A_641 = arith.constant 624 : index
      %swap3A_642 = tpu.vector_load %arg6[%swap3A_640, %swap3A_641] {strides = array<i32>} : memref<32x1024xf32, #tpu.memory_space<vmem>>, vector<1x16xf32>,
      %swap3A_643 = vector.shape_cast %swap3A_642 : vector<1x16xf32> to vector<16xf32>
      %swap3A_644 = vector.shape_cast %add3A_639 : vector<16xf32> to vector<1x16xf32>
      tpu.vector_store %arg6[%swap3A_640, %swap3A_641], %swap3A_644 {strides = array<i32>} : memref<32x1024xf32, #tpu.memory_space<vmem>>, vector<1x16xf32>,
      %get3A_645 = arith.index_cast %scan3A_86 : i32 to index
      %get3A_646 = arith.constant 640 : index
      %get3A_647 = tpu.vector_load %arg6[%get3A_645, %get3A_646] {strides = array<i32>} : memref<32x1024xf32, #tpu.memory_space<vmem>>, vector<1x16xf32>,
      %get3A_648 = vector.shape_cast %get3A_647 : vector<1x16xf32> to vector<16xf32>
      %get3A_649 = arith.index_cast %scan3A_86 : i32 to index
      %get3A_650 = arith.constant 640 : index
      %get3A_651 = tpu.vector_load %arg7[%get3A_649, %get3A_650] {strides = array<i32>} : memref<32x1024xf32, #tpu.memory_space<vmem>>, vector<1x16xf32>,
      %get3A_652 = vector.shape_cast %get3A_651 : vector<1x16xf32> to vector<16xf32>
      %add3A_653 = arith.addf %get3A_648, %get3A_652 : vector<16xf32>
      %swap3A_654 = arith.index_cast %scan3A_86 : i32 to index
      %swap3A_655 = arith.constant 640 : index
      %swap3A_656 = tpu.vector_load %arg6[%swap3A_654, %swap3A_655] {strides = array<i32>} : memref<32x1024xf32, #tpu.memory_space<vmem>>, vector<1x16xf32>,
      %swap3A_657 = vector.shape_cast %swap3A_656 : vector<1x16xf32> to vector<16xf32>
      %swap3A_658 = vector.shape_cast %add3A_653 : vector<16xf32> to vector<1x16xf32>
      tpu.vector_store %arg6[%swap3A_654, %swap3A_655], %swap3A_658 {strides = array<i32>} : memref<32x1024xf32, #tpu.memory_space<vmem>>, vector<1x16xf32>,
      %get3A_659 = arith.index_cast %scan3A_86 : i32 to index
      %get3A_660 = arith.constant 656 : index
      %get3A_661 = tpu.vector_load %arg6[%get3A_659, %get3A_660] {strides = array<i32>} : memref<32x1024xf32, #tpu.memory_space<vmem>>, vector<1x16xf32>,
      %get3A_662 = vector.shape_cast %get3A_661 : vector<1x16xf32> to vector<16xf32>
      %get3A_663 = arith.index_cast %scan3A_86 : i32 to index
      %get3A_664 = arith.constant 656 : index
      %get3A_665 = tpu.vector_load %arg7[%get3A_663, %get3A_664] {strides = array<i32>} : memref<32x1024xf32, #tpu.memory_space<vmem>>, vector<1x16xf32>,
      %get3A_666 = vector.shape_cast %get3A_665 : vector<1x16xf32> to vector<16xf32>
      %add3A_667 = arith.addf %get3A_662, %get3A_666 : vector<16xf32>
      %swap3A_668 = arith.index_cast %scan3A_86 : i32 to index
      %swap3A_669 = arith.constant 656 : index
      %swap3A_670 = tpu.vector_load %arg6[%swap3A_668, %swap3A_669] {strides = array<i32>} : memref<32x1024xf32, #tpu.memory_space<vmem>>, vector<1x16xf32>,
      %swap3A_671 = vector.shape_cast %swap3A_670 : vector<1x16xf32> to vector<16xf32>
      %swap3A_672 = vector.shape_cast %add3A_667 : vector<16xf32> to vector<1x16xf32>
      tpu.vector_store %arg6[%swap3A_668, %swap3A_669], %swap3A_672 {strides = array<i32>} : memref<32x1024xf32, #tpu.memory_space<vmem>>, vector<1x16xf32>,
      %get3A_673 = arith.index_cast %scan3A_86 : i32 to index
      %get3A_674 = arith.constant 672 : index
      %get3A_675 = tpu.vector_load %arg6[%get3A_673, %get3A_674] {strides = array<i32>} : memref<32x1024xf32, #tpu.memory_space<vmem>>, vector<1x16xf32>,
      %get3A_676 = vector.shape_cast %get3A_675 : vector<1x16xf32> to vector<16xf32>
      %get3A_677 = arith.index_cast %scan3A_86 : i32 to index
      %get3A_678 = arith.constant 672 : index
      %get3A_679 = tpu.vector_load %arg7[%get3A_677, %get3A_678] {strides = array<i32>} : memref<32x1024xf32, #tpu.memory_space<vmem>>, vector<1x16xf32>,
      %get3A_680 = vector.shape_cast %get3A_679 : vector<1x16xf32> to vector<16xf32>
      %add3A_681 = arith.addf %get3A_676, %get3A_680 : vector<16xf32>
      %swap3A_682 = arith.index_cast %scan3A_86 : i32 to index
      %swap3A_683 = arith.constant 672 : index
      %swap3A_684 = tpu.vector_load %arg6[%swap3A_682, %swap3A_683] {strides = array<i32>} : memref<32x1024xf32, #tpu.memory_space<vmem>>, vector<1x16xf32>,
      %swap3A_685 = vector.shape_cast %swap3A_684 : vector<1x16xf32> to vector<16xf32>
      %swap3A_686 = vector.shape_cast %add3A_681 : vector<16xf32> to vector<1x16xf32>
      tpu.vector_store %arg6[%swap3A_682, %swap3A_683], %swap3A_686 {strides = array<i32>} : memref<32x1024xf32, #tpu.memory_space<vmem>>, vector<1x16xf32>,
      %get3A_687 = arith.index_cast %scan3A_86 : i32 to index
      %get3A_688 = arith.constant 688 : index
      %get3A_689 = tpu.vector_load %arg6[%get3A_687, %get3A_688] {strides = array<i32>} : memref<32x1024xf32, #tpu.memory_space<vmem>>, vector<1x16xf32>,
      %get3A_690 = vector.shape_cast %get3A_689 : vector<1x16xf32> to vector<16xf32>
      %get3A_691 = arith.index_cast %scan3A_86 : i32 to index
      %get3A_692 = arith.constant 688 : index
      %get3A_693 = tpu.vector_load %arg7[%get3A_691, %get3A_692] {strides = array<i32>} : memref<32x1024xf32, #tpu.memory_space<vmem>>, vector<1x16xf32>,
      %get3A_694 = vector.shape_cast %get3A_693 : vector<1x16xf32> to vector<16xf32>
      %add3A_695 = arith.addf %get3A_690, %get3A_694 : vector<16xf32>
      %swap3A_696 = arith.index_cast %scan3A_86 : i32 to index
      %swap3A_697 = arith.constant 688 : index
      %swap3A_698 = tpu.vector_load %arg6[%swap3A_696, %swap3A_697] {strides = array<i32>} : memref<32x1024xf32, #tpu.memory_space<vmem>>, vector<1x16xf32>,
      %swap3A_699 = vector.shape_cast %swap3A_698 : vector<1x16xf32> to vector<16xf32>
      %swap3A_700 = vector.shape_cast %add3A_695 : vector<16xf32> to vector<1x16xf32>
      tpu.vector_store %arg6[%swap3A_696, %swap3A_697], %swap3A_700 {strides = array<i32>} : memref<32x1024xf32, #tpu.memory_space<vmem>>, vector<1x16xf32>,
      %get3A_701 = arith.index_cast %scan3A_86 : i32 to index
      %get3A_702 = arith.constant 704 : index
      %get3A_703 = tpu.vector_load %arg6[%get3A_701, %get3A_702] {strides = array<i32>} : memref<32x1024xf32, #tpu.memory_space<vmem>>, vector<1x16xf32>,
      %get3A_704 = vector.shape_cast %get3A_703 : vector<1x16xf32> to vector<16xf32>
      %get3A_705 = arith.index_cast %scan3A_86 : i32 to index
      %get3A_706 = arith.constant 704 : index
      %get3A_707 = tpu.vector_load %arg7[%get3A_705, %get3A_706] {strides = array<i32>} : memref<32x1024xf32, #tpu.memory_space<vmem>>, vector<1x16xf32>,
      %get3A_708 = vector.shape_cast %get3A_707 : vector<1x16xf32> to vector<16xf32>
      %add3A_709 = arith.addf %get3A_704, %get3A_708 : vector<16xf32>
      %swap3A_710 = arith.index_cast %scan3A_86 : i32 to index
      %swap3A_711 = arith.constant 704 : index
      %swap3A_712 = tpu.vector_load %arg6[%swap3A_710, %swap3A_711] {strides = array<i32>} : memref<32x1024xf32, #tpu.memory_space<vmem>>, vector<1x16xf32>,
      %swap3A_713 = vector.shape_cast %swap3A_712 : vector<1x16xf32> to vector<16xf32>
      %swap3A_714 = vector.shape_cast %add3A_709 : vector<16xf32> to vector<1x16xf32>
      tpu.vector_store %arg6[%swap3A_710, %swap3A_711], %swap3A_714 {strides = array<i32>} : memref<32x1024xf32, #tpu.memory_space<vmem>>, vector<1x16xf32>,
      %get3A_715 = arith.index_cast %scan3A_86 : i32 to index
      %get3A_716 = arith.constant 720 : index
      %get3A_717 = tpu.vector_load %arg6[%get3A_715, %get3A_716] {strides = array<i32>} : memref<32x1024xf32, #tpu.memory_space<vmem>>, vector<1x16xf32>,
      %get3A_718 = vector.shape_cast %get3A_717 : vector<1x16xf32> to vector<16xf32>
      %get3A_719 = arith.index_cast %scan3A_86 : i32 to index
      %get3A_720 = arith.constant 720 : index
      %get3A_721 = tpu.vector_load %arg7[%get3A_719, %get3A_720] {strides = array<i32>} : memref<32x1024xf32, #tpu.memory_space<vmem>>, vector<1x16xf32>,
      %get3A_722 = vector.shape_cast %get3A_721 : vector<1x16xf32> to vector<16xf32>
      %add3A_723 = arith.addf %get3A_718, %get3A_722 : vector<16xf32>
      %swap3A_724 = arith.index_cast %scan3A_86 : i32 to index
      %swap3A_725 = arith.constant 720 : index
      %swap3A_726 = tpu.vector_load %arg6[%swap3A_724, %swap3A_725] {strides = array<i32>} : memref<32x1024xf32, #tpu.memory_space<vmem>>, vector<1x16xf32>,
      %swap3A_727 = vector.shape_cast %swap3A_726 : vector<1x16xf32> to vector<16xf32>
      %swap3A_728 = vector.shape_cast %add3A_723 : vector<16xf32> to vector<1x16xf32>
      tpu.vector_store %arg6[%swap3A_724, %swap3A_725], %swap3A_728 {strides = array<i32>} : memref<32x1024xf32, #tpu.memory_space<vmem>>, vector<1x16xf32>,
      %get3A_729 = arith.index_cast %scan3A_86 : i32 to index
      %get3A_730 = arith.constant 736 : index
      %get3A_731 = tpu.vector_load %arg6[%get3A_729, %get3A_730] {strides = array<i32>} : memref<32x1024xf32, #tpu.memory_space<vmem>>, vector<1x16xf32>,
      %get3A_732 = vector.shape_cast %get3A_731 : vector<1x16xf32> to vector<16xf32>
      %get3A_733 = arith.index_cast %scan3A_86 : i32 to index
      %get3A_734 = arith.constant 736 : index
      %get3A_735 = tpu.vector_load %arg7[%get3A_733, %get3A_734] {strides = array<i32>} : memref<32x1024xf32, #tpu.memory_space<vmem>>, vector<1x16xf32>,
      %get3A_736 = vector.shape_cast %get3A_735 : vector<1x16xf32> to vector<16xf32>
      %add3A_737 = arith.addf %get3A_732, %get3A_736 : vector<16xf32>
      %swap3A_738 = arith.index_cast %scan3A_86 : i32 to index
      %swap3A_739 = arith.constant 736 : index
      %swap3A_740 = tpu.vector_load %arg6[%swap3A_738, %swap3A_739] {strides = array<i32>} : memref<32x1024xf32, #tpu.memory_space<vmem>>, vector<1x16xf32>,
      %swap3A_741 = vector.shape_cast %swap3A_740 : vector<1x16xf32> to vector<16xf32>
      %swap3A_742 = vector.shape_cast %add3A_737 : vector<16xf32> to vector<1x16xf32>
      tpu.vector_store %arg6[%swap3A_738, %swap3A_739], %swap3A_742 {strides = array<i32>} : memref<32x1024xf32, #tpu.memory_space<vmem>>, vector<1x16xf32>,
      %get3A_743 = arith.index_cast %scan3A_86 : i32 to index
      %get3A_744 = arith.constant 752 : index
      %get3A_745 = tpu.vector_load %arg6[%get3A_743, %get3A_744] {strides = array<i32>} : memref<32x1024xf32, #tpu.memory_space<vmem>>, vector<1x16xf32>,
      %get3A_746 = vector.shape_cast %get3A_745 : vector<1x16xf32> to vector<16xf32>
      %get3A_747 = arith.index_cast %scan3A_86 : i32 to index
      %get3A_748 = arith.constant 752 : index
      %get3A_749 = tpu.vector_load %arg7[%get3A_747, %get3A_748] {strides = array<i32>} : memref<32x1024xf32, #tpu.memory_space<vmem>>, vector<1x16xf32>,
      %get3A_750 = vector.shape_cast %get3A_749 : vector<1x16xf32> to vector<16xf32>
      %add3A_751 = arith.addf %get3A_746, %get3A_750 : vector<16xf32>
      %swap3A_752 = arith.index_cast %scan3A_86 : i32 to index
      %swap3A_753 = arith.constant 752 : index
      %swap3A_754 = tpu.vector_load %arg6[%swap3A_752, %swap3A_753] {strides = array<i32>} : memref<32x1024xf32, #tpu.memory_space<vmem>>, vector<1x16xf32>,
      %swap3A_755 = vector.shape_cast %swap3A_754 : vector<1x16xf32> to vector<16xf32>
      %swap3A_756 = vector.shape_cast %add3A_751 : vector<16xf32> to vector<1x16xf32>
      tpu.vector_store %arg6[%swap3A_752, %swap3A_753], %swap3A_756 {strides = array<i32>} : memref<32x1024xf32, #tpu.memory_space<vmem>>, vector<1x16xf32>,
      %get3A_757 = arith.index_cast %scan3A_86 : i32 to index
      %get3A_758 = arith.constant 768 : index
      %get3A_759 = tpu.vector_load %arg6[%get3A_757, %get3A_758] {strides = array<i32>} : memref<32x1024xf32, #tpu.memory_space<vmem>>, vector<1x16xf32>,
      %get3A_760 = vector.shape_cast %get3A_759 : vector<1x16xf32> to vector<16xf32>
      %get3A_761 = arith.index_cast %scan3A_86 : i32 to index
      %get3A_762 = arith.constant 768 : index
      %get3A_763 = tpu.vector_load %arg7[%get3A_761, %get3A_762] {strides = array<i32>} : memref<32x1024xf32, #tpu.memory_space<vmem>>, vector<1x16xf32>,
      %get3A_764 = vector.shape_cast %get3A_763 : vector<1x16xf32> to vector<16xf32>
      %add3A_765 = arith.addf %get3A_760, %get3A_764 : vector<16xf32>
      %swap3A_766 = arith.index_cast %scan3A_86 : i32 to index
      %swap3A_767 = arith.constant 768 : index
      %swap3A_768 = tpu.vector_load %arg6[%swap3A_766, %swap3A_767] {strides = array<i32>} : memref<32x1024xf32, #tpu.memory_space<vmem>>, vector<1x16xf32>,
      %swap3A_769 = vector.shape_cast %swap3A_768 : vector<1x16xf32> to vector<16xf32>
      %swap3A_770 = vector.shape_cast %add3A_765 : vector<16xf32> to vector<1x16xf32>
      tpu.vector_store %arg6[%swap3A_766, %swap3A_767], %swap3A_770 {strides = array<i32>} : memref<32x1024xf32, #tpu.memory_space<vmem>>, vector<1x16xf32>,
      %get3A_771 = arith.index_cast %scan3A_86 : i32 to index
      %get3A_772 = arith.constant 784 : index
      %get3A_773 = tpu.vector_load %arg6[%get3A_771, %get3A_772] {strides = array<i32>} : memref<32x1024xf32, #tpu.memory_space<vmem>>, vector<1x16xf32>,
      %get3A_774 = vector.shape_cast %get3A_773 : vector<1x16xf32> to vector<16xf32>
      %get3A_775 = arith.index_cast %scan3A_86 : i32 to index
      %get3A_776 = arith.constant 784 : index
      %get3A_777 = tpu.vector_load %arg7[%get3A_775, %get3A_776] {strides = array<i32>} : memref<32x1024xf32, #tpu.memory_space<vmem>>, vector<1x16xf32>,
      %get3A_778 = vector.shape_cast %get3A_777 : vector<1x16xf32> to vector<16xf32>
      %add3A_779 = arith.addf %get3A_774, %get3A_778 : vector<16xf32>
      %swap3A_780 = arith.index_cast %scan3A_86 : i32 to index
      %swap3A_781 = arith.constant 784 : index
      %swap3A_782 = tpu.vector_load %arg6[%swap3A_780, %swap3A_781] {strides = array<i32>} : memref<32x1024xf32, #tpu.memory_space<vmem>>, vector<1x16xf32>,
      %swap3A_783 = vector.shape_cast %swap3A_782 : vector<1x16xf32> to vector<16xf32>
      %swap3A_784 = vector.shape_cast %add3A_779 : vector<16xf32> to vector<1x16xf32>
      tpu.vector_store %arg6[%swap3A_780, %swap3A_781], %swap3A_784 {strides = array<i32>} : memref<32x1024xf32, #tpu.memory_space<vmem>>, vector<1x16xf32>,
      %get3A_785 = arith.index_cast %scan3A_86 : i32 to index
      %get3A_786 = arith.constant 800 : index
      %get3A_787 = tpu.vector_load %arg6[%get3A_785, %get3A_786] {strides = array<i32>} : memref<32x1024xf32, #tpu.memory_space<vmem>>, vector<1x16xf32>,
      %get3A_788 = vector.shape_cast %get3A_787 : vector<1x16xf32> to vector<16xf32>
      %get3A_789 = arith.index_cast %scan3A_86 : i32 to index
      %get3A_790 = arith.constant 800 : index
      %get3A_791 = tpu.vector_load %arg7[%get3A_789, %get3A_790] {strides = array<i32>} : memref<32x1024xf32, #tpu.memory_space<vmem>>, vector<1x16xf32>,
      %get3A_792 = vector.shape_cast %get3A_791 : vector<1x16xf32> to vector<16xf32>
      %add3A_793 = arith.addf %get3A_788, %get3A_792 : vector<16xf32>
      %swap3A_794 = arith.index_cast %scan3A_86 : i32 to index
      %swap3A_795 = arith.constant 800 : index
      %swap3A_796 = tpu.vector_load %arg6[%swap3A_794, %swap3A_795] {strides = array<i32>} : memref<32x1024xf32, #tpu.memory_space<vmem>>, vector<1x16xf32>,
      %swap3A_797 = vector.shape_cast %swap3A_796 : vector<1x16xf32> to vector<16xf32>
      %swap3A_798 = vector.shape_cast %add3A_793 : vector<16xf32> to vector<1x16xf32>
      tpu.vector_store %arg6[%swap3A_794, %swap3A_795], %swap3A_798 {strides = array<i32>} : memref<32x1024xf32, #tpu.memory_space<vmem>>, vector<1x16xf32>,
      %get3A_799 = arith.index_cast %scan3A_86 : i32 to index
      %get3A_800 = arith.constant 816 : index
      %get3A_801 = tpu.vector_load %arg6[%get3A_799, %get3A_800] {strides = array<i32>} : memref<32x1024xf32, #tpu.memory_space<vmem>>, vector<1x16xf32>,
      %get3A_802 = vector.shape_cast %get3A_801 : vector<1x16xf32> to vector<16xf32>
      %get3A_803 = arith.index_cast %scan3A_86 : i32 to index
      %get3A_804 = arith.constant 816 : index
      %get3A_805 = tpu.vector_load %arg7[%get3A_803, %get3A_804] {strides = array<i32>} : memref<32x1024xf32, #tpu.memory_space<vmem>>, vector<1x16xf32>,
      %get3A_806 = vector.shape_cast %get3A_805 : vector<1x16xf32> to vector<16xf32>
      %add3A_807 = arith.addf %get3A_802, %get3A_806 : vector<16xf32>
      %swap3A_808 = arith.index_cast %scan3A_86 : i32 to index
      %swap3A_809 = arith.constant 816 : index
      %swap3A_810 = tpu.vector_load %arg6[%swap3A_808, %swap3A_809] {strides = array<i32>} : memref<32x1024xf32, #tpu.memory_space<vmem>>, vector<1x16xf32>,
      %swap3A_811 = vector.shape_cast %swap3A_810 : vector<1x16xf32> to vector<16xf32>
      %swap3A_812 = vector.shape_cast %add3A_807 : vector<16xf32> to vector<1x16xf32>
      tpu.vector_store %arg6[%swap3A_808, %swap3A_809], %swap3A_812 {strides = array<i32>} : memref<32x1024xf32, #tpu.memory_space<vmem>>, vector<1x16xf32>,
      %get3A_813 = arith.index_cast %scan3A_86 : i32 to index
      %get3A_814 = arith.constant 832 : index
      %get3A_815 = tpu.vector_load %arg6[%get3A_813, %get3A_814] {strides = array<i32>} : memref<32x1024xf32, #tpu.memory_space<vmem>>, vector<1x16xf32>,
      %get3A_816 = vector.shape_cast %get3A_815 : vector<1x16xf32> to vector<16xf32>
      %get3A_817 = arith.index_cast %scan3A_86 : i32 to index
      %get3A_818 = arith.constant 832 : index
      %get3A_819 = tpu.vector_load %arg7[%get3A_817, %get3A_818] {strides = array<i32>} : memref<32x1024xf32, #tpu.memory_space<vmem>>, vector<1x16xf32>,
      %get3A_820 = vector.shape_cast %get3A_819 : vector<1x16xf32> to vector<16xf32>
      %add3A_821 = arith.addf %get3A_816, %get3A_820 : vector<16xf32>
      %swap3A_822 = arith.index_cast %scan3A_86 : i32 to index
      %swap3A_823 = arith.constant 832 : index
      %swap3A_824 = tpu.vector_load %arg6[%swap3A_822, %swap3A_823] {strides = array<i32>} : memref<32x1024xf32, #tpu.memory_space<vmem>>, vector<1x16xf32>,
      %swap3A_825 = vector.shape_cast %swap3A_824 : vector<1x16xf32> to vector<16xf32>
      %swap3A_826 = vector.shape_cast %add3A_821 : vector<16xf32> to vector<1x16xf32>
      tpu.vector_store %arg6[%swap3A_822, %swap3A_823], %swap3A_826 {strides = array<i32>} : memref<32x1024xf32, #tpu.memory_space<vmem>>, vector<1x16xf32>,
      %get3A_827 = arith.index_cast %scan3A_86 : i32 to index
      %get3A_828 = arith.constant 848 : index
      %get3A_829 = tpu.vector_load %arg6[%get3A_827, %get3A_828] {strides = array<i32>} : memref<32x1024xf32, #tpu.memory_space<vmem>>, vector<1x16xf32>,
      %get3A_830 = vector.shape_cast %get3A_829 : vector<1x16xf32> to vector<16xf32>
      %get3A_831 = arith.index_cast %scan3A_86 : i32 to index
      %get3A_832 = arith.constant 848 : index
      %get3A_833 = tpu.vector_load %arg7[%get3A_831, %get3A_832] {strides = array<i32>} : memref<32x1024xf32, #tpu.memory_space<vmem>>, vector<1x16xf32>,
      %get3A_834 = vector.shape_cast %get3A_833 : vector<1x16xf32> to vector<16xf32>
      %add3A_835 = arith.addf %get3A_830, %get3A_834 : vector<16xf32>
      %swap3A_836 = arith.index_cast %scan3A_86 : i32 to index
      %swap3A_837 = arith.constant 848 : index
      %swap3A_838 = tpu.vector_load %arg6[%swap3A_836, %swap3A_837] {strides = array<i32>} : memref<32x1024xf32, #tpu.memory_space<vmem>>, vector<1x16xf32>,
      %swap3A_839 = vector.shape_cast %swap3A_838 : vector<1x16xf32> to vector<16xf32>
      %swap3A_840 = vector.shape_cast %add3A_835 : vector<16xf32> to vector<1x16xf32>
      tpu.vector_store %arg6[%swap3A_836, %swap3A_837], %swap3A_840 {strides = array<i32>} : memref<32x1024xf32, #tpu.memory_space<vmem>>, vector<1x16xf32>,
      %get3A_841 = arith.index_cast %scan3A_86 : i32 to index
      %get3A_842 = arith.constant 864 : index
      %get3A_843 = tpu.vector_load %arg6[%get3A_841, %get3A_842] {strides = array<i32>} : memref<32x1024xf32, #tpu.memory_space<vmem>>, vector<1x16xf32>,
      %get3A_844 = vector.shape_cast %get3A_843 : vector<1x16xf32> to vector<16xf32>
      %get3A_845 = arith.index_cast %scan3A_86 : i32 to index
      %get3A_846 = arith.constant 864 : index
      %get3A_847 = tpu.vector_load %arg7[%get3A_845, %get3A_846] {strides = array<i32>} : memref<32x1024xf32, #tpu.memory_space<vmem>>, vector<1x16xf32>,
      %get3A_848 = vector.shape_cast %get3A_847 : vector<1x16xf32> to vector<16xf32>
      %add3A_849 = arith.addf %get3A_844, %get3A_848 : vector<16xf32>
      %swap3A_850 = arith.index_cast %scan3A_86 : i32 to index
      %swap3A_851 = arith.constant 864 : index
      %swap3A_852 = tpu.vector_load %arg6[%swap3A_850, %swap3A_851] {strides = array<i32>} : memref<32x1024xf32, #tpu.memory_space<vmem>>, vector<1x16xf32>,
      %swap3A_853 = vector.shape_cast %swap3A_852 : vector<1x16xf32> to vector<16xf32>
      %swap3A_854 = vector.shape_cast %add3A_849 : vector<16xf32> to vector<1x16xf32>
      tpu.vector_store %arg6[%swap3A_850, %swap3A_851], %swap3A_854 {strides = array<i32>} : memref<32x1024xf32, #tpu.memory_space<vmem>>, vector<1x16xf32>,
      %get3A_855 = arith.index_cast %scan3A_86 : i32 to index
      %get3A_856 = arith.constant 880 : index
      %get3A_857 = tpu.vector_load %arg6[%get3A_855, %get3A_856] {strides = array<i32>} : memref<32x1024xf32, #tpu.memory_space<vmem>>, vector<1x16xf32>,
      %get3A_858 = vector.shape_cast %get3A_857 : vector<1x16xf32> to vector<16xf32>
      %get3A_859 = arith.index_cast %scan3A_86 : i32 to index
      %get3A_860 = arith.constant 880 : index
      %get3A_861 = tpu.vector_load %arg7[%get3A_859, %get3A_860] {strides = array<i32>} : memref<32x1024xf32, #tpu.memory_space<vmem>>, vector<1x16xf32>,
      %get3A_862 = vector.shape_cast %get3A_861 : vector<1x16xf32> to vector<16xf32>
      %add3A_863 = arith.addf %get3A_858, %get3A_862 : vector<16xf32>
      %swap3A_864 = arith.index_cast %scan3A_86 : i32 to index
      %swap3A_865 = arith.constant 880 : index
      %swap3A_866 = tpu.vector_load %arg6[%swap3A_864, %swap3A_865] {strides = array<i32>} : memref<32x1024xf32, #tpu.memory_space<vmem>>, vector<1x16xf32>,
      %swap3A_867 = vector.shape_cast %swap3A_866 : vector<1x16xf32> to vector<16xf32>
      %swap3A_868 = vector.shape_cast %add3A_863 : vector<16xf32> to vector<1x16xf32>
      tpu.vector_store %arg6[%swap3A_864, %swap3A_865], %swap3A_868 {strides = array<i32>} : memref<32x1024xf32, #tpu.memory_space<vmem>>, vector<1x16xf32>,
      %get3A_869 = arith.index_cast %scan3A_86 : i32 to index
      %get3A_870 = arith.constant 896 : index
      %get3A_871 = tpu.vector_load %arg6[%get3A_869, %get3A_870] {strides = array<i32>} : memref<32x1024xf32, #tpu.memory_space<vmem>>, vector<1x16xf32>,
      %get3A_872 = vector.shape_cast %get3A_871 : vector<1x16xf32> to vector<16xf32>
      %get3A_873 = arith.index_cast %scan3A_86 : i32 to index
      %get3A_874 = arith.constant 896 : index
      %get3A_875 = tpu.vector_load %arg7[%get3A_873, %get3A_874] {strides = array<i32>} : memref<32x1024xf32, #tpu.memory_space<vmem>>, vector<1x16xf32>,
      %get3A_876 = vector.shape_cast %get3A_875 : vector<1x16xf32> to vector<16xf32>
      %add3A_877 = arith.addf %get3A_872, %get3A_876 : vector<16xf32>
      %swap3A_878 = arith.index_cast %scan3A_86 : i32 to index
      %swap3A_879 = arith.constant 896 : index
      %swap3A_880 = tpu.vector_load %arg6[%swap3A_878, %swap3A_879] {strides = array<i32>} : memref<32x1024xf32, #tpu.memory_space<vmem>>, vector<1x16xf32>,
      %swap3A_881 = vector.shape_cast %swap3A_880 : vector<1x16xf32> to vector<16xf32>
      %swap3A_882 = vector.shape_cast %add3A_877 : vector<16xf32> to vector<1x16xf32>
      tpu.vector_store %arg6[%swap3A_878, %swap3A_879], %swap3A_882 {strides = array<i32>} : memref<32x1024xf32, #tpu.memory_space<vmem>>, vector<1x16xf32>,
      %get3A_883 = arith.index_cast %scan3A_86 : i32 to index
      %get3A_884 = arith.constant 912 : index
      %get3A_885 = tpu.vector_load %arg6[%get3A_883, %get3A_884] {strides = array<i32>} : memref<32x1024xf32, #tpu.memory_space<vmem>>, vector<1x16xf32>,
      %get3A_886 = vector.shape_cast %get3A_885 : vector<1x16xf32> to vector<16xf32>
      %get3A_887 = arith.index_cast %scan3A_86 : i32 to index
      %get3A_888 = arith.constant 912 : index
      %get3A_889 = tpu.vector_load %arg7[%get3A_887, %get3A_888] {strides = array<i32>} : memref<32x1024xf32, #tpu.memory_space<vmem>>, vector<1x16xf32>,
      %get3A_890 = vector.shape_cast %get3A_889 : vector<1x16xf32> to vector<16xf32>
      %add3A_891 = arith.addf %get3A_886, %get3A_890 : vector<16xf32>
      %swap3A_892 = arith.index_cast %scan3A_86 : i32 to index
      %swap3A_893 = arith.constant 912 : index
      %swap3A_894 = tpu.vector_load %arg6[%swap3A_892, %swap3A_893] {strides = array<i32>} : memref<32x1024xf32, #tpu.memory_space<vmem>>, vector<1x16xf32>,
      %swap3A_895 = vector.shape_cast %swap3A_894 : vector<1x16xf32> to vector<16xf32>
      %swap3A_896 = vector.shape_cast %add3A_891 : vector<16xf32> to vector<1x16xf32>
      tpu.vector_store %arg6[%swap3A_892, %swap3A_893], %swap3A_896 {strides = array<i32>} : memref<32x1024xf32, #tpu.memory_space<vmem>>, vector<1x16xf32>,
      %get3A_897 = arith.index_cast %scan3A_86 : i32 to index
      %get3A_898 = arith.constant 928 : index
      %get3A_899 = tpu.vector_load %arg6[%get3A_897, %get3A_898] {strides = array<i32>} : memref<32x1024xf32, #tpu.memory_space<vmem>>, vector<1x16xf32>,
      %get3A_900 = vector.shape_cast %get3A_899 : vector<1x16xf32> to vector<16xf32>
      %get3A_901 = arith.index_cast %scan3A_86 : i32 to index
      %get3A_902 = arith.constant 928 : index
      %get3A_903 = tpu.vector_load %arg7[%get3A_901, %get3A_902] {strides = array<i32>} : memref<32x1024xf32, #tpu.memory_space<vmem>>, vector<1x16xf32>,
      %get3A_904 = vector.shape_cast %get3A_903 : vector<1x16xf32> to vector<16xf32>
      %add3A_905 = arith.addf %get3A_900, %get3A_904 : vector<16xf32>
      %swap3A_906 = arith.index_cast %scan3A_86 : i32 to index
      %swap3A_907 = arith.constant 928 : index
      %swap3A_908 = tpu.vector_load %arg6[%swap3A_906, %swap3A_907] {strides = array<i32>} : memref<32x1024xf32, #tpu.memory_space<vmem>>, vector<1x16xf32>,
      %swap3A_909 = vector.shape_cast %swap3A_908 : vector<1x16xf32> to vector<16xf32>
      %swap3A_910 = vector.shape_cast %add3A_905 : vector<16xf32> to vector<1x16xf32>
      tpu.vector_store %arg6[%swap3A_906, %swap3A_907], %swap3A_910 {strides = array<i32>} : memref<32x1024xf32, #tpu.memory_space<vmem>>, vector<1x16xf32>,
      %get3A_911 = arith.index_cast %scan3A_86 : i32 to index
      %get3A_912 = arith.constant 944 : index
      %get3A_913 = tpu.vector_load %arg6[%get3A_911, %get3A_912] {strides = array<i32>} : memref<32x1024xf32, #tpu.memory_space<vmem>>, vector<1x16xf32>,
      %get3A_914 = vector.shape_cast %get3A_913 : vector<1x16xf32> to vector<16xf32>
      %get3A_915 = arith.index_cast %scan3A_86 : i32 to index
      %get3A_916 = arith.constant 944 : index
      %get3A_917 = tpu.vector_load %arg7[%get3A_915, %get3A_916] {strides = array<i32>} : memref<32x1024xf32, #tpu.memory_space<vmem>>, vector<1x16xf32>,
      %get3A_918 = vector.shape_cast %get3A_917 : vector<1x16xf32> to vector<16xf32>
      %add3A_919 = arith.addf %get3A_914, %get3A_918 : vector<16xf32>
      %swap3A_920 = arith.index_cast %scan3A_86 : i32 to index
      %swap3A_921 = arith.constant 944 : index
      %swap3A_922 = tpu.vector_load %arg6[%swap3A_920, %swap3A_921] {strides = array<i32>} : memref<32x1024xf32, #tpu.memory_space<vmem>>, vector<1x16xf32>,
      %swap3A_923 = vector.shape_cast %swap3A_922 : vector<1x16xf32> to vector<16xf32>
      %swap3A_924 = vector.shape_cast %add3A_919 : vector<16xf32> to vector<1x16xf32>
      tpu.vector_store %arg6[%swap3A_920, %swap3A_921], %swap3A_924 {strides = array<i32>} : memref<32x1024xf32, #tpu.memory_space<vmem>>, vector<1x16xf32>,
      %get3A_925 = arith.index_cast %scan3A_86 : i32 to index
      %get3A_926 = arith.constant 960 : index
      %get3A_927 = tpu.vector_load %arg6[%get3A_925, %get3A_926] {strides = array<i32>} : memref<32x1024xf32, #tpu.memory_space<vmem>>, vector<1x16xf32>,
      %get3A_928 = vector.shape_cast %get3A_927 : vector<1x16xf32> to vector<16xf32>
      %get3A_929 = arith.index_cast %scan3A_86 : i32 to index
      %get3A_930 = arith.constant 960 : index
      %get3A_931 = tpu.vector_load %arg7[%get3A_929, %get3A_930] {strides = array<i32>} : memref<32x1024xf32, #tpu.memory_space<vmem>>, vector<1x16xf32>,
      %get3A_932 = vector.shape_cast %get3A_931 : vector<1x16xf32> to vector<16xf32>
      %add3A_933 = arith.addf %get3A_928, %get3A_932 : vector<16xf32>
      %swap3A_934 = arith.index_cast %scan3A_86 : i32 to index
      %swap3A_935 = arith.constant 960 : index
      %swap3A_936 = tpu.vector_load %arg6[%swap3A_934, %swap3A_935] {strides = array<i32>} : memref<32x1024xf32, #tpu.memory_space<vmem>>, vector<1x16xf32>,
      %swap3A_937 = vector.shape_cast %swap3A_936 : vector<1x16xf32> to vector<16xf32>
      %swap3A_938 = vector.shape_cast %add3A_933 : vector<16xf32> to vector<1x16xf32>
      tpu.vector_store %arg6[%swap3A_934, %swap3A_935], %swap3A_938 {strides = array<i32>} : memref<32x1024xf32, #tpu.memory_space<vmem>>, vector<1x16xf32>,
      %get3A_939 = arith.index_cast %scan3A_86 : i32 to index
      %get3A_940 = arith.constant 976 : index
      %get3A_941 = tpu.vector_load %arg6[%get3A_939, %get3A_940] {strides = array<i32>} : memref<32x1024xf32, #tpu.memory_space<vmem>>, vector<1x16xf32>,
      %get3A_942 = vector.shape_cast %get3A_941 : vector<1x16xf32> to vector<16xf32>
      %get3A_943 = arith.index_cast %scan3A_86 : i32 to index
      %get3A_944 = arith.constant 976 : index
      %get3A_945 = tpu.vector_load %arg7[%get3A_943, %get3A_944] {strides = array<i32>} : memref<32x1024xf32, #tpu.memory_space<vmem>>, vector<1x16xf32>,
      %get3A_946 = vector.shape_cast %get3A_945 : vector<1x16xf32> to vector<16xf32>
      %add3A_947 = arith.addf %get3A_942, %get3A_946 : vector<16xf32>
      %swap3A_948 = arith.index_cast %scan3A_86 : i32 to index
      %swap3A_949 = arith.constant 976 : index
      %swap3A_950 = tpu.vector_load %arg6[%swap3A_948, %swap3A_949] {strides = array<i32>} : memref<32x1024xf32, #tpu.memory_space<vmem>>, vector<1x16xf32>,
      %swap3A_951 = vector.shape_cast %swap3A_950 : vector<1x16xf32> to vector<16xf32>
      %swap3A_952 = vector.shape_cast %add3A_947 : vector<16xf32> to vector<1x16xf32>
      tpu.vector_store %arg6[%swap3A_948, %swap3A_949], %swap3A_952 {strides = array<i32>} : memref<32x1024xf32, #tpu.memory_space<vmem>>, vector<1x16xf32>,
      %get3A_953 = arith.index_cast %scan3A_86 : i32 to index
      %get3A_954 = arith.constant 992 : index
      %get3A_955 = tpu.vector_load %arg6[%get3A_953, %get3A_954] {strides = array<i32>} : memref<32x1024xf32, #tpu.memory_space<vmem>>, vector<1x16xf32>,
      %get3A_956 = vector.shape_cast %get3A_955 : vector<1x16xf32> to vector<16xf32>
      %get3A_957 = arith.index_cast %scan3A_86 : i32 to index
      %get3A_958 = arith.constant 992 : index
      %get3A_959 = tpu.vector_load %arg7[%get3A_957, %get3A_958] {strides = array<i32>} : memref<32x1024xf32, #tpu.memory_space<vmem>>, vector<1x16xf32>,
      %get3A_960 = vector.shape_cast %get3A_959 : vector<1x16xf32> to vector<16xf32>
      %add3A_961 = arith.addf %get3A_956, %get3A_960 : vector<16xf32>
      %swap3A_962 = arith.index_cast %scan3A_86 : i32 to index
      %swap3A_963 = arith.constant 992 : index
      %swap3A_964 = tpu.vector_load %arg6[%swap3A_962, %swap3A_963] {strides = array<i32>} : memref<32x1024xf32, #tpu.memory_space<vmem>>, vector<1x16xf32>,
      %swap3A_965 = vector.shape_cast %swap3A_964 : vector<1x16xf32> to vector<16xf32>
      %swap3A_966 = vector.shape_cast %add3A_961 : vector<16xf32> to vector<1x16xf32>
      tpu.vector_store %arg6[%swap3A_962, %swap3A_963], %swap3A_966 {strides = array<i32>} : memref<32x1024xf32, #tpu.memory_space<vmem>>, vector<1x16xf32>,
      %get3A_967 = arith.index_cast %scan3A_86 : i32 to index
      %get3A_968 = arith.constant 1008 : index
      %get3A_969 = tpu.vector_load %arg6[%get3A_967, %get3A_968] {strides = array<i32>} : memref<32x1024xf32, #tpu.memory_space<vmem>>, vector<1x16xf32>,
      %get3A_970 = vector.shape_cast %get3A_969 : vector<1x16xf32> to vector<16xf32>
      %get3A_971 = arith.index_cast %scan3A_86 : i32 to index
      %get3A_972 = arith.constant 1008 : index
      %get3A_973 = tpu.vector_load %arg7[%get3A_971, %get3A_972] {strides = array<i32>} : memref<32x1024xf32, #tpu.memory_space<vmem>>, vector<1x16xf32>,
      %get3A_974 = vector.shape_cast %get3A_973 : vector<1x16xf32> to vector<16xf32>
      %add3A_975 = arith.addf %get3A_970, %get3A_974 : vector<16xf32>
      %swap3A_976 = arith.index_cast %scan3A_86 : i32 to index
      %swap3A_977 = arith.constant 1008 : index
      %swap3A_978 = tpu.vector_load %arg6[%swap3A_976, %swap3A_977] {strides = array<i32>} : memref<32x1024xf32, #tpu.memory_space<vmem>>, vector<1x16xf32>,
      %swap3A_979 = vector.shape_cast %swap3A_978 : vector<1x16xf32> to vector<16xf32>
      %swap3A_980 = vector.shape_cast %add3A_975 : vector<16xf32> to vector<1x16xf32>
      tpu.vector_store %arg6[%swap3A_976, %swap3A_977], %swap3A_980 {strides = array<i32>} : memref<32x1024xf32, #tpu.memory_space<vmem>>, vector<1x16xf32>,
    }
    %scan3A_85 = arith.constant 32 : i32
    "tpu.region"() ({
      %run_scoped3A = tpu.sem_alloc : memref<!tpu.dma_semaphore, #tpu.memory_space<semaphore_mem>>
      %dma_start3A_86 = arith.constant 0 : i32
      %dma_start3A_87 = tpu.memref_slice %arg4[%add3A_45, %dma_start3A_86] : memref<2048x1024xf32, #tpu.memory_space<hbm>> -> memref<32x1024xf32, #tpu.memory_space<hbm>>
      %dma_start3A_88 = arith.constant 0 : i32
      %dma_start3A_89 = tpu.memref_slice %arg4[%add3A_45, %dma_start3A_88] : memref<2048x1024xf32, #tpu.memory_space<hbm>> -> memref<32x1024xf32, #tpu.memory_space<hbm>>
      tpu.enqueue_dma source(%arg6 : memref<32x1024xf32, #tpu.memory_space<vmem>>) target(%dma_start3A_89 : memref<32x1024xf32, #tpu.memory_space<hbm>>) target_semaphore(%run_scoped3A : memref<!tpu.dma_semaphore, #tpu.memory_space<semaphore_mem>>)
      %dma_wait3A_90 = arith.constant 0 : i32
      %dma_wait3A_91 = tpu.memref_slice %arg4[%add3A_45, %dma_wait3A_90] : memref<2048x1024xf32, #tpu.memory_space<hbm>> -> memref<32x1024xf32, #tpu.memory_space<hbm>>
      %dma_wait3A_92 = arith.constant 0 : i32
      %dma_wait3A_93 = tpu.memref_slice %arg4[%add3A_45, %dma_wait3A_92] : memref<2048x1024xf32, #tpu.memory_space<hbm>> -> memref<32x1024xf32, #tpu.memory_space<hbm>>
      tpu.wait_dma2 semaphore(%run_scoped3A : memref<!tpu.dma_semaphore, #tpu.memory_space<semaphore_mem>>) src(%arg6 : memref<32x1024xf32, #tpu.memory_space<vmem>>) dst(%dma_wait3A_93 : memref<32x1024xf32, #tpu.memory_space<hbm>>)
      tpu.yield
    }) : () -> ()
    return
  }
}

#map = affine_map<(d0, d1) -> (0, 0)>
module attributes {stable_mosaic.version = 14 : i64} {
  func.func @_dispatch(%arg0: i32, %arg1: i32, %arg2: memref<2048x1024xf32, #tpu.memory_space<hbm>>, %arg3: memref<4096x128xf32, #tpu.memory_space<hbm>>, %arg4: memref<128x32xi32, #tpu.memory_space<hbm>>, %arg5: memref<4096x1024xf32, #tpu.memory_space<hbm>>, %arg6: memref<4096x128xf32, #tpu.memory_space<hbm>>, %arg7: memref<4x32xi32, #tpu.memory_space<vmem>>, %arg8: memref<32x1024xf32, #tpu.memory_space<vmem>>, %arg9: memref<32x128xf32, #tpu.memory_space<vmem>>, %arg10: memref<!tpu.dma_semaphore, #tpu.memory_space<semaphore_mem>>) attributes {dimension_semantics = [#tpu.dimension_semantics<core_parallel>, #tpu.dimension_semantics<subcore_parallel>], iteration_bounds = array<i64: 2, 16>, scalar_prefetch = 0 : i64, scratch_operands = 4 : i64, tpu.core_type = #tpu.core_type<sc_vector_subcore>, window_params = [{transform_indices = #map}, {transform_indices = #map}, {transform_indices = #map}, {transform_indices = #map}, {transform_indices = #map}]} {
    %mul3A = arith.constant 2 : i32
    %mul3A_0 = arith.muli %arg1, %mul3A : i32
    %add3A = arith.addi %mul3A_0, %arg0 : i32
    %mul3A_1 = arith.constant 4 : i32
    %mul3A_2 = arith.muli %add3A, %mul3A_1 : i32
    "tpu.region"() ({
      %run_scoped3A = tpu.sem_alloc : memref<!tpu.dma_semaphore, #tpu.memory_space<semaphore_mem>>
      %dma_start3A_136 = arith.constant 0 : i32
      %dma_start3A_137 = tpu.memref_slice %arg4[%mul3A_2, %dma_start3A_136] : memref<128x32xi32, #tpu.memory_space<hbm>> -> memref<4x32xi32, #tpu.memory_space<hbm>>
      %dma_start3A_138 = arith.constant 0 : i32
      %dma_start3A_139 = tpu.memref_slice %arg4[%mul3A_2, %dma_start3A_138] : memref<128x32xi32, #tpu.memory_space<hbm>> -> memref<4x32xi32, #tpu.memory_space<hbm>>
      tpu.enqueue_dma source(%dma_start3A_139 : memref<4x32xi32, #tpu.memory_space<hbm>>) target(%arg7 : memref<4x32xi32, #tpu.memory_space<vmem>>) target_semaphore(%run_scoped3A : memref<!tpu.dma_semaphore, #tpu.memory_space<semaphore_mem>>)
      %dma_wait3A_140 = arith.constant 0 : i32
      %dma_wait3A_141 = tpu.memref_slice %arg4[%mul3A_2, %dma_wait3A_140] : memref<128x32xi32, #tpu.memory_space<hbm>> -> memref<4x32xi32, #tpu.memory_space<hbm>>
      %dma_wait3A_142 = arith.constant 0 : i32
      %dma_wait3A_143 = tpu.memref_slice %arg4[%mul3A_2, %dma_wait3A_142] : memref<128x32xi32, #tpu.memory_space<hbm>> -> memref<4x32xi32, #tpu.memory_space<hbm>>
      tpu.wait_dma2 semaphore(%run_scoped3A : memref<!tpu.dma_semaphore, #tpu.memory_space<semaphore_mem>>) src(%dma_wait3A_143 : memref<4x32xi32, #tpu.memory_space<hbm>>) dst(%arg7 : memref<4x32xi32, #tpu.memory_space<vmem>>)
      tpu.yield
    }) : () -> ()
    %mul3A_3 = arith.constant 128 : i32
    %mul3A_4 = arith.muli %add3A, %mul3A_3 : i32
    %add3A_5 = arith.constant 0 : i32
    %add3A_6 = arith.addi %mul3A_4, %add3A_5 : i32
    %rem3A = arith.constant 2048 : i32
    %rem3A_7 = arith.remsi %add3A_6, %rem3A : i32
    "tpu.region"() ({
      %run_scoped3A = tpu.sem_alloc : memref<!tpu.dma_semaphore, #tpu.memory_space<semaphore_mem>>
      %dma_start3A_136 = arith.constant 0 : i32
      %dma_start3A_137 = tpu.memref_slice %arg2[%rem3A_7, %dma_start3A_136] : memref<2048x1024xf32, #tpu.memory_space<hbm>> -> memref<32x1024xf32, #tpu.memory_space<hbm>>
      %dma_start3A_138 = arith.constant 0 : i32
      %dma_start3A_139 = tpu.memref_slice %arg2[%rem3A_7, %dma_start3A_138] : memref<2048x1024xf32, #tpu.memory_space<hbm>> -> memref<32x1024xf32, #tpu.memory_space<hbm>>
      tpu.enqueue_dma source(%dma_start3A_139 : memref<32x1024xf32, #tpu.memory_space<hbm>>) target(%arg8 : memref<32x1024xf32, #tpu.memory_space<vmem>>) target_semaphore(%run_scoped3A : memref<!tpu.dma_semaphore, #tpu.memory_space<semaphore_mem>>)
      %dma_wait3A_140 = arith.constant 0 : i32
      %dma_wait3A_141 = tpu.memref_slice %arg2[%rem3A_7, %dma_wait3A_140] : memref<2048x1024xf32, #tpu.memory_space<hbm>> -> memref<32x1024xf32, #tpu.memory_space<hbm>>
      %dma_wait3A_142 = arith.constant 0 : i32
      %dma_wait3A_143 = tpu.memref_slice %arg2[%rem3A_7, %dma_wait3A_142] : memref<2048x1024xf32, #tpu.memory_space<hbm>> -> memref<32x1024xf32, #tpu.memory_space<hbm>>
      tpu.wait_dma2 semaphore(%run_scoped3A : memref<!tpu.dma_semaphore, #tpu.memory_space<semaphore_mem>>) src(%dma_wait3A_143 : memref<32x1024xf32, #tpu.memory_space<hbm>>) dst(%arg8 : memref<32x1024xf32, #tpu.memory_space<vmem>>)
      tpu.yield
    }) : () -> ()
    "tpu.region"() ({
      %run_scoped3A = tpu.sem_alloc : memref<!tpu.dma_semaphore, #tpu.memory_space<semaphore_mem>>
      %dma_start3A_136 = arith.constant 0 : i32
      %dma_start3A_137 = tpu.memref_slice %arg3[%add3A_6, %dma_start3A_136] : memref<4096x128xf32, #tpu.memory_space<hbm>> -> memref<32x128xf32, #tpu.memory_space<hbm>>
      %dma_start3A_138 = arith.constant 0 : i32
      %dma_start3A_139 = tpu.memref_slice %arg3[%add3A_6, %dma_start3A_138] : memref<4096x128xf32, #tpu.memory_space<hbm>> -> memref<32x128xf32, #tpu.memory_space<hbm>>
      tpu.enqueue_dma source(%dma_start3A_139 : memref<32x128xf32, #tpu.memory_space<hbm>>) target(%arg9 : memref<32x128xf32, #tpu.memory_space<vmem>>) target_semaphore(%run_scoped3A : memref<!tpu.dma_semaphore, #tpu.memory_space<semaphore_mem>>)
      %dma_wait3A_140 = arith.constant 0 : i32
      %dma_wait3A_141 = tpu.memref_slice %arg3[%add3A_6, %dma_wait3A_140] : memref<4096x128xf32, #tpu.memory_space<hbm>> -> memref<32x128xf32, #tpu.memory_space<hbm>>
      %dma_wait3A_142 = arith.constant 0 : i32
      %dma_wait3A_143 = tpu.memref_slice %arg3[%add3A_6, %dma_wait3A_142] : memref<4096x128xf32, #tpu.memory_space<hbm>> -> memref<32x128xf32, #tpu.memory_space<hbm>>
      tpu.wait_dma2 semaphore(%run_scoped3A : memref<!tpu.dma_semaphore, #tpu.memory_space<semaphore_mem>>) src(%dma_wait3A_143 : memref<32x128xf32, #tpu.memory_space<hbm>>) dst(%arg9 : memref<32x128xf32, #tpu.memory_space<vmem>>)
      tpu.yield
    }) : () -> ()
    %dma_start3A = arith.constant 0 : i32
    %dma_start3A_8 = arith.constant 0 : i32
    %dma_start3A_9 = tpu.memref_slice %arg7[%dma_start3A, %dma_start3A_8] : memref<4x32xi32, #tpu.memory_space<vmem>> -> memref<1x32xi32, #tpu.memory_space<vmem>>
    %dma_start3A_10 = tpu.memref_squeeze %dma_start3A_9 : memref<1x32xi32, #tpu.memory_space<vmem>> -> memref<32xi32, #tpu.memory_space<vmem>>
    %dma_start3A_11 = arith.constant 0 : i32
    %dma_start3A_12 = arith.constant 0 : i32
    %dma_start3A_13 = tpu.memref_slice %arg5[%dma_start3A_11, %dma_start3A_12] : memref<4096x1024xf32, #tpu.memory_space<hbm>> -> memref<4096x1024xf32, #tpu.memory_space<hbm>>
    tpu.enqueue_indirect_dma source(%arg8 : memref<32x1024xf32, #tpu.memory_space<vmem>>) target(%dma_start3A_13 : memref<4096x1024xf32, #tpu.memory_space<hbm>>) offsets(%dma_start3A_10 : memref<32xi32, #tpu.memory_space<vmem>>) semaphore(%arg10 : memref<!tpu.dma_semaphore, #tpu.memory_space<semaphore_mem>>)
    %dma_start3A_14 = arith.constant 0 : i32
    %dma_start3A_15 = arith.constant 0 : i32
    %dma_start3A_16 = tpu.memref_slice %arg7[%dma_start3A_14, %dma_start3A_15] : memref<4x32xi32, #tpu.memory_space<vmem>> -> memref<1x32xi32, #tpu.memory_space<vmem>>
    %dma_start3A_17 = tpu.memref_squeeze %dma_start3A_16 : memref<1x32xi32, #tpu.memory_space<vmem>> -> memref<32xi32, #tpu.memory_space<vmem>>
    %dma_start3A_18 = arith.constant 0 : i32
    %dma_start3A_19 = arith.constant 0 : i32
    %dma_start3A_20 = tpu.memref_slice %arg6[%dma_start3A_18, %dma_start3A_19] : memref<4096x128xf32, #tpu.memory_space<hbm>> -> memref<4096x128xf32, #tpu.memory_space<hbm>>
    tpu.enqueue_indirect_dma source(%arg9 : memref<32x128xf32, #tpu.memory_space<vmem>>) target(%dma_start3A_20 : memref<4096x128xf32, #tpu.memory_space<hbm>>) offsets(%dma_start3A_17 : memref<32xi32, #tpu.memory_space<vmem>>) semaphore(%arg10 : memref<!tpu.dma_semaphore, #tpu.memory_space<semaphore_mem>>)
    %dma_wait3A = arith.constant 0 : i32
    %dma_wait3A_21 = arith.constant 0 : i32
    %dma_wait3A_22 = tpu.memref_slice %arg7[%dma_wait3A, %dma_wait3A_21] : memref<4x32xi32, #tpu.memory_space<vmem>> -> memref<1x32xi32, #tpu.memory_space<vmem>>
    %dma_wait3A_23 = tpu.memref_squeeze %dma_wait3A_22 : memref<1x32xi32, #tpu.memory_space<vmem>> -> memref<32xi32, #tpu.memory_space<vmem>>
    %dma_wait3A_24 = arith.constant 0 : i32
    %dma_wait3A_25 = arith.constant 0 : i32
    %dma_wait3A_26 = tpu.memref_slice %arg5[%dma_wait3A_24, %dma_wait3A_25] : memref<4096x1024xf32, #tpu.memory_space<hbm>> -> memref<4096x1024xf32, #tpu.memory_space<hbm>>
    tpu.wait_indirect_dma semaphore(%arg10 : memref<!tpu.dma_semaphore, #tpu.memory_space<semaphore_mem>>) src(%arg8 : memref<32x1024xf32, #tpu.memory_space<vmem>>) dst(%dma_wait3A_26 : memref<4096x1024xf32, #tpu.memory_space<hbm>>)
    %dma_wait3A_27 = arith.constant 0 : i32
    %dma_wait3A_28 = arith.constant 0 : i32
    %dma_wait3A_29 = tpu.memref_slice %arg7[%dma_wait3A_27, %dma_wait3A_28] : memref<4x32xi32, #tpu.memory_space<vmem>> -> memref<1x32xi32, #tpu.memory_space<vmem>>
    %dma_wait3A_30 = tpu.memref_squeeze %dma_wait3A_29 : memref<1x32xi32, #tpu.memory_space<vmem>> -> memref<32xi32, #tpu.memory_space<vmem>>
    %dma_wait3A_31 = arith.constant 0 : i32
    %dma_wait3A_32 = arith.constant 0 : i32
    %dma_wait3A_33 = tpu.memref_slice %arg6[%dma_wait3A_31, %dma_wait3A_32] : memref<4096x128xf32, #tpu.memory_space<hbm>> -> memref<4096x128xf32, #tpu.memory_space<hbm>>
    tpu.wait_indirect_dma semaphore(%arg10 : memref<!tpu.dma_semaphore, #tpu.memory_space<semaphore_mem>>) src(%arg9 : memref<32x128xf32, #tpu.memory_space<vmem>>) dst(%dma_wait3A_33 : memref<4096x128xf32, #tpu.memory_space<hbm>>)
    %mul3A_34 = arith.constant 128 : i32
    %mul3A_35 = arith.muli %add3A, %mul3A_34 : i32
    %add3A_36 = arith.constant 32 : i32
    %add3A_37 = arith.addi %mul3A_35, %add3A_36 : i32
    %rem3A_38 = arith.constant 2048 : i32
    %rem3A_39 = arith.remsi %add3A_37, %rem3A_38 : i32
    "tpu.region"() ({
      %run_scoped3A = tpu.sem_alloc : memref<!tpu.dma_semaphore, #tpu.memory_space<semaphore_mem>>
      %dma_start3A_136 = arith.constant 0 : i32
      %dma_start3A_137 = tpu.memref_slice %arg2[%rem3A_39, %dma_start3A_136] : memref<2048x1024xf32, #tpu.memory_space<hbm>> -> memref<32x1024xf32, #tpu.memory_space<hbm>>
      %dma_start3A_138 = arith.constant 0 : i32
      %dma_start3A_139 = tpu.memref_slice %arg2[%rem3A_39, %dma_start3A_138] : memref<2048x1024xf32, #tpu.memory_space<hbm>> -> memref<32x1024xf32, #tpu.memory_space<hbm>>
      tpu.enqueue_dma source(%dma_start3A_139 : memref<32x1024xf32, #tpu.memory_space<hbm>>) target(%arg8 : memref<32x1024xf32, #tpu.memory_space<vmem>>) target_semaphore(%run_scoped3A : memref<!tpu.dma_semaphore, #tpu.memory_space<semaphore_mem>>)
      %dma_wait3A_140 = arith.constant 0 : i32
      %dma_wait3A_141 = tpu.memref_slice %arg2[%rem3A_39, %dma_wait3A_140] : memref<2048x1024xf32, #tpu.memory_space<hbm>> -> memref<32x1024xf32, #tpu.memory_space<hbm>>
      %dma_wait3A_142 = arith.constant 0 : i32
      %dma_wait3A_143 = tpu.memref_slice %arg2[%rem3A_39, %dma_wait3A_142] : memref<2048x1024xf32, #tpu.memory_space<hbm>> -> memref<32x1024xf32, #tpu.memory_space<hbm>>
      tpu.wait_dma2 semaphore(%run_scoped3A : memref<!tpu.dma_semaphore, #tpu.memory_space<semaphore_mem>>) src(%dma_wait3A_143 : memref<32x1024xf32, #tpu.memory_space<hbm>>) dst(%arg8 : memref<32x1024xf32, #tpu.memory_space<vmem>>)
      tpu.yield
    }) : () -> ()
    "tpu.region"() ({
      %run_scoped3A = tpu.sem_alloc : memref<!tpu.dma_semaphore, #tpu.memory_space<semaphore_mem>>
      %dma_start3A_136 = arith.constant 0 : i32
      %dma_start3A_137 = tpu.memref_slice %arg3[%add3A_37, %dma_start3A_136] : memref<4096x128xf32, #tpu.memory_space<hbm>> -> memref<32x128xf32, #tpu.memory_space<hbm>>
      %dma_start3A_138 = arith.constant 0 : i32
      %dma_start3A_139 = tpu.memref_slice %arg3[%add3A_37, %dma_start3A_138] : memref<4096x128xf32, #tpu.memory_space<hbm>> -> memref<32x128xf32, #tpu.memory_space<hbm>>
      tpu.enqueue_dma source(%dma_start3A_139 : memref<32x128xf32, #tpu.memory_space<hbm>>) target(%arg9 : memref<32x128xf32, #tpu.memory_space<vmem>>) target_semaphore(%run_scoped3A : memref<!tpu.dma_semaphore, #tpu.memory_space<semaphore_mem>>)
      %dma_wait3A_140 = arith.constant 0 : i32
      %dma_wait3A_141 = tpu.memref_slice %arg3[%add3A_37, %dma_wait3A_140] : memref<4096x128xf32, #tpu.memory_space<hbm>> -> memref<32x128xf32, #tpu.memory_space<hbm>>
      %dma_wait3A_142 = arith.constant 0 : i32
      %dma_wait3A_143 = tpu.memref_slice %arg3[%add3A_37, %dma_wait3A_142] : memref<4096x128xf32, #tpu.memory_space<hbm>> -> memref<32x128xf32, #tpu.memory_space<hbm>>
      tpu.wait_dma2 semaphore(%run_scoped3A : memref<!tpu.dma_semaphore, #tpu.memory_space<semaphore_mem>>) src(%dma_wait3A_143 : memref<32x128xf32, #tpu.memory_space<hbm>>) dst(%arg9 : memref<32x128xf32, #tpu.memory_space<vmem>>)
      tpu.yield
    }) : () -> ()
    %dma_start3A_40 = arith.constant 1 : i32
    %dma_start3A_41 = arith.constant 0 : i32
    %dma_start3A_42 = tpu.memref_slice %arg7[%dma_start3A_40, %dma_start3A_41] : memref<4x32xi32, #tpu.memory_space<vmem>> -> memref<1x32xi32, #tpu.memory_space<vmem>>
    %dma_start3A_43 = tpu.memref_squeeze %dma_start3A_42 : memref<1x32xi32, #tpu.memory_space<vmem>> -> memref<32xi32, #tpu.memory_space<vmem>>
    %dma_start3A_44 = arith.constant 0 : i32
    %dma_start3A_45 = arith.constant 0 : i32
    %dma_start3A_46 = tpu.memref_slice %arg5[%dma_start3A_44, %dma_start3A_45] : memref<4096x1024xf32, #tpu.memory_space<hbm>> -> memref<4096x1024xf32, #tpu.memory_space<hbm>>
    tpu.enqueue_indirect_dma source(%arg8 : memref<32x1024xf32, #tpu.memory_space<vmem>>) target(%dma_start3A_46 : memref<4096x1024xf32, #tpu.memory_space<hbm>>) offsets(%dma_start3A_43 : memref<32xi32, #tpu.memory_space<vmem>>) semaphore(%arg10 : memref<!tpu.dma_semaphore, #tpu.memory_space<semaphore_mem>>)
    %dma_start3A_47 = arith.constant 1 : i32
    %dma_start3A_48 = arith.constant 0 : i32
    %dma_start3A_49 = tpu.memref_slice %arg7[%dma_start3A_47, %dma_start3A_48] : memref<4x32xi32, #tpu.memory_space<vmem>> -> memref<1x32xi32, #tpu.memory_space<vmem>>
    %dma_start3A_50 = tpu.memref_squeeze %dma_start3A_49 : memref<1x32xi32, #tpu.memory_space<vmem>> -> memref<32xi32, #tpu.memory_space<vmem>>
    %dma_start3A_51 = arith.constant 0 : i32
    %dma_start3A_52 = arith.constant 0 : i32
    %dma_start3A_53 = tpu.memref_slice %arg6[%dma_start3A_51, %dma_start3A_52] : memref<4096x128xf32, #tpu.memory_space<hbm>> -> memref<4096x128xf32, #tpu.memory_space<hbm>>
    tpu.enqueue_indirect_dma source(%arg9 : memref<32x128xf32, #tpu.memory_space<vmem>>) target(%dma_start3A_53 : memref<4096x128xf32, #tpu.memory_space<hbm>>) offsets(%dma_start3A_50 : memref<32xi32, #tpu.memory_space<vmem>>) semaphore(%arg10 : memref<!tpu.dma_semaphore, #tpu.memory_space<semaphore_mem>>)
    %dma_wait3A_54 = arith.constant 1 : i32
    %dma_wait3A_55 = arith.constant 0 : i32
    %dma_wait3A_56 = tpu.memref_slice %arg7[%dma_wait3A_54, %dma_wait3A_55] : memref<4x32xi32, #tpu.memory_space<vmem>> -> memref<1x32xi32, #tpu.memory_space<vmem>>
    %dma_wait3A_57 = tpu.memref_squeeze %dma_wait3A_56 : memref<1x32xi32, #tpu.memory_space<vmem>> -> memref<32xi32, #tpu.memory_space<vmem>>
    %dma_wait3A_58 = arith.constant 0 : i32
    %dma_wait3A_59 = arith.constant 0 : i32
    %dma_wait3A_60 = tpu.memref_slice %arg5[%dma_wait3A_58, %dma_wait3A_59] : memref<4096x1024xf32, #tpu.memory_space<hbm>> -> memref<4096x1024xf32, #tpu.memory_space<hbm>>
    tpu.wait_indirect_dma semaphore(%arg10 : memref<!tpu.dma_semaphore, #tpu.memory_space<semaphore_mem>>) src(%arg8 : memref<32x1024xf32, #tpu.memory_space<vmem>>) dst(%dma_wait3A_60 : memref<4096x1024xf32, #tpu.memory_space<hbm>>)
    %dma_wait3A_61 = arith.constant 1 : i32
    %dma_wait3A_62 = arith.constant 0 : i32
    %dma_wait3A_63 = tpu.memref_slice %arg7[%dma_wait3A_61, %dma_wait3A_62] : memref<4x32xi32, #tpu.memory_space<vmem>> -> memref<1x32xi32, #tpu.memory_space<vmem>>
    %dma_wait3A_64 = tpu.memref_squeeze %dma_wait3A_63 : memref<1x32xi32, #tpu.memory_space<vmem>> -> memref<32xi32, #tpu.memory_space<vmem>>
    %dma_wait3A_65 = arith.constant 0 : i32
    %dma_wait3A_66 = arith.constant 0 : i32
    %dma_wait3A_67 = tpu.memref_slice %arg6[%dma_wait3A_65, %dma_wait3A_66] : memref<4096x128xf32, #tpu.memory_space<hbm>> -> memref<4096x128xf32, #tpu.memory_space<hbm>>
    tpu.wait_indirect_dma semaphore(%arg10 : memref<!tpu.dma_semaphore, #tpu.memory_space<semaphore_mem>>) src(%arg9 : memref<32x128xf32, #tpu.memory_space<vmem>>) dst(%dma_wait3A_67 : memref<4096x128xf32, #tpu.memory_space<hbm>>)
    %mul3A_68 = arith.constant 128 : i32
    %mul3A_69 = arith.muli %add3A, %mul3A_68 : i32
    %add3A_70 = arith.constant 64 : i32
    %add3A_71 = arith.addi %mul3A_69, %add3A_70 : i32
    %rem3A_72 = arith.constant 2048 : i32
    %rem3A_73 = arith.remsi %add3A_71, %rem3A_72 : i32
    "tpu.region"() ({
      %run_scoped3A = tpu.sem_alloc : memref<!tpu.dma_semaphore, #tpu.memory_space<semaphore_mem>>
      %dma_start3A_136 = arith.constant 0 : i32
      %dma_start3A_137 = tpu.memref_slice %arg2[%rem3A_73, %dma_start3A_136] : memref<2048x1024xf32, #tpu.memory_space<hbm>> -> memref<32x1024xf32, #tpu.memory_space<hbm>>
      %dma_start3A_138 = arith.constant 0 : i32
      %dma_start3A_139 = tpu.memref_slice %arg2[%rem3A_73, %dma_start3A_138] : memref<2048x1024xf32, #tpu.memory_space<hbm>> -> memref<32x1024xf32, #tpu.memory_space<hbm>>
      tpu.enqueue_dma source(%dma_start3A_139 : memref<32x1024xf32, #tpu.memory_space<hbm>>) target(%arg8 : memref<32x1024xf32, #tpu.memory_space<vmem>>) target_semaphore(%run_scoped3A : memref<!tpu.dma_semaphore, #tpu.memory_space<semaphore_mem>>)
      %dma_wait3A_140 = arith.constant 0 : i32
      %dma_wait3A_141 = tpu.memref_slice %arg2[%rem3A_73, %dma_wait3A_140] : memref<2048x1024xf32, #tpu.memory_space<hbm>> -> memref<32x1024xf32, #tpu.memory_space<hbm>>
      %dma_wait3A_142 = arith.constant 0 : i32
      %dma_wait3A_143 = tpu.memref_slice %arg2[%rem3A_73, %dma_wait3A_142] : memref<2048x1024xf32, #tpu.memory_space<hbm>> -> memref<32x1024xf32, #tpu.memory_space<hbm>>
      tpu.wait_dma2 semaphore(%run_scoped3A : memref<!tpu.dma_semaphore, #tpu.memory_space<semaphore_mem>>) src(%dma_wait3A_143 : memref<32x1024xf32, #tpu.memory_space<hbm>>) dst(%arg8 : memref<32x1024xf32, #tpu.memory_space<vmem>>)
      tpu.yield
    }) : () -> ()
    "tpu.region"() ({
      %run_scoped3A = tpu.sem_alloc : memref<!tpu.dma_semaphore, #tpu.memory_space<semaphore_mem>>
      %dma_start3A_136 = arith.constant 0 : i32
      %dma_start3A_137 = tpu.memref_slice %arg3[%add3A_71, %dma_start3A_136] : memref<4096x128xf32, #tpu.memory_space<hbm>> -> memref<32x128xf32, #tpu.memory_space<hbm>>
      %dma_start3A_138 = arith.constant 0 : i32
      %dma_start3A_139 = tpu.memref_slice %arg3[%add3A_71, %dma_start3A_138] : memref<4096x128xf32, #tpu.memory_space<hbm>> -> memref<32x128xf32, #tpu.memory_space<hbm>>
      tpu.enqueue_dma source(%dma_start3A_139 : memref<32x128xf32, #tpu.memory_space<hbm>>) target(%arg9 : memref<32x128xf32, #tpu.memory_space<vmem>>) target_semaphore(%run_scoped3A : memref<!tpu.dma_semaphore, #tpu.memory_space<semaphore_mem>>)
      %dma_wait3A_140 = arith.constant 0 : i32
      %dma_wait3A_141 = tpu.memref_slice %arg3[%add3A_71, %dma_wait3A_140] : memref<4096x128xf32, #tpu.memory_space<hbm>> -> memref<32x128xf32, #tpu.memory_space<hbm>>
      %dma_wait3A_142 = arith.constant 0 : i32
      %dma_wait3A_143 = tpu.memref_slice %arg3[%add3A_71, %dma_wait3A_142] : memref<4096x128xf32, #tpu.memory_space<hbm>> -> memref<32x128xf32, #tpu.memory_space<hbm>>
      tpu.wait_dma2 semaphore(%run_scoped3A : memref<!tpu.dma_semaphore, #tpu.memory_space<semaphore_mem>>) src(%dma_wait3A_143 : memref<32x128xf32, #tpu.memory_space<hbm>>) dst(%arg9 : memref<32x128xf32, #tpu.memory_space<vmem>>)
      tpu.yield
    }) : () -> ()
    %dma_start3A_74 = arith.constant 2 : i32
    %dma_start3A_75 = arith.constant 0 : i32
    %dma_start3A_76 = tpu.memref_slice %arg7[%dma_start3A_74, %dma_start3A_75] : memref<4x32xi32, #tpu.memory_space<vmem>> -> memref<1x32xi32, #tpu.memory_space<vmem>>
    %dma_start3A_77 = tpu.memref_squeeze %dma_start3A_76 : memref<1x32xi32, #tpu.memory_space<vmem>> -> memref<32xi32, #tpu.memory_space<vmem>>
    %dma_start3A_78 = arith.constant 0 : i32
    %dma_start3A_79 = arith.constant 0 : i32
    %dma_start3A_80 = tpu.memref_slice %arg5[%dma_start3A_78, %dma_start3A_79] : memref<4096x1024xf32, #tpu.memory_space<hbm>> -> memref<4096x1024xf32, #tpu.memory_space<hbm>>
    tpu.enqueue_indirect_dma source(%arg8 : memref<32x1024xf32, #tpu.memory_space<vmem>>) target(%dma_start3A_80 : memref<4096x1024xf32, #tpu.memory_space<hbm>>) offsets(%dma_start3A_77 : memref<32xi32, #tpu.memory_space<vmem>>) semaphore(%arg10 : memref<!tpu.dma_semaphore, #tpu.memory_space<semaphore_mem>>)
    %dma_start3A_81 = arith.constant 2 : i32
    %dma_start3A_82 = arith.constant 0 : i32
    %dma_start3A_83 = tpu.memref_slice %arg7[%dma_start3A_81, %dma_start3A_82] : memref<4x32xi32, #tpu.memory_space<vmem>> -> memref<1x32xi32, #tpu.memory_space<vmem>>
    %dma_start3A_84 = tpu.memref_squeeze %dma_start3A_83 : memref<1x32xi32, #tpu.memory_space<vmem>> -> memref<32xi32, #tpu.memory_space<vmem>>
    %dma_start3A_85 = arith.constant 0 : i32
    %dma_start3A_86 = arith.constant 0 : i32
    %dma_start3A_87 = tpu.memref_slice %arg6[%dma_start3A_85, %dma_start3A_86] : memref<4096x128xf32, #tpu.memory_space<hbm>> -> memref<4096x128xf32, #tpu.memory_space<hbm>>
    tpu.enqueue_indirect_dma source(%arg9 : memref<32x128xf32, #tpu.memory_space<vmem>>) target(%dma_start3A_87 : memref<4096x128xf32, #tpu.memory_space<hbm>>) offsets(%dma_start3A_84 : memref<32xi32, #tpu.memory_space<vmem>>) semaphore(%arg10 : memref<!tpu.dma_semaphore, #tpu.memory_space<semaphore_mem>>)
    %dma_wait3A_88 = arith.constant 2 : i32
    %dma_wait3A_89 = arith.constant 0 : i32
    %dma_wait3A_90 = tpu.memref_slice %arg7[%dma_wait3A_88, %dma_wait3A_89] : memref<4x32xi32, #tpu.memory_space<vmem>> -> memref<1x32xi32, #tpu.memory_space<vmem>>
    %dma_wait3A_91 = tpu.memref_squeeze %dma_wait3A_90 : memref<1x32xi32, #tpu.memory_space<vmem>> -> memref<32xi32, #tpu.memory_space<vmem>>
    %dma_wait3A_92 = arith.constant 0 : i32
    %dma_wait3A_93 = arith.constant 0 : i32
    %dma_wait3A_94 = tpu.memref_slice %arg5[%dma_wait3A_92, %dma_wait3A_93] : memref<4096x1024xf32, #tpu.memory_space<hbm>> -> memref<4096x1024xf32, #tpu.memory_space<hbm>>
    tpu.wait_indirect_dma semaphore(%arg10 : memref<!tpu.dma_semaphore, #tpu.memory_space<semaphore_mem>>) src(%arg8 : memref<32x1024xf32, #tpu.memory_space<vmem>>) dst(%dma_wait3A_94 : memref<4096x1024xf32, #tpu.memory_space<hbm>>)
    %dma_wait3A_95 = arith.constant 2 : i32
    %dma_wait3A_96 = arith.constant 0 : i32
    %dma_wait3A_97 = tpu.memref_slice %arg7[%dma_wait3A_95, %dma_wait3A_96] : memref<4x32xi32, #tpu.memory_space<vmem>> -> memref<1x32xi32, #tpu.memory_space<vmem>>
    %dma_wait3A_98 = tpu.memref_squeeze %dma_wait3A_97 : memref<1x32xi32, #tpu.memory_space<vmem>> -> memref<32xi32, #tpu.memory_space<vmem>>
    %dma_wait3A_99 = arith.constant 0 : i32
    %dma_wait3A_100 = arith.constant 0 : i32
    %dma_wait3A_101 = tpu.memref_slice %arg6[%dma_wait3A_99, %dma_wait3A_100] : memref<4096x128xf32, #tpu.memory_space<hbm>> -> memref<4096x128xf32, #tpu.memory_space<hbm>>
    tpu.wait_indirect_dma semaphore(%arg10 : memref<!tpu.dma_semaphore, #tpu.memory_space<semaphore_mem>>) src(%arg9 : memref<32x128xf32, #tpu.memory_space<vmem>>) dst(%dma_wait3A_101 : memref<4096x128xf32, #tpu.memory_space<hbm>>)
    %mul3A_102 = arith.constant 128 : i32
    %mul3A_103 = arith.muli %add3A, %mul3A_102 : i32
    %add3A_104 = arith.constant 96 : i32
    %add3A_105 = arith.addi %mul3A_103, %add3A_104 : i32
    %rem3A_106 = arith.constant 2048 : i32
    %rem3A_107 = arith.remsi %add3A_105, %rem3A_106 : i32
    "tpu.region"() ({
      %run_scoped3A = tpu.sem_alloc : memref<!tpu.dma_semaphore, #tpu.memory_space<semaphore_mem>>
      %dma_start3A_136 = arith.constant 0 : i32
      %dma_start3A_137 = tpu.memref_slice %arg2[%rem3A_107, %dma_start3A_136] : memref<2048x1024xf32, #tpu.memory_space<hbm>> -> memref<32x1024xf32, #tpu.memory_space<hbm>>
      %dma_start3A_138 = arith.constant 0 : i32
      %dma_start3A_139 = tpu.memref_slice %arg2[%rem3A_107, %dma_start3A_138] : memref<2048x1024xf32, #tpu.memory_space<hbm>> -> memref<32x1024xf32, #tpu.memory_space<hbm>>
      tpu.enqueue_dma source(%dma_start3A_139 : memref<32x1024xf32, #tpu.memory_space<hbm>>) target(%arg8 : memref<32x1024xf32, #tpu.memory_space<vmem>>) target_semaphore(%run_scoped3A : memref<!tpu.dma_semaphore, #tpu.memory_space<semaphore_mem>>)
      %dma_wait3A_140 = arith.constant 0 : i32
      %dma_wait3A_141 = tpu.memref_slice %arg2[%rem3A_107, %dma_wait3A_140] : memref<2048x1024xf32, #tpu.memory_space<hbm>> -> memref<32x1024xf32, #tpu.memory_space<hbm>>
      %dma_wait3A_142 = arith.constant 0 : i32
      %dma_wait3A_143 = tpu.memref_slice %arg2[%rem3A_107, %dma_wait3A_142] : memref<2048x1024xf32, #tpu.memory_space<hbm>> -> memref<32x1024xf32, #tpu.memory_space<hbm>>
      tpu.wait_dma2 semaphore(%run_scoped3A : memref<!tpu.dma_semaphore, #tpu.memory_space<semaphore_mem>>) src(%dma_wait3A_143 : memref<32x1024xf32, #tpu.memory_space<hbm>>) dst(%arg8 : memref<32x1024xf32, #tpu.memory_space<vmem>>)
      tpu.yield
    }) : () -> ()
    "tpu.region"() ({
      %run_scoped3A = tpu.sem_alloc : memref<!tpu.dma_semaphore, #tpu.memory_space<semaphore_mem>>
      %dma_start3A_136 = arith.constant 0 : i32
      %dma_start3A_137 = tpu.memref_slice %arg3[%add3A_105, %dma_start3A_136] : memref<4096x128xf32, #tpu.memory_space<hbm>> -> memref<32x128xf32, #tpu.memory_space<hbm>>
      %dma_start3A_138 = arith.constant 0 : i32
      %dma_start3A_139 = tpu.memref_slice %arg3[%add3A_105, %dma_start3A_138] : memref<4096x128xf32, #tpu.memory_space<hbm>> -> memref<32x128xf32, #tpu.memory_space<hbm>>
      tpu.enqueue_dma source(%dma_start3A_139 : memref<32x128xf32, #tpu.memory_space<hbm>>) target(%arg9 : memref<32x128xf32, #tpu.memory_space<vmem>>) target_semaphore(%run_scoped3A : memref<!tpu.dma_semaphore, #tpu.memory_space<semaphore_mem>>)
      %dma_wait3A_140 = arith.constant 0 : i32
      %dma_wait3A_141 = tpu.memref_slice %arg3[%add3A_105, %dma_wait3A_140] : memref<4096x128xf32, #tpu.memory_space<hbm>> -> memref<32x128xf32, #tpu.memory_space<hbm>>
      %dma_wait3A_142 = arith.constant 0 : i32
      %dma_wait3A_143 = tpu.memref_slice %arg3[%add3A_105, %dma_wait3A_142] : memref<4096x128xf32, #tpu.memory_space<hbm>> -> memref<32x128xf32, #tpu.memory_space<hbm>>
      tpu.wait_dma2 semaphore(%run_scoped3A : memref<!tpu.dma_semaphore, #tpu.memory_space<semaphore_mem>>) src(%dma_wait3A_143 : memref<32x128xf32, #tpu.memory_space<hbm>>) dst(%arg9 : memref<32x128xf32, #tpu.memory_space<vmem>>)
      tpu.yield
    }) : () -> ()
    %dma_start3A_108 = arith.constant 3 : i32
    %dma_start3A_109 = arith.constant 0 : i32
    %dma_start3A_110 = tpu.memref_slice %arg7[%dma_start3A_108, %dma_start3A_109] : memref<4x32xi32, #tpu.memory_space<vmem>> -> memref<1x32xi32, #tpu.memory_space<vmem>>
    %dma_start3A_111 = tpu.memref_squeeze %dma_start3A_110 : memref<1x32xi32, #tpu.memory_space<vmem>> -> memref<32xi32, #tpu.memory_space<vmem>>
    %dma_start3A_112 = arith.constant 0 : i32
    %dma_start3A_113 = arith.constant 0 : i32
    %dma_start3A_114 = tpu.memref_slice %arg5[%dma_start3A_112, %dma_start3A_113] : memref<4096x1024xf32, #tpu.memory_space<hbm>> -> memref<4096x1024xf32, #tpu.memory_space<hbm>>
    tpu.enqueue_indirect_dma source(%arg8 : memref<32x1024xf32, #tpu.memory_space<vmem>>) target(%dma_start3A_114 : memref<4096x1024xf32, #tpu.memory_space<hbm>>) offsets(%dma_start3A_111 : memref<32xi32, #tpu.memory_space<vmem>>) semaphore(%arg10 : memref<!tpu.dma_semaphore, #tpu.memory_space<semaphore_mem>>)
    %dma_start3A_115 = arith.constant 3 : i32
    %dma_start3A_116 = arith.constant 0 : i32
    %dma_start3A_117 = tpu.memref_slice %arg7[%dma_start3A_115, %dma_start3A_116] : memref<4x32xi32, #tpu.memory_space<vmem>> -> memref<1x32xi32, #tpu.memory_space<vmem>>
    %dma_start3A_118 = tpu.memref_squeeze %dma_start3A_117 : memref<1x32xi32, #tpu.memory_space<vmem>> -> memref<32xi32, #tpu.memory_space<vmem>>
    %dma_start3A_119 = arith.constant 0 : i32
    %dma_start3A_120 = arith.constant 0 : i32
    %dma_start3A_121 = tpu.memref_slice %arg6[%dma_start3A_119, %dma_start3A_120] : memref<4096x128xf32, #tpu.memory_space<hbm>> -> memref<4096x128xf32, #tpu.memory_space<hbm>>
    tpu.enqueue_indirect_dma source(%arg9 : memref<32x128xf32, #tpu.memory_space<vmem>>) target(%dma_start3A_121 : memref<4096x128xf32, #tpu.memory_space<hbm>>) offsets(%dma_start3A_118 : memref<32xi32, #tpu.memory_space<vmem>>) semaphore(%arg10 : memref<!tpu.dma_semaphore, #tpu.memory_space<semaphore_mem>>)
    %dma_wait3A_122 = arith.constant 3 : i32
    %dma_wait3A_123 = arith.constant 0 : i32
    %dma_wait3A_124 = tpu.memref_slice %arg7[%dma_wait3A_122, %dma_wait3A_123] : memref<4x32xi32, #tpu.memory_space<vmem>> -> memref<1x32xi32, #tpu.memory_space<vmem>>
    %dma_wait3A_125 = tpu.memref_squeeze %dma_wait3A_124 : memref<1x32xi32, #tpu.memory_space<vmem>> -> memref<32xi32, #tpu.memory_space<vmem>>
    %dma_wait3A_126 = arith.constant 0 : i32
    %dma_wait3A_127 = arith.constant 0 : i32
    %dma_wait3A_128 = tpu.memref_slice %arg5[%dma_wait3A_126, %dma_wait3A_127] : memref<4096x1024xf32, #tpu.memory_space<hbm>> -> memref<4096x1024xf32, #tpu.memory_space<hbm>>
    tpu.wait_indirect_dma semaphore(%arg10 : memref<!tpu.dma_semaphore, #tpu.memory_space<semaphore_mem>>) src(%arg8 : memref<32x1024xf32, #tpu.memory_space<vmem>>) dst(%dma_wait3A_128 : memref<4096x1024xf32, #tpu.memory_space<hbm>>)
    %dma_wait3A_129 = arith.constant 3 : i32
    %dma_wait3A_130 = arith.constant 0 : i32
    %dma_wait3A_131 = tpu.memref_slice %arg7[%dma_wait3A_129, %dma_wait3A_130] : memref<4x32xi32, #tpu.memory_space<vmem>> -> memref<1x32xi32, #tpu.memory_space<vmem>>
    %dma_wait3A_132 = tpu.memref_squeeze %dma_wait3A_131 : memref<1x32xi32, #tpu.memory_space<vmem>> -> memref<32xi32, #tpu.memory_space<vmem>>
    %dma_wait3A_133 = arith.constant 0 : i32
    %dma_wait3A_134 = arith.constant 0 : i32
    %dma_wait3A_135 = tpu.memref_slice %arg6[%dma_wait3A_133, %dma_wait3A_134] : memref<4096x128xf32, #tpu.memory_space<hbm>> -> memref<4096x128xf32, #tpu.memory_space<hbm>>
    tpu.wait_indirect_dma semaphore(%arg10 : memref<!tpu.dma_semaphore, #tpu.memory_space<semaphore_mem>>) src(%arg9 : memref<32x128xf32, #tpu.memory_space<vmem>>) dst(%dma_wait3A_135 : memref<4096x128xf32, #tpu.memory_space<hbm>>)
    return
  }
}

module attributes {stable_mosaic.version = 14 : i64} {
  func.func @_gate_body(%arg0: memref<2048x1024xf32, #tpu.memory_space<vmem>>, %arg1: memref<1024x8xf32, #tpu.memory_space<vmem>>, %arg2: memref<1x8xf32, #tpu.memory_space<vmem>>, %arg3: memref<1x1xf32, #tpu.memory_space<vmem>>, %arg4: memref<4096x1xi32, #tpu.memory_space<vmem>>, %arg5: memref<4096x128xf32, #tpu.memory_space<vmem>>, %arg6: memref<4x23xi32, #tpu.memory_space<vmem>>) attributes {dimension_semantics = [], scalar_prefetch = 0 : i64, scratch_operands = 0 : i64, tpu.core_type = #tpu.core_type<tc>} {
    %get3A = arith.constant 0 : index
    %get3A_0 = arith.constant 0 : index
    %get3A_1 = vector.load %arg0[%get3A, %get3A_0] : memref<2048x1024xf32, #tpu.memory_space<vmem>>, vector<2048x1024xf32>
    %get3A_2 = arith.constant 0 : index
    %get3A_3 = arith.constant 0 : index
    %get3A_4 = vector.load %arg1[%get3A_2, %get3A_3] : memref<1024x8xf32, #tpu.memory_space<vmem>>, vector<1024x8xf32>
    %dot_general3A = arith.constant dense<0.000000e+00> : vector<2048x8xf32>
    %dot_general3A_5 = tpu.matmul %get3A_1, %get3A_4, %dot_general3A {dimension_numbers = #tpu.dot_dimension_numbers<[1], [0], [0], [1], [0, 0, 1, 1], [], []>, transpose_lhs_hint = false} : vector<2048x1024xf32>, vector<1024x8xf32>, vector<2048x8xf32> -> vector<2048x8xf32>
    %get3A_6 = arith.constant 0 : index
    %get3A_7 = arith.constant 0 : index
    %get3A_8 = vector.load %arg2[%get3A_6, %get3A_7] : memref<1x8xf32, #tpu.memory_space<vmem>>, vector<1x8xf32>
    %add3A = vector.broadcast %get3A_8 : vector<1x8xf32> to vector<2048x8xf32>
    %add3A_9 = arith.addf %dot_general3A_5, %add3A : vector<2048x8xf32>
    %reduce_max3A = arith.constant dense<0xFF800000> : vector<2048xf32>
    %reduce_max3A_10 = vector.multi_reduction <maximumf>, %add3A_9, %reduce_max3A [1] : vector<2048x8xf32> to vector<2048xf32>
    %broadcast_in_dim3A = vector.shape_cast %reduce_max3A_10 : vector<2048xf32> to vector<2048x1xf32>
    %sub3A = vector.broadcast %broadcast_in_dim3A : vector<2048x1xf32> to vector<2048x8xf32>
    %sub3A_11 = arith.subf %add3A_9, %sub3A : vector<2048x8xf32>
    %exp3A = math.exp %sub3A_11 : vector<2048x8xf32>
    %reduce_sum3A = arith.constant dense<0.000000e+00> : vector<2048xf32>
    %reduce_sum3A_12 = vector.multi_reduction <add>, %exp3A, %reduce_sum3A [1] : vector<2048x8xf32> to vector<2048xf32>
    %broadcast_in_dim3A_13 = vector.shape_cast %reduce_sum3A_12 : vector<2048xf32> to vector<2048x1xf32>
    %div3A = vector.broadcast %broadcast_in_dim3A_13 : vector<2048x1xf32> to vector<2048x8xf32>
    %div3A_14 = arith.divf %exp3A, %div3A : vector<2048x8xf32>
    %iota3A = tpu.iota {dimensions = array<i32: 1>} : vector<2048x8xi32>
    %reduce_max3A_15 = arith.constant dense<0xFF800000> : vector<2048xf32>
    %reduce_max3A_16 = vector.multi_reduction <maximumf>, %div3A_14, %reduce_max3A_15 [1] : vector<2048x8xf32> to vector<2048xf32>
    %broadcast_in_dim3A_17 = vector.shape_cast %reduce_max3A_16 : vector<2048xf32> to vector<2048x1xf32>
    %eq3A = vector.broadcast %broadcast_in_dim3A_17 : vector<2048x1xf32> to vector<2048x8xf32>
    %eq3A_18 = arith.cmpf oeq, %div3A_14, %eq3A : vector<2048x8xf32>
    %jit3A = arith.constant 8 : i32
    %broadcast_in_dim3A_19 = vector.broadcast %jit3A : i32 to vector<2048x8xi32>
    %select_n3A = arith.select %eq3A_18, %iota3A, %broadcast_in_dim3A_19 : vector<2048x8xi1>, vector<2048x8xi32>
    %reduce_min3A = arith.constant dense<2147483647> : vector<2048xi32>
    %reduce_min3A_20 = vector.multi_reduction <minsi>, %select_n3A, %reduce_min3A [1] : vector<2048x8xi32> to vector<2048xi32>
    %broadcast_in_dim3A_21 = vector.shape_cast %reduce_min3A_20 : vector<2048xi32> to vector<2048x1xi32>
    %eq3A_22 = vector.broadcast %broadcast_in_dim3A_21 : vector<2048x1xi32> to vector<2048x8xi32>
    %eq3A_23 = arith.cmpi eq, %iota3A, %eq3A_22 : vector<2048x8xi32>
    %jit3A_24 = arith.constant 0xFF800000 : f32
    %broadcast_in_dim3A_25 = vector.broadcast %jit3A_24 : f32 to vector<2048x8xf32>
    %select_n3A_26 = arith.select %eq3A_23, %broadcast_in_dim3A_25, %div3A_14 : vector<2048x8xi1>, vector<2048x8xf32>
    %reduce_max3A_27 = arith.constant dense<0xFF800000> : vector<2048xf32>
    %reduce_max3A_28 = vector.multi_reduction <maximumf>, %select_n3A_26, %reduce_max3A_27 [1] : vector<2048x8xf32> to vector<2048xf32>
    %broadcast_in_dim3A_29 = vector.shape_cast %reduce_max3A_28 : vector<2048xf32> to vector<2048x1xf32>
    %eq3A_30 = vector.broadcast %broadcast_in_dim3A_29 : vector<2048x1xf32> to vector<2048x8xf32>
    %eq3A_31 = arith.cmpf oeq, %select_n3A_26, %eq3A_30 : vector<2048x8xf32>
    %jit3A_32 = arith.constant 8 : i32
    %broadcast_in_dim3A_33 = vector.broadcast %jit3A_32 : i32 to vector<2048x8xi32>
    %select_n3A_34 = arith.select %eq3A_31, %iota3A, %broadcast_in_dim3A_33 : vector<2048x8xi1>, vector<2048x8xi32>
    %reduce_min3A_35 = arith.constant dense<2147483647> : vector<2048xi32>
    %reduce_min3A_36 = vector.multi_reduction <minsi>, %select_n3A_34, %reduce_min3A_35 [1] : vector<2048x8xi32> to vector<2048xi32>
    %broadcast_in_dim3A_37 = vector.shape_cast %reduce_min3A_36 : vector<2048xi32> to vector<2048x1xi32>
    %eq3A_38 = vector.broadcast %broadcast_in_dim3A_37 : vector<2048x1xi32> to vector<2048x8xi32>
    %eq3A_39 = arith.cmpi eq, %iota3A, %eq3A_38 : vector<2048x8xi32>
    %add3A_40 = arith.addf %broadcast_in_dim3A_17, %broadcast_in_dim3A_29 : vector<2048x1xf32>
    %div3A_41 = arith.divf %broadcast_in_dim3A_17, %add3A_40 : vector<2048x1xf32>
    %div3A_42 = arith.divf %broadcast_in_dim3A_29, %add3A_40 : vector<2048x1xf32>
    %concatenate3A = tpu.concatenate %div3A_41, %div3A_42 in 0 : vector<2048x1xf32>, vector<2048x1xf32> -> vector<4096x1xf32>
    %broadcast_in_dim3A_43 = vector.shape_cast %concatenate3A : vector<4096x1xf32> to vector<4096x1xf32>
    %broadcast_in_dim3A_44 = vector.broadcast %broadcast_in_dim3A_43 : vector<4096x1xf32> to vector<4096x128xf32>
    %swap3A = arith.constant 0 : index
    %swap3A_45 = arith.constant 0 : index
    %swap3A_46 = vector.load %arg5[%swap3A, %swap3A_45] : memref<4096x128xf32, #tpu.memory_space<vmem>>, vector<4096x128xf32>
    tpu.vector_store %arg5[%swap3A, %swap3A_45], %broadcast_in_dim3A_44 {strides = array<i32>} : memref<4096x128xf32, #tpu.memory_space<vmem>>, vector<4096x128xf32>,
    %or3A = arith.ori %eq3A_23, %eq3A_39 : vector<2048x8xi1>
    %jit3A_47 = arith.constant 1.000000e+00 : f32
    %jit3A_48 = arith.constant 0.000000e+00 : f32
    %broadcast_in_dim3A_49 = vector.broadcast %jit3A_47 : f32 to vector<2048x8xf32>
    %broadcast_in_dim3A_50 = vector.broadcast %jit3A_48 : f32 to vector<2048x8xf32>
    %select_n3A_51 = arith.select %or3A, %broadcast_in_dim3A_49, %broadcast_in_dim3A_50 : vector<2048x8xi1>, vector<2048x8xf32>
    %reduce_sum3A_52 = arith.constant dense<0.000000e+00> : vector<8xf32>
    %reduce_sum3A_53 = vector.multi_reduction <add>, %select_n3A_51, %reduce_sum3A_52 [0] : vector<2048x8xf32> to vector<8xf32>
    %broadcast_in_dim3A_54 = vector.shape_cast %reduce_sum3A_53 : vector<8xf32> to vector<1x8xf32>
    %reduce_sum3A_55 = arith.constant dense<0.000000e+00> : vector<8xf32>
    %reduce_sum3A_56 = vector.multi_reduction <add>, %div3A_14, %reduce_sum3A_55 [0] : vector<2048x8xf32> to vector<8xf32>
    %broadcast_in_dim3A_57 = vector.shape_cast %reduce_sum3A_56 : vector<8xf32> to vector<1x8xf32>
    %div3A_58 = arith.constant 2.048000e+03 : f32
    %div3A_59 = vector.broadcast %div3A_58 : f32 to vector<1x8xf32>
    %div3A_60 = arith.divf %broadcast_in_dim3A_57, %div3A_59 : vector<1x8xf32>
    %mul3A = arith.mulf %div3A_60, %broadcast_in_dim3A_54 : vector<1x8xf32>
    %div3A_61 = arith.constant 2.048000e+03 : f32
    %div3A_62 = vector.broadcast %div3A_61 : f32 to vector<1x8xf32>
    %div3A_63 = arith.divf %mul3A, %div3A_62 : vector<1x8xf32>
    %reduce_sum3A_64 = vector.shape_cast %div3A_63 : vector<1x8xf32> to vector<1x1x8xf32>
    %reduce_sum3A_65 = arith.constant dense<0.000000e+00> : vector<1xf32>
    %reduce_sum3A_66 = vector.multi_reduction <add>, %reduce_sum3A_64, %reduce_sum3A_65 [1, 2] : vector<1x1x8xf32> to vector<1xf32>
    %reduce_sum3A_67 = vector.shape_cast %reduce_sum3A_66 : vector<1xf32> to vector<1x1x1xf32>
    %reduce_sum3A_68 = vector.extract %reduce_sum3A_67[0, 0, 0] : f32 from vector<1x1x1xf32>
    %reshape3A = vector.broadcast %reduce_sum3A_68 : f32 to vector<1x1xf32>
    %swap3A_69 = arith.constant 0 : index
    %swap3A_70 = arith.constant 0 : index
    %swap3A_71 = vector.load %arg3[%swap3A_69, %swap3A_70] : memref<1x1xf32, #tpu.memory_space<vmem>>, vector<1x1xf32>
    tpu.vector_store %arg3[%swap3A_69, %swap3A_70], %reshape3A {strides = array<i32>} : memref<1x1xf32, #tpu.memory_space<vmem>>, vector<1x1xf32>,
    %concatenate3A_72 = tpu.concatenate %eq3A_23, %eq3A_39 in 0 : vector<2048x8xi1>, vector<2048x8xi1> -> vector<4096x8xi1>
    %convert_element_type3A = arith.extui %concatenate3A_72 : vector<4096x8xi1> to vector<4096x8xi32>
    %convert_element_type3A_73 = arith.sitofp %convert_element_type3A : vector<4096x8xi32> to vector<4096x8xf32>
    %iota3A_74 = tpu.iota {dimensions = array<i32: 0>} : vector<512x512xi32>
    %iota3A_75 = tpu.iota {dimensions = array<i32: 1>} : vector<512x512xi32>
    %lt3A = arith.cmpi slt, %iota3A_75, %iota3A_74 : vector<512x512xi32>
    %convert_element_type3A_76 = arith.extui %lt3A : vector<512x512xi1> to vector<512x512xi32>
    %convert_element_type3A_77 = arith.sitofp %convert_element_type3A_76 : vector<512x512xi32> to vector<512x512xf32>
    %broadcast_in_dim3A_78 = arith.constant 0.000000e+00 : f32
    %broadcast_in_dim3A_79 = vector.broadcast %broadcast_in_dim3A_78 : f32 to vector<1x8xf32>
    %slice3A = vector.extract_strided_slice %convert_element_type3A_73 {offsets = [0, 0], sizes = [512, 8], strides = [1, 1]} : vector<4096x8xf32> to vector<512x8xf32>
    %dot_general3A_80 = arith.constant dense<0.000000e+00> : vector<512x8xf32>
    %dot_general3A_81 = tpu.matmul %convert_element_type3A_77, %slice3A, %dot_general3A_80 {dimension_numbers = #tpu.dot_dimension_numbers<[1], [0], [0], [1], [0, 0, 1, 1], [], []>, transpose_lhs_hint = false} : vector<512x512xf32>, vector<512x8xf32>, vector<512x8xf32> -> vector<512x8xf32>
    %add3A_82 = vector.broadcast %broadcast_in_dim3A_79 : vector<1x8xf32> to vector<512x8xf32>
    %add3A_83 = arith.addf %dot_general3A_81, %add3A_82 : vector<512x8xf32>
    %mul3A_84 = arith.mulf %slice3A, %add3A_83 : vector<512x8xf32>
    %reduce_sum3A_85 = arith.constant dense<0.000000e+00> : vector<512xf32>
    %reduce_sum3A_86 = vector.multi_reduction <add>, %mul3A_84, %reduce_sum3A_85 [1] : vector<512x8xf32> to vector<512xf32>
    %broadcast_in_dim3A_87 = vector.shape_cast %reduce_sum3A_86 : vector<512xf32> to vector<512x1xf32>
    %reduce_sum3A_88 = arith.constant dense<0.000000e+00> : vector<8xf32>
    %reduce_sum3A_89 = vector.multi_reduction <add>, %slice3A, %reduce_sum3A_88 [0] : vector<512x8xf32> to vector<8xf32>
    %broadcast_in_dim3A_90 = vector.shape_cast %reduce_sum3A_89 : vector<8xf32> to vector<1x8xf32>
    %add3A_91 = arith.addf %broadcast_in_dim3A_79, %broadcast_in_dim3A_90 : vector<1x8xf32>
    %slice3A_92 = vector.extract_strided_slice %convert_element_type3A_73 {offsets = [512, 0], sizes = [512, 8], strides = [1, 1]} : vector<4096x8xf32> to vector<512x8xf32>
    %dot_general3A_93 = arith.constant dense<0.000000e+00> : vector<512x8xf32>
    %dot_general3A_94 = tpu.matmul %convert_element_type3A_77, %slice3A_92, %dot_general3A_93 {dimension_numbers = #tpu.dot_dimension_numbers<[1], [0], [0], [1], [0, 0, 1, 1], [], []>, transpose_lhs_hint = false} : vector<512x512xf32>, vector<512x8xf32>, vector<512x8xf32> -> vector<512x8xf32>
    %add3A_95 = vector.broadcast %add3A_91 : vector<1x8xf32> to vector<512x8xf32>
    %add3A_96 = arith.addf %dot_general3A_94, %add3A_95 : vector<512x8xf32>
    %mul3A_97 = arith.mulf %slice3A_92, %add3A_96 : vector<512x8xf32>
    %reduce_sum3A_98 = arith.constant dense<0.000000e+00> : vector<512xf32>
    %reduce_sum3A_99 = vector.multi_reduction <add>, %mul3A_97, %reduce_sum3A_98 [1] : vector<512x8xf32> to vector<512xf32>
    %broadcast_in_dim3A_100 = vector.shape_cast %reduce_sum3A_99 : vector<512xf32> to vector<512x1xf32>
    %reduce_sum3A_101 = arith.constant dense<0.000000e+00> : vector<8xf32>
    %reduce_sum3A_102 = vector.multi_reduction <add>, %slice3A_92, %reduce_sum3A_101 [0] : vector<512x8xf32> to vector<8xf32>
    %broadcast_in_dim3A_103 = vector.shape_cast %reduce_sum3A_102 : vector<8xf32> to vector<1x8xf32>
    %add3A_104 = arith.addf %add3A_91, %broadcast_in_dim3A_103 : vector<1x8xf32>
    %slice3A_105 = vector.extract_strided_slice %convert_element_type3A_73 {offsets = [1024, 0], sizes = [512, 8], strides = [1, 1]} : vector<4096x8xf32> to vector<512x8xf32>
    %dot_general3A_106 = arith.constant dense<0.000000e+00> : vector<512x8xf32>
    %dot_general3A_107 = tpu.matmul %convert_element_type3A_77, %slice3A_105, %dot_general3A_106 {dimension_numbers = #tpu.dot_dimension_numbers<[1], [0], [0], [1], [0, 0, 1, 1], [], []>, transpose_lhs_hint = false} : vector<512x512xf32>, vector<512x8xf32>, vector<512x8xf32> -> vector<512x8xf32>
    %add3A_108 = vector.broadcast %add3A_104 : vector<1x8xf32> to vector<512x8xf32>
    %add3A_109 = arith.addf %dot_general3A_107, %add3A_108 : vector<512x8xf32>
    %mul3A_110 = arith.mulf %slice3A_105, %add3A_109 : vector<512x8xf32>
    %reduce_sum3A_111 = arith.constant dense<0.000000e+00> : vector<512xf32>
    %reduce_sum3A_112 = vector.multi_reduction <add>, %mul3A_110, %reduce_sum3A_111 [1] : vector<512x8xf32> to vector<512xf32>
    %broadcast_in_dim3A_113 = vector.shape_cast %reduce_sum3A_112 : vector<512xf32> to vector<512x1xf32>
    %reduce_sum3A_114 = arith.constant dense<0.000000e+00> : vector<8xf32>
    %reduce_sum3A_115 = vector.multi_reduction <add>, %slice3A_105, %reduce_sum3A_114 [0] : vector<512x8xf32> to vector<8xf32>
    %broadcast_in_dim3A_116 = vector.shape_cast %reduce_sum3A_115 : vector<8xf32> to vector<1x8xf32>
    %add3A_117 = arith.addf %add3A_104, %broadcast_in_dim3A_116 : vector<1x8xf32>
    %slice3A_118 = vector.extract_strided_slice %convert_element_type3A_73 {offsets = [1536, 0], sizes = [512, 8], strides = [1, 1]} : vector<4096x8xf32> to vector<512x8xf32>
    %dot_general3A_119 = arith.constant dense<0.000000e+00> : vector<512x8xf32>
    %dot_general3A_120 = tpu.matmul %convert_element_type3A_77, %slice3A_118, %dot_general3A_119 {dimension_numbers = #tpu.dot_dimension_numbers<[1], [0], [0], [1], [0, 0, 1, 1], [], []>, transpose_lhs_hint = false} : vector<512x512xf32>, vector<512x8xf32>, vector<512x8xf32> -> vector<512x8xf32>
    %add3A_121 = vector.broadcast %add3A_117 : vector<1x8xf32> to vector<512x8xf32>
    %add3A_122 = arith.addf %dot_general3A_120, %add3A_121 : vector<512x8xf32>
    %mul3A_123 = arith.mulf %slice3A_118, %add3A_122 : vector<512x8xf32>
    %reduce_sum3A_124 = arith.constant dense<0.000000e+00> : vector<512xf32>
    %reduce_sum3A_125 = vector.multi_reduction <add>, %mul3A_123, %reduce_sum3A_124 [1] : vector<512x8xf32> to vector<512xf32>
    %broadcast_in_dim3A_126 = vector.shape_cast %reduce_sum3A_125 : vector<512xf32> to vector<512x1xf32>
    %reduce_sum3A_127 = arith.constant dense<0.000000e+00> : vector<8xf32>
    %reduce_sum3A_128 = vector.multi_reduction <add>, %slice3A_118, %reduce_sum3A_127 [0] : vector<512x8xf32> to vector<8xf32>
    %broadcast_in_dim3A_129 = vector.shape_cast %reduce_sum3A_128 : vector<8xf32> to vector<1x8xf32>
    %add3A_130 = arith.addf %add3A_117, %broadcast_in_dim3A_129 : vector<1x8xf32>
    %slice3A_131 = vector.extract_strided_slice %convert_element_type3A_73 {offsets = [2048, 0], sizes = [512, 8], strides = [1, 1]} : vector<4096x8xf32> to vector<512x8xf32>
    %dot_general3A_132 = arith.constant dense<0.000000e+00> : vector<512x8xf32>
    %dot_general3A_133 = tpu.matmul %convert_element_type3A_77, %slice3A_131, %dot_general3A_132 {dimension_numbers = #tpu.dot_dimension_numbers<[1], [0], [0], [1], [0, 0, 1, 1], [], []>, transpose_lhs_hint = false} : vector<512x512xf32>, vector<512x8xf32>, vector<512x8xf32> -> vector<512x8xf32>
    %add3A_134 = vector.broadcast %add3A_130 : vector<1x8xf32> to vector<512x8xf32>
    %add3A_135 = arith.addf %dot_general3A_133, %add3A_134 : vector<512x8xf32>
    %mul3A_136 = arith.mulf %slice3A_131, %add3A_135 : vector<512x8xf32>
    %reduce_sum3A_137 = arith.constant dense<0.000000e+00> : vector<512xf32>
    %reduce_sum3A_138 = vector.multi_reduction <add>, %mul3A_136, %reduce_sum3A_137 [1] : vector<512x8xf32> to vector<512xf32>
    %broadcast_in_dim3A_139 = vector.shape_cast %reduce_sum3A_138 : vector<512xf32> to vector<512x1xf32>
    %reduce_sum3A_140 = arith.constant dense<0.000000e+00> : vector<8xf32>
    %reduce_sum3A_141 = vector.multi_reduction <add>, %slice3A_131, %reduce_sum3A_140 [0] : vector<512x8xf32> to vector<8xf32>
    %broadcast_in_dim3A_142 = vector.shape_cast %reduce_sum3A_141 : vector<8xf32> to vector<1x8xf32>
    %add3A_143 = arith.addf %add3A_130, %broadcast_in_dim3A_142 : vector<1x8xf32>
    %slice3A_144 = vector.extract_strided_slice %convert_element_type3A_73 {offsets = [2560, 0], sizes = [512, 8], strides = [1, 1]} : vector<4096x8xf32> to vector<512x8xf32>
    %dot_general3A_145 = arith.constant dense<0.000000e+00> : vector<512x8xf32>
    %dot_general3A_146 = tpu.matmul %convert_element_type3A_77, %slice3A_144, %dot_general3A_145 {dimension_numbers = #tpu.dot_dimension_numbers<[1], [0], [0], [1], [0, 0, 1, 1], [], []>, transpose_lhs_hint = false} : vector<512x512xf32>, vector<512x8xf32>, vector<512x8xf32> -> vector<512x8xf32>
    %add3A_147 = vector.broadcast %add3A_143 : vector<1x8xf32> to vector<512x8xf32>
    %add3A_148 = arith.addf %dot_general3A_146, %add3A_147 : vector<512x8xf32>
    %mul3A_149 = arith.mulf %slice3A_144, %add3A_148 : vector<512x8xf32>
    %reduce_sum3A_150 = arith.constant dense<0.000000e+00> : vector<512xf32>
    %reduce_sum3A_151 = vector.multi_reduction <add>, %mul3A_149, %reduce_sum3A_150 [1] : vector<512x8xf32> to vector<512xf32>
    %broadcast_in_dim3A_152 = vector.shape_cast %reduce_sum3A_151 : vector<512xf32> to vector<512x1xf32>
    %reduce_sum3A_153 = arith.constant dense<0.000000e+00> : vector<8xf32>
    %reduce_sum3A_154 = vector.multi_reduction <add>, %slice3A_144, %reduce_sum3A_153 [0] : vector<512x8xf32> to vector<8xf32>
    %broadcast_in_dim3A_155 = vector.shape_cast %reduce_sum3A_154 : vector<8xf32> to vector<1x8xf32>
    %add3A_156 = arith.addf %add3A_143, %broadcast_in_dim3A_155 : vector<1x8xf32>
    %slice3A_157 = vector.extract_strided_slice %convert_element_type3A_73 {offsets = [3072, 0], sizes = [512, 8], strides = [1, 1]} : vector<4096x8xf32> to vector<512x8xf32>
    %dot_general3A_158 = arith.constant dense<0.000000e+00> : vector<512x8xf32>
    %dot_general3A_159 = tpu.matmul %convert_element_type3A_77, %slice3A_157, %dot_general3A_158 {dimension_numbers = #tpu.dot_dimension_numbers<[1], [0], [0], [1], [0, 0, 1, 1], [], []>, transpose_lhs_hint = false} : vector<512x512xf32>, vector<512x8xf32>, vector<512x8xf32> -> vector<512x8xf32>
    %add3A_160 = vector.broadcast %add3A_156 : vector<1x8xf32> to vector<512x8xf32>
    %add3A_161 = arith.addf %dot_general3A_159, %add3A_160 : vector<512x8xf32>
    %mul3A_162 = arith.mulf %slice3A_157, %add3A_161 : vector<512x8xf32>
    %reduce_sum3A_163 = arith.constant dense<0.000000e+00> : vector<512xf32>
    %reduce_sum3A_164 = vector.multi_reduction <add>, %mul3A_162, %reduce_sum3A_163 [1] : vector<512x8xf32> to vector<512xf32>
    %broadcast_in_dim3A_165 = vector.shape_cast %reduce_sum3A_164 : vector<512xf32> to vector<512x1xf32>
    %reduce_sum3A_166 = arith.constant dense<0.000000e+00> : vector<8xf32>
    %reduce_sum3A_167 = vector.multi_reduction <add>, %slice3A_157, %reduce_sum3A_166 [0] : vector<512x8xf32> to vector<8xf32>
    %broadcast_in_dim3A_168 = vector.shape_cast %reduce_sum3A_167 : vector<8xf32> to vector<1x8xf32>
    %add3A_169 = arith.addf %add3A_156, %broadcast_in_dim3A_168 : vector<1x8xf32>
    %slice3A_170 = vector.extract_strided_slice %convert_element_type3A_73 {offsets = [3584, 0], sizes = [512, 8], strides = [1, 1]} : vector<4096x8xf32> to vector<512x8xf32>
    %dot_general3A_171 = arith.constant dense<0.000000e+00> : vector<512x8xf32>
    %dot_general3A_172 = tpu.matmul %convert_element_type3A_77, %slice3A_170, %dot_general3A_171 {dimension_numbers = #tpu.dot_dimension_numbers<[1], [0], [0], [1], [0, 0, 1, 1], [], []>, transpose_lhs_hint = false} : vector<512x512xf32>, vector<512x8xf32>, vector<512x8xf32> -> vector<512x8xf32>
    %add3A_173 = vector.broadcast %add3A_169 : vector<1x8xf32> to vector<512x8xf32>
    %add3A_174 = arith.addf %dot_general3A_172, %add3A_173 : vector<512x8xf32>
    %mul3A_175 = arith.mulf %slice3A_170, %add3A_174 : vector<512x8xf32>
    %reduce_sum3A_176 = arith.constant dense<0.000000e+00> : vector<512xf32>
    %reduce_sum3A_177 = vector.multi_reduction <add>, %mul3A_175, %reduce_sum3A_176 [1] : vector<512x8xf32> to vector<512xf32>
    %broadcast_in_dim3A_178 = vector.shape_cast %reduce_sum3A_177 : vector<512xf32> to vector<512x1xf32>
    %reduce_sum3A_179 = arith.constant dense<0.000000e+00> : vector<8xf32>
    %reduce_sum3A_180 = vector.multi_reduction <add>, %slice3A_170, %reduce_sum3A_179 [0] : vector<512x8xf32> to vector<8xf32>
    %broadcast_in_dim3A_181 = vector.shape_cast %reduce_sum3A_180 : vector<8xf32> to vector<1x8xf32>
    %add3A_182 = arith.addf %add3A_169, %broadcast_in_dim3A_181 : vector<1x8xf32>
    %concatenate3A_183 = tpu.concatenate %broadcast_in_dim3A_87, %broadcast_in_dim3A_100, %broadcast_in_dim3A_113, %broadcast_in_dim3A_126, %broadcast_in_dim3A_139, %broadcast_in_dim3A_152, %broadcast_in_dim3A_165, %broadcast_in_dim3A_178 in 0 : vector<512x1xf32>, vector<512x1xf32>, vector<512x1xf32>, vector<512x1xf32>, vector<512x1xf32>, vector<512x1xf32>, vector<512x1xf32>, vector<512x1xf32> -> vector<4096x1xf32>
    %iota3A_184 = tpu.iota {dimensions = array<i32: 0>} : vector<8x8xi32>
    %iota3A_185 = tpu.iota {dimensions = array<i32: 1>} : vector<8x8xi32>
    %lt3A_186 = arith.cmpi slt, %iota3A_184, %iota3A_185 : vector<8x8xi32>
    %convert_element_type3A_187 = arith.extui %lt3A_186 : vector<8x8xi1> to vector<8x8xi32>
    %convert_element_type3A_188 = arith.sitofp %convert_element_type3A_187 : vector<8x8xi32> to vector<8x8xf32>
    %iota3A_189 = tpu.iota {dimensions = array<i32: 0>} : vector<8x8xi32>
    %iota3A_190 = tpu.iota {dimensions = array<i32: 1>} : vector<8x8xi32>
    %eq3A_191 = arith.cmpi eq, %iota3A_189, %iota3A_190 : vector<8x8xi32>
    %convert_element_type3A_192 = arith.extui %eq3A_191 : vector<8x8xi1> to vector<8x8xi32>
    %convert_element_type3A_193 = arith.sitofp %convert_element_type3A_192 : vector<8x8xi32> to vector<8x8xf32>
    %broadcast_in_dim3A_194 = vector.shape_cast %add3A_182 : vector<1x8xf32> to vector<1x8xf32>
    %broadcast_in_dim3A_195 = vector.broadcast %broadcast_in_dim3A_194 : vector<1x8xf32> to vector<8x8xf32>
    %mul3A_196 = arith.mulf %broadcast_in_dim3A_195, %convert_element_type3A_193 : vector<8x8xf32>
    %reduce_sum3A_197 = arith.constant dense<0.000000e+00> : vector<8xf32>
    %reduce_sum3A_198 = vector.multi_reduction <add>, %mul3A_196, %reduce_sum3A_197 [1] : vector<8x8xf32> to vector<8xf32>
    %broadcast_in_dim3A_199 = vector.shape_cast %reduce_sum3A_198 : vector<8xf32> to vector<8x1xf32>
    %broadcast_in_dim3A_200 = vector.shape_cast %broadcast_in_dim3A_199 : vector<8x1xf32> to vector<8x1xf32>
    %broadcast_in_dim3A_201 = vector.broadcast %broadcast_in_dim3A_200 : vector<8x1xf32> to vector<8x8xf32>
    %mul3A_202 = arith.mulf %broadcast_in_dim3A_201, %convert_element_type3A_188 : vector<8x8xf32>
    %reduce_sum3A_203 = arith.constant dense<0.000000e+00> : vector<8xf32>
    %reduce_sum3A_204 = vector.multi_reduction <add>, %mul3A_202, %reduce_sum3A_203 [0] : vector<8x8xf32> to vector<8xf32>
    %broadcast_in_dim3A_205 = vector.shape_cast %reduce_sum3A_204 : vector<8xf32> to vector<1x8xf32>
    %mul3A_206 = vector.broadcast %broadcast_in_dim3A_205 : vector<1x8xf32> to vector<4096x8xf32>
    %mul3A_207 = arith.mulf %convert_element_type3A_73, %mul3A_206 : vector<4096x8xf32>
    %reduce_sum3A_208 = arith.constant dense<0.000000e+00> : vector<4096xf32>
    %reduce_sum3A_209 = vector.multi_reduction <add>, %mul3A_207, %reduce_sum3A_208 [1] : vector<4096x8xf32> to vector<4096xf32>
    %broadcast_in_dim3A_210 = vector.shape_cast %reduce_sum3A_209 : vector<4096xf32> to vector<4096x1xf32>
    %add3A_211 = arith.addf %concatenate3A_183, %broadcast_in_dim3A_210 : vector<4096x1xf32>
    %convert_element_type3A_212 = arith.fptosi %add3A_211 : vector<4096x1xf32> to vector<4096x1xi32>
    %swap3A_213 = arith.constant 0 : index
    %swap3A_214 = arith.constant 0 : index
    %swap3A_215 = vector.load %arg4[%swap3A_213, %swap3A_214] : memref<4096x1xi32, #tpu.memory_space<vmem>>, vector<4096x1xi32>
    tpu.vector_store %arg4[%swap3A_213, %swap3A_214], %convert_element_type3A_212 {strides = array<i32>} : memref<4096x1xi32, #tpu.memory_space<vmem>>, vector<4096x1xi32>,
    %div3A_216 = arith.constant 2.560000e+02 : f32
    %div3A_217 = vector.broadcast %div3A_216 : f32 to vector<1x8xf32>
    %div3A_218 = arith.divf %broadcast_in_dim3A_205, %div3A_217 : vector<1x8xf32>
    %floor3A = math.floor %div3A_218 : vector<1x8xf32>
    %add3A_219 = arith.addf %broadcast_in_dim3A_205, %add3A_182 : vector<1x8xf32>
    %add3A_220 = arith.constant 2.550000e+02 : f32
    %add3A_221 = vector.broadcast %add3A_220 : f32 to vector<1x8xf32>
    %add3A_222 = arith.addf %add3A_219, %add3A_221 : vector<1x8xf32>
    %div3A_223 = arith.constant 2.560000e+02 : f32
    %div3A_224 = vector.broadcast %div3A_223 : f32 to vector<1x8xf32>
    %div3A_225 = arith.divf %add3A_222, %div3A_224 : vector<1x8xf32>
    %floor3A_226 = math.floor %div3A_225 : vector<1x8xf32>
    %gt3A = arith.constant 0.000000e+00 : f32
    %gt3A_227 = vector.broadcast %gt3A : f32 to vector<1x8xf32>
    %gt3A_228 = arith.cmpf ogt, %add3A_182, %gt3A_227 : vector<1x8xf32>
    %sub3A_229 = arith.subf %floor3A_226, %floor3A : vector<1x8xf32>
    %jit3A_230 = arith.constant 0.000000e+00 : f32
    %broadcast_in_dim3A_231 = vector.broadcast %jit3A_230 : f32 to vector<1x8xf32>
    %select_n3A_232 = arith.select %gt3A_228, %sub3A_229, %broadcast_in_dim3A_231 : vector<1x8xi1>, vector<1x8xf32>
    %iota3A_233 = tpu.iota {dimensions = array<i32: 0>} : vector<8x8xi32>
    %iota3A_234 = tpu.iota {dimensions = array<i32: 1>} : vector<8x8xi32>
    %eq3A_235 = arith.cmpi eq, %iota3A_233, %iota3A_234 : vector<8x8xi32>
    %convert_element_type3A_236 = arith.extui %eq3A_235 : vector<8x8xi1> to vector<8x8xi32>
    %convert_element_type3A_237 = arith.sitofp %convert_element_type3A_236 : vector<8x8xi32> to vector<8x8xf32>
    %broadcast_in_dim3A_238 = vector.shape_cast %select_n3A_232 : vector<1x8xf32> to vector<1x8xf32>
    %broadcast_in_dim3A_239 = vector.broadcast %broadcast_in_dim3A_238 : vector<1x8xf32> to vector<8x8xf32>
    %mul3A_240 = arith.mulf %broadcast_in_dim3A_239, %convert_element_type3A_237 : vector<8x8xf32>
    %reduce_sum3A_241 = arith.constant dense<0.000000e+00> : vector<8xf32>
    %reduce_sum3A_242 = vector.multi_reduction <add>, %mul3A_240, %reduce_sum3A_241 [1] : vector<8x8xf32> to vector<8xf32>
    %broadcast_in_dim3A_243 = vector.shape_cast %reduce_sum3A_242 : vector<8xf32> to vector<8x1xf32>
    %broadcast_in_dim3A_244 = vector.shape_cast %broadcast_in_dim3A_243 : vector<8x1xf32> to vector<8x1xf32>
    %broadcast_in_dim3A_245 = vector.broadcast %broadcast_in_dim3A_244 : vector<8x1xf32> to vector<8x8xf32>
    %mul3A_246 = arith.mulf %broadcast_in_dim3A_245, %convert_element_type3A_188 : vector<8x8xf32>
    %reduce_sum3A_247 = arith.constant dense<0.000000e+00> : vector<8xf32>
    %reduce_sum3A_248 = vector.multi_reduction <add>, %mul3A_246, %reduce_sum3A_247 [0] : vector<8x8xf32> to vector<8xf32>
    %broadcast_in_dim3A_249 = vector.shape_cast %reduce_sum3A_248 : vector<8xf32> to vector<1x8xf32>
    %add3A_250 = arith.addf %broadcast_in_dim3A_249, %select_n3A_232 : vector<1x8xf32>
    %reduce_sum3A_251 = vector.shape_cast %select_n3A_232 : vector<1x8xf32> to vector<1x1x8xf32>
    %reduce_sum3A_252 = arith.constant dense<0.000000e+00> : vector<1xf32>
    %reduce_sum3A_253 = vector.multi_reduction <add>, %reduce_sum3A_251, %reduce_sum3A_252 [1, 2] : vector<1x1x8xf32> to vector<1xf32>
    %reduce_sum3A_254 = vector.shape_cast %reduce_sum3A_253 : vector<1xf32> to vector<1x1x1xf32>
    %reduce_sum3A_255 = vector.extract %reduce_sum3A_254[0, 0, 0] : f32 from vector<1x1x1xf32>
    %iota3A_256 = tpu.iota {dimensions = array<i32: 0>} : vector<8x8xi32>
    %iota3A_257 = tpu.iota {dimensions = array<i32: 1>} : vector<8x8xi32>
    %eq3A_258 = arith.cmpi eq, %iota3A_256, %iota3A_257 : vector<8x8xi32>
    %convert_element_type3A_259 = arith.extui %eq3A_258 : vector<8x8xi1> to vector<8x8xi32>
    %convert_element_type3A_260 = arith.sitofp %convert_element_type3A_259 : vector<8x8xi32> to vector<8x8xf32>
    %broadcast_in_dim3A_261 = vector.shape_cast %add3A_250 : vector<1x8xf32> to vector<1x8xf32>
    %broadcast_in_dim3A_262 = vector.broadcast %broadcast_in_dim3A_261 : vector<1x8xf32> to vector<8x8xf32>
    %mul3A_263 = arith.mulf %broadcast_in_dim3A_262, %convert_element_type3A_260 : vector<8x8xf32>
    %reduce_sum3A_264 = arith.constant dense<0.000000e+00> : vector<8xf32>
    %reduce_sum3A_265 = vector.multi_reduction <add>, %mul3A_263, %reduce_sum3A_264 [1] : vector<8x8xf32> to vector<8xf32>
    %broadcast_in_dim3A_266 = vector.shape_cast %reduce_sum3A_265 : vector<8xf32> to vector<8x1xf32>
    %iota3A_267 = tpu.iota {dimensions = array<i32: 0>} : vector<8x8xi32>
    %iota3A_268 = tpu.iota {dimensions = array<i32: 1>} : vector<8x8xi32>
    %eq3A_269 = arith.cmpi eq, %iota3A_267, %iota3A_268 : vector<8x8xi32>
    %convert_element_type3A_270 = arith.extui %eq3A_269 : vector<8x8xi1> to vector<8x8xi32>
    %convert_element_type3A_271 = arith.sitofp %convert_element_type3A_270 : vector<8x8xi32> to vector<8x8xf32>
    %broadcast_in_dim3A_272 = vector.shape_cast %broadcast_in_dim3A_249 : vector<1x8xf32> to vector<1x8xf32>
    %broadcast_in_dim3A_273 = vector.broadcast %broadcast_in_dim3A_272 : vector<1x8xf32> to vector<8x8xf32>
    %mul3A_274 = arith.mulf %broadcast_in_dim3A_273, %convert_element_type3A_271 : vector<8x8xf32>
    %reduce_sum3A_275 = arith.constant dense<0.000000e+00> : vector<8xf32>
    %reduce_sum3A_276 = vector.multi_reduction <add>, %mul3A_274, %reduce_sum3A_275 [1] : vector<8x8xf32> to vector<8xf32>
    %broadcast_in_dim3A_277 = vector.shape_cast %reduce_sum3A_276 : vector<8xf32> to vector<8x1xf32>
    %iota3A_278 = tpu.iota {dimensions = array<i32: 0>} : vector<8x8xi32>
    %iota3A_279 = tpu.iota {dimensions = array<i32: 1>} : vector<8x8xi32>
    %eq3A_280 = arith.cmpi eq, %iota3A_278, %iota3A_279 : vector<8x8xi32>
    %convert_element_type3A_281 = arith.extui %eq3A_280 : vector<8x8xi1> to vector<8x8xi32>
    %convert_element_type3A_282 = arith.sitofp %convert_element_type3A_281 : vector<8x8xi32> to vector<8x8xf32>
    %broadcast_in_dim3A_283 = vector.shape_cast %floor3A : vector<1x8xf32> to vector<1x8xf32>
    %broadcast_in_dim3A_284 = vector.broadcast %broadcast_in_dim3A_283 : vector<1x8xf32> to vector<8x8xf32>
    %mul3A_285 = arith.mulf %broadcast_in_dim3A_284, %convert_element_type3A_282 : vector<8x8xf32>
    %reduce_sum3A_286 = arith.constant dense<0.000000e+00> : vector<8xf32>
    %reduce_sum3A_287 = vector.multi_reduction <add>, %mul3A_285, %reduce_sum3A_286 [1] : vector<8x8xf32> to vector<8xf32>
    %broadcast_in_dim3A_288 = vector.shape_cast %reduce_sum3A_287 : vector<8xf32> to vector<8x1xf32>
    %iota3A_289 = tpu.iota {dimensions = array<i32: 0>} : vector<8x8xi32>
    %iota3A_290 = tpu.iota {dimensions = array<i32: 1>} : vector<8x8xi32>
    %eq3A_291 = arith.cmpi eq, %iota3A_289, %iota3A_290 : vector<8x8xi32>
    %convert_element_type3A_292 = arith.extui %eq3A_291 : vector<8x8xi1> to vector<8x8xi32>
    %convert_element_type3A_293 = arith.sitofp %convert_element_type3A_292 : vector<8x8xi32> to vector<8x8xf32>
    %broadcast_in_dim3A_294 = vector.shape_cast %broadcast_in_dim3A_205 : vector<1x8xf32> to vector<1x8xf32>
    %broadcast_in_dim3A_295 = vector.broadcast %broadcast_in_dim3A_294 : vector<1x8xf32> to vector<8x8xf32>
    %mul3A_296 = arith.mulf %broadcast_in_dim3A_295, %convert_element_type3A_293 : vector<8x8xf32>
    %reduce_sum3A_297 = arith.constant dense<0.000000e+00> : vector<8xf32>
    %reduce_sum3A_298 = vector.multi_reduction <add>, %mul3A_296, %reduce_sum3A_297 [1] : vector<8x8xf32> to vector<8xf32>
    %broadcast_in_dim3A_299 = vector.shape_cast %reduce_sum3A_298 : vector<8xf32> to vector<8x1xf32>
    %iota3A_300 = tpu.iota {dimensions = array<i32: 0>} : vector<8x8xi32>
    %iota3A_301 = tpu.iota {dimensions = array<i32: 1>} : vector<8x8xi32>
    %eq3A_302 = arith.cmpi eq, %iota3A_300, %iota3A_301 : vector<8x8xi32>
    %convert_element_type3A_303 = arith.extui %eq3A_302 : vector<8x8xi1> to vector<8x8xi32>
    %convert_element_type3A_304 = arith.sitofp %convert_element_type3A_303 : vector<8x8xi32> to vector<8x8xf32>
    %broadcast_in_dim3A_305 = vector.shape_cast %add3A_219 : vector<1x8xf32> to vector<1x8xf32>
    %broadcast_in_dim3A_306 = vector.broadcast %broadcast_in_dim3A_305 : vector<1x8xf32> to vector<8x8xf32>
    %mul3A_307 = arith.mulf %broadcast_in_dim3A_306, %convert_element_type3A_304 : vector<8x8xf32>
    %reduce_sum3A_308 = arith.constant dense<0.000000e+00> : vector<8xf32>
    %reduce_sum3A_309 = vector.multi_reduction <add>, %mul3A_307, %reduce_sum3A_308 [1] : vector<8x8xf32> to vector<8xf32>
    %broadcast_in_dim3A_310 = vector.shape_cast %reduce_sum3A_309 : vector<8xf32> to vector<8x1xf32>
    %iota3A_311 = tpu.iota {dimensions = array<i32: 1>} : vector<1x23xi32>
    %convert_element_type3A_312 = arith.sitofp %iota3A_311 : vector<1x23xi32> to vector<1x23xf32>
    %ge3A = vector.broadcast %reduce_sum3A_255 : f32 to vector<1x23xf32>
    %ge3A_313 = arith.cmpf oge, %convert_element_type3A_312, %ge3A : vector<1x23xf32>
    %sub3A_314 = arith.constant 1.000000e+00 : f32
    %sub3A_315 = arith.subf %reduce_sum3A_255, %sub3A_314 : f32
    %max3A = arith.constant 0.000000e+00 : f32
    %max3A_316 = arith.maximumf %sub3A_315, %max3A : f32
    %min3A = vector.broadcast %max3A_316 : f32 to vector<1x23xf32>
    %min3A_317 = arith.minimumf %convert_element_type3A_312, %min3A : vector<1x23xf32>
    %ge3A_318 = vector.broadcast %min3A_317 : vector<1x23xf32> to vector<8x23xf32>
    %ge3A_319 = vector.broadcast %broadcast_in_dim3A_266 : vector<8x1xf32> to vector<8x23xf32>
    %ge3A_320 = arith.cmpf oge, %ge3A_318, %ge3A_319 : vector<8x23xf32>
    %convert_element_type3A_321 = arith.extui %ge3A_320 : vector<8x23xi1> to vector<8x23xi32>
    %convert_element_type3A_322 = arith.sitofp %convert_element_type3A_321 : vector<8x23xi32> to vector<8x23xf32>
    %reduce_sum3A_323 = arith.constant dense<0.000000e+00> : vector<23xf32>
    %reduce_sum3A_324 = vector.multi_reduction <add>, %convert_element_type3A_322, %reduce_sum3A_323 [0] : vector<8x23xf32> to vector<23xf32>
    %broadcast_in_dim3A_325 = vector.shape_cast %reduce_sum3A_324 : vector<23xf32> to vector<1x23xf32>
    %iota3A_326 = tpu.iota {dimensions = array<i32: 0>} : vector<8x1xi32>
    %convert_element_type3A_327 = arith.sitofp %iota3A_326 : vector<8x1xi32> to vector<8x1xf32>
    %eq3A_328 = vector.broadcast %convert_element_type3A_327 : vector<8x1xf32> to vector<8x23xf32>
    %eq3A_329 = vector.broadcast %broadcast_in_dim3A_325 : vector<1x23xf32> to vector<8x23xf32>
    %eq3A_330 = arith.cmpf oeq, %eq3A_328, %eq3A_329 : vector<8x23xf32>
    %convert_element_type3A_331 = arith.extui %eq3A_330 : vector<8x23xi1> to vector<8x23xi32>
    %convert_element_type3A_332 = arith.sitofp %convert_element_type3A_331 : vector<8x23xi32> to vector<8x23xf32>
    %mul3A_333 = vector.broadcast %broadcast_in_dim3A_277 : vector<8x1xf32> to vector<8x23xf32>
    %mul3A_334 = arith.mulf %convert_element_type3A_332, %mul3A_333 : vector<8x23xf32>
    %reduce_sum3A_335 = arith.constant dense<0.000000e+00> : vector<23xf32>
    %reduce_sum3A_336 = vector.multi_reduction <add>, %mul3A_334, %reduce_sum3A_335 [0] : vector<8x23xf32> to vector<23xf32>
    %broadcast_in_dim3A_337 = vector.shape_cast %reduce_sum3A_336 : vector<23xf32> to vector<1x23xf32>
    %mul3A_338 = vector.broadcast %broadcast_in_dim3A_288 : vector<8x1xf32> to vector<8x23xf32>
    %mul3A_339 = arith.mulf %convert_element_type3A_332, %mul3A_338 : vector<8x23xf32>
    %reduce_sum3A_340 = arith.constant dense<0.000000e+00> : vector<23xf32>
    %reduce_sum3A_341 = vector.multi_reduction <add>, %mul3A_339, %reduce_sum3A_340 [0] : vector<8x23xf32> to vector<23xf32>
    %broadcast_in_dim3A_342 = vector.shape_cast %reduce_sum3A_341 : vector<23xf32> to vector<1x23xf32>
    %mul3A_343 = vector.broadcast %broadcast_in_dim3A_299 : vector<8x1xf32> to vector<8x23xf32>
    %mul3A_344 = arith.mulf %convert_element_type3A_332, %mul3A_343 : vector<8x23xf32>
    %reduce_sum3A_345 = arith.constant dense<0.000000e+00> : vector<23xf32>
    %reduce_sum3A_346 = vector.multi_reduction <add>, %mul3A_344, %reduce_sum3A_345 [0] : vector<8x23xf32> to vector<23xf32>
    %broadcast_in_dim3A_347 = vector.shape_cast %reduce_sum3A_346 : vector<23xf32> to vector<1x23xf32>
    %mul3A_348 = vector.broadcast %broadcast_in_dim3A_310 : vector<8x1xf32> to vector<8x23xf32>
    %mul3A_349 = arith.mulf %convert_element_type3A_332, %mul3A_348 : vector<8x23xf32>
    %reduce_sum3A_350 = arith.constant dense<0.000000e+00> : vector<23xf32>
    %reduce_sum3A_351 = vector.multi_reduction <add>, %mul3A_349, %reduce_sum3A_350 [0] : vector<8x23xf32> to vector<23xf32>
    %broadcast_in_dim3A_352 = vector.shape_cast %reduce_sum3A_351 : vector<23xf32> to vector<1x23xf32>
    %sub3A_353 = arith.subf %min3A_317, %broadcast_in_dim3A_337 : vector<1x23xf32>
    %add3A_354 = arith.addf %sub3A_353, %broadcast_in_dim3A_342 : vector<1x23xf32>
    %mul3A_355 = arith.constant 2.560000e+02 : f32
    %mul3A_356 = vector.broadcast %mul3A_355 : f32 to vector<1x23xf32>
    %mul3A_357 = arith.mulf %add3A_354, %mul3A_356 : vector<1x23xf32>
    %max3A_358 = arith.maximumf %broadcast_in_dim3A_347, %mul3A_357 : vector<1x23xf32>
    %add3A_359 = arith.constant 1.000000e+00 : f32
    %add3A_360 = vector.broadcast %add3A_359 : f32 to vector<1x23xf32>
    %add3A_361 = arith.addf %add3A_354, %add3A_360 : vector<1x23xf32>
    %mul3A_362 = arith.constant 2.560000e+02 : f32
    %mul3A_363 = vector.broadcast %mul3A_362 : f32 to vector<1x23xf32>
    %mul3A_364 = arith.mulf %add3A_361, %mul3A_363 : vector<1x23xf32>
    %min3A_365 = arith.minimumf %broadcast_in_dim3A_352, %mul3A_364 : vector<1x23xf32>
    %select_n3A_366 = arith.select %ge3A_313, %max3A_358, %min3A_365 : vector<1x23xi1>, vector<1x23xf32>
    %concatenate3A_367 = tpu.concatenate %add3A_354, %broadcast_in_dim3A_325, %max3A_358, %select_n3A_366 in 0 : vector<1x23xf32>, vector<1x23xf32>, vector<1x23xf32>, vector<1x23xf32> -> vector<4x23xf32>
    %convert_element_type3A_368 = arith.fptosi %concatenate3A_367 : vector<4x23xf32> to vector<4x23xi32>
    %swap3A_369 = arith.constant 0 : index
    %swap3A_370 = arith.constant 0 : index
    %swap3A_371 = vector.load %arg6[%swap3A_369, %swap3A_370] : memref<4x23xi32, #tpu.memory_space<vmem>>, vector<4x23xi32>
    tpu.vector_store %arg6[%swap3A_369, %swap3A_370], %convert_element_type3A_368 {strides = array<i32>} : memref<4x23xi32, #tpu.memory_space<vmem>>, vector<4x23xi32>,
    return
  }
}

module attributes {stable_mosaic.version = 14 : i64} {
  func.func @_gmm_body(%arg0: i32, %arg1: memref<23xi32, #tpu.memory_space<smem>>, %arg2: memref<23xi32, #tpu.memory_space<smem>>, %arg3: memref<23xi32, #tpu.memory_space<smem>>, %arg4: memref<23xi32, #tpu.memory_space<smem>>, %arg5: memref<256x1024xf32, #tpu.memory_space<vmem>>, %arg6: memref<256x128xf32, #tpu.memory_space<vmem>>, %arg7: memref<1x1024x2048xf32, #tpu.memory_space<vmem>>, %arg8: memref<1x1x2048xf32, #tpu.memory_space<vmem>>, %arg9: memref<1x2048x1024xf32, #tpu.memory_space<vmem>>, %arg10: memref<1x1x1024xf32, #tpu.memory_space<vmem>>, %arg11: memref<256x1024xf32, #tpu.memory_space<vmem>>) attributes {dimension_semantics = [#tpu.dimension_semantics<arbitrary>], iteration_bounds = array<i64: 23>, scalar_prefetch = 4 : i64, scratch_operands = 0 : i64, tpu.core_type = #tpu.core_type<tc>, window_params = [{transform_indices = @transform_0, window_bounds = array<i64: 256, 1024>}, {transform_indices = @transform_1, window_bounds = array<i64: 256, 128>}, {transform_indices = @transform_2, window_bounds = array<i64: 1, 1024, 2048>}, {transform_indices = @transform_3, window_bounds = array<i64: 1, 1, 2048>}, {transform_indices = @transform_4, window_bounds = array<i64: 1, 2048, 1024>}, {transform_indices = @transform_5, window_bounds = array<i64: 1, 1, 1024>}, {transform_indices = @transform_6, window_bounds = array<i64: 256, 1024>}]} {
    %get3A = arith.index_cast %arg0 : i32 to index
    %get3A_0 = memref.load %arg1[%get3A] : memref<23xi32, #tpu.memory_space<smem>>
    %sub3A = arith.constant 1 : i32
    %sub3A_1 = arith.subi %arg0, %sub3A : i32
    %max3A = arith.constant 0 : i32
    %max3A_2 = arith.maxsi %sub3A_1, %max3A : i32
    %get3A_3 = arith.index_cast %max3A_2 : i32 to index
    %get3A_4 = memref.load %arg1[%get3A_3] : memref<23xi32, #tpu.memory_space<smem>>
    %eq3A = arith.constant 0 : i32
    %eq3A_5 = arith.cmpi eq, %arg0, %eq3A : i32
    %ne3A = arith.cmpi ne, %get3A_0, %get3A_4 : i32
    %or3A = arith.ori %eq3A_5, %ne3A : i1
    %get3A_6 = arith.index_cast %arg0 : i32 to index
    %get3A_7 = memref.load %arg3[%get3A_6] : memref<23xi32, #tpu.memory_space<smem>>
    %mul3A = arith.constant 256 : i32
    %mul3A_8 = arith.muli %get3A_0, %mul3A : i32
    %sub3A_9 = arith.subi %get3A_7, %mul3A_8 : i32
    %get3A_10 = arith.index_cast %arg0 : i32 to index
    %get3A_11 = memref.load %arg4[%get3A_10] : memref<23xi32, #tpu.memory_space<smem>>
    %mul3A_12 = arith.constant 256 : i32
    %mul3A_13 = arith.muli %get3A_0, %mul3A_12 : i32
    %sub3A_14 = arith.subi %get3A_11, %mul3A_13 : i32
    %convert_element_type3A = arith.extui %or3A : i1 to i32
    %cond3A = arith.constant 0 : i32
    %cond3A_15 = arith.cmpi ne, %convert_element_type3A, %cond3A : i32
    scf.if %cond3A_15 {
      %broadcast_in_dim3A = arith.constant 0.000000e+00 : f32
      %broadcast_in_dim3A_19 = vector.broadcast %broadcast_in_dim3A : f32 to vector<256x1024xf32>
      %swap3A = arith.constant 0 : index
      %swap3A_20 = arith.constant 0 : index
      %swap3A_21 = vector.load %arg11[%swap3A, %swap3A_20] : memref<256x1024xf32, #tpu.memory_space<vmem>>, vector<256x1024xf32>
      tpu.vector_store %arg11[%swap3A, %swap3A_20], %broadcast_in_dim3A_19 {strides = array<i32>} : memref<256x1024xf32, #tpu.memory_space<vmem>>, vector<256x1024xf32>,
    } else {
    }
    %lt3A = arith.cmpi slt, %sub3A_9, %sub3A_14 : i32
    %convert_element_type3A_16 = arith.extui %lt3A : i1 to i32
    %cond3A_17 = arith.constant 0 : i32
    %cond3A_18 = arith.cmpi ne, %convert_element_type3A_16, %cond3A_17 : i32
    scf.if %cond3A_18 {
      %get3A_19 = arith.constant 0 : index
      %get3A_20 = arith.constant 0 : index
      %get3A_21 = vector.load %arg5[%get3A_19, %get3A_20] : memref<256x1024xf32, #tpu.memory_space<vmem>>, vector<256x1024xf32>
      %get3A_22 = arith.constant 0 : index
      %get3A_23 = arith.constant 0 : index
      %get3A_24 = arith.constant 0 : index
      %get3A_25 = vector.load %arg7[%get3A_22, %get3A_23, %get3A_24] : memref<1x1024x2048xf32, #tpu.memory_space<vmem>>, vector<1x1024x2048xf32>
      %get3A_26 = vector.shape_cast %get3A_25 : vector<1x1024x2048xf32> to vector<1024x2048xf32>
      %dot_general3A = arith.constant dense<0.000000e+00> : vector<256x2048xf32>
      %dot_general3A_27 = tpu.matmul %get3A_21, %get3A_26, %dot_general3A {dimension_numbers = #tpu.dot_dimension_numbers<[1], [0], [0], [1], [0, 0, 1, 1], [], []>, transpose_lhs_hint = false} : vector<256x1024xf32>, vector<1024x2048xf32>, vector<256x2048xf32> -> vector<256x2048xf32>
      %get3A_28 = arith.constant 0 : index
      %get3A_29 = arith.constant 0 : index
      %get3A_30 = arith.constant 0 : index
      %get3A_31 = vector.load %arg8[%get3A_28, %get3A_29, %get3A_30] : memref<1x1x2048xf32, #tpu.memory_space<vmem>>, vector<1x1x2048xf32>
      %get3A_32 = vector.shape_cast %get3A_31 : vector<1x1x2048xf32> to vector<1x2048xf32>
      %add3A = vector.broadcast %get3A_32 : vector<1x2048xf32> to vector<256x2048xf32>
      %add3A_33 = arith.addf %dot_general3A_27, %add3A : vector<256x2048xf32>
      %max3A_34 = arith.constant 0.000000e+00 : f32
      %max3A_35 = vector.broadcast %max3A_34 : f32 to vector<256x2048xf32>
      %max3A_36 = arith.maximumf %add3A_33, %max3A_35 : vector<256x2048xf32>
      %get3A_37 = arith.constant 0 : index
      %get3A_38 = arith.constant 0 : index
      %get3A_39 = arith.constant 0 : index
      %get3A_40 = vector.load %arg9[%get3A_37, %get3A_38, %get3A_39] : memref<1x2048x1024xf32, #tpu.memory_space<vmem>>, vector<1x2048x1024xf32>
      %get3A_41 = vector.shape_cast %get3A_40 : vector<1x2048x1024xf32> to vector<2048x1024xf32>
      %dot_general3A_42 = arith.constant dense<0.000000e+00> : vector<256x1024xf32>
      %dot_general3A_43 = tpu.matmul %max3A_36, %get3A_41, %dot_general3A_42 {dimension_numbers = #tpu.dot_dimension_numbers<[1], [0], [0], [1], [0, 0, 1, 1], [], []>, transpose_lhs_hint = false} : vector<256x2048xf32>, vector<2048x1024xf32>, vector<256x1024xf32> -> vector<256x1024xf32>
      %get3A_44 = arith.constant 0 : index
      %get3A_45 = arith.constant 0 : index
      %get3A_46 = arith.constant 0 : index
      %get3A_47 = vector.load %arg10[%get3A_44, %get3A_45, %get3A_46] : memref<1x1x1024xf32, #tpu.memory_space<vmem>>, vector<1x1x1024xf32>
      %get3A_48 = vector.shape_cast %get3A_47 : vector<1x1x1024xf32> to vector<1x1024xf32>
      %add3A_49 = vector.broadcast %get3A_48 : vector<1x1024xf32> to vector<256x1024xf32>
      %add3A_50 = arith.addf %dot_general3A_43, %add3A_49 : vector<256x1024xf32>
      %get3A_51 = arith.constant 0 : index
      %get3A_52 = arith.constant 0 : index
      %get3A_53 = vector.load %arg6[%get3A_51, %get3A_52] : memref<256x128xf32, #tpu.memory_space<vmem>>, vector<256x1xf32>
      %mul3A_54 = vector.broadcast %get3A_53 : vector<256x1xf32> to vector<256x1024xf32>
      %mul3A_55 = arith.mulf %add3A_50, %mul3A_54 : vector<256x1024xf32>
      %iota3A = tpu.iota {dimensions = array<i32: 0>} : vector<256x1xi32>
      %ge3A = vector.broadcast %sub3A_9 : i32 to vector<256x1xi32>
      %ge3A_56 = arith.cmpi sge, %iota3A, %ge3A : vector<256x1xi32>
      %lt3A_57 = vector.broadcast %sub3A_14 : i32 to vector<256x1xi32>
      %lt3A_58 = arith.cmpi slt, %iota3A, %lt3A_57 : vector<256x1xi32>
      %and3A = arith.andi %ge3A_56, %lt3A_58 : vector<256x1xi1>
      %get3A_59 = arith.constant 0 : index
      %get3A_60 = arith.constant 0 : index
      %get3A_61 = vector.load %arg11[%get3A_59, %get3A_60] : memref<256x1024xf32, #tpu.memory_space<vmem>>, vector<256x1024xf32>
      %jit3A = arith.constant 0.000000e+00 : f32
      %broadcast_in_dim3A = vector.shape_cast %and3A : vector<256x1xi1> to vector<256x1xi1>
      %broadcast_in_dim3A_62 = vector.broadcast %broadcast_in_dim3A : vector<256x1xi1> to vector<256x1024xi1>
      %broadcast_in_dim3A_63 = vector.broadcast %jit3A : f32 to vector<256x1024xf32>
      %select_n3A = arith.select %broadcast_in_dim3A_62, %mul3A_55, %broadcast_in_dim3A_63 : vector<256x1024xi1>, vector<256x1024xf32>
      %add3A_64 = arith.addf %get3A_61, %select_n3A : vector<256x1024xf32>
      %swap3A = arith.constant 0 : index
      %swap3A_65 = arith.constant 0 : index
      %swap3A_66 = vector.load %arg11[%swap3A, %swap3A_65] : memref<256x1024xf32, #tpu.memory_space<vmem>>, vector<256x1024xf32>
      tpu.vector_store %arg11[%swap3A, %swap3A_65], %add3A_64 {strides = array<i32>} : memref<256x1024xf32, #tpu.memory_space<vmem>>, vector<256x1024xf32>,
    } else {
    }
    return
  }
  func.func @transform_0(%arg0: i32, %arg1: memref<23xi32, #tpu.memory_space<smem>>, %arg2: memref<23xi32, #tpu.memory_space<smem>>, %arg3: memref<23xi32, #tpu.memory_space<smem>>, %arg4: memref<23xi32, #tpu.memory_space<smem>>) -> (i32, i32) {
    %get3A = arith.index_cast %arg0 : i32 to index
    %get3A_0 = memref.load %arg1[%get3A] : memref<23xi32, #tpu.memory_space<smem>>
    %c0_i32 = arith.constant 0 : i32
    %c0_i32_1 = arith.constant 0 : i32
    return %get3A_0, %c0_i32 : i32, i32
  }
  func.func @transform_1(%arg0: i32, %arg1: memref<23xi32, #tpu.memory_space<smem>>, %arg2: memref<23xi32, #tpu.memory_space<smem>>, %arg3: memref<23xi32, #tpu.memory_space<smem>>, %arg4: memref<23xi32, #tpu.memory_space<smem>>) -> (i32, i32) {
    %get3A = arith.index_cast %arg0 : i32 to index
    %get3A_0 = memref.load %arg1[%get3A] : memref<23xi32, #tpu.memory_space<smem>>
    %c0_i32 = arith.constant 0 : i32
    %c0_i32_1 = arith.constant 0 : i32
    return %get3A_0, %c0_i32 : i32, i32
  }
  func.func @transform_2(%arg0: i32, %arg1: memref<23xi32, #tpu.memory_space<smem>>, %arg2: memref<23xi32, #tpu.memory_space<smem>>, %arg3: memref<23xi32, #tpu.memory_space<smem>>, %arg4: memref<23xi32, #tpu.memory_space<smem>>) -> (i32, i32, i32) {
    %get3A = arith.index_cast %arg0 : i32 to index
    %get3A_0 = memref.load %arg2[%get3A] : memref<23xi32, #tpu.memory_space<smem>>
    %c0_i32 = arith.constant 0 : i32
    %c0_i32_1 = arith.constant 0 : i32
    %c0_i32_2 = arith.constant 0 : i32
    return %get3A_0, %c0_i32, %c0_i32_1 : i32, i32, i32
  }
  func.func @transform_3(%arg0: i32, %arg1: memref<23xi32, #tpu.memory_space<smem>>, %arg2: memref<23xi32, #tpu.memory_space<smem>>, %arg3: memref<23xi32, #tpu.memory_space<smem>>, %arg4: memref<23xi32, #tpu.memory_space<smem>>) -> (i32, i32, i32) {
    %get3A = arith.index_cast %arg0 : i32 to index
    %get3A_0 = memref.load %arg2[%get3A] : memref<23xi32, #tpu.memory_space<smem>>
    %c0_i32 = arith.constant 0 : i32
    %c0_i32_1 = arith.constant 0 : i32
    %c0_i32_2 = arith.constant 0 : i32
    return %get3A_0, %c0_i32, %c0_i32_1 : i32, i32, i32
  }
  func.func @transform_4(%arg0: i32, %arg1: memref<23xi32, #tpu.memory_space<smem>>, %arg2: memref<23xi32, #tpu.memory_space<smem>>, %arg3: memref<23xi32, #tpu.memory_space<smem>>, %arg4: memref<23xi32, #tpu.memory_space<smem>>) -> (i32, i32, i32) {
    %get3A = arith.index_cast %arg0 : i32 to index
    %get3A_0 = memref.load %arg2[%get3A] : memref<23xi32, #tpu.memory_space<smem>>
    %c0_i32 = arith.constant 0 : i32
    %c0_i32_1 = arith.constant 0 : i32
    %c0_i32_2 = arith.constant 0 : i32
    return %get3A_0, %c0_i32, %c0_i32_1 : i32, i32, i32
  }
  func.func @transform_5(%arg0: i32, %arg1: memref<23xi32, #tpu.memory_space<smem>>, %arg2: memref<23xi32, #tpu.memory_space<smem>>, %arg3: memref<23xi32, #tpu.memory_space<smem>>, %arg4: memref<23xi32, #tpu.memory_space<smem>>) -> (i32, i32, i32) {
    %get3A = arith.index_cast %arg0 : i32 to index
    %get3A_0 = memref.load %arg2[%get3A] : memref<23xi32, #tpu.memory_space<smem>>
    %c0_i32 = arith.constant 0 : i32
    %c0_i32_1 = arith.constant 0 : i32
    %c0_i32_2 = arith.constant 0 : i32
    return %get3A_0, %c0_i32, %c0_i32_1 : i32, i32, i32
  }
  func.func @transform_6(%arg0: i32, %arg1: memref<23xi32, #tpu.memory_space<smem>>, %arg2: memref<23xi32, #tpu.memory_space<smem>>, %arg3: memref<23xi32, #tpu.memory_space<smem>>, %arg4: memref<23xi32, #tpu.memory_space<smem>>) -> (i32, i32) {
    %get3A = arith.index_cast %arg0 : i32 to index
    %get3A_0 = memref.load %arg1[%get3A] : memref<23xi32, #tpu.memory_space<smem>>
    %c0_i32 = arith.constant 0 : i32
    %c0_i32_1 = arith.constant 0 : i32
    return %get3A_0, %c0_i32 : i32, i32
  }
}

</mosaic_0001>

<sc_bundles>
// kernel: kernel.6.cloned.1.call-start
scs
__scs_entry_jumppad:
0x0: {  	(pc) =	sbr.rel $0x88, $3  }
0x1: {  	(tag) =	ssettag $0x0;
	lr =	simm.s32 $0x1  }
0x2: {  	[smem:$0x3F9A] =	sst lr;
	_ =	strace $0xD0000000  }
0x3: {  	_ = 	snop  }
0x4: {  	_ = 	snop  }
0x5: {  	_ = 	snop  }
0x6: {  	_ = 	snop  }
0x7: {  	_ = 	snop  }
__scs_overlays_trampoline_lowered:
0x8: {  	[smem:$0x3FA9] =	sst s0  }
0x9: {  	[smem:$0x3FAA] =	sst s1  }
0xa: {  	[smem:$0x3FAB] =	sst s2  }
0xb: {  	[smem:$0x3FAC] =	sst s3  }
0xc: {  	[smem:$0x3FAD] =	sst s4  }
0xd: {  	[smem:$0x3FAE] =	sst s5  }
0xe: {  	[smem:$0x3FAF] =	sst s6  }
0xf: {  	[smem:$0x3FB0] =	sst s7  }
0x10: {  	[smem:$0x3FB1] =	sst s8  }
0x11: {  	[smem:$0x3FB2] =	sst s9;
	s0 =	simm.s32 @!p0 $0x0  }
0x12: {  	s1 =	sld [smem:$0x3F98];
	s0 =	simm.s32 @p0 $0x1  }
0x13: {  	[smem:$0x3FB3] =	sst s0;
	s0 =	simm.s32 @!p1 $0x0  }
0x14: {  	s2 =	sld [smem:$0x3F97];
	s0 =	simm.s32 @p1 $0x1  }
0x15: {  	[smem:$0x3FB4] =	sst s0;
	s0 =	simm.s32 @!p2 $0x0  }
0x16: {  	s3 =	sld [smem:$0x3FDB];
	s0 =	simm.s32 @p2 $0x1  }
0x17: {  	s4 =	simm.s32 $0x1BF5;
	[smem:$0x3FB6] =	sst s0  }
0x18: {  	s0 =	sld [smem:$0x3F99];
	_ =	swait.ge [sflag:s4], $0x0  }
0x19: {  	s7 =	sld [smem:$0x3F9A]  }
0x1a: {  	s8 =	sadd.s32 $0xFFFFE003, lr  }
0x1b: {  	s9 =	sadd.s32 $0xFFFFFEF7, lr;
	s5 =	simm.s32 $0xFFFFFFFF;
	p2 =	slt.u32 s8, $0xFFFFF086  }
0x1c: {  	p1 =	slt.u32 s9, $0xF7A;
	s5 =	simm.s32 @!p2 $0x0  }
0x1d: {  	s5 =	simm.s32 @p1 $0x1;
	p0 =	seq.s32 s7, s2  }
0x1e: {  	s7 =	smul.u32 @!p0 $0xF7A, s2;
	p2 =	seq.s32 @!p0 s5, $0x0  }
0x1f: {  	s9 =	smul.u32 $0xF7A, s1;
	s8 =	simm.s32 @!p0 $0x1BF5;
	p2 =	por !p2, p0  }
0x20: {  	[sflag:s8] =	ssyncset.s32 @!p0 $0xFFFFF086;
	s6 =	sadd.s32 @!p0 s3, s7;
	s7 =	simm.s32 @!p0 $0x108  }
0x21: {  	s3 =	sadd.s32 s3, s9;
	s6 =	sadd.s32 @!p0 $0x88, s6;
	s7 =	simm.s32 @p2 $0x1082  }
0x22: {  	[simem:s7], [sflag:s8] =	dma.local @!p0 [hbm:s6], $0xF7A  }
0x23: {  	s9 =	sor.u32 $0xD0000000, s2;
	s6 =	simm.s32 $0x108;
	_ =	swait.ge @!p0 [sflag:s8], $0x0  }
0x24: {  	s3 =	sadd.s32 $0x88, s3;
	s6 =	simm.s32 @!p1 $0x1082;
	[sflag:s4] =	ssyncset.s32 $0xFFFFF086  }
0x25: {  	[simem:s6], [sflag:s4] =	dma.local [hbm:s3], $0xF7A  }
0x26: {  	[smem:$0x3F9A] =	sst s1;
	(tag) =	ssettag s2;
	_ =	strace s9  }
0x27: {  	s1 =	sld [smem:$0x3FAA]  }
0x28: {  	s2 =	sld [smem:$0x3FAB]  }
0x29: {  	s4 =	sld [smem:$0x3FAD]  }
0x2a: {  	p0 =	seq.s32 s5, $0x0;
	s5 =	sld [smem:$0x3FAE]  }
0x2b: {  	s6 =	sld [smem:$0x3FAF]  }
0x2c: {  	s7 =	sld [smem:$0x3FB0]  }
0x2d: {  	s3 =	simm.s32 $0x108;
	s8 =	sld [smem:$0x3FB1]  }
0x2e: {  	s3 =	simm.s32 @!p0 $0x1082;
	s9 =	sld [smem:$0x3FB2]  }
0x2f: {  	lr =	sadd.s32 s0, s3;
	s0 =	sld [smem:$0x3FA9]  }
0x30: {  	s3 =	sld [smem:$0x3FAC]  }
0x31: {  	[smem:$0x3FB5] =	sst s10  }
0x32: {  	s10 =	sld [smem:$0x3FB3];
	_ =	sdelay $0x3  }
0x33: {  	p0 =	seq.s32 s10, $0x1;
	s10 =	sld [smem:$0x3FB5];
	_ =	sdelay $0x3  }
0x34: {  	[smem:$0x3FB5] =	sst s10  }
0x35: {  	s10 =	sld [smem:$0x3FB4];
	_ =	sdelay $0x3  }
0x36: {  	p1 =	seq.s32 s10, $0x1;
	s10 =	sld [smem:$0x3FB5];
	_ =	sdelay $0x3  }
0x37: {  	[smem:$0x3FB5] =	sst s10  }
0x38: {  	s10 =	sld [smem:$0x3FB6]  }
0x39: {  	_ = 	snop;
	(pc) =	sbr.ind lr, $3  }
0x3a: {  	_ = 	snop  }
0x3b: {  	_ = 	snop  }
0x3c: {  	p2 =	seq.s32 s10, $0x1;
	s10 =	sld [smem:$0x3FB5]  }
0x3d: {  	_ =	shalt  }
0x3e: {  	_ =	shalt  }
0x3f: {  	_ =	shalt  }
0x40: {  	_ =	shalt  }
0x41: {  	_ =	shalt  }
0x42: {  	_ =	shalt  }
0x43: {  	_ =	shalt  }
0x44: {  	_ =	shalt  }
0x45: {  	_ =	shalt  }
0x46: {  	_ =	shalt  }
0x47: {  	_ =	shalt  }
0x48: {  	_ =	shalt  }
0x49: {  	_ =	shalt  }
0x4a: {  	_ =	shalt  }
0x4b: {  	_ =	shalt  }
0x4c: {  	_ =	shalt  }
0x4d: {  	_ =	shalt  }
0x4e: {  	_ =	shalt  }
0x4f: {  	_ =	shalt  }
0x50: {  	_ =	shalt  }
0x51: {  	_ =	shalt  }
0x52: {  	_ =	shalt  }
0x53: {  	_ =	shalt  }
0x54: {  	_ =	shalt  }
0x55: {  	_ =	shalt  }
0x56: {  	_ =	shalt  }
0x57: {  	_ =	shalt  }
0x58: {  	_ =	shalt  }
0x59: {  	_ =	shalt  }
0x5a: {  	_ =	shalt  }
0x5b: {  	_ =	shalt  }
0x5c: {  	_ =	shalt  }
0x5d: {  	_ =	shalt  }
0x5e: {  	_ =	shalt  }
0x5f: {  	_ =	shalt  }
0x60: {  	_ =	shalt  }
0x61: {  	_ =	shalt  }
0x62: {  	_ =	shalt  }
0x63: {  	_ =	shalt  }
0x64: {  	_ =	shalt  }
0x65: {  	_ =	shalt  }
0x66: {  	_ =	shalt  }
0x67: {  	_ =	shalt  }
0x68: {  	_ =	shalt  }
0x69: {  	_ =	shalt  }
0x6a: {  	_ =	shalt  }
0x6b: {  	_ =	shalt  }
0x6c: {  	_ =	shalt  }
0x6d: {  	_ =	shalt  }
0x6e: {  	_ =	shalt  }
0x6f: {  	_ =	shalt  }
0x70: {  	_ =	shalt  }
0x71: {  	_ =	shalt  }
0x72: {  	_ =	shalt  }
0x73: {  	_ =	shalt  }
0x74: {  	_ =	shalt  }
0x75: {  	_ =	shalt  }
0x76: {  	_ =	shalt  }
0x77: {  	_ =	shalt  }
0x78: {  	_ =	shalt  }
0x79: {  	_ =	shalt  }
0x7a: {  	_ =	shalt  }
0x7b: {  	_ =	shalt  }
0x7c: {  	_ =	shalt  }
0x7d: {  	_ =	shalt  }
0x7e: {  	_ =	shalt  }
0x7f: {  	_ =	shalt  }
0x80: {  	_ =	shalt  }
0x81: {  	_ =	shalt  }
0x82: {  	_ =	shalt  }
0x83: {  	_ =	shalt  }
0x84: {  	_ =	shalt  }
0x85: {  	_ =	shalt  }
0x86: {  	_ =	shalt  }
0x87: {  	_ =	shalt  }
.Lfunc_end0:
.L_simem_size_0:
called_computation_lowered:
.L_overlay_start_0:
0x88: {  	s2 =	sld [smem:$0x3FD9]  }
0x89: {  	s3 =	sld [smem:$0x3FFE];
	_ =	sdelay $0x1  }
0x8a: {  	s1 =	srdreg.scid  }
0x8b: {  	s0 =	sand.u32 $0x1, s1  }
0x8c: {  	s14 =	sshll.u32 s0, $0xA;
	s2 =	sadd.s32 s3, s2  }
0x8d: {  	s2 =	sadd.s32 s2, s14  }
0x8e: {  	[smem:$0x3FC1] =	sst s2  }
0x8f: {  	_ = 	snop  }
0x90: {  	s2 =	sld [smem:$0x3FD0];
	_ =	sdelay $0x2  }
0x91: {  	s4 =	simm.s32 $0xA;
	s5 =	simm.s32 $0x10;
	s15 =	sld [smem:$0x3FC9]  }
0x92: {  	[smem:s5], [sflag:s4] =	dma.local [hbm:s2], $0x1  }
0x93: {  	_ =	swait.eq [sflag:s4], $0x1  }
0x94: {  	[sflag:s4] =	ssyncset.done $0x0  }
0x95: {  	[sflag:s4] =	ssyncadd.s32 $0xFFFFFFFF  }
0x96: {  	s16 =	sld [smem:$0x10];
	(tm) =	ssettm $0x1  }
0x97: {  	s17 =	sld [smem:$0x3FFB];
	_ =	sdelay $0x3  }
0x98: {  	_ =	strace s17  }
0x99: {  	s4 =	sld [smem:$0x3FFC];
	_ =	sdelay $0x3  }
0x9a: {  	_ =	strace s4  }
0x9b: {  	s4 =	sld [smem:$0x3FFD];
	_ =	sdelay $0x3  }
0x9c: {  	_ =	strace s4  }
0x9d: {  	_ =	strace $0x8FFFFFFF  }
0x9e: {  	s18 =	sld [smem:$0x3FDB];
	_ =	sdelay $0x1  }
0x9f: {  	s19 =	simm.s32 $_scs_section_size  }
0xa0: {  	s6 =	simm.s32 $_size__tile_overlayer_lowered;
	s7 =	simm.s32 $_tile_overlayer_lowered  }
0xa1: {  	s22 =	simm.s32 $0x1BFF;
	s21 =	sshll.u32 s7, $0x1;
	s4 =	sadd.s32 s19, s18  }
0xa2: {  	s8 =	simm.s32 $0x0;
	s20 =	sshll.u32 s6, $0x1;
	s6 =	sadd.s32 s21, s4  }
0xa3: {  	[timem:s8], [sflag:s22] =	dma.local [hbm:s6], s20  }
0xa4: {  	_ =	swait.ge [sflag:s22], s20  }
0xa5: {  	s5 =	ssub.s32 $0x0, s20;
	[sflag:s22] =	ssyncset.done $0x0  }
0xa6: {  	[sflag:s22] =	ssyncadd.s32 s5;
	_ =	sdelay $0x1  }
0xa7: {  	s23 =	simm.s32 $0x1B8B  }
0xa8: {  	_ =	swait.ge [sflag:s23], $0x1  }
0xa9: {  	[sflag:s23] =	ssyncset.done $0x0  }
0xaa: {  	s25 =	simm.s32 $0x1B8E;
	s24 =	sld [smem:$0x3FFE];
	[sflag:s23] =	ssyncadd.s32 $0xFFFFFFFF  }
0xab: {  	s26 =	simm.s32 $execute0_lowered;
	[smem:$0x3FD2] =	sst s25  }
0xac: {  	s6 =	sshll.u32 s26, $0x1;
	_ =	strace $0x80000046;
	[dreg:$0x1] =	wrdreg $0xFFFFFFFF  }
0xad: {  	s28 =	simm.s32 $_size_execute0_lowered;
	s4 =	sadd.s32 s4, s6;
	[dreg:$0x0] =	wrdreg $0x0  }
0xae: {  	s6 =	sshll.u32 s28, $0x1;
	[dreg:$0x2] =	wrdreg s4  }
0xaf: {  	[dreg:$0x3] =	wrdreg s6  }
0xb0: {  	[dreg:$0x4] =	wrdreg $0xC0  }
0xb1: {  	_ =	task [dreg:s8], $0x5FFFF  }
0xb2: {  	[dreg:$0x1] =	wrdreg $0xFFFFFFFF  }
0xb3: {  	[dreg:$0x0] =	wrdreg $0x60  }
0xb4: {  	[dreg:$0x2] =	wrdreg s15  }
0xb5: {  	[dreg:$0x3] =	wrdreg s16  }
0xb6: {  	[dreg:$0x4] =	wrdreg s24  }
0xb7: {  	[dreg:$0x5] =	wrdreg $0x9  }
0xb8: {  	_ =	task.clear_ibuf [dreg:s8], $0x6FFFF;
	_ =	strace $0x90000046  }
0xb9: {  	s29 =	simm.s32 $0x9;
	_ =	strace $0x80000048  }
0xba: {  	_ =	swait.ge [sflag:s29], $0x1  }
0xbb: {  	[sflag:s29] =	ssyncadd.s32 $0xFFFFFFFF  }
0xbc: {  	_ =	strace $0x90000048  }
0xbd: {  	_ =	sfence  }
0xbe: {  	s30 =	sld [smem:$0x0];
	_ =	sdelay $0x2  }
0xbf: {  	s31 =	sshll.u32 s1, $0xD;
	s1 =	sshrl.u32 s1, $0x2  }
0xc0: {  	s3 =	sand.u32 $0x4000, s31;
	s1 =	sadd.s32 s1, s30  }
0xc1: {  	s0 =	sor.u32 s3, s0;
	s1 =	sshll.u32 s1, $0x11  }
0xc2: {  	s0 =	sor.u32 s1, s0  }
0xc3: {  	s0 =	sadd.s32 $0x8F2B, s0  }
0xc4: {  	[sflag:s0] =	ssyncadd.remote.s32 $0x1  }
0xc5: {  	_ =	sfence.sel $0xFFFF  }
0xc6: {  	[dreg:$0x0] =	wrdreg $0xFFFFFFFF;
	(pc) =	sbr.abs _section_cstart, $3  }
0xc7: {  	[dreg:$0x1] =	wrdreg $0xFFFFFFFF  }
0xc8: {  	_ =	task.clear_ibuf [dreg:s8], $0x2FFFF;
	_ =	strace $0x9FFFFFFF  }
0xc9: {  	(tm) =	ssettm $0x7FFFFFFF  }
tec
execute0_lowered:
.L_overlay_start_1:
0x0: {  	(tag) =	ssettag $0x1  }
0x1: {  	s0 =	rddreg [dreg:$0x0]  }
0x2: {  	s6 =	rddreg [dreg:$0x1]  }
0x3: {  	s7 =	rddreg [dreg:$0x2]  }
0x4: {  	s1 =	simm.s32 $0x0;
	s2 =	srdreg.scid;
	s26 =	stileid.u32  }
0x5: {  	s28 =	simm.s32 $0x20;
	s29 =	simm.s32 $0x1;
	s30 =	simm.s32 $0x80  }
0x6: {  	s31 =	simm.s32 $0x100;
	[smem:$0x7FF] =	sst s1;
	s5 =	sand.u32 $0x1, s2  }
0x7: {  	s3 =	sadd.s32 $0x1E00, s7;
	s4 =	sadd.s32 $0x81E00, s7;
	s9 =	sshll.u32 s26, $0x1  }
0x8: {  	s10 =	sshll.u32 s26, $0x7;
	_ =	strace $0x80000047;
	s2 =	sshll.u32 s5, $0x6  }
0x9: {  	s11 =	ssub.s32 $0x2, s5;
	s5 =	sor.u32 s5, s9;
	s8 =	sadd.s32 s2, s7  }
0xa: {  	s2 =	sshrl.u32 s11, $0x1;
	s13 =	sshll.u32 s5, $0xE;
	s14 =	sshll.u32 s5, $0x7  }
0xb: {  	s5 =	sshll.u32 s5, $0xB;
	s8 =	sadd.s32 s10, s8;
	s10 =	sand.u32 $0x3C000, s13  }
0xc: {  	s12 =	sor.u32 $0x20, s14;
	s5 =	sadd.s32 s6, s5;
	s9 =	ssub.s32 s11, s2  }
0xd: {  	s18 =	sor.u32 $0x40, s14;
	s11 =	simm.s32 $0x8200;
	s13 =	simm.s32 $0x1200  }
0xe: {  	s8 =	sadd.s32 $0x1600, s8;
	s10 =	sadd.s32 s0, s10;
	s15 =	sshll.u32 s12, $0x7  }
0xf: {  	[dreg:$0x6] =	wrdreg s5;
	s17 =	sshll.u32 s12, $0x4;
	s20 =	sshll.u32 s18, $0x7  }
0x10: {  	s22 =	sshll.u32 s18, $0x4;
	s12 =	simm.s32 $0xA00;
	[dreg:$0x4] =	wrdreg s8  }
0x11: {  	s18 =	simm.s32 $0x3A00;
	[dreg:$0x5] =	wrdreg s10;
	s16 =	sand.u32 $0x3D000, s15  }
0x12: {  	s19 =	sadd.s32 s6, s17;
	s21 =	sand.u32 $0x3E000, s20;
	s8 =	sor.u32 $0x60, s14  }
0x13: {  	s24 =	sadd.s32 s6, s22;
	s10 =	simm.s32 $0x200;
	s14 =	simm.s32 $0x1A00  }
0x14: {  	s15 =	simm.s32 $0x2200;
	s17 =	simm.s32 $0x3200;
	s20 =	simm.s32 $0x4A00  }
0x15: {  	s22 =	simm.s32 $0x5A00;
	s5 =	sadd.s32 s0, s16;
	[dreg:$0x8] =	wrdreg s19  }
0x16: {  	s23 =	sshll.u32 s8, $0x7;
	[dreg:$0xa] =	wrdreg s24;
	s8 =	sshll.u32 s8, $0x4  }
0x17: {  	s16 =	simm.s32 $0x2A00;
	s19 =	simm.s32 $0x4200;
	s24 =	simm.s32 $0x6A00  }
0x18: {  	[dreg:$0x7] =	wrdreg s5;
	s5 =	sadd.s32 s0, s21;
	s25 =	sand.u32 $0x3F000, s23  }
0x19: {  	s26 =	sadd.s32 s6, s8;
	s6 =	sadd.s32 $0x2000, s7;
	s8 =	smax.u32 s9, $0x1  }
0x1a: {  	s9 =	simm.s32 $0x2;
	s21 =	simm.s32 $0x5200;
	s23 =	simm.s32 $0x6200  }
0x1b: {  	v2 =	vlaneseq.u32;
	[dreg:$0x9] =	wrdreg s5;
	s0 =	sadd.s32 s0, s25;
	s5 =	sadd.s32 $0x1F00, s7  }
0x1c: {  	vm0 =	vmmov $0xffff;
	v1 =	vshrl.u32 v2, $0x3;
	s7 =	sadd.s32 $0x2100, s7;
	[dreg:$0xc] =	wrdreg s26;
	s25 =	simm.s32 $0x7200  }
0x1d: {  	v0 =	vand.u32 $0x7, v2;
	v2 =	vor.u32 $0x8, v2;
	v1 =	vmul.u32 $0x8, v1;
	s26 =	simm.s32 $0x7A00;
	[dreg:$0xb] =	wrdreg s0;
	s0 =	simm.s32 $0x180  }
.LBB2_1:
0x1e: {  	s2 =	rddreg [dreg:$0x4]  }
0x1f: {  	[tilespmem:s1], [sflag:$0x2] =	stream.linear.gather [hbm4b:s2+s1], $0x200, $0x38;
	[tilespmem:$0x9200] =	vst v63  }
0x20: {  	_ =	swait.ge [sflag:s9], $0x200  }
0x21: {  	[sflag:s9] =	ssyncset.done $0x0  }
0x22: {  	s2 =	rddreg [dreg:$0x5];
	[sflag:s9] =	ssyncadd.s32 $0xFFFFFE00  }
0x23: {  	[tilespmem:s10], [sflag:$0x2] =	stream.linear.gather [hbm4b:s2+s1], $0x8000, $0x38;
	[tilespmem:$0x9200] =	vst v63  }
0x24: {  	_ =	swait.ge [sflag:s9], $0x8000  }
0x25: {  	[sflag:s9] =	ssyncset.done $0x0  }
0x26: {  	s2 =	rddreg [dreg:$0x6];
	[sflag:s9] =	ssyncadd.s32 $0xFFFF8000  }
0x27: {  	[tilespmem:s11], [sflag:$0x2] =	stream.linear.gather [hbm4b:s2+s1], $0x1000, $0x38;
	[tilespmem:$0x9200] =	vst v63  }
0x28: {  	_ =	swait.ge [sflag:s9], $0x1000  }
0x29: {  	[sflag:s9] =	ssyncset.done $0x0  }
0x2a: {  	[sflag:s9] =	ssyncadd.s32 $0xFFFFF000  }
0x2b: {  	v3 =	vld [tilespmem:$0x0];
	_ =	sdelay $0x4  }
0x2c: {  	v4 =	vshll.u32 v3, $0x3  }
0x2d: {  	v3 =	vand.u32 $0x7, v3;
	v4 =	vand.u32 $0xFFFFFFC0, v4  }
0x2e: {  	v3 =	vor.u32 v3, v4  }
0x2f: {  	v4 =	vperm.xlane v3, v0;
	_ =	sdelay $0x1  }
0x30: {  	v4 =	vadd.s32 v1, v4;
	_ =	sdelay $0x4  }
0x31: {  	[hbm4b:s3+s1] =	stream.indirect_vreg.scatter [tilespmem:s10], [sflag:$0x1], $0x80, v4, vm0, $0xb8;
	[tilespmem:$0x9200] =	vst v63  }
0x32: {  	v3 =	vperm.xlane v3, v2  }
0x33: {  	[hbm4b:s5+s1] =	stream.indirect_vreg.scatter [tilespmem:s12], [sflag:$0x1], $0x80, v4, vm0, $0xb8;
	[tilespmem:$0x9200] =	vst v63  }
0x34: {  	v3 =	vadd.s32 v1, v3  }
0x35: {  	[hbm4b:s6+s1] =	stream.indirect_vreg.scatter [tilespmem:s13], [sflag:$0x1], $0x80, v4, vm0, $0xb8;
	[tilespmem:$0x9200] =	vst v63  }
0x36: {  	_ = 	snop  }
0x37: {  	[hbm4b:s7+s1] =	stream.indirect_vreg.scatter [tilespmem:s14], [sflag:$0x1], $0x80, v4, vm0, $0xb8;
	[tilespmem:$0x9200] =	vst v63  }
0x38: {  	_ = 	snop  }
0x39: {  	[hbm4b:s3+s1] =	stream.indirect_vreg.scatter [tilespmem:s15], [sflag:$0x1], $0x80, v3, vm0, $0xb8;
	[tilespmem:$0x9200] =	vst v63  }
0x3a: {  	_ = 	snop  }
0x3b: {  	[hbm4b:s5+s1] =	stream.indirect_vreg.scatter [tilespmem:s16], [sflag:$0x1], $0x80, v3, vm0, $0xb8;
	[tilespmem:$0x9200] =	vst v63  }
0x3c: {  	_ = 	snop  }
0x3d: {  	[hbm4b:s6+s1] =	stream.indirect_vreg.scatter [tilespmem:s17], [sflag:$0x1], $0x80, v3, vm0, $0xb8;
	[tilespmem:$0x9200] =	vst v63  }
0x3e: {  	_ = 	snop  }
0x3f: {  	[hbm4b:s7+s1] =	stream.indirect_vreg.scatter [tilespmem:s18], [sflag:$0x1], $0x80, v3, vm0, $0xb8;
	[tilespmem:$0x9200] =	vst v63  }
0x40: {  	v3 =	vld [tilespmem:$0x10];
	_ =	sdelay $0x4  }
0x41: {  	v57 =	vshll.u32 v3, $0x3  }
0x42: {  	v3 =	vand.u32 $0x7, v3;
	v4 =	vand.u32 $0xFFFFFFC0, v57  }
0x43: {  	v3 =	vor.u32 v3, v4  }
0x44: {  	v4 =	vperm.xlane v3, v0;
	_ =	sdelay $0x1  }
0x45: {  	v4 =	vadd.s32 v1, v4;
	_ =	sdelay $0x4  }
0x46: {  	[hbm4b:s3+s1] =	stream.indirect_vreg.scatter [tilespmem:s19], [sflag:$0x1], $0x80, v4, vm0, $0xb8;
	[tilespmem:$0x9200] =	vst v63  }
0x47: {  	v3 =	vperm.xlane v3, v2  }
0x48: {  	[hbm4b:s5+s1] =	stream.indirect_vreg.scatter [tilespmem:s20], [sflag:$0x1], $0x80, v4, vm0, $0xb8;
	[tilespmem:$0x9200] =	vst v63  }
0x49: {  	v3 =	vadd.s32 v1, v3  }
0x4a: {  	[hbm4b:s6+s1] =	stream.indirect_vreg.scatter [tilespmem:s21], [sflag:$0x1], $0x80, v4, vm0, $0xb8;
	[tilespmem:$0x9200] =	vst v63  }
0x4b: {  	_ = 	snop  }
0x4c: {  	[hbm4b:s7+s1] =	stream.indirect_vreg.scatter [tilespmem:s22], [sflag:$0x1], $0x80, v4, vm0, $0xb8;
	[tilespmem:$0x9200] =	vst v63  }
0x4d: {  	_ = 	snop  }
0x4e: {  	[hbm4b:s3+s1] =	stream.indirect_vreg.scatter [tilespmem:s23], [sflag:$0x1], $0x80, v3, vm0, $0xb8;
	[tilespmem:$0x9200] =	vst v63  }
0x4f: {  	_ = 	snop  }
0x50: {  	[hbm4b:s5+s1] =	stream.indirect_vreg.scatter [tilespmem:s24], [sflag:$0x1], $0x80, v3, vm0, $0xb8;
	[tilespmem:$0x9200] =	vst v63  }
0x51: {  	_ = 	snop  }
0x52: {  	[hbm4b:s6+s1] =	stream.indirect_vreg.scatter [tilespmem:s25], [sflag:$0x1], $0x80, v3, vm0, $0xb8;
	[tilespmem:$0x9200] =	vst v63  }
0x53: {  	_ = 	snop  }
0x54: {  	[hbm4b:s7+s1] =	stream.indirect_vreg.scatter [tilespmem:s26], [sflag:$0x1], $0x80, v3, vm0, $0xb8;
	[tilespmem:$0x9200] =	vst v63  }
0x55: {  	_ = 	snop  }
0x56: {  	[hbm4b:s4+s28] =	stream.indirect.scatter [tilespmem:s11], [sflag:$0x1], $0x80, s1, s28, $0xb8;
	[tilespmem:$0x9200] =	vst v63  }
0x57: {  	_ =	swait.ge [sflag:s29], $0x8000  }
0x58: {  	[sflag:s29] =	ssyncset.done $0x0  }
0x59: {  	[sflag:s29] =	ssyncadd.s32 $0xFFFF8000  }
0x5a: {  	_ =	swait.ge [sflag:s29], $0x1000  }
0x5b: {  	[sflag:s29] =	ssyncset.done $0x0  }
0x5c: {  	s2 =	rddreg [dreg:$0x7];
	[sflag:s29] =	ssyncadd.s32 $0xFFFFF000  }
0x5d: {  	[tilespmem:s10], [sflag:$0x2] =	stream.linear.gather [hbm4b:s2+s1], $0x8000, $0x38;
	[tilespmem:$0x9200] =	vst v63  }
0x5e: {  	_ =	swait.ge [sflag:s9], $0x8000  }
0x5f: {  	[sflag:s9] =	ssyncset.done $0x0  }
0x60: {  	s2 =	rddreg [dreg:$0x8];
	[sflag:s9] =	ssyncadd.s32 $0xFFFF8000  }
0x61: {  	[tilespmem:s11], [sflag:$0x2] =	stream.linear.gather [hbm4b:s2+s1], $0x1000, $0x38;
	[tilespmem:$0x9200] =	vst v63  }
0x62: {  	_ =	swait.ge [sflag:s9], $0x1000  }
0x63: {  	[sflag:s9] =	ssyncset.done $0x0  }
0x64: {  	[sflag:s9] =	ssyncadd.s32 $0xFFFFF000  }
0x65: {  	v3 =	vld [tilespmem:$0x80];
	_ =	sdelay $0x4  }
0x66: {  	v58 =	vshll.u32 v3, $0x3  }
0x67: {  	v3 =	vand.u32 $0x7, v3;
	v4 =	vand.u32 $0xFFFFFFC0, v58  }
0x68: {  	v3 =	vor.u32 v3, v4  }
0x69: {  	v4 =	vperm.xlane v3, v0;
	_ =	sdelay $0x1  }
0x6a: {  	v4 =	vadd.s32 v1, v4;
	_ =	sdelay $0x4  }
0x6b: {  	[hbm4b:s3+s1] =	stream.indirect_vreg.scatter [tilespmem:s10], [sflag:$0x1], $0x80, v4, vm0, $0xb8;
	[tilespmem:$0x9200] =	vst v63  }
0x6c: {  	v3 =	vperm.xlane v3, v2  }
0x6d: {  	[hbm4b:s5+s1] =	stream.indirect_vreg.scatter [tilespmem:s12], [sflag:$0x1], $0x80, v4, vm0, $0xb8;
	[tilespmem:$0x9200] =	vst v63  }
0x6e: {  	v3 =	vadd.s32 v1, v3  }
0x6f: {  	[hbm4b:s6+s1] =	stream.indirect_vreg.scatter [tilespmem:s13], [sflag:$0x1], $0x80, v4, vm0, $0xb8;
	[tilespmem:$0x9200] =	vst v63  }
0x70: {  	_ = 	snop  }
0x71: {  	[hbm4b:s7+s1] =	stream.indirect_vreg.scatter [tilespmem:s14], [sflag:$0x1], $0x80, v4, vm0, $0xb8;
	[tilespmem:$0x9200] =	vst v63  }
0x72: {  	_ = 	snop  }
0x73: {  	[hbm4b:s3+s1] =	stream.indirect_vreg.scatter [tilespmem:s15], [sflag:$0x1], $0x80, v3, vm0, $0xb8;
	[tilespmem:$0x9200] =	vst v63  }
0x74: {  	_ = 	snop  }
0x75: {  	[hbm4b:s5+s1] =	stream.indirect_vreg.scatter [tilespmem:s16], [sflag:$0x1], $0x80, v3, vm0, $0xb8;
	[tilespmem:$0x9200] =	vst v63  }
0x76: {  	_ = 	snop  }
0x77: {  	[hbm4b:s6+s1] =	stream.indirect_vreg.scatter [tilespmem:s17], [sflag:$0x1], $0x80, v3, vm0, $0xb8;
	[tilespmem:$0x9200] =	vst v63  }
0x78: {  	_ = 	snop  }
0x79: {  	[hbm4b:s7+s1] =	stream.indirect_vreg.scatter [tilespmem:s18], [sflag:$0x1], $0x80, v3, vm0, $0xb8;
	[tilespmem:$0x9200] =	vst v63  }
0x7a: {  	v3 =	vld [tilespmem:$0x90];
	_ =	sdelay $0x4  }
0x7b: {  	v59 =	vshll.u32 v3, $0x3  }
0x7c: {  	v3 =	vand.u32 $0x7, v3;
	v4 =	vand.u32 $0xFFFFFFC0, v59  }
0x7d: {  	v3 =	vor.u32 v3, v4  }
0x7e: {  	v4 =	vperm.xlane v3, v0;
	_ =	sdelay $0x1  }
0x7f: {  	v4 =	vadd.s32 v1, v4;
	_ =	sdelay $0x4  }
0x80: {  	[hbm4b:s3+s1] =	stream.indirect_vreg.scatter [tilespmem:s19], [sflag:$0x1], $0x80, v4, vm0, $0xb8;
	[tilespmem:$0x9200] =	vst v63  }
0x81: {  	v3 =	vperm.xlane v3, v2  }
0x82: {  	[hbm4b:s5+s1] =	stream.indirect_vreg.scatter [tilespmem:s20], [sflag:$0x1], $0x80, v4, vm0, $0xb8;
	[tilespmem:$0x9200] =	vst v63  }
0x83: {  	v3 =	vadd.s32 v1, v3  }
0x84: {  	[hbm4b:s6+s1] =	stream.indirect_vreg.scatter [tilespmem:s21], [sflag:$0x1], $0x80, v4, vm0, $0xb8;
	[tilespmem:$0x9200] =	vst v63  }
0x85: {  	_ = 	snop  }
0x86: {  	[hbm4b:s7+s1] =	stream.indirect_vreg.scatter [tilespmem:s22], [sflag:$0x1], $0x80, v4, vm0, $0xb8;
	[tilespmem:$0x9200] =	vst v63  }
0x87: {  	_ = 	snop  }
0x88: {  	[hbm4b:s3+s1] =	stream.indirect_vreg.scatter [tilespmem:s23], [sflag:$0x1], $0x80, v3, vm0, $0xb8;
	[tilespmem:$0x9200] =	vst v63  }
0x89: {  	_ = 	snop  }
0x8a: {  	[hbm4b:s5+s1] =	stream.indirect_vreg.scatter [tilespmem:s24], [sflag:$0x1], $0x80, v3, vm0, $0xb8;
	[tilespmem:$0x9200] =	vst v63  }
0x8b: {  	_ = 	snop  }
0x8c: {  	[hbm4b:s6+s1] =	stream.indirect_vreg.scatter [tilespmem:s25], [sflag:$0x1], $0x80, v3, vm0, $0xb8;
	[tilespmem:$0x9200] =	vst v63  }
0x8d: {  	_ = 	snop  }
0x8e: {  	[hbm4b:s7+s1] =	stream.indirect_vreg.scatter [tilespmem:s26], [sflag:$0x1], $0x80, v3, vm0, $0xb8;
	[tilespmem:$0x9200] =	vst v63  }
0x8f: {  	_ = 	snop  }
0x90: {  	[hbm4b:s4+s28] =	stream.indirect.scatter [tilespmem:s11], [sflag:$0x1], $0x80, s30, s28, $0xb8;
	[tilespmem:$0x9200] =	vst v63  }
0x91: {  	_ =	swait.ge [sflag:s29], $0x8000  }
0x92: {  	[sflag:s29] =	ssyncset.done $0x0  }
0x93: {  	[sflag:s29] =	ssyncadd.s32 $0xFFFF8000  }
0x94: {  	_ =	swait.ge [sflag:s29], $0x1000  }
0x95: {  	[sflag:s29] =	ssyncset.done $0x0  }
0x96: {  	s2 =	rddreg [dreg:$0x9];
	[sflag:s29] =	ssyncadd.s32 $0xFFFFF000  }
0x97: {  	[tilespmem:s10], [sflag:$0x2] =	stream.linear.gather [hbm4b:s2+s1], $0x8000, $0x38;
	[tilespmem:$0x9200] =	vst v63  }
0x98: {  	_ =	swait.ge [sflag:s9], $0x8000  }
0x99: {  	[sflag:s9] =	ssyncset.done $0x0  }
0x9a: {  	s2 =	rddreg [dreg:$0xa];
	[sflag:s9] =	ssyncadd.s32 $0xFFFF8000  }
0x9b: {  	[tilespmem:s11], [sflag:$0x2] =	stream.linear.gather [hbm4b:s2+s1], $0x1000, $0x38;
	[tilespmem:$0x9200] =	vst v63  }
0x9c: {  	_ =	swait.ge [sflag:s9], $0x1000  }
0x9d: {  	[sflag:s9] =	ssyncset.done $0x0  }
0x9e: {  	[sflag:s9] =	ssyncadd.s32 $0xFFFFF000  }
0x9f: {  	v3 =	vld [tilespmem:$0x100];
	_ =	sdelay $0x4  }
0xa0: {  	v60 =	vshll.u32 v3, $0x3  }
0xa1: {  	v3 =	vand.u32 $0x7, v3;
	v4 =	vand.u32 $0xFFFFFFC0, v60  }
0xa2: {  	v3 =	vor.u32 v3, v4  }
0xa3: {  	v4 =	vperm.xlane v3, v0;
	_ =	sdelay $0x1  }
0xa4: {  	v4 =	vadd.s32 v1, v4;
	_ =	sdelay $0x4  }
0xa5: {  	[hbm4b:s3+s1] =	stream.indirect_vreg.scatter [tilespmem:s10], [sflag:$0x1], $0x80, v4, vm0, $0xb8;
	[tilespmem:$0x9200] =	vst v63  }
0xa6: {  	v3 =	vperm.xlane v3, v2  }
0xa7: {  	[hbm4b:s5+s1] =	stream.indirect_vreg.scatter [tilespmem:s12], [sflag:$0x1], $0x80, v4, vm0, $0xb8;
	[tilespmem:$0x9200] =	vst v63  }
0xa8: {  	v3 =	vadd.s32 v1, v3  }
0xa9: {  	[hbm4b:s6+s1] =	stream.indirect_vreg.scatter [tilespmem:s13], [sflag:$0x1], $0x80, v4, vm0, $0xb8;
	[tilespmem:$0x9200] =	vst v63  }
0xaa: {  	_ = 	snop  }
0xab: {  	[hbm4b:s7+s1] =	stream.indirect_vreg.scatter [tilespmem:s14], [sflag:$0x1], $0x80, v4, vm0, $0xb8;
	[tilespmem:$0x9200] =	vst v63  }
0xac: {  	_ = 	snop  }
0xad: {  	[hbm4b:s3+s1] =	stream.indirect_vreg.scatter [tilespmem:s15], [sflag:$0x1], $0x80, v3, vm0, $0xb8;
	[tilespmem:$0x9200] =	vst v63  }
0xae: {  	_ = 	snop  }
0xaf: {  	[hbm4b:s5+s1] =	stream.indirect_vreg.scatter [tilespmem:s16], [sflag:$0x1], $0x80, v3, vm0, $0xb8;
	[tilespmem:$0x9200] =	vst v63  }
0xb0: {  	_ = 	snop  }
0xb1: {  	[hbm4b:s6+s1] =	stream.indirect_vreg.scatter [tilespmem:s17], [sflag:$0x1], $0x80, v3, vm0, $0xb8;
	[tilespmem:$0x9200] =	vst v63  }
0xb2: {  	_ = 	snop  }
0xb3: {  	[hbm4b:s7+s1] =	stream.indirect_vreg.scatter [tilespmem:s18], [sflag:$0x1], $0x80, v3, vm0, $0xb8;
	[tilespmem:$0x9200] =	vst v63  }
0xb4: {  	v3 =	vld [tilespmem:$0x110];
	_ =	sdelay $0x4  }
0xb5: {  	v61 =	vshll.u32 v3, $0x3  }
0xb6: {  	v3 =	vand.u32 $0x7, v3;
	v4 =	vand.u32 $0xFFFFFFC0, v61  }
0xb7: {  	v3 =	vor.u32 v3, v4  }
0xb8: {  	v4 =	vperm.xlane v3, v0;
	_ =	sdelay $0x1  }
0xb9: {  	v4 =	vadd.s32 v1, v4;
	_ =	sdelay $0x4  }
0xba: {  	[hbm4b:s3+s1] =	stream.indirect_vreg.scatter [tilespmem:s19], [sflag:$0x1], $0x80, v4, vm0, $0xb8;
	[tilespmem:$0x9200] =	vst v63  }
0xbb: {  	v3 =	vperm.xlane v3, v2  }
0xbc: {  	[hbm4b:s5+s1] =	stream.indirect_vreg.scatter [tilespmem:s20], [sflag:$0x1], $0x80, v4, vm0, $0xb8;
	[tilespmem:$0x9200] =	vst v63  }
0xbd: {  	v3 =	vadd.s32 v1, v3  }
0xbe: {  	[hbm4b:s6+s1] =	stream.indirect_vreg.scatter [tilespmem:s21], [sflag:$0x1], $0x80, v4, vm0, $0xb8;
	[tilespmem:$0x9200] =	vst v63  }
0xbf: {  	_ = 	snop  }
0xc0: {  	[hbm4b:s7+s1] =	stream.indirect_vreg.scatter [tilespmem:s22], [sflag:$0x1], $0x80, v4, vm0, $0xb8;
	[tilespmem:$0x9200] =	vst v63  }
0xc1: {  	_ = 	snop  }
0xc2: {  	[hbm4b:s3+s1] =	stream.indirect_vreg.scatter [tilespmem:s23], [sflag:$0x1], $0x80, v3, vm0, $0xb8;
	[tilespmem:$0x9200] =	vst v63  }
0xc3: {  	_ = 	snop  }
0xc4: {  	[hbm4b:s5+s1] =	stream.indirect_vreg.scatter [tilespmem:s24], [sflag:$0x1], $0x80, v3, vm0, $0xb8;
	[tilespmem:$0x9200] =	vst v63  }
0xc5: {  	_ = 	snop  }
0xc6: {  	[hbm4b:s6+s1] =	stream.indirect_vreg.scatter [tilespmem:s25], [sflag:$0x1], $0x80, v3, vm0, $0xb8;
	[tilespmem:$0x9200] =	vst v63  }
0xc7: {  	_ = 	snop  }
0xc8: {  	[hbm4b:s7+s1] =	stream.indirect_vreg.scatter [tilespmem:s26], [sflag:$0x1], $0x80, v3, vm0, $0xb8;
	[tilespmem:$0x9200] =	vst v63  }
0xc9: {  	_ = 	snop  }
0xca: {  	[hbm4b:s4+s28] =	stream.indirect.scatter [tilespmem:s11], [sflag:$0x1], $0x80, s31, s28, $0xb8;
	[tilespmem:$0x9200] =	vst v63  }
0xcb: {  	_ =	swait.ge [sflag:s29], $0x8000  }
0xcc: {  	[sflag:s29] =	ssyncset.done $0x0  }
0xcd: {  	[sflag:s29] =	ssyncadd.s32 $0xFFFF8000  }
0xce: {  	_ =	swait.ge [sflag:s29], $0x1000  }
0xcf: {  	[sflag:s29] =	ssyncset.done $0x0  }
0xd0: {  	s2 =	rddreg [dreg:$0xb];
	[sflag:s29] =	ssyncadd.s32 $0xFFFFF000  }
0xd1: {  	[tilespmem:s10], [sflag:$0x2] =	stream.linear.gather [hbm4b:s2+s1], $0x8000, $0x38;
	[tilespmem:$0x9200] =	vst v63  }
0xd2: {  	_ =	swait.ge [sflag:s9], $0x8000  }
0xd3: {  	[sflag:s9] =	ssyncset.done $0x0  }
0xd4: {  	s2 =	rddreg [dreg:$0xc];
	[sflag:s9] =	ssyncadd.s32 $0xFFFF8000  }
0xd5: {  	[tilespmem:s11], [sflag:$0x2] =	stream.linear.gather [hbm4b:s2+s1], $0x1000, $0x38;
	[tilespmem:$0x9200] =	vst v63  }
0xd6: {  	_ =	swait.ge [sflag:s9], $0x1000  }
0xd7: {  	[sflag:s9] =	ssyncset.done $0x0  }
0xd8: {  	[sflag:s9] =	ssyncadd.s32 $0xFFFFF000  }
0xd9: {  	v3 =	vld [tilespmem:$0x180];
	_ =	sdelay $0x4  }
0xda: {  	v62 =	vshll.u32 v3, $0x3  }
0xdb: {  	v3 =	vand.u32 $0x7, v3;
	v4 =	vand.u32 $0xFFFFFFC0, v62  }
0xdc: {  	v3 =	vor.u32 v3, v4  }
0xdd: {  	v4 =	vperm.xlane v3, v0;
	_ =	sdelay $0x1  }
0xde: {  	v4 =	vadd.s32 v1, v4;
	_ =	sdelay $0x4  }
0xdf: {  	[hbm4b:s3+s1] =	stream.indirect_vreg.scatter [tilespmem:s10], [sflag:$0x1], $0x80, v4, vm0, $0xb8;
	[tilespmem:$0x9200] =	vst v63  }
0xe0: {  	v3 =	vperm.xlane v3, v2  }
0xe1: {  	[hbm4b:s5+s1] =	stream.indirect_vreg.scatter [tilespmem:s12], [sflag:$0x1], $0x80, v4, vm0, $0xb8;
	[tilespmem:$0x9200] =	vst v63  }
0xe2: {  	v3 =	vadd.s32 v1, v3  }
0xe3: {  	[hbm4b:s6+s1] =	stream.indirect_vreg.scatter [tilespmem:s13], [sflag:$0x1], $0x80, v4, vm0, $0xb8;
	[tilespmem:$0x9200] =	vst v63  }
0xe4: {  	_ = 	snop  }
0xe5: {  	[hbm4b:s7+s1] =	stream.indirect_vreg.scatter [tilespmem:s14], [sflag:$0x1], $0x80, v4, vm0, $0xb8;
	[tilespmem:$0x9200] =	vst v63  }
0xe6: {  	_ = 	snop  }
0xe7: {  	[hbm4b:s3+s1] =	stream.indirect_vreg.scatter [tilespmem:s15], [sflag:$0x1], $0x80, v3, vm0, $0xb8;
	[tilespmem:$0x9200] =	vst v63  }
0xe8: {  	_ = 	snop  }
0xe9: {  	[hbm4b:s5+s1] =	stream.indirect_vreg.scatter [tilespmem:s16], [sflag:$0x1], $0x80, v3, vm0, $0xb8;
	[tilespmem:$0x9200] =	vst v63  }
0xea: {  	_ = 	snop  }
0xeb: {  	[hbm4b:s6+s1] =	stream.indirect_vreg.scatter [tilespmem:s17], [sflag:$0x1], $0x80, v3, vm0, $0xb8;
	[tilespmem:$0x9200] =	vst v63  }
0xec: {  	_ = 	snop  }
0xed: {  	[hbm4b:s7+s1] =	stream.indirect_vreg.scatter [tilespmem:s18], [sflag:$0x1], $0x80, v3, vm0, $0xb8;
	[tilespmem:$0x9200] =	vst v63  }
0xee: {  	v3 =	vld [tilespmem:$0x190];
	_ =	sdelay $0x4  }
0xef: {  	v63 =	vshll.u32 v3, $0x3  }
0xf0: {  	v3 =	vand.u32 $0x7, v3;
	v4 =	vand.u32 $0xFFFFFFC0, v63  }
0xf1: {  	v3 =	vor.u32 v3, v4  }
0xf2: {  	v4 =	vperm.xlane v3, v0;
	_ =	sdelay $0x1  }
0xf3: {  	v4 =	vadd.s32 v1, v4;
	_ =	sdelay $0x4  }
0xf4: {  	[hbm4b:s3+s1] =	stream.indirect_vreg.scatter [tilespmem:s19], [sflag:$0x1], $0x80, v4, vm0, $0xb8;
	[tilespmem:$0x9200] =	vst v63  }
0xf5: {  	v3 =	vperm.xlane v3, v2  }
0xf6: {  	[hbm4b:s5+s1] =	stream.indirect_vreg.scatter [tilespmem:s20], [sflag:$0x1], $0x80, v4, vm0, $0xb8;
	[tilespmem:$0x9200] =	vst v63  }
0xf7: {  	v3 =	vadd.s32 v1, v3  }
0xf8: {  	[hbm4b:s6+s1] =	stream.indirect_vreg.scatter [tilespmem:s21], [sflag:$0x1], $0x80, v4, vm0, $0xb8;
	[tilespmem:$0x9200] =	vst v63  }
0xf9: {  	_ = 	snop  }
0xfa: {  	[hbm4b:s7+s1] =	stream.indirect_vreg.scatter [tilespmem:s22], [sflag:$0x1], $0x80, v4, vm0, $0xb8;
	[tilespmem:$0x9200] =	vst v63  }
0xfb: {  	_ = 	snop  }
0xfc: {  	[hbm4b:s3+s1] =	stream.indirect_vreg.scatter [tilespmem:s23], [sflag:$0x1], $0x80, v3, vm0, $0xb8;
	[tilespmem:$0x9200] =	vst v63  }
0xfd: {  	_ = 	snop  }
0xfe: {  	[hbm4b:s5+s1] =	stream.indirect_vreg.scatter [tilespmem:s24], [sflag:$0x1], $0x80, v3, vm0, $0xb8;
	[tilespmem:$0x9200] =	vst v63  }
0xff: {  	_ = 	snop  }
0x100: {  	[hbm4b:s6+s1] =	stream.indirect_vreg.scatter [tilespmem:s25], [sflag:$0x1], $0x80, v3, vm0, $0xb8;
	[tilespmem:$0x9200] =	vst v63  }
0x101: {  	_ = 	snop  }
0x102: {  	[hbm4b:s7+s1] =	stream.indirect_vreg.scatter [tilespmem:s26], [sflag:$0x1], $0x80, v3, vm0, $0xb8;
	[tilespmem:$0x9200] =	vst v63  }
0x103: {  	_ = 	snop  }
0x104: {  	[hbm4b:s4+s28] =	stream.indirect.scatter [tilespmem:s11], [sflag:$0x1], $0x80, s0, s28, $0xb8;
	[tilespmem:$0x9200] =	vst v63  }
0x105: {  	p0 =	sne.s32 s8, $0x1;
	_ =	swait.ge [sflag:s29], $0x8000  }
.Ltmp0:
0x106: {  	[sflag:s29] =	ssyncset.done $0x0;
	(pc) =	sbr.rel @p0 .LBB2_1-.Ltmp0, $4  }
0x107: {  	[sflag:s29] =	ssyncadd.s32 $0xFFFF8000  }
0x108: {  	_ =	swait.ge [sflag:s29], $0x1000  }
0x109: {  	[sflag:s29] =	ssyncset.done $0x0  }
0x10a: {  	s8 =	sadd.s32 $0xFFFFFFFF, s8;
	[sflag:s29] =	ssyncadd.s32 $0xFFFFF000  }
0x10b: {  	_ =	sfence.sel $0x180000  }
0x10c: {  	[bflag:$0x0] =	sbarrier.arrive $0xFFFF  }
0x10d: {  	_ =	strace $0x90000047  }
0x10e: {  	s0 =	stileid.u32;
	[bflag:$0x2] =	sbarrier.arrive $0xFFFF  }
0x10f: {  	p0 =	sne.s32 s0, $0x0;
	s0 =	rddreg [dreg:$0x3]  }
0x110: {  	s0 =	sadd.s32 @!p0 $0x100000, s0  }
0x111: {  	[sflag:s0] =	ssyncadd.tile.s32 @!p0 $0x1;
	_ =	shalt  }
.Lfunc_end2:
_tile_overlayer_lowered:
.L_overlay_start_2:
0x112: {  	(tag) =	ssettag $0x2  }
0x113: {  	s0 =	rddreg [dreg:$0x0];
	s2 =	stileid.u32  }
0x114: {  	s1 =	rddreg [dreg:$0x1];
	p0 =	sne.s32 s2, $0x0  }
0x115: {  	s3 =	rddreg [dreg:$0x2];
	[bflag:$0x3] =	sbarrier.arrive $0xFFFF;
	s2 =	simm.s32 @!p0 $0x1C02  }
0x116: {  	[timem:s3], [sflag:s2] =	dma.local @!p0 [hbm:s0], s1  }
0x117: {  	s0 =	simm.s32 @!p0 $0x2  }
0x118: {  	_ =	swait.ge @!p0 [sflag:s0], s1  }
0x119: {  	s1 =	ssub.s32 @!p0 $0x0, s1;
	[sflag:s0] =	ssyncset.done @!p0 $0x0  }
0x11a: {  	[sflag:s0] =	ssyncadd.s32 @!p0 s1  }
0x11b: {  	[bflag:$0x3] =	sbarrier.arrive $0xFFFF  }
0x11c: {  	_ =	shalt  }

// kernel: kernel.9.cloned.1.call-start
scs
__scs_entry_jumppad:
0x0: {  	(pc) =	sbr.rel $0x88, $3  }
0x1: {  	(tag) =	ssettag $0x0;
	lr =	simm.s32 $0x1  }
0x2: {  	[smem:$0x3F9A] =	sst lr;
	_ =	strace $0xD0000000  }
0x3: {  	_ = 	snop  }
0x4: {  	_ = 	snop  }
0x5: {  	_ = 	snop  }
0x6: {  	_ = 	snop  }
0x7: {  	_ = 	snop  }
__scs_overlays_trampoline_lowered:
0x8: {  	[smem:$0x3FA9] =	sst s0  }
0x9: {  	[smem:$0x3FAA] =	sst s1  }
0xa: {  	[smem:$0x3FAB] =	sst s2  }
0xb: {  	[smem:$0x3FAC] =	sst s3  }
0xc: {  	[smem:$0x3FAD] =	sst s4  }
0xd: {  	[smem:$0x3FAE] =	sst s5  }
0xe: {  	[smem:$0x3FAF] =	sst s6  }
0xf: {  	[smem:$0x3FB0] =	sst s7  }
0x10: {  	[smem:$0x3FB1] =	sst s8  }
0x11: {  	[smem:$0x3FB2] =	sst s9;
	s0 =	simm.s32 @!p0 $0x0  }
0x12: {  	s1 =	sld [smem:$0x3F98];
	s0 =	simm.s32 @p0 $0x1  }
0x13: {  	[smem:$0x3FB3] =	sst s0;
	s0 =	simm.s32 @!p1 $0x0  }
0x14: {  	s2 =	sld [smem:$0x3F97];
	s0 =	simm.s32 @p1 $0x1  }
0x15: {  	[smem:$0x3FB4] =	sst s0;
	s0 =	simm.s32 @!p2 $0x0  }
0x16: {  	s3 =	sld [smem:$0x3FDB];
	s0 =	simm.s32 @p2 $0x1  }
0x17: {  	s4 =	simm.s32 $0x1BF5;
	[smem:$0x3FB6] =	sst s0  }
0x18: {  	s0 =	sld [smem:$0x3F99];
	_ =	swait.ge [sflag:s4], $0x0  }
0x19: {  	s7 =	sld [smem:$0x3F9A]  }
0x1a: {  	s8 =	sadd.s32 $0xFFFFE003, lr  }
0x1b: {  	s9 =	sadd.s32 $0xFFFFFEF7, lr;
	s5 =	simm.s32 $0xFFFFFFFF;
	p2 =	slt.u32 s8, $0xFFFFF086  }
0x1c: {  	p1 =	slt.u32 s9, $0xF7A;
	s5 =	simm.s32 @!p2 $0x0  }
0x1d: {  	s5 =	simm.s32 @p1 $0x1;
	p0 =	seq.s32 s7, s2  }
0x1e: {  	s7 =	smul.u32 @!p0 $0xF7A, s2;
	p2 =	seq.s32 @!p0 s5, $0x0  }
0x1f: {  	s9 =	smul.u32 $0xF7A, s1;
	s8 =	simm.s32 @!p0 $0x1BF5;
	p2 =	por !p2, p0  }
0x20: {  	[sflag:s8] =	ssyncset.s32 @!p0 $0xFFFFF086;
	s6 =	sadd.s32 @!p0 s3, s7;
	s7 =	simm.s32 @!p0 $0x108  }
0x21: {  	s3 =	sadd.s32 s3, s9;
	s6 =	sadd.s32 @!p0 $0x88, s6;
	s7 =	simm.s32 @p2 $0x1082  }
0x22: {  	[simem:s7], [sflag:s8] =	dma.local @!p0 [hbm:s6], $0xF7A  }
0x23: {  	s9 =	sor.u32 $0xD0000000, s2;
	s6 =	simm.s32 $0x108;
	_ =	swait.ge @!p0 [sflag:s8], $0x0  }
0x24: {  	s3 =	sadd.s32 $0x88, s3;
	s6 =	simm.s32 @!p1 $0x1082;
	[sflag:s4] =	ssyncset.s32 $0xFFFFF086  }
0x25: {  	[simem:s6], [sflag:s4] =	dma.local [hbm:s3], $0xF7A  }
0x26: {  	[smem:$0x3F9A] =	sst s1;
	(tag) =	ssettag s2;
	_ =	strace s9  }
0x27: {  	s1 =	sld [smem:$0x3FAA]  }
0x28: {  	s2 =	sld [smem:$0x3FAB]  }
0x29: {  	s4 =	sld [smem:$0x3FAD]  }
0x2a: {  	p0 =	seq.s32 s5, $0x0;
	s5 =	sld [smem:$0x3FAE]  }
0x2b: {  	s6 =	sld [smem:$0x3FAF]  }
0x2c: {  	s7 =	sld [smem:$0x3FB0]  }
0x2d: {  	s3 =	simm.s32 $0x108;
	s8 =	sld [smem:$0x3FB1]  }
0x2e: {  	s3 =	simm.s32 @!p0 $0x1082;
	s9 =	sld [smem:$0x3FB2]  }
0x2f: {  	lr =	sadd.s32 s0, s3;
	s0 =	sld [smem:$0x3FA9]  }
0x30: {  	s3 =	sld [smem:$0x3FAC]  }
0x31: {  	[smem:$0x3FB5] =	sst s10  }
0x32: {  	s10 =	sld [smem:$0x3FB3];
	_ =	sdelay $0x3  }
0x33: {  	p0 =	seq.s32 s10, $0x1;
	s10 =	sld [smem:$0x3FB5];
	_ =	sdelay $0x3  }
0x34: {  	[smem:$0x3FB5] =	sst s10  }
0x35: {  	s10 =	sld [smem:$0x3FB4];
	_ =	sdelay $0x3  }
0x36: {  	p1 =	seq.s32 s10, $0x1;
	s10 =	sld [smem:$0x3FB5];
	_ =	sdelay $0x3  }
0x37: {  	[smem:$0x3FB5] =	sst s10  }
0x38: {  	s10 =	sld [smem:$0x3FB6]  }
0x39: {  	_ = 	snop;
	(pc) =	sbr.ind lr, $3  }
0x3a: {  	_ = 	snop  }
0x3b: {  	_ = 	snop  }
0x3c: {  	p2 =	seq.s32 s10, $0x1;
	s10 =	sld [smem:$0x3FB5]  }
0x3d: {  	_ =	shalt  }
0x3e: {  	_ =	shalt  }
0x3f: {  	_ =	shalt  }
0x40: {  	_ =	shalt  }
0x41: {  	_ =	shalt  }
0x42: {  	_ =	shalt  }
0x43: {  	_ =	shalt  }
0x44: {  	_ =	shalt  }
0x45: {  	_ =	shalt  }
0x46: {  	_ =	shalt  }
0x47: {  	_ =	shalt  }
0x48: {  	_ =	shalt  }
0x49: {  	_ =	shalt  }
0x4a: {  	_ =	shalt  }
0x4b: {  	_ =	shalt  }
0x4c: {  	_ =	shalt  }
0x4d: {  	_ =	shalt  }
0x4e: {  	_ =	shalt  }
0x4f: {  	_ =	shalt  }
0x50: {  	_ =	shalt  }
0x51: {  	_ =	shalt  }
0x52: {  	_ =	shalt  }
0x53: {  	_ =	shalt  }
0x54: {  	_ =	shalt  }
0x55: {  	_ =	shalt  }
0x56: {  	_ =	shalt  }
0x57: {  	_ =	shalt  }
0x58: {  	_ =	shalt  }
0x59: {  	_ =	shalt  }
0x5a: {  	_ =	shalt  }
0x5b: {  	_ =	shalt  }
0x5c: {  	_ =	shalt  }
0x5d: {  	_ =	shalt  }
0x5e: {  	_ =	shalt  }
0x5f: {  	_ =	shalt  }
0x60: {  	_ =	shalt  }
0x61: {  	_ =	shalt  }
0x62: {  	_ =	shalt  }
0x63: {  	_ =	shalt  }
0x64: {  	_ =	shalt  }
0x65: {  	_ =	shalt  }
0x66: {  	_ =	shalt  }
0x67: {  	_ =	shalt  }
0x68: {  	_ =	shalt  }
0x69: {  	_ =	shalt  }
0x6a: {  	_ =	shalt  }
0x6b: {  	_ =	shalt  }
0x6c: {  	_ =	shalt  }
0x6d: {  	_ =	shalt  }
0x6e: {  	_ =	shalt  }
0x6f: {  	_ =	shalt  }
0x70: {  	_ =	shalt  }
0x71: {  	_ =	shalt  }
0x72: {  	_ =	shalt  }
0x73: {  	_ =	shalt  }
0x74: {  	_ =	shalt  }
0x75: {  	_ =	shalt  }
0x76: {  	_ =	shalt  }
0x77: {  	_ =	shalt  }
0x78: {  	_ =	shalt  }
0x79: {  	_ =	shalt  }
0x7a: {  	_ =	shalt  }
0x7b: {  	_ =	shalt  }
0x7c: {  	_ =	shalt  }
0x7d: {  	_ =	shalt  }
0x7e: {  	_ =	shalt  }
0x7f: {  	_ =	shalt  }
0x80: {  	_ =	shalt  }
0x81: {  	_ =	shalt  }
0x82: {  	_ =	shalt  }
0x83: {  	_ =	shalt  }
0x84: {  	_ =	shalt  }
0x85: {  	_ =	shalt  }
0x86: {  	_ =	shalt  }
0x87: {  	_ =	shalt  }
.Lfunc_end0:
.L_simem_size_0:
called_computation.1_lowered:
.L_overlay_start_0:
0x88: {  	s2 =	sld [smem:$0x3FD9]  }
0x89: {  	s3 =	sld [smem:$0x3FFE];
	_ =	sdelay $0x1  }
0x8a: {  	s1 =	srdreg.scid  }
0x8b: {  	s0 =	sand.u32 $0x1, s1  }
0x8c: {  	s14 =	sshll.u32 s0, $0xA;
	s2 =	sadd.s32 s3, s2  }
0x8d: {  	s2 =	sadd.s32 s2, s14  }
0x8e: {  	[smem:$0x3FC1] =	sst s2  }
0x8f: {  	_ = 	snop  }
0x90: {  	s2 =	sld [smem:$0x3FD0];
	_ =	sdelay $0x2  }
0x91: {  	s15 =	simm.s32 $0xA;
	s4 =	simm.s32 $0x10  }
0x92: {  	[smem:s4], [sflag:s15] =	dma.local [hbm:s2], $0x1  }
0x93: {  	_ =	swait.eq [sflag:s15], $0x1  }
0x94: {  	[sflag:s15] =	ssyncset.done $0x0  }
0x95: {  	[sflag:s15] =	ssyncadd.s32 $0xFFFFFFFF  }
0x96: {  	s16 =	sld [smem:$0x10];
	(tm) =	ssettm $0x1  }
0x97: {  	s17 =	sld [smem:$0x3FFB];
	_ =	sdelay $0x3  }
0x98: {  	_ =	strace s17  }
0x99: {  	s3 =	sld [smem:$0x3FFC];
	_ =	sdelay $0x3  }
0x9a: {  	_ =	strace s3  }
0x9b: {  	s3 =	sld [smem:$0x3FFD];
	_ =	sdelay $0x3  }
0x9c: {  	_ =	strace s3  }
0x9d: {  	_ =	strace $0x8FFFFFFF  }
0x9e: {  	s18 =	sld [smem:$0x3FDB];
	_ =	sdelay $0x1  }
0x9f: {  	s19 =	simm.s32 $_scs_section_size  }
0xa0: {  	s5 =	simm.s32 $_size__tile_overlayer_lowered;
	s6 =	simm.s32 $_tile_overlayer_lowered  }
0xa1: {  	s22 =	simm.s32 $0x1BFF;
	s21 =	sshll.u32 s6, $0x1;
	s3 =	sadd.s32 s19, s18  }
0xa2: {  	s7 =	simm.s32 $0x0;
	s20 =	sshll.u32 s5, $0x1;
	s5 =	sadd.s32 s21, s3  }
0xa3: {  	[timem:s7], [sflag:s22] =	dma.local [hbm:s5], s20  }
0xa4: {  	_ =	swait.ge [sflag:s22], s20  }
0xa5: {  	s4 =	ssub.s32 $0x0, s20;
	[sflag:s22] =	ssyncset.done $0x0  }
0xa6: {  	[sflag:s22] =	ssyncadd.s32 s4;
	_ =	sdelay $0x1  }
0xa7: {  	s23 =	simm.s32 $0x1B8B  }
0xa8: {  	_ =	swait.ge [sflag:s23], $0x1  }
0xa9: {  	[sflag:s23] =	ssyncset.done $0x0  }
0xaa: {  	s25 =	simm.s32 $0x1B8E;
	s24 =	sld [smem:$0x3FFE];
	[sflag:s23] =	ssyncadd.s32 $0xFFFFFFFF  }
0xab: {  	s26 =	simm.s32 $execute0_lowered;
	[smem:$0x3FD2] =	sst s25  }
0xac: {  	s5 =	sshll.u32 s26, $0x1;
	_ =	strace $0x80000049;
	[dreg:$0x1] =	wrdreg $0xFFFFFFFF  }
0xad: {  	s28 =	simm.s32 $_size_execute0_lowered;
	s3 =	sadd.s32 s3, s5;
	[dreg:$0x0] =	wrdreg $0x0  }
0xae: {  	s5 =	sshll.u32 s28, $0x1;
	[dreg:$0x2] =	wrdreg s3  }
0xaf: {  	[dreg:$0x3] =	wrdreg s5  }
0xb0: {  	[dreg:$0x4] =	wrdreg $0xC0  }
0xb1: {  	_ =	task [dreg:s7], $0x5FFFF  }
0xb2: {  	[dreg:$0x1] =	wrdreg $0xFFFFFFFF  }
0xb3: {  	[dreg:$0x0] =	wrdreg $0x60  }
0xb4: {  	[dreg:$0x2] =	wrdreg s24  }
0xb5: {  	[dreg:$0x3] =	wrdreg s16  }
0xb6: {  	[dreg:$0x4] =	wrdreg $0x9  }
0xb7: {  	_ =	task.clear_ibuf [dreg:s7], $0x5FFFF;
	_ =	strace $0x90000049  }
0xb8: {  	s29 =	simm.s32 $0x9;
	_ =	strace $0x8000004B  }
0xb9: {  	_ =	swait.ge [sflag:s29], $0x1  }
0xba: {  	[sflag:s29] =	ssyncadd.s32 $0xFFFFFFFF  }
0xbb: {  	_ =	strace $0x9000004B  }
0xbc: {  	_ =	sfence  }
0xbd: {  	s30 =	sld [smem:$0x0];
	_ =	sdelay $0x2  }
0xbe: {  	s31 =	sshll.u32 s1, $0xD;
	s1 =	sshrl.u32 s1, $0x2  }
0xbf: {  	s3 =	sand.u32 $0x4000, s31;
	s1 =	sadd.s32 s1, s30  }
0xc0: {  	s0 =	sor.u32 s3, s0;
	s1 =	sshll.u32 s1, $0x11  }
0xc1: {  	s0 =	sor.u32 s1, s0  }
0xc2: {  	s0 =	sadd.s32 $0x8F2B, s0  }
0xc3: {  	[sflag:s0] =	ssyncadd.remote.s32 $0x1  }
0xc4: {  	_ =	sfence.sel $0xFFFF  }
0xc5: {  	[dreg:$0x0] =	wrdreg $0xFFFFFFFF;
	(pc) =	sbr.abs _section_cstart, $3  }
0xc6: {  	[dreg:$0x1] =	wrdreg $0xFFFFFFFF  }
0xc7: {  	_ =	task.clear_ibuf [dreg:s7], $0x2FFFF;
	_ =	strace $0x9FFFFFFF  }
0xc8: {  	(tm) =	ssettm $0x7FFFFFFF  }
0xc9: {  	_ =	shalt  }
tec
execute0_lowered:
.L_overlay_start_1:
0x0: {  	(tag) =	ssettag $0x1  }
0x1: {  	s0 =	rddreg [dreg:$0x0]  }
0x2: {  	s1 =	rddreg [dreg:$0x1];
	s3 =	srdreg.scid  }
0x3: {  	s4 =	stileid.u32;
	s2 =	simm.s32 $0x0;
	s14 =	simm.s32 $0x2  }
0x4: {  	s16 =	simm.s32 $0x100;
	s17 =	simm.s32 $0xA100;
	s18 =	simm.s32 $0xA900  }
0x5: {  	s19 =	simm.s32 $0xB100;
	s20 =	simm.s32 $0xB900;
	s21 =	simm.s32 $0xC100  }
0x6: {  	s22 =	simm.s32 $0xC900;
	s23 =	simm.s32 $0xD900;
	s11 =	simm.s32 $0xE100  }
0x7: {  	s24 =	simm.s32 $0xE900;
	s12 =	simm.s32 $0xF100;
	s13 =	simm.s32 $0x1  }
0x8: {  	s3 =	sand.u32 $0x1, s3;
	s4 =	sshll.u32 s4, $0x1;
	[smem:$0x7FF] =	sst s2  }
0x9: {  	s8 =	sadd.s32 $0x93500, s0;
	s4 =	sor.u32 s3, s4;
	_ =	strace $0x8000004A  }
0xa: {  	s6 =	ssub.s32 $0x2, s3;
	s3 =	sadd.s32 $0x93200, s0;
	s5 =	sshll.u32 s4, $0x5  }
0xb: {  	s7 =	sshrl.u32 s6, $0x1;
	s4 =	sshll.u32 s4, $0xD;
	s5 =	sadd.s32 s5, s0  }
0xc: {  	s10 =	ssub.s32 s6, s7;
	s6 =	sadd.s32 $0x93300, s0;
	s25 =	sadd.s32 $0x1600, s5  }
0xd: {  	s7 =	sadd.s32 $0x93400, s0;
	s26 =	sadd.s32 $0x1A00, s5;
	[dreg:$0x3] =	wrdreg s25  }
0xe: {  	s9 =	sadd.s32 s1, s4;
	s28 =	sadd.s32 $0x1610, s5;
	[dreg:$0x4] =	wrdreg s26  }
0xf: {  	s4 =	simm.s32 $0x9100;
	s29 =	sadd.s32 $0x1A10, s5;
	[dreg:$0x5] =	wrdreg s28  }
0x10: {  	v2 =	vlaneseq.u32;
	s30 =	sadd.s32 $0x1000, s9;
	s31 =	smax.u32 s10, $0x1;
	[dreg:$0x6] =	wrdreg s29  }
0x11: {  	vm0 =	vmmov $0xffff;
	v1 =	vshrl.u32 v2, $0x3;
	s5 =	simm.s32 $0x9900;
	s10 =	simm.s32 $0xD100;
	[dreg:$0x7] =	wrdreg s30  }
0x12: {  	v0 =	vand.u32 $0x7, v2;
	v2 =	vor.u32 $0x8, v2;
	v1 =	vmul.u32 $0x8, v1;
	[dreg:$0x8] =	wrdreg s31;
	s25 =	simm.s32 $0xF900;
	s26 =	simm.s32 $0x0  }
.LBB2_1:
0x13: {  	s0 =	rddreg [dreg:$0x3]  }
0x14: {  	[tilespmem:s2], [sflag:$0x2] =	stream.linear.gather [hbm4b:s0+s2], $0x80, $0x38;
	[tilespmem:$0x10100] =	vst v63  }
0x15: {  	_ =	swait.ge [sflag:s14], $0x80  }
0x16: {  	[sflag:s14] =	ssyncset.done $0x0  }
0x17: {  	s1 =	simm.s32 $0x80;
	s15 =	rddreg [dreg:$0x4];
	[sflag:s14] =	ssyncadd.s32 $0xFFFFFF80  }
0x18: {  	[tilespmem:s1], [sflag:$0x2] =	stream.linear.gather [hbm4b:s15+s2], $0x80, $0x38;
	[tilespmem:$0x10100] =	vst v63  }
0x19: {  	_ =	swait.ge [sflag:s14], $0x80  }
0x1a: {  	[sflag:s14] =	ssyncset.done $0x0  }
0x1b: {  	[sflag:s14] =	ssyncadd.s32 $0xFFFFFF80  }
0x1c: {  	v3 =	vld [tilespmem:$0x0];
	_ =	sdelay $0x4  }
0x1d: {  	v4 =	vshll.u32 v3, $0x3  }
0x1e: {  	v3 =	vand.u32 $0x7, v3;
	v4 =	vand.u32 $0xFFFFFFC0, v4  }
0x1f: {  	v3 =	vor.u32 v3, v4  }
0x20: {  	v4 =	vperm.xlane v3, v0;
	_ =	sdelay $0x1  }
0x21: {  	v4 =	vadd.s32 v1, v4;
	_ =	sdelay $0x4  }
0x22: {  	[tilespmem:s16], [sflag:$0x1] =	stream.indirect_vreg.gather [hbm4b:s3+s2], $0x80, v4, vm0, $0xb8;
	[tilespmem:$0x10100] =	vst v63  }
0x23: {  	s15 =	simm.s32 $0x900;
	v3 =	vperm.xlane v3, v2  }
0x24: {  	[tilespmem:s15], [sflag:$0x1] =	stream.indirect_vreg.gather [hbm4b:s6+s2], $0x80, v4, vm0, $0xb8;
	[tilespmem:$0x10100] =	vst v63  }
0x25: {  	s1 =	simm.s32 $0x1100;
	v3 =	vadd.s32 v1, v3  }
0x26: {  	[tilespmem:s1], [sflag:$0x1] =	stream.indirect_vreg.gather [hbm4b:s7+s2], $0x80, v4, vm0, $0xb8;
	[tilespmem:$0x10100] =	vst v63  }
0x27: {  	s15 =	simm.s32 $0x1900  }
0x28: {  	[tilespmem:s15], [sflag:$0x1] =	stream.indirect_vreg.gather [hbm4b:s8+s2], $0x80, v4, vm0, $0xb8;
	[tilespmem:$0x10100] =	vst v63  }
0x29: {  	s1 =	simm.s32 $0x2100  }
0x2a: {  	[tilespmem:s1], [sflag:$0x1] =	stream.indirect_vreg.gather [hbm4b:s3+s2], $0x80, v3, vm0, $0xb8;
	[tilespmem:$0x10100] =	vst v63  }
0x2b: {  	s15 =	simm.s32 $0x2900  }
0x2c: {  	[tilespmem:s15], [sflag:$0x1] =	stream.indirect_vreg.gather [hbm4b:s6+s2], $0x80, v3, vm0, $0xb8;
	[tilespmem:$0x10100] =	vst v63  }
0x2d: {  	s1 =	simm.s32 $0x3100  }
0x2e: {  	[tilespmem:s1], [sflag:$0x1] =	stream.indirect_vreg.gather [hbm4b:s7+s2], $0x80, v3, vm0, $0xb8;
	[tilespmem:$0x10100] =	vst v63  }
0x2f: {  	s15 =	simm.s32 $0x3900  }
0x30: {  	[tilespmem:s15], [sflag:$0x1] =	stream.indirect_vreg.gather [hbm4b:s8+s2], $0x80, v3, vm0, $0xb8;
	[tilespmem:$0x10100] =	vst v63  }
0x31: {  	v3 =	vld [tilespmem:$0x10];
	_ =	sdelay $0x4  }
0x32: {  	v61 =	vshll.u32 v3, $0x3  }
0x33: {  	v3 =	vand.u32 $0x7, v3;
	v4 =	vand.u32 $0xFFFFFFC0, v61  }
0x34: {  	v3 =	vor.u32 v3, v4  }
0x35: {  	v4 =	vperm.xlane v3, v0;
	_ =	sdelay $0x1  }
0x36: {  	v4 =	vadd.s32 v1, v4;
	_ =	sdelay $0x3  }
0x37: {  	s1 =	simm.s32 $0x4100  }
0x38: {  	[tilespmem:s1], [sflag:$0x1] =	stream.indirect_vreg.gather [hbm4b:s3+s2], $0x80, v4, vm0, $0xb8;
	[tilespmem:$0x10100] =	vst v63  }
0x39: {  	s15 =	simm.s32 $0x4900;
	v3 =	vperm.xlane v3, v2  }
0x3a: {  	[tilespmem:s15], [sflag:$0x1] =	stream.indirect_vreg.gather [hbm4b:s6+s2], $0x80, v4, vm0, $0xb8;
	[tilespmem:$0x10100] =	vst v63  }
0x3b: {  	v3 =	vadd.s32 v1, v3;
	s1 =	simm.s32 $0x5100  }
0x3c: {  	[tilespmem:s1], [sflag:$0x1] =	stream.indirect_vreg.gather [hbm4b:s7+s2], $0x80, v4, vm0, $0xb8;
	[tilespmem:$0x10100] =	vst v63  }
0x3d: {  	s15 =	simm.s32 $0x5900  }
0x3e: {  	[tilespmem:s15], [sflag:$0x1] =	stream.indirect_vreg.gather [hbm4b:s8+s2], $0x80, v4, vm0, $0xb8;
	[tilespmem:$0x10100] =	vst v63  }
0x3f: {  	s1 =	simm.s32 $0x6100  }
0x40: {  	[tilespmem:s1], [sflag:$0x1] =	stream.indirect_vreg.gather [hbm4b:s3+s2], $0x80, v3, vm0, $0xb8;
	[tilespmem:$0x10100] =	vst v63  }
0x41: {  	s15 =	simm.s32 $0x6900  }
0x42: {  	[tilespmem:s15], [sflag:$0x1] =	stream.indirect_vreg.gather [hbm4b:s6+s2], $0x80, v3, vm0, $0xb8;
	[tilespmem:$0x10100] =	vst v63  }
0x43: {  	s1 =	simm.s32 $0x7100  }
0x44: {  	[tilespmem:s1], [sflag:$0x1] =	stream.indirect_vreg.gather [hbm4b:s7+s2], $0x80, v3, vm0, $0xb8;
	[tilespmem:$0x10100] =	vst v63  }
0x45: {  	s15 =	simm.s32 $0x7900  }
0x46: {  	[tilespmem:s15], [sflag:$0x1] =	stream.indirect_vreg.gather [hbm4b:s8+s2], $0x80, v3, vm0, $0xb8;
	[tilespmem:$0x10100] =	vst v63  }
0x47: {  	v3 =	vld [tilespmem:$0x80];
	_ =	sdelay $0x4  }
0x48: {  	v62 =	vshll.u32 v3, $0x3  }
0x49: {  	v3 =	vand.u32 $0x7, v3;
	v4 =	vand.u32 $0xFFFFFFC0, v62  }
0x4a: {  	v3 =	vor.u32 v3, v4  }
0x4b: {  	v4 =	vperm.xlane v3, v0;
	_ =	sdelay $0x1  }
0x4c: {  	v4 =	vadd.s32 v1, v4;
	_ =	sdelay $0x3  }
0x4d: {  	s1 =	simm.s32 $0x8100  }
0x4e: {  	[tilespmem:s1], [sflag:$0x1] =	stream.indirect_vreg.gather [hbm4b:s3+s2], $0x80, v4, vm0, $0xb8;
	[tilespmem:$0x10100] =	vst v63  }
0x4f: {  	s15 =	simm.s32 $0x8900;
	v3 =	vperm.xlane v3, v2  }
0x50: {  	[tilespmem:s15], [sflag:$0x1] =	stream.indirect_vreg.gather [hbm4b:s6+s2], $0x80, v4, vm0, $0xb8;
	[tilespmem:$0x10100] =	vst v63  }
0x51: {  	v3 =	vadd.s32 v1, v3  }
0x52: {  	[tilespmem:s4], [sflag:$0x1] =	stream.indirect_vreg.gather [hbm4b:s7+s2], $0x80, v4, vm0, $0xb8;
	[tilespmem:$0x10100] =	vst v63  }
0x53: {  	_ = 	snop  }
0x54: {  	[tilespmem:s5], [sflag:$0x1] =	stream.indirect_vreg.gather [hbm4b:s8+s2], $0x80, v4, vm0, $0xb8;
	[tilespmem:$0x10100] =	vst v63  }
0x55: {  	_ = 	snop  }
0x56: {  	[tilespmem:s17], [sflag:$0x1] =	stream.indirect_vreg.gather [hbm4b:s3+s2], $0x80, v3, vm0, $0xb8;
	[tilespmem:$0x10100] =	vst v63  }
0x57: {  	_ = 	snop  }
0x58: {  	[tilespmem:s18], [sflag:$0x1] =	stream.indirect_vreg.gather [hbm4b:s6+s2], $0x80, v3, vm0, $0xb8;
	[tilespmem:$0x10100] =	vst v63  }
0x59: {  	_ = 	snop  }
0x5a: {  	[tilespmem:s19], [sflag:$0x1] =	stream.indirect_vreg.gather [hbm4b:s7+s2], $0x80, v3, vm0, $0xb8;
	[tilespmem:$0x10100] =	vst v63  }
0x5b: {  	_ = 	snop  }
0x5c: {  	[tilespmem:s20], [sflag:$0x1] =	stream.indirect_vreg.gather [hbm4b:s8+s2], $0x80, v3, vm0, $0xb8;
	[tilespmem:$0x10100] =	vst v63  }
0x5d: {  	v3 =	vld [tilespmem:$0x90];
	_ =	sdelay $0x4  }
0x5e: {  	v63 =	vshll.u32 v3, $0x3  }
0x5f: {  	v3 =	vand.u32 $0x7, v3;
	v4 =	vand.u32 $0xFFFFFFC0, v63  }
0x60: {  	v3 =	vor.u32 v3, v4  }
0x61: {  	v4 =	vperm.xlane v3, v0;
	_ =	sdelay $0x1  }
0x62: {  	v4 =	vadd.s32 v1, v4;
	_ =	sdelay $0x4  }
0x63: {  	[tilespmem:s21], [sflag:$0x1] =	stream.indirect_vreg.gather [hbm4b:s3+s2], $0x80, v4, vm0, $0xb8;
	[tilespmem:$0x10100] =	vst v63  }
0x64: {  	v3 =	vperm.xlane v3, v2  }
0x65: {  	[tilespmem:s22], [sflag:$0x1] =	stream.indirect_vreg.gather [hbm4b:s6+s2], $0x80, v4, vm0, $0xb8;
	[tilespmem:$0x10100] =	vst v63  }
0x66: {  	v3 =	vadd.s32 v1, v3  }
0x67: {  	[tilespmem:s10], [sflag:$0x1] =	stream.indirect_vreg.gather [hbm4b:s7+s2], $0x80, v4, vm0, $0xb8;
	[tilespmem:$0x10100] =	vst v63  }
0x68: {  	_ = 	snop  }
0x69: {  	[tilespmem:s23], [sflag:$0x1] =	stream.indirect_vreg.gather [hbm4b:s8+s2], $0x80, v4, vm0, $0xb8;
	[tilespmem:$0x10100] =	vst v63  }
0x6a: {  	_ = 	snop  }
0x6b: {  	[tilespmem:s11], [sflag:$0x1] =	stream.indirect_vreg.gather [hbm4b:s3+s2], $0x80, v3, vm0, $0xb8;
	[tilespmem:$0x10100] =	vst v63  }
0x6c: {  	_ = 	snop  }
0x6d: {  	[tilespmem:s24], [sflag:$0x1] =	stream.indirect_vreg.gather [hbm4b:s6+s2], $0x80, v3, vm0, $0xb8;
	[tilespmem:$0x10100] =	vst v63  }
0x6e: {  	_ = 	snop  }
0x6f: {  	[tilespmem:s12], [sflag:$0x1] =	stream.indirect_vreg.gather [hbm4b:s7+s2], $0x80, v3, vm0, $0xb8;
	[tilespmem:$0x10100] =	vst v63  }
0x70: {  	_ = 	snop  }
0x71: {  	[tilespmem:s25], [sflag:$0x1] =	stream.indirect_vreg.gather [hbm4b:s8+s2], $0x80, v3, vm0, $0xb8;
	[tilespmem:$0x10100] =	vst v63  }
0x72: {  	_ =	swait.ge [sflag:s13], $0x8000  }
0x73: {  	[sflag:s13] =	ssyncset.done $0x0  }
0x74: {  	[sflag:s13] =	ssyncadd.s32 $0xFFFF8000  }
0x75: {  	_ =	swait.ge [sflag:s13], $0x8000  }
0x76: {  	s28 =	simm.s32 $0xFFFF8000;
	s29 =	simm.s32 $0x0;
	[sflag:s13] =	ssyncset.done $0x0  }
0x77: {  	s30 =	simm.s32 $0x0;
	s31 =	simm.s32 $0x0;
	[sflag:s13] =	ssyncadd.s32 $0xFFFF8000  }
.LBB2_2:
0x78: {  	s0 =	sadd.s32 $0x8000, s28  }
0x79: {  	s1 =	sand.u32 $0x380, s31;
	s0 =	sand.u32 $0x6000, s0  }
0x7a: {  	s0 =	sor.u32 s1, s0  }
0x7b: {  	v3 =	vld [tilespmem:s0+$0x100]  }
0x7c: {  	v4 =	vld [tilespmem:s0+$0x8100]  }
0x7d: {  	v5 =	vld [tilespmem:s0+$0x110]  }
0x7e: {  	v6 =	vld [tilespmem:s0+$0x8110]  }
0x7f: {  	v7 =	vld [tilespmem:s0+$0x120]  }
0x80: {  	v8 =	vld [tilespmem:s0+$0x8120]  }
0x81: {  	v9 =	vld [tilespmem:s0+$0x130]  }
0x82: {  	v10 =	vld [tilespmem:s0+$0x8130]  }
0x83: {  	v11 =	vld [tilespmem:s0+$0x140]  }
0x84: {  	v12 =	vld [tilespmem:s0+$0x8140]  }
0x85: {  	v13 =	vld [tilespmem:s0+$0x150]  }
0x86: {  	v14 =	vld [tilespmem:s0+$0x8150]  }
0x87: {  	v15 =	vld [tilespmem:s0+$0x160]  }
0x88: {  	v16 =	vld [tilespmem:s0+$0x8160]  }
0x89: {  	v17 =	vld [tilespmem:s0+$0x170]  }
0x8a: {  	v18 =	vld [tilespmem:s0+$0x8170]  }
0x8b: {  	v19 =	vld [tilespmem:s0+$0x500]  }
0x8c: {  	v20 =	vld [tilespmem:s0+$0x8500]  }
0x8d: {  	v21 =	vld [tilespmem:s0+$0x510]  }
0x8e: {  	v22 =	vld [tilespmem:s0+$0x8510]  }
0x8f: {  	v23 =	vld [tilespmem:s0+$0x520]  }
0x90: {  	v24 =	vld [tilespmem:s0+$0x8520]  }
0x91: {  	v25 =	vld [tilespmem:s0+$0x530]  }
0x92: {  	v26 =	vld [tilespmem:s0+$0x8530]  }
0x93: {  	v27 =	vld [tilespmem:s0+$0x540]  }
0x94: {  	v28 =	vld [tilespmem:s0+$0x8540]  }
0x95: {  	v29 =	vld [tilespmem:s0+$0x550]  }
0x96: {  	v30 =	vld [tilespmem:s0+$0x8550]  }
0x97: {  	v31 =	vld [tilespmem:s0+$0x560]  }
0x98: {  	v32 =	vld [tilespmem:s0+$0x8560]  }
0x99: {  	v33 =	vld [tilespmem:s0+$0x570]  }
0x9a: {  	v34 =	vld [tilespmem:s0+$0x8570]  }
0x9b: {  	v35 =	vld [tilespmem:s0+$0x900]  }
0x9c: {  	v36 =	vld [tilespmem:s0+$0x8900]  }
0x9d: {  	v37 =	vld [tilespmem:s0+$0x910]  }
0x9e: {  	v38 =	vld [tilespmem:s0+$0x8910]  }
0x9f: {  	v39 =	vld [tilespmem:s0+$0x920]  }
0xa0: {  	v40 =	vld [tilespmem:s0+$0x8920]  }
0xa1: {  	v41 =	vld [tilespmem:s0+$0x930]  }
0xa2: {  	v42 =	vld [tilespmem:s0+$0x8930]  }
0xa3: {  	v43 =	vld [tilespmem:s0+$0x940]  }
0xa4: {  	v44 =	vld [tilespmem:s0+$0x8940]  }
0xa5: {  	v45 =	vld [tilespmem:s0+$0x950]  }
0xa6: {  	v46 =	vld [tilespmem:s0+$0x8950]  }
0xa7: {  	v47 =	vld [tilespmem:s0+$0x960]  }
0xa8: {  	v48 =	vld [tilespmem:s0+$0x8960]  }
0xa9: {  	v49 =	vld [tilespmem:s0+$0x970]  }
0xaa: {  	v50 =	vld [tilespmem:s0+$0x8970]  }
0xab: {  	v51 =	vld [tilespmem:s0+$0xD00]  }
0xac: {  	v52 =	vld [tilespmem:s0+$0x8D00]  }
0xad: {  	v53 =	vld [tilespmem:s0+$0xD10]  }
0xae: {  	v54 =	vld [tilespmem:s0+$0x8D10]  }
0xaf: {  	v55 =	vld [tilespmem:s0+$0xD20]  }
0xb0: {  	v56 =	vld [tilespmem:s0+$0x8D20]  }
0xb1: {  	v57 =	vld [tilespmem:s0+$0xD30]  }
0xb2: {  	v58 =	vld [tilespmem:s0+$0x8D30]  }
0xb3: {  	v59 =	vld [tilespmem:s0+$0xD40]  }
0xb4: {  	v60 =	vld [tilespmem:s0+$0x8D40]  }
0xb5: {  	v61 =	vld [tilespmem:s0+$0xD50]  }
0xb6: {  	v62 =	vld [tilespmem:s0+$0x8D50]  }
0xb7: {  	v63 =	vld [tilespmem:s0+$0xD60]  }
0xb8: {  	v3 =	vadd.f32 v4, v3;
	v4 =	vld [tilespmem:s0+$0x8D60]  }
0xb9: {  	v5 =	vadd.f32 v6, v5;
	v6 =	vld [tilespmem:s0+$0xD70]  }
0xba: {  	v14 =	vadd.f32 v14, v13;
	v13 =	vld [tilespmem:s0+$0x9120];
	[tilespmem:s0+$0x100] =	vst v3;
	v3 =	vadd.f32 v8, v7  }
0xbb: {  	v18 =	vadd.f32 v18, v17;
	v17 =	vld [tilespmem:s0+$0x9140];
	[tilespmem:s0+$0x110] =	vst v5  }
0xbc: {  	v22 =	vadd.f32 v22, v21;
	v21 =	vld [tilespmem:s0+$0x9160];
	[tilespmem:s0+$0x120] =	vst v3;
	v3 =	vadd.f32 v12, v11  }
0xbd: {  	v7 =	vld [tilespmem:s0+$0x8D70];
	[tilespmem:s0+$0x150] =	vst v14  }
0xbe: {  	v8 =	vld [tilespmem:s0+$0x1100];
	[tilespmem:s0+$0x140] =	vst v3;
	v3 =	vadd.f32 v16, v15  }
0xbf: {  	v5 =	vadd.f32 v10, v9;
	v9 =	vld [tilespmem:s0+$0x9100];
	[tilespmem:s0+$0x170] =	vst v18  }
0xc0: {  	v10 =	vld [tilespmem:s0+$0x1110];
	[tilespmem:s0+$0x160] =	vst v3;
	v3 =	vadd.f32 v20, v19  }
0xc1: {  	v26 =	vadd.f32 v26, v25;
	v14 =	vld [tilespmem:s0+$0x1130];
	[tilespmem:s0+$0x510] =	vst v22  }
0xc2: {  	v18 =	vld [tilespmem:s0+$0x1150];
	[tilespmem:s0+$0x500] =	vst v3;
	v3 =	vadd.f32 v24, v23  }
0xc3: {  	v30 =	vadd.f32 v30, v29;
	[tilespmem:s0+$0x530] =	vst v26;
	v22 =	vld [tilespmem:s0+$0x1170]  }
0xc4: {  	v19 =	vld [tilespmem:s0+$0x9150];
	[tilespmem:s0+$0x520] =	vst v3;
	v3 =	vadd.f32 v28, v27  }
0xc5: {  	v34 =	vadd.f32 v34, v33;
	[tilespmem:s0+$0x550] =	vst v30;
	v11 =	vld [tilespmem:s0+$0x9110]  }
0xc6: {  	v12 =	vld [tilespmem:s0+$0x1120];
	[tilespmem:s0+$0x540] =	vst v3;
	v3 =	vadd.f32 v32, v31  }
0xc7: {  	[tilespmem:s0+$0x570] =	vst v34;
	v15 =	vld [tilespmem:s0+$0x9130]  }
0xc8: {  	v16 =	vld [tilespmem:s0+$0x1140];
	[tilespmem:s0+$0x560] =	vst v3;
	v3 =	vadd.f32 v36, v35  }
0xc9: {  	[tilespmem:s0+$0x130] =	vst v5;
	v20 =	vld [tilespmem:s0+$0x1160];
	v19 =	vadd.f32 v19, v18  }
0xca: {  	v24 =	vld [tilespmem:s0+$0x1500];
	[tilespmem:s0+$0x900] =	vst v3;
	v3 =	vadd.f32 v40, v39  }
0xcb: {  	[tilespmem:s0+$0x1150] =	vst v19;
	v36 =	vadd.f32 v38, v37;
	v37 =	vld [tilespmem:s0+$0x9170]  }
0xcc: {  	v38 =	vadd.f32 v42, v41;
	v41 =	vld [tilespmem:s0+$0x1510];
	[tilespmem:s0+$0x920] =	vst v3;
	v3 =	vadd.f32 v44, v43  }
0xcd: {  	v42 =	vld [tilespmem:s0+$0x9510];
	[tilespmem:s0+$0x910] =	vst v36  }
0xce: {  	v35 =	vld [tilespmem:s0+$0x1910];
	[tilespmem:s0+$0x940] =	vst v3;
	v3 =	vadd.f32 v48, v47  }
0xcf: {  	v39 =	vld [tilespmem:s0+$0x9500];
	[tilespmem:s0+$0x930] =	vst v38;
	v40 =	vadd.f32 v46, v45  }
0xd0: {  	v45 =	vld [tilespmem:s0+$0x9520];
	[tilespmem:s0+$0x960] =	vst v3;
	v3 =	vadd.f32 v52, v51  }
0xd1: {  	v46 =	vadd.f32 v54, v53;
	v53 =	vld [tilespmem:s0+$0x1550];
	[tilespmem:s0+$0x950] =	vst v40  }
0xd2: {  	v54 =	vld [tilespmem:s0+$0x9550];
	[tilespmem:s0+$0xD00] =	vst v3;
	v3 =	vadd.f32 v56, v55  }
0xd3: {  	v36 =	vld [tilespmem:s0+$0x9910];
	v43 =	vadd.f32 v50, v49;
	[tilespmem:s0+$0xD10] =	vst v46  }
0xd4: {  	v38 =	vld [tilespmem:s0+$0x1920];
	[tilespmem:s0+$0xD20] =	vst v3;
	v3 =	vadd.f32 v60, v59  }
0xd5: {  	v44 =	vld [tilespmem:s0+$0x1520];
	v49 =	vadd.f32 v58, v57;
	[tilespmem:s0+$0x970] =	vst v43  }
0xd6: {  	v50 =	vld [tilespmem:s0+$0x1540];
	[tilespmem:s0+$0xD40] =	vst v3;
	v3 =	vadd.f32 v4, v63  }
0xd7: {  	v57 =	vld [tilespmem:s0+$0x9560];
	v58 =	vadd.f32 v11, v10;
	[tilespmem:s0+$0xD30] =	vst v49  }
0xd8: {  	v46 =	vld [tilespmem:s0+$0x9950];
	[tilespmem:s0+$0xD60] =	vst v3;
	v3 =	vadd.f32 v9, v8  }
0xd9: {  	v37 =	vadd.f32 v37, v22;
	v40 =	vadd.f32 v42, v41;
	v41 =	vld [tilespmem:s0+$0x1930];
	[tilespmem:s0+$0x1110] =	vst v58  }
0xda: {  	v42 =	vld [tilespmem:s0+$0x9930];
	[tilespmem:s0+$0x1100] =	vst v3;
	v3 =	vadd.f32 v13, v12  }
0xdb: {  	v47 =	vld [tilespmem:s0+$0x1530];
	[tilespmem:s0+$0x1170] =	vst v37  }
0xdc: {  	v48 =	vld [tilespmem:s0+$0x9530];
	[tilespmem:s0+$0x1120] =	vst v3;
	v3 =	vadd.f32 v17, v16  }
0xdd: {  	v49 =	vld [tilespmem:s0+$0x9960];
	[tilespmem:s0+$0x1510] =	vst v40;
	v52 =	vadd.f32 v62, v61  }
0xde: {  	v51 =	vld [tilespmem:s0+$0x9540];
	[tilespmem:s0+$0x1140] =	vst v3;
	v3 =	vadd.f32 v21, v20  }
0xdf: {  	v61 =	vadd.f32 v15, v14;
	v62 =	vld [tilespmem:s0+$0x1900];
	[tilespmem:s0+$0xD50] =	vst v52  }
0xe0: {  	v56 =	vld [tilespmem:s0+$0x1560];
	[tilespmem:s0+$0x1160] =	vst v3;
	v3 =	vadd.f32 v39, v24  }
0xe1: {  	v55 =	vadd.f32 v7, v6;
	[tilespmem:s0+$0x1130] =	vst v61;
	v52 =	vld [tilespmem:s0+$0x9970]  }
0xe2: {  	v43 =	vadd.f32 v48, v47;
	v47 =	vld [tilespmem:s0+$0x1960];
	[tilespmem:s0+$0x1500] =	vst v3;
	v3 =	vadd.f32 v45, v44  }
0xe3: {  	[tilespmem:s0+$0xD70] =	vst v55;
	v63 =	vld [tilespmem:s0+$0x9900]  }
0xe4: {  	v59 =	vld [tilespmem:s0+$0x1570];
	[tilespmem:s0+$0x1520] =	vst v3;
	v3 =	vadd.f32 v51, v50  }
0xe5: {  	[tilespmem:s0+$0x1530] =	vst v43;
	v4 =	vadd.f32 v54, v53;
	v39 =	vld [tilespmem:s0+$0x9920]  }
0xe6: {  	v60 =	vld [tilespmem:s0+$0x9570];
	[tilespmem:s0+$0x1540] =	vst v3;
	v3 =	vadd.f32 v57, v56  }
0xe7: {  	v54 =	vadd.f32 v42, v41;
	[tilespmem:s0+$0x1550] =	vst v4;
	v45 =	vld [tilespmem:s0+$0x1950]  }
0xe8: {  	v53 =	vld [tilespmem:s0+$0x9940];
	[tilespmem:s0+$0x1560] =	vst v3;
	v3 =	vadd.f32 v63, v62  }
0xe9: {  	[tilespmem:s0+$0x1930] =	vst v54;
	v55 =	vadd.f32 v49, v47;
	v50 =	vld [tilespmem:s0+$0x1970]  }
0xea: {  	v44 =	vld [tilespmem:s0+$0x1940];
	[tilespmem:s0+$0x1900] =	vst v3;
	v3 =	vadd.f32 v39, v38  }
0xeb: {  	v48 =	vadd.f32 v60, v59;
	[tilespmem:s0+$0x1960] =	vst v55  }
0xec: {  	[tilespmem:s0+$0x1920] =	vst v3;
	v3 =	vadd.f32 v46, v45  }
0xed: {  	s15 =	sand.u32 $0x7, s29;
	[tilespmem:s0+$0x1570] =	vst v48;
	v51 =	vadd.f32 v36, v35  }
0xee: {  	s1 =	sshll.u32 s15, $0x7;
	[tilespmem:s0+$0x1950] =	vst v3;
	v3 =	vadd.f32 v52, v50  }
0xef: {  	s1 =	sadd.s32 s1, s30;
	[tilespmem:s0+$0x1910] =	vst v51;
	v56 =	vadd.f32 v53, v44  }
0xf0: {  	s15 =	sor.u32 $0x1C00, s1;
	[tilespmem:s0+$0x1970] =	vst v3  }
0xf1: {  	[tilespmem:s0+$0x1940] =	vst v56;
	v3 =	vld [tilespmem:s15+$0x100]  }
0xf2: {  	v4 =	vld [tilespmem:s15+$0x8100];
	_ =	sdelay $0x4  }
0xf3: {  	v3 =	vadd.f32 v4, v3;
	_ =	sdelay $0x1  }
0xf4: {  	[tilespmem:s15+$0x100] =	vst v3;
	s15 =	sor.u32 $0x1C10, s1  }
0xf5: {  	v3 =	vld [tilespmem:s15+$0x100]  }
0xf6: {  	v57 =	vld [tilespmem:s15+$0x8100];
	_ =	sdelay $0x4  }
0xf7: {  	v3 =	vadd.f32 v57, v3;
	_ =	sdelay $0x1  }
0xf8: {  	[tilespmem:s15+$0x100] =	vst v3;
	s15 =	sor.u32 $0x1C20, s1  }
0xf9: {  	v3 =	vld [tilespmem:s15+$0x100]  }
0xfa: {  	v58 =	vld [tilespmem:s15+$0x8100];
	_ =	sdelay $0x4  }
0xfb: {  	v3 =	vadd.f32 v58, v3;
	_ =	sdelay $0x1  }
0xfc: {  	[tilespmem:s15+$0x100] =	vst v3;
	s15 =	sor.u32 $0x1C30, s1  }
0xfd: {  	v3 =	vld [tilespmem:s15+$0x100]  }
0xfe: {  	v59 =	vld [tilespmem:s15+$0x8100];
	_ =	sdelay $0x4  }
0xff: {  	v3 =	vadd.f32 v59, v3;
	_ =	sdelay $0x1  }
0x100: {  	[tilespmem:s15+$0x100] =	vst v3;
	s15 =	sor.u32 $0x1C40, s1  }
0x101: {  	v3 =	vld [tilespmem:s15+$0x100]  }
0x102: {  	v60 =	vld [tilespmem:s15+$0x8100];
	_ =	sdelay $0x4  }
0x103: {  	v3 =	vadd.f32 v60, v3;
	_ =	sdelay $0x1  }
0x104: {  	[tilespmem:s15+$0x100] =	vst v3;
	s15 =	sor.u32 $0x1C50, s1  }
0x105: {  	v3 =	vld [tilespmem:s15+$0x100]  }
0x106: {  	v61 =	vld [tilespmem:s15+$0x8100];
	_ =	sdelay $0x4  }
0x107: {  	v3 =	vadd.f32 v61, v3;
	_ =	sdelay $0x1  }
0x108: {  	[tilespmem:s15+$0x100] =	vst v3;
	s15 =	sor.u32 $0x1C60, s1  }
0x109: {  	v3 =	vld [tilespmem:s15+$0x100]  }
0x10a: {  	v62 =	vld [tilespmem:s15+$0x8100];
	_ =	sdelay $0x4  }
0x10b: {  	v3 =	vadd.f32 v62, v3;
	_ =	sdelay $0x1  }
0x10c: {  	[tilespmem:s15+$0x100] =	vst v3;
	s15 =	sor.u32 $0x1C70, s1  }
0x10d: {  	v3 =	vld [tilespmem:s15+$0x100]  }
0x10e: {  	v63 =	vld [tilespmem:s15+$0x8100];
	_ =	sdelay $0x1  }
0x10f: {  	p0 =	sne.s32 s31, $0xF80  }
.Ltmp0:
0x110: {  	_ = 	snop;
	(pc) =	sbr.rel @p0 .LBB2_2-.Ltmp0, $4  }
0x111: {  	_ = 	snop  }
0x112: {  	v3 =	vadd.f32 v63, v3  }
0x113: {  	s29 =	sadd.s32 $0x1, s29  }
0x114: {  	s28 =	sadd.s32 $0x400, s28;
	s31 =	sadd.s32 $0x80, s31;
	s30 =	sadd.s32 $0x400, s30;
	[tilespmem:s15+$0x100] =	vst v3  }
0x115: {  	s28 =	simm.s32 $0x0  }
0x116: {  	[hbm4b:s9+s28] =	stream.linear.scatter [tilespmem:s16], [sflag:$0x2], $0x8000, $0x38;
	[tilespmem:$0x10100] =	vst v63  }
0x117: {  	_ =	swait.ge [sflag:s14], $0x8000  }
0x118: {  	[sflag:s14] =	ssyncset.done $0x0  }
0x119: {  	s0 =	rddreg [dreg:$0x5];
	[sflag:s14] =	ssyncadd.s32 $0xFFFF8000  }
0x11a: {  	[tilespmem:s28], [sflag:$0x2] =	stream.linear.gather [hbm4b:s0+s28], $0x80, $0x38;
	[tilespmem:$0x10100] =	vst v63  }
0x11b: {  	_ =	swait.ge [sflag:s14], $0x80  }
0x11c: {  	[sflag:s14] =	ssyncset.done $0x0  }
0x11d: {  	s1 =	simm.s32 $0x80;
	s15 =	rddreg [dreg:$0x6];
	[sflag:s14] =	ssyncadd.s32 $0xFFFFFF80  }
0x11e: {  	[tilespmem:s1], [sflag:$0x2] =	stream.linear.gather [hbm4b:s15+s28], $0x80, $0x38;
	[tilespmem:$0x10100] =	vst v63  }
0x11f: {  	_ =	swait.ge [sflag:s14], $0x80  }
0x120: {  	[sflag:s14] =	ssyncset.done $0x0  }
0x121: {  	[sflag:s14] =	ssyncadd.s32 $0xFFFFFF80  }
0x122: {  	v3 =	vld [tilespmem:$0x0];
	_ =	sdelay $0x4  }
0x123: {  	v4 =	vshll.u32 v3, $0x3  }
0x124: {  	v3 =	vand.u32 $0x7, v3;
	v4 =	vand.u32 $0xFFFFFFC0, v4  }
0x125: {  	v3 =	vor.u32 v3, v4  }
0x126: {  	v4 =	vperm.xlane v3, v0;
	_ =	sdelay $0x1  }
0x127: {  	v4 =	vadd.s32 v1, v4;
	_ =	sdelay $0x4  }
0x128: {  	[tilespmem:s16], [sflag:$0x1] =	stream.indirect_vreg.gather [hbm4b:s3+s28], $0x80, v4, vm0, $0xb8;
	[tilespmem:$0x10100] =	vst v63  }
0x129: {  	s15 =	simm.s32 $0x900;
	v3 =	vperm.xlane v3, v2  }
0x12a: {  	[tilespmem:s15], [sflag:$0x1] =	stream.indirect_vreg.gather [hbm4b:s6+s28], $0x80, v4, vm0, $0xb8;
	[tilespmem:$0x10100] =	vst v63  }
0x12b: {  	s1 =	simm.s32 $0x1100;
	v3 =	vadd.s32 v1, v3  }
0x12c: {  	[tilespmem:s1], [sflag:$0x1] =	stream.indirect_vreg.gather [hbm4b:s7+s28], $0x80, v4, vm0, $0xb8;
	[tilespmem:$0x10100] =	vst v63  }
0x12d: {  	s15 =	simm.s32 $0x1900  }
0x12e: {  	[tilespmem:s15], [sflag:$0x1] =	stream.indirect_vreg.gather [hbm4b:s8+s28], $0x80, v4, vm0, $0xb8;
	[tilespmem:$0x10100] =	vst v63  }
0x12f: {  	s1 =	simm.s32 $0x2100  }
0x130: {  	[tilespmem:s1], [sflag:$0x1] =	stream.indirect_vreg.gather [hbm4b:s3+s28], $0x80, v3, vm0, $0xb8;
	[tilespmem:$0x10100] =	vst v63  }
0x131: {  	s15 =	simm.s32 $0x2900  }
0x132: {  	[tilespmem:s15], [sflag:$0x1] =	stream.indirect_vreg.gather [hbm4b:s6+s28], $0x80, v3, vm0, $0xb8;
	[tilespmem:$0x10100] =	vst v63  }
0x133: {  	s1 =	simm.s32 $0x3100  }
0x134: {  	[tilespmem:s1], [sflag:$0x1] =	stream.indirect_vreg.gather [hbm4b:s7+s28], $0x80, v3, vm0, $0xb8;
	[tilespmem:$0x10100] =	vst v63  }
0x135: {  	s15 =	simm.s32 $0x3900  }
0x136: {  	[tilespmem:s15], [sflag:$0x1] =	stream.indirect_vreg.gather [hbm4b:s8+s28], $0x80, v3, vm0, $0xb8;
	[tilespmem:$0x10100] =	vst v63  }
0x137: {  	v3 =	vld [tilespmem:$0x10];
	_ =	sdelay $0x4  }
0x138: {  	v61 =	vshll.u32 v3, $0x3  }
0x139: {  	v3 =	vand.u32 $0x7, v3;
	v4 =	vand.u32 $0xFFFFFFC0, v61  }
0x13a: {  	v3 =	vor.u32 v3, v4  }
0x13b: {  	v4 =	vperm.xlane v3, v0;
	_ =	sdelay $0x1  }
0x13c: {  	v4 =	vadd.s32 v1, v4;
	_ =	sdelay $0x3  }
0x13d: {  	s1 =	simm.s32 $0x4100  }
0x13e: {  	[tilespmem:s1], [sflag:$0x1] =	stream.indirect_vreg.gather [hbm4b:s3+s28], $0x80, v4, vm0, $0xb8;
	[tilespmem:$0x10100] =	vst v63  }
0x13f: {  	s15 =	simm.s32 $0x4900;
	v3 =	vperm.xlane v3, v2  }
0x140: {  	[tilespmem:s15], [sflag:$0x1] =	stream.indirect_vreg.gather [hbm4b:s6+s28], $0x80, v4, vm0, $0xb8;
	[tilespmem:$0x10100] =	vst v63  }
0x141: {  	v3 =	vadd.s32 v1, v3;
	s1 =	simm.s32 $0x5100  }
0x142: {  	[tilespmem:s1], [sflag:$0x1] =	stream.indirect_vreg.gather [hbm4b:s7+s28], $0x80, v4, vm0, $0xb8;
	[tilespmem:$0x10100] =	vst v63  }
0x143: {  	s15 =	simm.s32 $0x5900  }
0x144: {  	[tilespmem:s15], [sflag:$0x1] =	stream.indirect_vreg.gather [hbm4b:s8+s28], $0x80, v4, vm0, $0xb8;
	[tilespmem:$0x10100] =	vst v63  }
0x145: {  	s1 =	simm.s32 $0x6100  }
0x146: {  	[tilespmem:s1], [sflag:$0x1] =	stream.indirect_vreg.gather [hbm4b:s3+s28], $0x80, v3, vm0, $0xb8;
	[tilespmem:$0x10100] =	vst v63  }
0x147: {  	s15 =	simm.s32 $0x6900  }
0x148: {  	[tilespmem:s15], [sflag:$0x1] =	stream.indirect_vreg.gather [hbm4b:s6+s28], $0x80, v3, vm0, $0xb8;
	[tilespmem:$0x10100] =	vst v63  }
0x149: {  	s1 =	simm.s32 $0x7100  }
0x14a: {  	[tilespmem:s1], [sflag:$0x1] =	stream.indirect_vreg.gather [hbm4b:s7+s28], $0x80, v3, vm0, $0xb8;
	[tilespmem:$0x10100] =	vst v63  }
0x14b: {  	s15 =	simm.s32 $0x7900  }
0x14c: {  	[tilespmem:s15], [sflag:$0x1] =	stream.indirect_vreg.gather [hbm4b:s8+s28], $0x80, v3, vm0, $0xb8;
	[tilespmem:$0x10100] =	vst v63  }
0x14d: {  	v3 =	vld [tilespmem:$0x80];
	_ =	sdelay $0x4  }
0x14e: {  	v62 =	vshll.u32 v3, $0x3  }
0x14f: {  	v3 =	vand.u32 $0x7, v3;
	v4 =	vand.u32 $0xFFFFFFC0, v62  }
0x150: {  	v3 =	vor.u32 v3, v4  }
0x151: {  	v4 =	vperm.xlane v3, v0;
	_ =	sdelay $0x1  }
0x152: {  	v4 =	vadd.s32 v1, v4;
	_ =	sdelay $0x3  }
0x153: {  	s1 =	simm.s32 $0x8100  }
0x154: {  	[tilespmem:s1], [sflag:$0x1] =	stream.indirect_vreg.gather [hbm4b:s3+s28], $0x80, v4, vm0, $0xb8;
	[tilespmem:$0x10100] =	vst v63  }
0x155: {  	s15 =	simm.s32 $0x8900;
	v3 =	vperm.xlane v3, v2  }
0x156: {  	[tilespmem:s15], [sflag:$0x1] =	stream.indirect_vreg.gather [hbm4b:s6+s28], $0x80, v4, vm0, $0xb8;
	[tilespmem:$0x10100] =	vst v63  }
0x157: {  	v3 =	vadd.s32 v1, v3  }
0x158: {  	[tilespmem:s4], [sflag:$0x1] =	stream.indirect_vreg.gather [hbm4b:s7+s28], $0x80, v4, vm0, $0xb8;
	[tilespmem:$0x10100] =	vst v63  }
0x159: {  	_ = 	snop  }
0x15a: {  	[tilespmem:s5], [sflag:$0x1] =	stream.indirect_vreg.gather [hbm4b:s8+s28], $0x80, v4, vm0, $0xb8;
	[tilespmem:$0x10100] =	vst v63  }
0x15b: {  	_ = 	snop  }
0x15c: {  	[tilespmem:s17], [sflag:$0x1] =	stream.indirect_vreg.gather [hbm4b:s3+s28], $0x80, v3, vm0, $0xb8;
	[tilespmem:$0x10100] =	vst v63  }
0x15d: {  	_ = 	snop  }
0x15e: {  	[tilespmem:s18], [sflag:$0x1] =	stream.indirect_vreg.gather [hbm4b:s6+s28], $0x80, v3, vm0, $0xb8;
	[tilespmem:$0x10100] =	vst v63  }
0x15f: {  	_ = 	snop  }
0x160: {  	[tilespmem:s19], [sflag:$0x1] =	stream.indirect_vreg.gather [hbm4b:s7+s28], $0x80, v3, vm0, $0xb8;
	[tilespmem:$0x10100] =	vst v63  }
0x161: {  	_ = 	snop  }
0x162: {  	[tilespmem:s20], [sflag:$0x1] =	stream.indirect_vreg.gather [hbm4b:s8+s28], $0x80, v3, vm0, $0xb8;
	[tilespmem:$0x10100] =	vst v63  }
0x163: {  	v3 =	vld [tilespmem:$0x90];
	_ =	sdelay $0x4  }
0x164: {  	v63 =	vshll.u32 v3, $0x3  }
0x165: {  	v3 =	vand.u32 $0x7, v3;
	v4 =	vand.u32 $0xFFFFFFC0, v63  }
0x166: {  	v3 =	vor.u32 v3, v4  }
0x167: {  	v4 =	vperm.xlane v3, v0;
	_ =	sdelay $0x1  }
0x168: {  	v4 =	vadd.s32 v1, v4;
	_ =	sdelay $0x4  }
0x169: {  	[tilespmem:s21], [sflag:$0x1] =	stream.indirect_vreg.gather [hbm4b:s3+s28], $0x80, v4, vm0, $0xb8;
	[tilespmem:$0x10100] =	vst v63  }
0x16a: {  	v3 =	vperm.xlane v3, v2  }
0x16b: {  	[tilespmem:s22], [sflag:$0x1] =	stream.indirect_vreg.gather [hbm4b:s6+s28], $0x80, v4, vm0, $0xb8;
	[tilespmem:$0x10100] =	vst v63  }
0x16c: {  	v3 =	vadd.s32 v1, v3  }
0x16d: {  	[tilespmem:s10], [sflag:$0x1] =	stream.indirect_vreg.gather [hbm4b:s7+s28], $0x80, v4, vm0, $0xb8;
	[tilespmem:$0x10100] =	vst v63  }
0x16e: {  	_ = 	snop  }
0x16f: {  	[tilespmem:s23], [sflag:$0x1] =	stream.indirect_vreg.gather [hbm4b:s8+s28], $0x80, v4, vm0, $0xb8;
	[tilespmem:$0x10100] =	vst v63  }
0x170: {  	_ = 	snop  }
0x171: {  	[tilespmem:s11], [sflag:$0x1] =	stream.indirect_vreg.gather [hbm4b:s3+s28], $0x80, v3, vm0, $0xb8;
	[tilespmem:$0x10100] =	vst v63  }
0x172: {  	_ = 	snop  }
0x173: {  	[tilespmem:s24], [sflag:$0x1] =	stream.indirect_vreg.gather [hbm4b:s6+s28], $0x80, v3, vm0, $0xb8;
	[tilespmem:$0x10100] =	vst v63  }
0x174: {  	_ = 	snop  }
0x175: {  	[tilespmem:s12], [sflag:$0x1] =	stream.indirect_vreg.gather [hbm4b:s7+s28], $0x80, v3, vm0, $0xb8;
	[tilespmem:$0x10100] =	vst v63  }
0x176: {  	_ = 	snop  }
0x177: {  	[tilespmem:s25], [sflag:$0x1] =	stream.indirect_vreg.gather [hbm4b:s8+s28], $0x80, v3, vm0, $0xb8;
	[tilespmem:$0x10100] =	vst v63  }
0x178: {  	_ =	swait.ge [sflag:s13], $0x8000  }
0x179: {  	[sflag:s13] =	ssyncset.done $0x0  }
0x17a: {  	[sflag:s13] =	ssyncadd.s32 $0xFFFF8000  }
0x17b: {  	_ =	swait.ge [sflag:s13], $0x8000  }
0x17c: {  	s29 =	simm.s32 $0xFFFF8000;
	[sflag:s13] =	ssyncset.done $0x0  }
0x17d: {  	s30 =	simm.s32 $0x0;
	s31 =	simm.s32 $0x0;
	[sflag:s13] =	ssyncadd.s32 $0xFFFF8000  }
.LBB2_4:
0x17e: {  	s0 =	sadd.s32 $0x8000, s29  }
0x17f: {  	s1 =	sand.u32 $0x380, s31;
	s0 =	sand.u32 $0x6000, s0  }
0x180: {  	s0 =	sor.u32 s1, s0  }
0x181: {  	v3 =	vld [tilespmem:s0+$0x100]  }
0x182: {  	v4 =	vld [tilespmem:s0+$0x8100]  }
0x183: {  	v5 =	vld [tilespmem:s0+$0x110]  }
0x184: {  	v6 =	vld [tilespmem:s0+$0x8110]  }
0x185: {  	v7 =	vld [tilespmem:s0+$0x120]  }
0x186: {  	v8 =	vld [tilespmem:s0+$0x8120]  }
0x187: {  	v9 =	vld [tilespmem:s0+$0x130]  }
0x188: {  	v10 =	vld [tilespmem:s0+$0x8130]  }
0x189: {  	v11 =	vld [tilespmem:s0+$0x140]  }
0x18a: {  	v12 =	vld [tilespmem:s0+$0x8140]  }
0x18b: {  	v13 =	vld [tilespmem:s0+$0x150]  }
0x18c: {  	v14 =	vld [tilespmem:s0+$0x8150]  }
0x18d: {  	v15 =	vld [tilespmem:s0+$0x160]  }
0x18e: {  	v16 =	vld [tilespmem:s0+$0x8160]  }
0x18f: {  	v17 =	vld [tilespmem:s0+$0x170]  }
0x190: {  	v18 =	vld [tilespmem:s0+$0x8170]  }
0x191: {  	v19 =	vld [tilespmem:s0+$0x500]  }
0x192: {  	v20 =	vld [tilespmem:s0+$0x8500]  }
0x193: {  	v21 =	vld [tilespmem:s0+$0x510]  }
0x194: {  	v22 =	vld [tilespmem:s0+$0x8510]  }
0x195: {  	v23 =	vld [tilespmem:s0+$0x520]  }
0x196: {  	v24 =	vld [tilespmem:s0+$0x8520]  }
0x197: {  	v25 =	vld [tilespmem:s0+$0x530]  }
0x198: {  	v26 =	vld [tilespmem:s0+$0x8530]  }
0x199: {  	v27 =	vld [tilespmem:s0+$0x540]  }
0x19a: {  	v28 =	vld [tilespmem:s0+$0x8540]  }
0x19b: {  	v29 =	vld [tilespmem:s0+$0x550]  }
0x19c: {  	v30 =	vld [tilespmem:s0+$0x8550]  }
0x19d: {  	v31 =	vld [tilespmem:s0+$0x560]  }
0x19e: {  	v32 =	vld [tilespmem:s0+$0x8560]  }
0x19f: {  	v33 =	vld [tilespmem:s0+$0x570]  }
0x1a0: {  	v34 =	vld [tilespmem:s0+$0x8570]  }
0x1a1: {  	v35 =	vld [tilespmem:s0+$0x900]  }
0x1a2: {  	v36 =	vld [tilespmem:s0+$0x8900]  }
0x1a3: {  	v37 =	vld [tilespmem:s0+$0x910]  }
0x1a4: {  	v38 =	vld [tilespmem:s0+$0x8910]  }
0x1a5: {  	v39 =	vld [tilespmem:s0+$0x920]  }
0x1a6: {  	v40 =	vld [tilespmem:s0+$0x8920]  }
0x1a7: {  	v41 =	vld [tilespmem:s0+$0x930]  }
0x1a8: {  	v42 =	vld [tilespmem:s0+$0x8930]  }
0x1a9: {  	v43 =	vld [tilespmem:s0+$0x940]  }
0x1aa: {  	v44 =	vld [tilespmem:s0+$0x8940]  }
0x1ab: {  	v45 =	vld [tilespmem:s0+$0x950]  }
0x1ac: {  	v46 =	vld [tilespmem:s0+$0x8950]  }
0x1ad: {  	v47 =	vld [tilespmem:s0+$0x960]  }
0x1ae: {  	v48 =	vld [tilespmem:s0+$0x8960]  }
0x1af: {  	v49 =	vld [tilespmem:s0+$0x970]  }
0x1b0: {  	v50 =	vld [tilespmem:s0+$0x8970]  }
0x1b1: {  	v51 =	vld [tilespmem:s0+$0xD00]  }
0x1b2: {  	v52 =	vld [tilespmem:s0+$0x8D00]  }
0x1b3: {  	v53 =	vld [tilespmem:s0+$0xD10]  }
0x1b4: {  	v54 =	vld [tilespmem:s0+$0x8D10]  }
0x1b5: {  	v55 =	vld [tilespmem:s0+$0xD20]  }
0x1b6: {  	v56 =	vld [tilespmem:s0+$0x8D20]  }
0x1b7: {  	v57 =	vld [tilespmem:s0+$0xD30]  }
0x1b8: {  	v58 =	vld [tilespmem:s0+$0x8D30]  }
0x1b9: {  	v59 =	vld [tilespmem:s0+$0xD40]  }
0x1ba: {  	v60 =	vld [tilespmem:s0+$0x8D40]  }
0x1bb: {  	v61 =	vld [tilespmem:s0+$0xD50]  }
0x1bc: {  	v62 =	vld [tilespmem:s0+$0x8D50]  }
0x1bd: {  	v63 =	vld [tilespmem:s0+$0xD60]  }
0x1be: {  	v3 =	vadd.f32 v4, v3;
	v4 =	vld [tilespmem:s0+$0x8D60]  }
0x1bf: {  	v5 =	vadd.f32 v6, v5;
	v6 =	vld [tilespmem:s0+$0xD70]  }
0x1c0: {  	v14 =	vadd.f32 v14, v13;
	v13 =	vld [tilespmem:s0+$0x9120];
	[tilespmem:s0+$0x100] =	vst v3;
	v3 =	vadd.f32 v8, v7  }
0x1c1: {  	v18 =	vadd.f32 v18, v17;
	v17 =	vld [tilespmem:s0+$0x9140];
	[tilespmem:s0+$0x110] =	vst v5  }
0x1c2: {  	v22 =	vadd.f32 v22, v21;
	v21 =	vld [tilespmem:s0+$0x9160];
	[tilespmem:s0+$0x120] =	vst v3;
	v3 =	vadd.f32 v12, v11  }
0x1c3: {  	v7 =	vld [tilespmem:s0+$0x8D70];
	[tilespmem:s0+$0x150] =	vst v14  }
0x1c4: {  	v8 =	vld [tilespmem:s0+$0x1100];
	[tilespmem:s0+$0x140] =	vst v3;
	v3 =	vadd.f32 v16, v15  }
0x1c5: {  	v5 =	vadd.f32 v10, v9;
	v9 =	vld [tilespmem:s0+$0x9100];
	[tilespmem:s0+$0x170] =	vst v18  }
0x1c6: {  	v10 =	vld [tilespmem:s0+$0x1110];
	[tilespmem:s0+$0x160] =	vst v3;
	v3 =	vadd.f32 v20, v19  }
0x1c7: {  	v26 =	vadd.f32 v26, v25;
	v14 =	vld [tilespmem:s0+$0x1130];
	[tilespmem:s0+$0x510] =	vst v22  }
0x1c8: {  	v18 =	vld [tilespmem:s0+$0x1150];
	[tilespmem:s0+$0x500] =	vst v3;
	v3 =	vadd.f32 v24, v23  }
0x1c9: {  	v30 =	vadd.f32 v30, v29;
	[tilespmem:s0+$0x530] =	vst v26;
	v22 =	vld [tilespmem:s0+$0x1170]  }
0x1ca: {  	v19 =	vld [tilespmem:s0+$0x9150];
	[tilespmem:s0+$0x520] =	vst v3;
	v3 =	vadd.f32 v28, v27  }
0x1cb: {  	v34 =	vadd.f32 v34, v33;
	[tilespmem:s0+$0x550] =	vst v30;
	v11 =	vld [tilespmem:s0+$0x9110]  }
0x1cc: {  	v12 =	vld [tilespmem:s0+$0x1120];
	[tilespmem:s0+$0x540] =	vst v3;
	v3 =	vadd.f32 v32, v31  }
0x1cd: {  	[tilespmem:s0+$0x570] =	vst v34;
	v15 =	vld [tilespmem:s0+$0x9130]  }
0x1ce: {  	v16 =	vld [tilespmem:s0+$0x1140];
	[tilespmem:s0+$0x560] =	vst v3;
	v3 =	vadd.f32 v36, v35  }
0x1cf: {  	[tilespmem:s0+$0x130] =	vst v5;
	v20 =	vld [tilespmem:s0+$0x1160];
	v19 =	vadd.f32 v19, v18  }
0x1d0: {  	v24 =	vld [tilespmem:s0+$0x1500];
	[tilespmem:s0+$0x900] =	vst v3;
	v3 =	vadd.f32 v40, v39  }
0x1d1: {  	[tilespmem:s0+$0x1150] =	vst v19;
	v36 =	vadd.f32 v38, v37;
	v37 =	vld [tilespmem:s0+$0x9170]  }
0x1d2: {  	v38 =	vadd.f32 v42, v41;
	v41 =	vld [tilespmem:s0+$0x1510];
	[tilespmem:s0+$0x920] =	vst v3;
	v3 =	vadd.f32 v44, v43  }
0x1d3: {  	v42 =	vld [tilespmem:s0+$0x9510];
	[tilespmem:s0+$0x910] =	vst v36  }
0x1d4: {  	v35 =	vld [tilespmem:s0+$0x1910];
	[tilespmem:s0+$0x940] =	vst v3;
	v3 =	vadd.f32 v48, v47  }
0x1d5: {  	v39 =	vld [tilespmem:s0+$0x9500];
	[tilespmem:s0+$0x930] =	vst v38;
	v40 =	vadd.f32 v46, v45  }
0x1d6: {  	v45 =	vld [tilespmem:s0+$0x9520];
	[tilespmem:s0+$0x960] =	vst v3;
	v3 =	vadd.f32 v52, v51  }
0x1d7: {  	v46 =	vadd.f32 v54, v53;
	v53 =	vld [tilespmem:s0+$0x1550];
	[tilespmem:s0+$0x950] =	vst v40  }
0x1d8: {  	v54 =	vld [tilespmem:s0+$0x9550];
	[tilespmem:s0+$0xD00] =	vst v3;
	v3 =	vadd.f32 v56, v55  }
0x1d9: {  	v36 =	vld [tilespmem:s0+$0x9910];
	v43 =	vadd.f32 v50, v49;
	[tilespmem:s0+$0xD10] =	vst v46  }
0x1da: {  	v38 =	vld [tilespmem:s0+$0x1920];
	[tilespmem:s0+$0xD20] =	vst v3;
	v3 =	vadd.f32 v60, v59  }
0x1db: {  	v44 =	vld [tilespmem:s0+$0x1520];
	v49 =	vadd.f32 v58, v57;
	[tilespmem:s0+$0x970] =	vst v43  }
0x1dc: {  	v50 =	vld [tilespmem:s0+$0x1540];
	[tilespmem:s0+$0xD40] =	vst v3;
	v3 =	vadd.f32 v4, v63  }
0x1dd: {  	v57 =	vld [tilespmem:s0+$0x9560];
	v58 =	vadd.f32 v11, v10;
	[tilespmem:s0+$0xD30] =	vst v49  }
0x1de: {  	v46 =	vld [tilespmem:s0+$0x9950];
	[tilespmem:s0+$0xD60] =	vst v3;
	v3 =	vadd.f32 v9, v8  }
0x1df: {  	v37 =	vadd.f32 v37, v22;
	v40 =	vadd.f32 v42, v41;
	v41 =	vld [tilespmem:s0+$0x1930];
	[tilespmem:s0+$0x1110] =	vst v58  }
0x1e0: {  	v42 =	vld [tilespmem:s0+$0x9930];
	[tilespmem:s0+$0x1100] =	vst v3;
	v3 =	vadd.f32 v13, v12  }
0x1e1: {  	v47 =	vld [tilespmem:s0+$0x1530];
	[tilespmem:s0+$0x1170] =	vst v37  }
0x1e2: {  	v48 =	vld [tilespmem:s0+$0x9530];
	[tilespmem:s0+$0x1120] =	vst v3;
	v3 =	vadd.f32 v17, v16  }
0x1e3: {  	v49 =	vld [tilespmem:s0+$0x9960];
	[tilespmem:s0+$0x1510] =	vst v40;
	v52 =	vadd.f32 v62, v61  }
0x1e4: {  	v51 =	vld [tilespmem:s0+$0x9540];
	[tilespmem:s0+$0x1140] =	vst v3;
	v3 =	vadd.f32 v21, v20  }
0x1e5: {  	v61 =	vadd.f32 v15, v14;
	v62 =	vld [tilespmem:s0+$0x1900];
	[tilespmem:s0+$0xD50] =	vst v52  }
0x1e6: {  	v56 =	vld [tilespmem:s0+$0x1560];
	[tilespmem:s0+$0x1160] =	vst v3;
	v3 =	vadd.f32 v39, v24  }
0x1e7: {  	v55 =	vadd.f32 v7, v6;
	[tilespmem:s0+$0x1130] =	vst v61;
	v52 =	vld [tilespmem:s0+$0x9970]  }
0x1e8: {  	v43 =	vadd.f32 v48, v47;
	v47 =	vld [tilespmem:s0+$0x1960];
	[tilespmem:s0+$0x1500] =	vst v3;
	v3 =	vadd.f32 v45, v44  }
0x1e9: {  	[tilespmem:s0+$0xD70] =	vst v55;
	v63 =	vld [tilespmem:s0+$0x9900]  }
0x1ea: {  	v59 =	vld [tilespmem:s0+$0x1570];
	[tilespmem:s0+$0x1520] =	vst v3;
	v3 =	vadd.f32 v51, v50  }
0x1eb: {  	[tilespmem:s0+$0x1530] =	vst v43;
	v4 =	vadd.f32 v54, v53;
	v39 =	vld [tilespmem:s0+$0x9920]  }
0x1ec: {  	v60 =	vld [tilespmem:s0+$0x9570];
	[tilespmem:s0+$0x1540] =	vst v3;
	v3 =	vadd.f32 v57, v56  }
0x1ed: {  	v54 =	vadd.f32 v42, v41;
	[tilespmem:s0+$0x1550] =	vst v4;
	v45 =	vld [tilespmem:s0+$0x1950]  }
0x1ee: {  	v53 =	vld [tilespmem:s0+$0x9940];
	[tilespmem:s0+$0x1560] =	vst v3;
	v3 =	vadd.f32 v63, v62  }
0x1ef: {  	[tilespmem:s0+$0x1930] =	vst v54;
	v55 =	vadd.f32 v49, v47;
	v50 =	vld [tilespmem:s0+$0x1970]  }
0x1f0: {  	v44 =	vld [tilespmem:s0+$0x1940];
	[tilespmem:s0+$0x1900] =	vst v3;
	v3 =	vadd.f32 v39, v38  }
0x1f1: {  	v48 =	vadd.f32 v60, v59;
	[tilespmem:s0+$0x1960] =	vst v55  }
0x1f2: {  	[tilespmem:s0+$0x1920] =	vst v3;
	v3 =	vadd.f32 v46, v45  }
0x1f3: {  	s15 =	sand.u32 $0x7, s28;
	[tilespmem:s0+$0x1570] =	vst v48;
	v51 =	vadd.f32 v36, v35  }
0x1f4: {  	s1 =	sshll.u32 s15, $0x7;
	[tilespmem:s0+$0x1950] =	vst v3;
	v3 =	vadd.f32 v52, v50  }
0x1f5: {  	s1 =	sadd.s32 s1, s30;
	[tilespmem:s0+$0x1910] =	vst v51;
	v56 =	vadd.f32 v53, v44  }
0x1f6: {  	s15 =	sor.u32 $0x1C00, s1;
	[tilespmem:s0+$0x1970] =	vst v3  }
0x1f7: {  	[tilespmem:s0+$0x1940] =	vst v56;
	v3 =	vld [tilespmem:s15+$0x100]  }
0x1f8: {  	v4 =	vld [tilespmem:s15+$0x8100];
	_ =	sdelay $0x4  }
0x1f9: {  	v3 =	vadd.f32 v4, v3;
	_ =	sdelay $0x1  }
0x1fa: {  	[tilespmem:s15+$0x100] =	vst v3;
	s15 =	sor.u32 $0x1C10, s1  }
0x1fb: {  	v3 =	vld [tilespmem:s15+$0x100]  }
0x1fc: {  	v57 =	vld [tilespmem:s15+$0x8100];
	_ =	sdelay $0x4  }
0x1fd: {  	v3 =	vadd.f32 v57, v3;
	_ =	sdelay $0x1  }
0x1fe: {  	[tilespmem:s15+$0x100] =	vst v3;
	s15 =	sor.u32 $0x1C20, s1  }
0x1ff: {  	v3 =	vld [tilespmem:s15+$0x100]  }
0x200: {  	v58 =	vld [tilespmem:s15+$0x8100];
	_ =	sdelay $0x4  }
0x201: {  	v3 =	vadd.f32 v58, v3;
	_ =	sdelay $0x1  }
0x202: {  	[tilespmem:s15+$0x100] =	vst v3;
	s15 =	sor.u32 $0x1C30, s1  }
0x203: {  	v3 =	vld [tilespmem:s15+$0x100]  }
0x204: {  	v59 =	vld [tilespmem:s15+$0x8100];
	_ =	sdelay $0x4  }
0x205: {  	v3 =	vadd.f32 v59, v3;
	_ =	sdelay $0x1  }
0x206: {  	[tilespmem:s15+$0x100] =	vst v3;
	s15 =	sor.u32 $0x1C40, s1  }
0x207: {  	v3 =	vld [tilespmem:s15+$0x100]  }
0x208: {  	v60 =	vld [tilespmem:s15+$0x8100];
	_ =	sdelay $0x4  }
0x209: {  	v3 =	vadd.f32 v60, v3;
	_ =	sdelay $0x1  }
0x20a: {  	[tilespmem:s15+$0x100] =	vst v3;
	s15 =	sor.u32 $0x1C50, s1  }
0x20b: {  	v3 =	vld [tilespmem:s15+$0x100]  }
0x20c: {  	v61 =	vld [tilespmem:s15+$0x8100];
	_ =	sdelay $0x4  }
0x20d: {  	v3 =	vadd.f32 v61, v3;
	_ =	sdelay $0x1  }
0x20e: {  	[tilespmem:s15+$0x100] =	vst v3;
	s15 =	sor.u32 $0x1C60, s1  }
0x20f: {  	v3 =	vld [tilespmem:s15+$0x100]  }
0x210: {  	v62 =	vld [tilespmem:s15+$0x8100];
	_ =	sdelay $0x4  }
0x211: {  	v3 =	vadd.f32 v62, v3;
	_ =	sdelay $0x1  }
0x212: {  	[tilespmem:s15+$0x100] =	vst v3;
	s15 =	sor.u32 $0x1C70, s1  }
0x213: {  	v3 =	vld [tilespmem:s15+$0x100]  }
0x214: {  	v63 =	vld [tilespmem:s15+$0x8100];
	_ =	sdelay $0x1  }
0x215: {  	p0 =	sne.s32 s31, $0xF80  }
.Ltmp1:
0x216: {  	_ = 	snop;
	(pc) =	sbr.rel @p0 .LBB2_4-.Ltmp1, $4  }
0x217: {  	_ = 	snop  }
0x218: {  	v3 =	vadd.f32 v63, v3  }
0x219: {  	s28 =	sadd.s32 $0x1, s28  }
0x21a: {  	s29 =	sadd.s32 $0x400, s29;
	s31 =	sadd.s32 $0x80, s31;
	s30 =	sadd.s32 $0x400, s30;
	[tilespmem:s15+$0x100] =	vst v3  }
0x21b: {  	s0 =	rddreg [dreg:$0x7]  }
0x21c: {  	[hbm4b:s0+s2] =	stream.linear.scatter [tilespmem:s16], [sflag:$0x2], $0x8000, $0x38;
	[tilespmem:$0x10100] =	vst v63  }
0x21d: {  	_ =	swait.ge [sflag:s14], $0x8000  }
0x21e: {  	s26 =	sadd.s32 $0x1, s26;
	s31 =	rddreg [dreg:$0x8]  }
0x21f: {  	p0 =	sne.s32 s26, s31  }
.Ltmp2:
0x220: {  	_ = 	snop;
	(pc) =	sbr.rel @p0 .LBB2_1-.Ltmp2, $3  }
0x221: {  	_ =	sdelay $0x1  }
0x222: {  	[sflag:s14] =	ssyncset.done $0x0  }
0x223: {  	[sflag:s14] =	ssyncadd.s32 $0xFFFF8000  }
0x224: {  	_ =	sfence.sel $0x180000  }
0x225: {  	[bflag:$0x0] =	sbarrier.arrive $0xFFFF  }
0x226: {  	_ =	strace $0x9000004A  }
0x227: {  	s0 =	stileid.u32;
	[bflag:$0x2] =	sbarrier.arrive $0xFFFF  }
0x228: {  	p0 =	sne.s32 s0, $0x0;
	s0 =	rddreg [dreg:$0x2]  }
0x229: {  	s0 =	sadd.s32 @!p0 $0x100000, s0  }
0x22a: {  	[sflag:s0] =	ssyncadd.tile.s32 @!p0 $0x1;
	_ =	shalt  }
.Lfunc_end2:
_tile_overlayer_lowered:
.L_overlay_start_2:
0x22b: {  	(tag) =	ssettag $0x2  }
0x22c: {  	s0 =	rddreg [dreg:$0x0];
	s2 =	stileid.u32  }
0x22d: {  	s1 =	rddreg [dreg:$0x1];
	p0 =	sne.s32 s2, $0x0  }
0x22e: {  	s3 =	rddreg [dreg:$0x2];
	[bflag:$0x3] =	sbarrier.arrive $0xFFFF;
	s2 =	simm.s32 @!p0 $0x1C02  }
0x22f: {  	[timem:s3], [sflag:s2] =	dma.local @!p0 [hbm:s0], s1  }
0x230: {  	s0 =	simm.s32 @!p0 $0x2  }
0x231: {  	_ =	swait.ge @!p0 [sflag:s0], s1  }
0x232: {  	s1 =	ssub.s32 @!p0 $0x0, s1;
	[sflag:s0] =	ssyncset.done @!p0 $0x0  }
0x233: {  	[sflag:s0] =	ssyncadd.s32 @!p0 s1  }
0x234: {  	[bflag:$0x3] =	sbarrier.arrive $0xFFFF  }
0x235: {  	_ =	shalt  }

</sc_bundles>
